<compile_context>
chip_gen: v7x
topology: tpu7x:2x2x1
jax: 0.10.2.dev20260603
libtpu: 0.0.44.dev20260713+nightly
codegen_flags: <defaults>
</compile_context>

<pallas_src>
import functools

import jax
import jax.numpy as jnp
from jax import lax
from jax.experimental import pallas as pl
from jax.experimental.pallas import tpu as pltpu
from jax.experimental.pallas import tpu_sc as plsc

_F32 = jnp.float32
_BF16 = jnp.bfloat16


def _mmb(a, b):
    return jnp.dot(a.astype(_BF16), b.astype(_BF16),
                   preferred_element_type=_F32)


def _round8(n):
    return ((n + 7) // 8) * 8


def _sub_tree(v):
    v = v[0:4] + v[4:8]
    v = v[0:2] + v[2:4]
    return v[0:1] + v[1:2]


def _group_sum(Xq):
    S = Xq.shape[0]
    if S == 32:
        acc = None
        for j in range(2):
            for i in range(4):
                t = Xq[8 * i:8 * i + 8, 128 * j:128 * j + 128]
                acc = t if acc is None else acc + t
    else:
        acc = Xq[:, 0:128] + Xq[:, 128:256]
    return jnp.sum(_sub_tree(acc), axis=1, keepdims=True)


def _group_norm(X, gamma, beta, eps=1e-5):
    L, C = X.shape
    S = C // 8
    n = float(L * S)
    XT = X.T
    mparts, vparts = [], []
    for g in range(8):
        Xq = XT[g * S:(g + 1) * S]
        m = _group_sum(Xq) / n
        xc = Xq - m
        v = _group_sum(xc * xc) / n
        mparts.append(jnp.broadcast_to(m, (1, S)))
        vparts.append(jnp.broadcast_to(v, (1, S)))
    mrow = jnp.concatenate(mparts, axis=1)
    vrow = jnp.concatenate(vparts, axis=1)
    Xn = (X - mrow) * lax.rsqrt(vrow + eps)
    return Xn * gamma + beta


def _conv_stage(x, w_stack, bias, offsets, relu):
    B, L, Cin = x.shape
    K, _, Cout = w_stack.shape
    pad_lo = max(0, -min(offsets))
    ext = _round8(L + pad_lo + max(0, max(offsets)))

    def body(x_ref, w_ref, b_ref, o_ref, xp_ref):
        xp_ref[...] = jnp.zeros((ext, Cin), _F32)
        xp_ref[pad_lo:pad_lo + L] = x_ref[0]
        acc = None
        for k, o in enumerate(offsets):
            t = _mmb(xp_ref[pad_lo + o: pad_lo + o + L], w_ref[k])
            acc = t if acc is None else acc + t
        acc = acc + b_ref[...]
        if relu:
            acc = jnp.maximum(acc, 0.0)
        o_ref[0] = acc

    return pl.pallas_call(
        body,
        grid=(B,),
        in_specs=[
            pl.BlockSpec((1, L, Cin), lambda b: (b, 0, 0)),
            pl.BlockSpec((K, Cin, Cout), lambda b: (0, 0, 0)),
            pl.BlockSpec((1, Cout), lambda b: (0, 0)),
        ],
        out_specs=pl.BlockSpec((1, L, Cout), lambda b: (b, 0, 0)),
        out_shape=jax.ShapeDtypeStruct((B, L, Cout), _F32),
        scratch_shapes=[pltpu.VMEM((ext, Cin), _F32)],
    )(x, w_stack, bias)


def _enc2_stage(hp, w01, w4pad, bias):
    B, L, Cp = hp.shape
    Cout = w01.shape[1]
    ext = _round8(L + 2)

    def body(hp_ref, w01_ref, w4_ref, b_ref, o_ref, hpp_ref):
        hpp_ref[...] = jnp.zeros((ext, Cp), _F32)
        hpp_ref[1:1 + L] = hp_ref[0]
        cat = jnp.concatenate([hpp_ref[0:L], hpp_ref[1:1 + L]], axis=1)
        acc = _mmb(cat, w01_ref[...]) + _mmb(hpp_ref[2:2 + L], w4_ref[...])
        o_ref[0] = jnp.maximum(acc + b_ref[...], 0.0)

    return pl.pallas_call(
        body,
        grid=(B,),
        in_specs=[
            pl.BlockSpec((1, L, Cp), lambda b: (b, 0, 0)),
            pl.BlockSpec((2 * Cp, Cout), lambda b: (0, 0)),
            pl.BlockSpec((Cp, Cout), lambda b: (0, 0)),
            pl.BlockSpec((1, Cout), lambda b: (0, 0)),
        ],
        out_specs=pl.BlockSpec((1, L, Cout), lambda b: (b, 0, 0)),
        out_shape=jax.ShapeDtypeStruct((B, L, Cout), _F32),
        scratch_shapes=[pltpu.VMEM((ext, Cp), _F32)],
    )(hp, w01, w4pad, bias)


def _vq_encoder_stage(hp2, w3_01, w3_2pad, b3, res_params, wpre, bpre, embT):
    B, L, C = hp2.shape
    D, V = embT.shape
    ext = _round8(L + 2)

    def body(hp_ref, w3_ref, w32_ref, b3_ref,
             r0g1g, r0g1b, r0c1, r0g2g, r0g2b, r0c2,
             r1g1g, r1g1b, r1c1, r1g2g, r1g2b, r1c2,
             wpre_ref, bpre_ref, embT_ref,
             z_ref, idx_ref, cnt_ref, sp_ref):
        b = pl.program_id(0)
        sp_ref[...] = jnp.zeros((ext, C), _F32)
        sp_ref[1:1 + L] = hp_ref[0]
        cat = jnp.concatenate([sp_ref[0:L, 128:256], sp_ref[1:1 + L, 0:128]],
                              axis=1)
        h = _mmb(cat, w3_ref[...]) + _mmb(sp_ref[1:1 + L], w32_ref[...])
        h = h + b3_ref[...]
        for (g1g, g1b, c1, g2g, g2b, c2) in (
                (r0g1g, r0g1b, r0c1, r0g2g, r0g2b, r0c2),
                (r1g1g, r1g1b, r1c1, r1g2g, r1g2b, r1c2)):
            r = _group_norm(h, g1g[...], g1b[...])
            r = jnp.maximum(r, 0.0)
            sp_ref[...] = jnp.zeros((ext, C), _F32)
            sp_ref[1:1 + L] = r
            r2 = _mmb(sp_ref[0:L], c1[0])
            r2 = r2 + _mmb(sp_ref[1:1 + L], c1[1])
            r2 = r2 + _mmb(sp_ref[2:2 + L], c1[2])
            r2 = _group_norm(r2, g2g[...], g2b[...])
            r2 = jnp.maximum(r2, 0.0)
            h = h + _mmb(r2, c2[...])
        z = _mmb(h, wpre_ref[...]) + bpre_ref[...]
        z_ref[0] = z
        eT = embT_ref[...]
        sq = eT * eT
        acc = None
        for i in range(8):
            t = sq[8 * i:8 * i + 8]
            acc = t if acc is None else acc + t
        e2 = _sub_tree(acc)
        zz = jnp.sum(z * z, axis=1, keepdims=True)
        dist = zz + e2 - 2.0 * _mmb(z, eT)
        mind = jnp.min(dist, axis=1, keepdims=True)
        li = lax.broadcasted_iota(jnp.int32, (L, V), 1)
        idxm = jnp.min(jnp.where(dist <= mind, li, jnp.int32(2 ** 30)),
                       axis=1, keepdims=True)
        idx_ref[0] = idxm
        oh = (li == idxm).astype(_F32)
        cnt = jnp.sum(oh, axis=0, keepdims=True)

        @pl.when(b == 0)
        def _():
            cnt_ref[...] = jnp.zeros((1, V), _F32)

        cnt_ref[...] = cnt_ref[...] + cnt

    full = lambda *s: pl.BlockSpec(s, lambda b: (0,) * len(s))
    in_specs = [pl.BlockSpec((1, L, C), lambda b: (b, 0, 0)),
                full(C, C), full(C, C), full(1, C)]
    for _ in range(2):
        in_specs += [full(1, 256), full(1, 256), full(3, 256, 64),
                     full(1, 64), full(1, 64), full(64, 256)]
    in_specs += [full(C, D), full(1, D), full(D, V)]

    return pl.pallas_call(
        body,
        grid=(B,),
        in_specs=in_specs,
        out_specs=[
            pl.BlockSpec((1, L, D), lambda b: (b, 0, 0)),
            pl.BlockSpec((1, L, 1), lambda b: (b, 0, 0)),
            pl.BlockSpec((1, V), lambda b: (0, 0)),
        ],
        out_shape=[
            jax.ShapeDtypeStruct((B, L, D), _F32),
            jax.ShapeDtypeStruct((B, L, 1), jnp.int32),
            jax.ShapeDtypeStruct((1, V), _F32),
        ],
        scratch_shapes=[pltpu.VMEM((ext, C), _F32)],
    )(hp2, w3_01, w3_2pad, b3, *res_params, wpre, bpre, embT)


def _sc_codebook_gather(table, idx):
    N = idx.shape[0]
    V, D = table.shape
    info = plsc.get_sparse_core_info()
    NC, NS = info.num_cores, info.num_subcores
    NW = NC * NS
    bpw = N // NW

    @functools.partial(
        pl.kernel,
        out_type=jax.ShapeDtypeStruct((N, D), _F32),
        mesh=plsc.VectorSubcoreMesh(core_axis_name="c", subcore_axis_name="s"),
        compiler_params=pltpu.CompilerParams(use_tc_tiling_on_sc=False),
        scratch_types=[
            pltpu.VMEM((bpw,), jnp.int32),
            pltpu.VMEM((bpw, D), _F32),
            pltpu.SemaphoreType.DMA,
        ],
    )
    def gather_kernel(table_hbm, idx_hbm, out_hbm, idx_v, rows_v, sem):
        wid = lax.axis_index("s") * NC + lax.axis_index("c")
        base = wid * bpw
        pltpu.sync_copy(idx_hbm.at[pl.ds(base, bpw)], idx_v)
        pltpu.async_copy(table_hbm.at[idx_v], rows_v, sem).wait()
        pltpu.sync_copy(rows_v, out_hbm.at[pl.ds(base, bpw)])

    return gather_kernel(table, idx)


def _dec1_stage(q, z, p_stack, bias_pair):
    B, L, D = q.shape
    Co = p_stack.shape[2]
    ext = _round8(L + 1)

    def body(q_ref, z_ref, p_ref, bp_ref, y_ref, sq_ref, pool_ref, qp_ref):
        b = pl.program_id(0)
        d = q_ref[0] - z_ref[0]
        q_st = z_ref[0] + d
        qp_ref[...] = jnp.zeros((ext, D), _F32)
        qp_ref[0:L] = q_st
        y = _mmb(q_st, p_ref[0]) + _mmb(qp_ref[1:1 + L], p_ref[1]) + bp_ref[...]
        y_ref[0] = jnp.maximum(y, 0.0)

        @pl.when(b == 0)
        def _():
            sq_ref[...] = jnp.zeros((1, 1), _F32)

        sq_ref[...] = sq_ref[...] + jnp.sum(d * d)
        pool_ref[0] = jnp.sum(q_st, axis=0, keepdims=True) / L

    return pl.pallas_call(
        body,
        grid=(B,),
        in_specs=[
            pl.BlockSpec((1, L, D), lambda b: (b, 0, 0)),
            pl.BlockSpec((1, L, D), lambda b: (b, 0, 0)),
            pl.BlockSpec((2, D, Co), lambda b: (0, 0, 0)),
            pl.BlockSpec((1, Co), lambda b: (0, 0)),
        ],
        out_specs=[
            pl.BlockSpec((1, L, Co), lambda b: (b, 0, 0)),
            pl.BlockSpec((1, 1), lambda b: (0, 0)),
            pl.BlockSpec((1, 1, D), lambda b: (b, 0, 0)),
        ],
        out_shape=[
            jax.ShapeDtypeStruct((B, L, Co), _F32),
            jax.ShapeDtypeStruct((1, 1), _F32),
            jax.ShapeDtypeStruct((B, 1, D), _F32),
        ],
        scratch_shapes=[pltpu.VMEM((ext, D), _F32)],
    )(q, z, p_stack, bias_pair)


def _head_stage(counts, sq, pooled, w1t, b1, w2t, b2, w3t, b3, n_tok, n_lat):
    Bp, D = pooled.shape
    V = counts.shape[1]

    def body(cnt_ref, sq_ref, pool_ref, w1_ref, b1_ref, w2_ref, b2_ref,
             w3_ref, b3_ref, loss_ref, perp_ref, bp_ref):
        probs = cnt_ref[...] / n_tok
        perp_ref[...] = jnp.exp(-jnp.sum(probs * jnp.log(probs + 1e-10))
                                ) * jnp.ones((1, 1), _F32)
        loss_ref[...] = 0.25 * sq_ref[...] / n_lat
        h = jnp.maximum(_mmb(pool_ref[...], w1_ref[...]) + b1_ref[...], 0.0)
        h = jnp.maximum(_mmb(h, w2_ref[...]) + b2_ref[...], 0.0)
        bp_ref[...] = _mmb(h, w3_ref[...]) + b3_ref[...]

    return pl.pallas_call(
        body,
        out_shape=[
            jax.ShapeDtypeStruct((1, 1), _F32),
            jax.ShapeDtypeStruct((1, 1), _F32),
            jax.ShapeDtypeStruct((Bp, 4), _F32),
        ],
    )(counts, sq, pooled, w1t, b1, w2t, b2, w3t, b3)


def kernel(x, params):
    p = params
    B, Cx, Lx = x.shape
    xt = jnp.transpose(x, (0, 2, 1))

    W1 = jnp.transpose(p['enc_c1_w'], (2, 1, 0))
    b1 = p['enc_c1_b'][None]
    W2t = jnp.transpose(p['enc_c2_w'], (2, 1, 0))
    W2_01 = jnp.concatenate([W2t[0], W2t[1], W2t[2], W2t[3]], 0)
    W2_4p = jnp.concatenate([W2t[4], jnp.zeros((64, 128), _F32)], 0)
    b2 = p['enc_c2_b'][None]
    W3t = jnp.transpose(p['enc_c3_w'], (2, 1, 0))
    W3_01 = jnp.concatenate([W3t[0], W3t[1]], 0)
    W3_2p = jnp.concatenate([jnp.zeros((128, 256), _F32), W3t[2]], 0)
    b3 = p['enc_c3_b'][None]
    res_params = []
    for i in range(2):
        res_params += [
            p['res%d_gn1_g' % i][None], p['res%d_gn1_b' % i][None],
            jnp.transpose(p['res%d_c1_w' % i], (2, 1, 0)),
            p['res%d_gn2_g' % i][None], p['res%d_gn2_b' % i][None],
            p['res%d_c2_w' % i][:, :, 0].T,
        ]
    wpre = p['prevq_w'][:, :, 0].T
    bpre = p['prevq_b'][None]
    emb = p['codebook']
    embT = emb.T
    w_ct1 = p['dec_ct1_w']
    z256 = jnp.zeros((64, 256), _F32)
    P_ct1 = jnp.stack([
        jnp.concatenate([w_ct1[:, :, 1], w_ct1[:, :, 2]], 1),
        jnp.concatenate([z256, w_ct1[:, :, 0]], 1)])
    b_ct1 = jnp.concatenate([p['dec_ct1_b'], p['dec_ct1_b']])[None]
    w_ct2 = p['dec_ct2_w']
    z128b = jnp.zeros((256, 128), _F32)
    Q_ct2 = jnp.stack([
        jnp.concatenate([w_ct2[:, :, 4], z128b], 1),
        jnp.concatenate([w_ct2[:, :, 2], w_ct2[:, :, 3]], 1),
        jnp.concatenate([w_ct2[:, :, 0], w_ct2[:, :, 1]], 1)])
    b_ct2 = jnp.concatenate([p['dec_ct2_b'], p['dec_ct2_b']])[None]
    W7 = jnp.transpose(p['dec_c3_w'], (2, 1, 0))
    b7 = p['dec_c3_b'][None]

    h1 = _conv_stage(xt, W1, b1, (-3, -2, -1, 0, 1, 2, 3), relu=True)
    h2 = _enc2_stage(h1.reshape(B, 512, 128), W2_01, W2_4p, b2)
    z, idx3, counts = _vq_encoder_stage(
        h2.reshape(B, 256, 256), W3_01, W3_2p, b3, res_params, wpre, bpre,
        embT)
    emb_q = emb.astype(_BF16).astype(_F32)
    qflat = _sc_codebook_gather(emb_q, idx3.reshape(B * 256))
    q = qflat.reshape(B, 256, 64)
    y_pair, sq, pooled3 = _dec1_stage(q, z, P_ct1, b_ct1)
    y2 = _conv_stage(y_pair.reshape(B, 512, 256), Q_ct2, b_ct2, (-1, 0, 1),
                     relu=True)
    xrt = _conv_stage(y2.reshape(B, 1024, 128), W7, b7,
                      (-3, -2, -1, 0, 1, 2, 3), relu=False)
    x_recon = jnp.transpose(xrt, (0, 2, 1))
    loss11, perp11, behavior_pred = _head_stage(
        counts, sq, pooled3.reshape(B, 64),
        p['bh1_w'].T, p['bh1_b'][None], p['bh2_w'].T, p['bh2_b'][None],
        p['bh3_w'].T, p['bh3_b'][None],
        n_tok=float(B * 256), n_lat=float(B * 256 * 64))
    return (loss11.reshape(()), x_recon, perp11.reshape(()),
            behavior_pred)

# --- scband reference (transcript-rebuilt; emitter-appended) ---
"""Pipeline reference for scband-improved-calcium-vqvae-30030411333975 (READ-ONLY COPY).

The authoritative reference and input builder live on the scoring server;
editing this copy changes nothing except your own understanding.
"""

import jax, jax.numpy as jnp
import numpy as np


def conv1d(x, w, b=None, stride=1, padding=0):
    out = jax.lax.conv_general_dilated(x, w, window_strides=(stride,), padding=[(padding, padding)], dimension_numbers=('NCH', 'OIH', 'NCH'))
    if b is not None:
        out = out + b[None, :, None]
    return out


def conv_transpose1d(x, w, b, stride, padding, output_padding):
    # w in PyTorch ConvTranspose1d layout: (in_channels, out_channels, k)
    w_eq = jnp.flip(jnp.transpose(w, (1, 0, 2)), axis=2)
    k = w.shape[2]
    pad_lo = k - 1 - padding
    pad_hi = k - 1 - padding + output_padding
    out = jax.lax.conv_general_dilated(x, w_eq, window_strides=(1,), padding=[(pad_lo, pad_hi)], lhs_dilation=(stride,), dimension_numbers=('NCH', 'OIH', 'NCH'))
    return out + b[None, :, None]


def group_norm(x, gamma, beta, groups=8, eps=1e-5):
    B, C, L = x.shape
    xg = x.reshape(B, groups, C // groups, L)
    mean = xg.mean(axis=(2, 3), keepdims=True)
    var = xg.var(axis=(2, 3), keepdims=True)
    xg = (xg - mean) / jnp.sqrt(var + eps)
    x = xg.reshape(B, C, L)
    return x * gamma[None, :, None] + beta[None, :, None]


def vq_forward(z, emb, commitment_cost=0.25):
    # z: (B, D, L) -> permute to (B, L, D)
    inputs = jnp.transpose(z, (0, 2, 1))
    B, L, D = inputs.shape
    flat = inputs.reshape(-1, D)
    distances = jnp.sum(flat ** 2, axis=1, keepdims=True) + jnp.sum(emb ** 2, axis=1) - 2.0 * (flat @ emb.T)
    idx = jnp.argmin(distances, axis=1)
    encodings = jax.nn.one_hot(idx, emb.shape[0], dtype=flat.dtype)
    quantized = (encodings @ emb).reshape(B, L, D)
    e_latent_loss = jnp.mean((jax.lax.stop_gradient(quantized) - inputs) ** 2)
    loss = commitment_cost * e_latent_loss
    quantized = inputs + jax.lax.stop_gradient(quantized - inputs)
    avg_probs = jnp.mean(encodings, axis=0)
    perplexity = jnp.exp(-jnp.sum(avg_probs * jnp.log(avg_probs + 1e-10)))
    return loss, jnp.transpose(quantized, (0, 2, 1)), perplexity, encodings


def setup_inputs(seed: int = 0) -> dict:
    key = jax.random.key(seed)
    ks = jax.random.split(key, 40)
    def n(i, shape, s=0.05):
        return jax.random.normal(ks[i], shape, dtype=jnp.float32) * s
    params = {
        'enc_c1_w': n(0, (64, 256, 7)), 'enc_c1_b': n(1, (64,)),
        'enc_c2_w': n(2, (128, 64, 5)), 'enc_c2_b': n(3, (128,)),
        'enc_c3_w': n(4, (256, 128, 3)), 'enc_c3_b': n(5, (256,)),
        'res0_gn1_g': jnp.ones((256,), jnp.float32), 'res0_gn1_b': jnp.zeros((256,), jnp.float32),
        'res0_c1_w': n(6, (64, 256, 3)),
        'res0_gn2_g': jnp.ones((64,), jnp.float32), 'res0_gn2_b': jnp.zeros((64,), jnp.float32),
        'res0_c2_w': n(7, (256, 64, 1)),
        'res1_gn1_g': jnp.ones((256,), jnp.float32), 'res1_gn1_b': jnp.zeros((256,), jnp.float32),
        'res1_c1_w': n(8, (64, 256, 3)),
        'res1_gn2_g': jnp.ones((64,), jnp.float32), 'res1_gn2_b': jnp.zeros((64,), jnp.float32),
        'res1_c2_w': n(9, (256, 64, 1)),
        'prevq_w': n(10, (64, 256, 1)), 'prevq_b': n(11, (64,)),
        'codebook': jax.random.normal(ks[12], (1024, 64), dtype=jnp.float32),
        'dec_ct1_w': n(13, (64, 256, 3)), 'dec_ct1_b': n(14, (256,)),
        'dec_ct2_w': n(15, (256, 128, 5)), 'dec_ct2_b': n(16, (128,)),
        'dec_c3_w': n(17, (256, 128, 7)), 'dec_c3_b': n(18, (256,)),
        'bh1_w': n(19, (128, 64)), 'bh1_b': n(20, (128,)),
        'bh2_w': n(21, (64, 128)), 'bh2_b': n(22, (64,)),
        'bh3_w': n(23, (4, 64)), 'bh3_b': n(24, (4,)),
    }
    x = jax.random.normal(ks[39], (16, 256, 1024), dtype=jnp.float32)
    return {'x': x, 'params': params}


def reference(x, params):
    p = params
    # Encoder
    h = jax.nn.relu(conv1d(x, p['enc_c1_w'], p['enc_c1_b'], stride=1, padding=3))
    h = jax.nn.relu(conv1d(h, p['enc_c2_w'], p['enc_c2_b'], stride=2, padding=2))
    h = conv1d(h, p['enc_c3_w'], p['enc_c3_b'], stride=2, padding=1)
    for i in range(2):
        r = group_norm(h, p['res%d_gn1_g' % i], p['res%d_gn1_b' % i])
        r = jax.nn.relu(r)
        r = conv1d(r, p['res%d_c1_w' % i], None, stride=1, padding=1)
        r = group_norm(r, p['res%d_gn2_g' % i], p['res%d_gn2_b' % i])
        r = jax.nn.relu(r)
        r = conv1d(r, p['res%d_c2_w' % i], None, stride=1, padding=0)
        h = h + r
    # pre-VQ conv (Dropout1d is identity in eval)
    z = conv1d(h, p['prevq_w'], p['prevq_b'], stride=1, padding=0)
    loss, quantized, perplexity, encodings = vq_forward(z, p['codebook'], 0.25)
    # Decoder
    d = conv_transpose1d(quantized, p['dec_ct1_w'], p['dec_ct1_b'], stride=2, padding=1, output_padding=1)
    d = jax.nn.relu(d)
    d = conv_transpose1d(d, p['dec_ct2_w'], p['dec_ct2_b'], stride=2, padding=2, output_padding=1)
    d = jax.nn.relu(d)
    x_recon = conv1d(d, p['dec_c3_w'], p['dec_c3_b'], stride=1, padding=3)
    # Behavior head on time-pooled quantized latents (Dropout identity in eval)
    pooled = jnp.mean(quantized, axis=2)
    bh = jax.nn.relu(pooled @ p['bh1_w'].T + p['bh1_b'])
    bh = jax.nn.relu(bh @ p['bh2_w'].T + p['bh2_b'])
    behavior_pred = bh @ p['bh3_w'].T + p['bh3_b']
    return (loss, x_recon, perplexity, behavior_pred)

if __name__ == "__main__":
    import jax
    _d = setup_inputs()
    print(jax.jit(kernel)(*tuple(_d.values())))

</pallas_src>

<mosaic_0001>
#map = affine_map<(d0, d1) -> (0, 0)>
#map1 = affine_map<(d0, d1) -> (0)>
module attributes {stable_mosaic.version = 14 : i64} {
  func.func @gather_kernel(%arg0: i32, %arg1: i32, %arg2: memref<1024x64xf32, #tpu.memory_space<hbm>>, %arg3: memref<4096xi32, #tpu.memory_space<hbm>>, %arg4: memref<4096x64xf32, #tpu.memory_space<hbm>>, %arg5: memref<128xi32, #tpu.memory_space<vmem>>, %arg6: memref<128x64xf32, #tpu.memory_space<vmem>>, %arg7: memref<!tpu.dma_semaphore, #tpu.memory_space<semaphore_mem>>) attributes {dimension_semantics = [#tpu.dimension_semantics<core_parallel>, #tpu.dimension_semantics<subcore_parallel>], iteration_bounds = array<i64: 2, 16>, scalar_prefetch = 0 : i64, scratch_operands = 3 : i64, tpu.core_type = #tpu.core_type<sc_vector_subcore>, window_params = [{transform_indices = #map}, {transform_indices = #map1}, {transform_indices = #map}]} {
    %mul3A = arith.constant 2 : i32
    %mul3A_0 = arith.muli %arg1, %mul3A : i32
    %add3A = arith.addi %mul3A_0, %arg0 : i32
    %mul3A_1 = arith.constant 128 : i32
    %mul3A_2 = arith.muli %add3A, %mul3A_1 : i32
    "tpu.region"() ({
      %run_scoped3A = tpu.sem_alloc : memref<!tpu.dma_semaphore, #tpu.memory_space<semaphore_mem>>
      %dma_start3A_7 = tpu.memref_slice %arg3[%mul3A_2] : memref<4096xi32, #tpu.memory_space<hbm>> -> memref<128xi32, #tpu.memory_space<hbm>>
      %dma_start3A_8 = tpu.memref_slice %arg3[%mul3A_2] : memref<4096xi32, #tpu.memory_space<hbm>> -> memref<128xi32, #tpu.memory_space<hbm>>
      tpu.enqueue_dma source(%dma_start3A_8 : memref<128xi32, #tpu.memory_space<hbm>>) target(%arg5 : memref<128xi32, #tpu.memory_space<vmem>>) target_semaphore(%run_scoped3A : memref<!tpu.dma_semaphore, #tpu.memory_space<semaphore_mem>>)
      %dma_wait3A_9 = tpu.memref_slice %arg3[%mul3A_2] : memref<4096xi32, #tpu.memory_space<hbm>> -> memref<128xi32, #tpu.memory_space<hbm>>
      %dma_wait3A_10 = tpu.memref_slice %arg3[%mul3A_2] : memref<4096xi32, #tpu.memory_space<hbm>> -> memref<128xi32, #tpu.memory_space<hbm>>
      tpu.wait_dma2 semaphore(%run_scoped3A : memref<!tpu.dma_semaphore, #tpu.memory_space<semaphore_mem>>) src(%dma_wait3A_10 : memref<128xi32, #tpu.memory_space<hbm>>) dst(%arg5 : memref<128xi32, #tpu.memory_space<vmem>>)
      tpu.yield
    }) : () -> ()
    %dma_start3A = arith.constant 0 : i32
    %dma_start3A_3 = arith.constant 0 : i32
    %dma_start3A_4 = tpu.memref_slice %arg2[%dma_start3A, %dma_start3A_3] : memref<1024x64xf32, #tpu.memory_space<hbm>> -> memref<1024x64xf32, #tpu.memory_space<hbm>>
    tpu.enqueue_indirect_dma source(%dma_start3A_4 : memref<1024x64xf32, #tpu.memory_space<hbm>>) target(%arg6 : memref<128x64xf32, #tpu.memory_space<vmem>>) offsets(%arg5 : memref<128xi32, #tpu.memory_space<vmem>>) semaphore(%arg7 : memref<!tpu.dma_semaphore, #tpu.memory_space<semaphore_mem>>)
    %dma_wait3A = arith.constant 0 : i32
    %dma_wait3A_5 = arith.constant 0 : i32
    %dma_wait3A_6 = tpu.memref_slice %arg2[%dma_wait3A, %dma_wait3A_5] : memref<1024x64xf32, #tpu.memory_space<hbm>> -> memref<1024x64xf32, #tpu.memory_space<hbm>>
    tpu.wait_indirect_dma semaphore(%arg7 : memref<!tpu.dma_semaphore, #tpu.memory_space<semaphore_mem>>) src(%dma_wait3A_6 : memref<1024x64xf32, #tpu.memory_space<hbm>>) dst(%arg6 : memref<128x64xf32, #tpu.memory_space<vmem>>)
    "tpu.region"() ({
      %run_scoped3A = tpu.sem_alloc : memref<!tpu.dma_semaphore, #tpu.memory_space<semaphore_mem>>
      %dma_start3A_7 = arith.constant 0 : i32
      %dma_start3A_8 = tpu.memref_slice %arg4[%mul3A_2, %dma_start3A_7] : memref<4096x64xf32, #tpu.memory_space<hbm>> -> memref<128x64xf32, #tpu.memory_space<hbm>>
      %dma_start3A_9 = arith.constant 0 : i32
      %dma_start3A_10 = tpu.memref_slice %arg4[%mul3A_2, %dma_start3A_9] : memref<4096x64xf32, #tpu.memory_space<hbm>> -> memref<128x64xf32, #tpu.memory_space<hbm>>
      tpu.enqueue_dma source(%arg6 : memref<128x64xf32, #tpu.memory_space<vmem>>) target(%dma_start3A_10 : memref<128x64xf32, #tpu.memory_space<hbm>>) target_semaphore(%run_scoped3A : memref<!tpu.dma_semaphore, #tpu.memory_space<semaphore_mem>>)
      %dma_wait3A_11 = arith.constant 0 : i32
      %dma_wait3A_12 = tpu.memref_slice %arg4[%mul3A_2, %dma_wait3A_11] : memref<4096x64xf32, #tpu.memory_space<hbm>> -> memref<128x64xf32, #tpu.memory_space<hbm>>
      %dma_wait3A_13 = arith.constant 0 : i32
      %dma_wait3A_14 = tpu.memref_slice %arg4[%mul3A_2, %dma_wait3A_13] : memref<4096x64xf32, #tpu.memory_space<hbm>> -> memref<128x64xf32, #tpu.memory_space<hbm>>
      tpu.wait_dma2 semaphore(%run_scoped3A : memref<!tpu.dma_semaphore, #tpu.memory_space<semaphore_mem>>) src(%arg6 : memref<128x64xf32, #tpu.memory_space<vmem>>) dst(%dma_wait3A_14 : memref<128x64xf32, #tpu.memory_space<hbm>>)
      tpu.yield
    }) : () -> ()
    return
  }
}

module attributes {stable_mosaic.version = 14 : i64} {
  func.func @body(%arg0: i32, %arg1: memref<1x1024x256xf32, #tpu.memory_space<vmem>>, %arg2: memref<7x256x64xf32, #tpu.memory_space<vmem>>, %arg3: memref<1x64xf32, #tpu.memory_space<vmem>>, %arg4: memref<1x1024x64xf32, #tpu.memory_space<vmem>>, %arg5: memref<1032x256xf32, #tpu.memory_space<vmem>>) attributes {dimension_semantics = [#tpu.dimension_semantics<arbitrary>], iteration_bounds = array<i64: 16>, scalar_prefetch = 0 : i64, scratch_operands = 1 : i64, tpu.core_type = #tpu.core_type<tc>, window_params = [{transform_indices = @transform_0, window_bounds = array<i64: 1, 1024, 256>}, {pipeline_mode = #tpu.pipeline_mode<synchronous>, transform_indices = @transform_1, window_bounds = array<i64: 7, 256, 64>}, {pipeline_mode = #tpu.pipeline_mode<synchronous>, transform_indices = @transform_2, window_bounds = array<i64: 1, 64>}, {transform_indices = @transform_3, window_bounds = array<i64: 1, 1024, 64>}]} {
    %broadcast_in_dim3A = arith.constant 0.000000e+00 : f32
    %broadcast_in_dim3A_0 = vector.broadcast %broadcast_in_dim3A : f32 to vector<1032x256xf32>
    %swap3A = arith.constant 0 : index
    %swap3A_1 = arith.constant 0 : index
    %swap3A_2 = vector.load %arg5[%swap3A, %swap3A_1] : memref<1032x256xf32, #tpu.memory_space<vmem>>, vector<1032x256xf32>
    tpu.vector_store %arg5[%swap3A, %swap3A_1], %broadcast_in_dim3A_0 {strides = array<i32>} : memref<1032x256xf32, #tpu.memory_space<vmem>>, vector<1032x256xf32>,
    %get3A = arith.constant 0 : index
    %get3A_3 = arith.constant 0 : index
    %get3A_4 = arith.constant 0 : index
    %get3A_5 = vector.load %arg1[%get3A, %get3A_3, %get3A_4] : memref<1x1024x256xf32, #tpu.memory_space<vmem>>, vector<1x1024x256xf32>
    %get3A_6 = vector.shape_cast %get3A_5 : vector<1x1024x256xf32> to vector<1024x256xf32>
    %swap3A_7 = arith.constant 3 : index
    %swap3A_8 = arith.constant 0 : index
    %swap3A_9 = vector.load %arg5[%swap3A_7, %swap3A_8] : memref<1032x256xf32, #tpu.memory_space<vmem>>, vector<1024x256xf32>
    tpu.vector_store %arg5[%swap3A_7, %swap3A_8], %get3A_6 {strides = array<i32>} : memref<1032x256xf32, #tpu.memory_space<vmem>>, vector<1024x256xf32>,
    %get3A_10 = arith.constant 0 : index
    %get3A_11 = arith.constant 0 : index
    %get3A_12 = vector.load %arg5[%get3A_10, %get3A_11] : memref<1032x256xf32, #tpu.memory_space<vmem>>, vector<1024x256xf32>
    %get3A_13 = arith.constant 0 : index
    %get3A_14 = arith.constant 0 : index
    %get3A_15 = arith.constant 0 : index
    %get3A_16 = vector.load %arg2[%get3A_13, %get3A_14, %get3A_15] : memref<7x256x64xf32, #tpu.memory_space<vmem>>, vector<1x256x64xf32>
    %get3A_17 = vector.shape_cast %get3A_16 : vector<1x256x64xf32> to vector<256x64xf32>
    %convert_element_type3A = arith.truncf %get3A_12 : vector<1024x256xf32> to vector<1024x256xbf16>
    %convert_element_type3A_18 = arith.truncf %get3A_17 : vector<256x64xf32> to vector<256x64xbf16>
    %dot_general3A = arith.constant dense<0.000000e+00> : vector<1024x64xf32>
    %dot_general3A_19 = tpu.matmul %convert_element_type3A, %convert_element_type3A_18, %dot_general3A {dimension_numbers = #tpu.dot_dimension_numbers<[1], [0], [0], [1], [0, 0, 1, 1], [], []>, transpose_lhs_hint = false} : vector<1024x256xbf16>, vector<256x64xbf16>, vector<1024x64xf32> -> vector<1024x64xf32>
    %get3A_20 = arith.constant 1 : index
    %get3A_21 = arith.constant 0 : index
    %get3A_22 = vector.load %arg5[%get3A_20, %get3A_21] : memref<1032x256xf32, #tpu.memory_space<vmem>>, vector<1024x256xf32>
    %get3A_23 = arith.constant 1 : index
    %get3A_24 = arith.constant 0 : index
    %get3A_25 = arith.constant 0 : index
    %get3A_26 = vector.load %arg2[%get3A_23, %get3A_24, %get3A_25] : memref<7x256x64xf32, #tpu.memory_space<vmem>>, vector<1x256x64xf32>
    %get3A_27 = vector.shape_cast %get3A_26 : vector<1x256x64xf32> to vector<256x64xf32>
    %convert_element_type3A_28 = arith.truncf %get3A_22 : vector<1024x256xf32> to vector<1024x256xbf16>
    %convert_element_type3A_29 = arith.truncf %get3A_27 : vector<256x64xf32> to vector<256x64xbf16>
    %dot_general3A_30 = arith.constant dense<0.000000e+00> : vector<1024x64xf32>
    %dot_general3A_31 = tpu.matmul %convert_element_type3A_28, %convert_element_type3A_29, %dot_general3A_30 {dimension_numbers = #tpu.dot_dimension_numbers<[1], [0], [0], [1], [0, 0, 1, 1], [], []>, transpose_lhs_hint = false} : vector<1024x256xbf16>, vector<256x64xbf16>, vector<1024x64xf32> -> vector<1024x64xf32>
    %add3A = arith.addf %dot_general3A_19, %dot_general3A_31 : vector<1024x64xf32>
    %get3A_32 = arith.constant 2 : index
    %get3A_33 = arith.constant 0 : index
    %get3A_34 = vector.load %arg5[%get3A_32, %get3A_33] : memref<1032x256xf32, #tpu.memory_space<vmem>>, vector<1024x256xf32>
    %get3A_35 = arith.constant 2 : index
    %get3A_36 = arith.constant 0 : index
    %get3A_37 = arith.constant 0 : index
    %get3A_38 = vector.load %arg2[%get3A_35, %get3A_36, %get3A_37] : memref<7x256x64xf32, #tpu.memory_space<vmem>>, vector<1x256x64xf32>
    %get3A_39 = vector.shape_cast %get3A_38 : vector<1x256x64xf32> to vector<256x64xf32>
    %convert_element_type3A_40 = arith.truncf %get3A_34 : vector<1024x256xf32> to vector<1024x256xbf16>
    %convert_element_type3A_41 = arith.truncf %get3A_39 : vector<256x64xf32> to vector<256x64xbf16>
    %dot_general3A_42 = arith.constant dense<0.000000e+00> : vector<1024x64xf32>
    %dot_general3A_43 = tpu.matmul %convert_element_type3A_40, %convert_element_type3A_41, %dot_general3A_42 {dimension_numbers = #tpu.dot_dimension_numbers<[1], [0], [0], [1], [0, 0, 1, 1], [], []>, transpose_lhs_hint = false} : vector<1024x256xbf16>, vector<256x64xbf16>, vector<1024x64xf32> -> vector<1024x64xf32>
    %add3A_44 = arith.addf %add3A, %dot_general3A_43 : vector<1024x64xf32>
    %get3A_45 = arith.constant 3 : index
    %get3A_46 = arith.constant 0 : index
    %get3A_47 = vector.load %arg5[%get3A_45, %get3A_46] : memref<1032x256xf32, #tpu.memory_space<vmem>>, vector<1024x256xf32>
    %get3A_48 = arith.constant 3 : index
    %get3A_49 = arith.constant 0 : index
    %get3A_50 = arith.constant 0 : index
    %get3A_51 = vector.load %arg2[%get3A_48, %get3A_49, %get3A_50] : memref<7x256x64xf32, #tpu.memory_space<vmem>>, vector<1x256x64xf32>
    %get3A_52 = vector.shape_cast %get3A_51 : vector<1x256x64xf32> to vector<256x64xf32>
    %convert_element_type3A_53 = arith.truncf %get3A_47 : vector<1024x256xf32> to vector<1024x256xbf16>
    %convert_element_type3A_54 = arith.truncf %get3A_52 : vector<256x64xf32> to vector<256x64xbf16>
    %dot_general3A_55 = arith.constant dense<0.000000e+00> : vector<1024x64xf32>
    %dot_general3A_56 = tpu.matmul %convert_element_type3A_53, %convert_element_type3A_54, %dot_general3A_55 {dimension_numbers = #tpu.dot_dimension_numbers<[1], [0], [0], [1], [0, 0, 1, 1], [], []>, transpose_lhs_hint = false} : vector<1024x256xbf16>, vector<256x64xbf16>, vector<1024x64xf32> -> vector<1024x64xf32>
    %add3A_57 = arith.addf %add3A_44, %dot_general3A_56 : vector<1024x64xf32>
    %get3A_58 = arith.constant 4 : index
    %get3A_59 = arith.constant 0 : index
    %get3A_60 = vector.load %arg5[%get3A_58, %get3A_59] : memref<1032x256xf32, #tpu.memory_space<vmem>>, vector<1024x256xf32>
    %get3A_61 = arith.constant 4 : index
    %get3A_62 = arith.constant 0 : index
    %get3A_63 = arith.constant 0 : index
    %get3A_64 = vector.load %arg2[%get3A_61, %get3A_62, %get3A_63] : memref<7x256x64xf32, #tpu.memory_space<vmem>>, vector<1x256x64xf32>
    %get3A_65 = vector.shape_cast %get3A_64 : vector<1x256x64xf32> to vector<256x64xf32>
    %convert_element_type3A_66 = arith.truncf %get3A_60 : vector<1024x256xf32> to vector<1024x256xbf16>
    %convert_element_type3A_67 = arith.truncf %get3A_65 : vector<256x64xf32> to vector<256x64xbf16>
    %dot_general3A_68 = arith.constant dense<0.000000e+00> : vector<1024x64xf32>
    %dot_general3A_69 = tpu.matmul %convert_element_type3A_66, %convert_element_type3A_67, %dot_general3A_68 {dimension_numbers = #tpu.dot_dimension_numbers<[1], [0], [0], [1], [0, 0, 1, 1], [], []>, transpose_lhs_hint = false} : vector<1024x256xbf16>, vector<256x64xbf16>, vector<1024x64xf32> -> vector<1024x64xf32>
    %add3A_70 = arith.addf %add3A_57, %dot_general3A_69 : vector<1024x64xf32>
    %get3A_71 = arith.constant 5 : index
    %get3A_72 = arith.constant 0 : index
    %get3A_73 = vector.load %arg5[%get3A_71, %get3A_72] : memref<1032x256xf32, #tpu.memory_space<vmem>>, vector<1024x256xf32>
    %get3A_74 = arith.constant 5 : index
    %get3A_75 = arith.constant 0 : index
    %get3A_76 = arith.constant 0 : index
    %get3A_77 = vector.load %arg2[%get3A_74, %get3A_75, %get3A_76] : memref<7x256x64xf32, #tpu.memory_space<vmem>>, vector<1x256x64xf32>
    %get3A_78 = vector.shape_cast %get3A_77 : vector<1x256x64xf32> to vector<256x64xf32>
    %convert_element_type3A_79 = arith.truncf %get3A_73 : vector<1024x256xf32> to vector<1024x256xbf16>
    %convert_element_type3A_80 = arith.truncf %get3A_78 : vector<256x64xf32> to vector<256x64xbf16>
    %dot_general3A_81 = arith.constant dense<0.000000e+00> : vector<1024x64xf32>
    %dot_general3A_82 = tpu.matmul %convert_element_type3A_79, %convert_element_type3A_80, %dot_general3A_81 {dimension_numbers = #tpu.dot_dimension_numbers<[1], [0], [0], [1], [0, 0, 1, 1], [], []>, transpose_lhs_hint = false} : vector<1024x256xbf16>, vector<256x64xbf16>, vector<1024x64xf32> -> vector<1024x64xf32>
    %add3A_83 = arith.addf %add3A_70, %dot_general3A_82 : vector<1024x64xf32>
    %get3A_84 = arith.constant 6 : index
    %get3A_85 = arith.constant 0 : index
    %get3A_86 = vector.load %arg5[%get3A_84, %get3A_85] : memref<1032x256xf32, #tpu.memory_space<vmem>>, vector<1024x256xf32>
    %get3A_87 = arith.constant 6 : index
    %get3A_88 = arith.constant 0 : index
    %get3A_89 = arith.constant 0 : index
    %get3A_90 = vector.load %arg2[%get3A_87, %get3A_88, %get3A_89] : memref<7x256x64xf32, #tpu.memory_space<vmem>>, vector<1x256x64xf32>
    %get3A_91 = vector.shape_cast %get3A_90 : vector<1x256x64xf32> to vector<256x64xf32>
    %convert_element_type3A_92 = arith.truncf %get3A_86 : vector<1024x256xf32> to vector<1024x256xbf16>
    %convert_element_type3A_93 = arith.truncf %get3A_91 : vector<256x64xf32> to vector<256x64xbf16>
    %dot_general3A_94 = arith.constant dense<0.000000e+00> : vector<1024x64xf32>
    %dot_general3A_95 = tpu.matmul %convert_element_type3A_92, %convert_element_type3A_93, %dot_general3A_94 {dimension_numbers = #tpu.dot_dimension_numbers<[1], [0], [0], [1], [0, 0, 1, 1], [], []>, transpose_lhs_hint = false} : vector<1024x256xbf16>, vector<256x64xbf16>, vector<1024x64xf32> -> vector<1024x64xf32>
    %add3A_96 = arith.addf %add3A_83, %dot_general3A_95 : vector<1024x64xf32>
    %get3A_97 = arith.constant 0 : index
    %get3A_98 = arith.constant 0 : index
    %get3A_99 = vector.load %arg3[%get3A_97, %get3A_98] : memref<1x64xf32, #tpu.memory_space<vmem>>, vector<1x64xf32>
    %add3A_100 = vector.broadcast %get3A_99 : vector<1x64xf32> to vector<1024x64xf32>
    %add3A_101 = arith.addf %add3A_96, %add3A_100 : vector<1024x64xf32>
    %max3A = arith.constant 0.000000e+00 : f32
    %max3A_102 = vector.broadcast %max3A : f32 to vector<1024x64xf32>
    %max3A_103 = arith.maximumf %add3A_101, %max3A_102 : vector<1024x64xf32>
    %swap3A_104 = arith.constant 0 : index
    %swap3A_105 = arith.constant 0 : index
    %swap3A_106 = arith.constant 0 : index
    %swap3A_107 = vector.load %arg4[%swap3A_104, %swap3A_105, %swap3A_106] : memref<1x1024x64xf32, #tpu.memory_space<vmem>>, vector<1x1024x64xf32>
    %swap3A_108 = vector.shape_cast %swap3A_107 : vector<1x1024x64xf32> to vector<1024x64xf32>
    %swap3A_109 = vector.shape_cast %max3A_103 : vector<1024x64xf32> to vector<1x1024x64xf32>
    tpu.vector_store %arg4[%swap3A_104, %swap3A_105, %swap3A_106], %swap3A_109 {strides = array<i32>} : memref<1x1024x64xf32, #tpu.memory_space<vmem>>, vector<1x1024x64xf32>,
    return
  }
  func.func @transform_0(%arg0: i32) -> (i32, i32, i32) {
    %c0_i32 = arith.constant 0 : i32
    %c0_i32_0 = arith.constant 0 : i32
    %c0_i32_1 = arith.constant 0 : i32
    return %arg0, %c0_i32, %c0_i32_0 : i32, i32, i32
  }
  func.func @transform_1(%arg0: i32) -> (i32, i32, i32) {
    %c0_i32 = arith.constant 0 : i32
    %c0_i32_0 = arith.constant 0 : i32
    %c0_i32_1 = arith.constant 0 : i32
    %c0_i32_2 = arith.constant 0 : i32
    return %c0_i32, %c0_i32_0, %c0_i32_1 : i32, i32, i32
  }
  func.func @transform_2(%arg0: i32) -> (i32, i32) {
    %c0_i32 = arith.constant 0 : i32
    %c0_i32_0 = arith.constant 0 : i32
    %c0_i32_1 = arith.constant 0 : i32
    return %c0_i32, %c0_i32_0 : i32, i32
  }
  func.func @transform_3(%arg0: i32) -> (i32, i32, i32) {
    %c0_i32 = arith.constant 0 : i32
    %c0_i32_0 = arith.constant 0 : i32
    %c0_i32_1 = arith.constant 0 : i32
    return %arg0, %c0_i32, %c0_i32_0 : i32, i32, i32
  }
}

module attributes {stable_mosaic.version = 14 : i64} {
  func.func @body(%arg0: i32, %arg1: memref<1x512x128xf32, #tpu.memory_space<vmem>>, %arg2: memref<256x128xf32, #tpu.memory_space<vmem>>, %arg3: memref<128x128xf32, #tpu.memory_space<vmem>>, %arg4: memref<1x128xf32, #tpu.memory_space<vmem>>, %arg5: memref<1x512x128xf32, #tpu.memory_space<vmem>>, %arg6: memref<520x128xf32, #tpu.memory_space<vmem>>) attributes {dimension_semantics = [#tpu.dimension_semantics<arbitrary>], iteration_bounds = array<i64: 16>, scalar_prefetch = 0 : i64, scratch_operands = 1 : i64, tpu.core_type = #tpu.core_type<tc>, window_params = [{transform_indices = @transform_0, window_bounds = array<i64: 1, 512, 128>}, {pipeline_mode = #tpu.pipeline_mode<synchronous>, transform_indices = @transform_1, window_bounds = array<i64: 256, 128>}, {pipeline_mode = #tpu.pipeline_mode<synchronous>, transform_indices = @transform_2, window_bounds = array<i64: 128, 128>}, {pipeline_mode = #tpu.pipeline_mode<synchronous>, transform_indices = @transform_3, window_bounds = array<i64: 1, 128>}, {transform_indices = @transform_4, window_bounds = array<i64: 1, 512, 128>}]} {
    %broadcast_in_dim3A = arith.constant 0.000000e+00 : f32
    %broadcast_in_dim3A_0 = vector.broadcast %broadcast_in_dim3A : f32 to vector<520x128xf32>
    %swap3A = arith.constant 0 : index
    %swap3A_1 = arith.constant 0 : index
    %swap3A_2 = vector.load %arg6[%swap3A, %swap3A_1] : memref<520x128xf32, #tpu.memory_space<vmem>>, vector<520x128xf32>
    tpu.vector_store %arg6[%swap3A, %swap3A_1], %broadcast_in_dim3A_0 {strides = array<i32>} : memref<520x128xf32, #tpu.memory_space<vmem>>, vector<520x128xf32>,
    %get3A = arith.constant 0 : index
    %get3A_3 = arith.constant 0 : index
    %get3A_4 = arith.constant 0 : index
    %get3A_5 = vector.load %arg1[%get3A, %get3A_3, %get3A_4] : memref<1x512x128xf32, #tpu.memory_space<vmem>>, vector<1x512x128xf32>
    %get3A_6 = vector.shape_cast %get3A_5 : vector<1x512x128xf32> to vector<512x128xf32>
    %swap3A_7 = arith.constant 1 : index
    %swap3A_8 = arith.constant 0 : index
    %swap3A_9 = vector.load %arg6[%swap3A_7, %swap3A_8] : memref<520x128xf32, #tpu.memory_space<vmem>>, vector<512x128xf32>
    tpu.vector_store %arg6[%swap3A_7, %swap3A_8], %get3A_6 {strides = array<i32>} : memref<520x128xf32, #tpu.memory_space<vmem>>, vector<512x128xf32>,
    %get3A_10 = arith.constant 0 : index
    %get3A_11 = arith.constant 0 : index
    %get3A_12 = vector.load %arg6[%get3A_10, %get3A_11] : memref<520x128xf32, #tpu.memory_space<vmem>>, vector<512x128xf32>
    %get3A_13 = arith.constant 1 : index
    %get3A_14 = arith.constant 0 : index
    %get3A_15 = vector.load %arg6[%get3A_13, %get3A_14] : memref<520x128xf32, #tpu.memory_space<vmem>>, vector<512x128xf32>
    %concatenate3A = tpu.concatenate %get3A_12, %get3A_15 in 1 : vector<512x128xf32>, vector<512x128xf32> -> vector<512x256xf32>
    %get3A_16 = arith.constant 0 : index
    %get3A_17 = arith.constant 0 : index
    %get3A_18 = vector.load %arg2[%get3A_16, %get3A_17] : memref<256x128xf32, #tpu.memory_space<vmem>>, vector<256x128xf32>
    %convert_element_type3A = arith.truncf %concatenate3A : vector<512x256xf32> to vector<512x256xbf16>
    %convert_element_type3A_19 = arith.truncf %get3A_18 : vector<256x128xf32> to vector<256x128xbf16>
    %dot_general3A = arith.constant dense<0.000000e+00> : vector<512x128xf32>
    %dot_general3A_20 = tpu.matmul %convert_element_type3A, %convert_element_type3A_19, %dot_general3A {dimension_numbers = #tpu.dot_dimension_numbers<[1], [0], [0], [1], [0, 0, 1, 1], [], []>, transpose_lhs_hint = false} : vector<512x256xbf16>, vector<256x128xbf16>, vector<512x128xf32> -> vector<512x128xf32>
    %get3A_21 = arith.constant 2 : index
    %get3A_22 = arith.constant 0 : index
    %get3A_23 = vector.load %arg6[%get3A_21, %get3A_22] : memref<520x128xf32, #tpu.memory_space<vmem>>, vector<512x128xf32>
    %get3A_24 = arith.constant 0 : index
    %get3A_25 = arith.constant 0 : index
    %get3A_26 = vector.load %arg3[%get3A_24, %get3A_25] : memref<128x128xf32, #tpu.memory_space<vmem>>, vector<128x128xf32>
    %convert_element_type3A_27 = arith.truncf %get3A_23 : vector<512x128xf32> to vector<512x128xbf16>
    %convert_element_type3A_28 = arith.truncf %get3A_26 : vector<128x128xf32> to vector<128x128xbf16>
    %dot_general3A_29 = arith.constant dense<0.000000e+00> : vector<512x128xf32>
    %dot_general3A_30 = tpu.matmul %convert_element_type3A_27, %convert_element_type3A_28, %dot_general3A_29 {dimension_numbers = #tpu.dot_dimension_numbers<[1], [0], [0], [1], [0, 0, 1, 1], [], []>, transpose_lhs_hint = false} : vector<512x128xbf16>, vector<128x128xbf16>, vector<512x128xf32> -> vector<512x128xf32>
    %add3A = arith.addf %dot_general3A_20, %dot_general3A_30 : vector<512x128xf32>
    %get3A_31 = arith.constant 0 : index
    %get3A_32 = arith.constant 0 : index
    %get3A_33 = vector.load %arg4[%get3A_31, %get3A_32] : memref<1x128xf32, #tpu.memory_space<vmem>>, vector<1x128xf32>
    %add3A_34 = vector.broadcast %get3A_33 : vector<1x128xf32> to vector<512x128xf32>
    %add3A_35 = arith.addf %add3A, %add3A_34 : vector<512x128xf32>
    %max3A = arith.constant 0.000000e+00 : f32
    %max3A_36 = vector.broadcast %max3A : f32 to vector<512x128xf32>
    %max3A_37 = arith.maximumf %add3A_35, %max3A_36 : vector<512x128xf32>
    %swap3A_38 = arith.constant 0 : index
    %swap3A_39 = arith.constant 0 : index
    %swap3A_40 = arith.constant 0 : index
    %swap3A_41 = vector.load %arg5[%swap3A_38, %swap3A_39, %swap3A_40] : memref<1x512x128xf32, #tpu.memory_space<vmem>>, vector<1x512x128xf32>
    %swap3A_42 = vector.shape_cast %swap3A_41 : vector<1x512x128xf32> to vector<512x128xf32>
    %swap3A_43 = vector.shape_cast %max3A_37 : vector<512x128xf32> to vector<1x512x128xf32>
    tpu.vector_store %arg5[%swap3A_38, %swap3A_39, %swap3A_40], %swap3A_43 {strides = array<i32>} : memref<1x512x128xf32, #tpu.memory_space<vmem>>, vector<1x512x128xf32>,
    return
  }
  func.func @transform_0(%arg0: i32) -> (i32, i32, i32) {
    %c0_i32 = arith.constant 0 : i32
    %c0_i32_0 = arith.constant 0 : i32
    %c0_i32_1 = arith.constant 0 : i32
    return %arg0, %c0_i32, %c0_i32_0 : i32, i32, i32
  }
  func.func @transform_1(%arg0: i32) -> (i32, i32) {
    %c0_i32 = arith.constant 0 : i32
    %c0_i32_0 = arith.constant 0 : i32
    %c0_i32_1 = arith.constant 0 : i32
    return %c0_i32, %c0_i32_0 : i32, i32
  }
  func.func @transform_2(%arg0: i32) -> (i32, i32) {
    %c0_i32 = arith.constant 0 : i32
    %c0_i32_0 = arith.constant 0 : i32
    %c0_i32_1 = arith.constant 0 : i32
    return %c0_i32, %c0_i32_0 : i32, i32
  }
  func.func @transform_3(%arg0: i32) -> (i32, i32) {
    %c0_i32 = arith.constant 0 : i32
    %c0_i32_0 = arith.constant 0 : i32
    %c0_i32_1 = arith.constant 0 : i32
    return %c0_i32, %c0_i32_0 : i32, i32
  }
  func.func @transform_4(%arg0: i32) -> (i32, i32, i32) {
    %c0_i32 = arith.constant 0 : i32
    %c0_i32_0 = arith.constant 0 : i32
    %c0_i32_1 = arith.constant 0 : i32
    return %arg0, %c0_i32, %c0_i32_0 : i32, i32, i32
  }
}

module attributes {stable_mosaic.version = 14 : i64} {
  func.func @body(%arg0: i32, %arg1: memref<1x256x256xf32, #tpu.memory_space<vmem>>, %arg2: memref<256x256xf32, #tpu.memory_space<vmem>>, %arg3: memref<256x256xf32, #tpu.memory_space<vmem>>, %arg4: memref<1x256xf32, #tpu.memory_space<vmem>>, %arg5: memref<1x256xf32, #tpu.memory_space<vmem>>, %arg6: memref<1x256xf32, #tpu.memory_space<vmem>>, %arg7: memref<3x256x64xf32, #tpu.memory_space<vmem>>, %arg8: memref<1x64xf32, #tpu.memory_space<vmem>>, %arg9: memref<1x64xf32, #tpu.memory_space<vmem>>, %arg10: memref<64x256xf32, #tpu.memory_space<vmem>>, %arg11: memref<1x256xf32, #tpu.memory_space<vmem>>, %arg12: memref<1x256xf32, #tpu.memory_space<vmem>>, %arg13: memref<3x256x64xf32, #tpu.memory_space<vmem>>, %arg14: memref<1x64xf32, #tpu.memory_space<vmem>>, %arg15: memref<1x64xf32, #tpu.memory_space<vmem>>, %arg16: memref<64x256xf32, #tpu.memory_space<vmem>>, %arg17: memref<256x64xf32, #tpu.memory_space<vmem>>, %arg18: memref<1x64xf32, #tpu.memory_space<vmem>>, %arg19: memref<64x1024xf32, #tpu.memory_space<vmem>>, %arg20: memref<1x256x64xf32, #tpu.memory_space<vmem>>, %arg21: memref<1x256x1xi32, #tpu.memory_space<vmem>>, %arg22: memref<1x1024xf32, #tpu.memory_space<vmem>>, %arg23: memref<264x256xf32, #tpu.memory_space<vmem>>) attributes {dimension_semantics = [#tpu.dimension_semantics<arbitrary>], iteration_bounds = array<i64: 16>, scalar_prefetch = 0 : i64, scratch_operands = 1 : i64, tpu.core_type = #tpu.core_type<tc>, window_params = [{transform_indices = @transform_0, window_bounds = array<i64: 1, 256, 256>}, {pipeline_mode = #tpu.pipeline_mode<synchronous>, transform_indices = @transform_1, window_bounds = array<i64: 256, 256>}, {pipeline_mode = #tpu.pipeline_mode<synchronous>, transform_indices = @transform_2, window_bounds = array<i64: 256, 256>}, {pipeline_mode = #tpu.pipeline_mode<synchronous>, transform_indices = @transform_3, window_bounds = array<i64: 1, 256>}, {pipeline_mode = #tpu.pipeline_mode<synchronous>, transform_indices = @transform_4, window_bounds = array<i64: 1, 256>}, {pipeline_mode = #tpu.pipeline_mode<synchronous>, transform_indices = @transform_5, window_bounds = array<i64: 1, 256>}, {pipeline_mode = #tpu.pipeline_mode<synchronous>, transform_indices = @transform_6, window_bounds = array<i64: 3, 256, 64>}, {pipeline_mode = #tpu.pipeline_mode<synchronous>, transform_indices = @transform_7, window_bounds = array<i64: 1, 64>}, {pipeline_mode = #tpu.pipeline_mode<synchronous>, transform_indices = @transform_8, window_bounds = array<i64: 1, 64>}, {pipeline_mode = #tpu.pipeline_mode<synchronous>, transform_indices = @transform_9, window_bounds = array<i64: 64, 256>}, {pipeline_mode = #tpu.pipeline_mode<synchronous>, transform_indices = @transform_10, window_bounds = array<i64: 1, 256>}, {pipeline_mode = #tpu.pipeline_mode<synchronous>, transform_indices = @transform_11, window_bounds = array<i64: 1, 256>}, {pipeline_mode = #tpu.pipeline_mode<synchronous>, transform_indices = @transform_12, window_bounds = array<i64: 3, 256, 64>}, {pipeline_mode = #tpu.pipeline_mode<synchronous>, transform_indices = @transform_13, window_bounds = array<i64: 1, 64>}, {pipeline_mode = #tpu.pipeline_mode<synchronous>, transform_indices = @transform_14, window_bounds = array<i64: 1, 64>}, {pipeline_mode = #tpu.pipeline_mode<synchronous>, transform_indices = @transform_15, window_bounds = array<i64: 64, 256>}, {pipeline_mode = #tpu.pipeline_mode<synchronous>, transform_indices = @transform_16, window_bounds = array<i64: 256, 64>}, {pipeline_mode = #tpu.pipeline_mode<synchronous>, transform_indices = @transform_17, window_bounds = array<i64: 1, 64>}, {pipeline_mode = #tpu.pipeline_mode<synchronous>, transform_indices = @transform_18, window_bounds = array<i64: 64, 1024>}, {transform_indices = @transform_19, window_bounds = array<i64: 1, 256, 64>}, {transform_indices = @transform_20, window_bounds = array<i64: 1, 256, 1>}, {pipeline_mode = #tpu.pipeline_mode<synchronous>, transform_indices = @transform_21, window_bounds = array<i64: 1, 1024>}]} {
    %broadcast_in_dim3A = arith.constant 0.000000e+00 : f32
    %broadcast_in_dim3A_0 = vector.broadcast %broadcast_in_dim3A : f32 to vector<264x256xf32>
    %swap3A = arith.constant 0 : index
    %swap3A_1 = arith.constant 0 : index
    %swap3A_2 = vector.load %arg23[%swap3A, %swap3A_1] : memref<264x256xf32, #tpu.memory_space<vmem>>, vector<264x256xf32>
    tpu.vector_store %arg23[%swap3A, %swap3A_1], %broadcast_in_dim3A_0 {strides = array<i32>} : memref<264x256xf32, #tpu.memory_space<vmem>>, vector<264x256xf32>,
    %get3A = arith.constant 0 : index
    %get3A_3 = arith.constant 0 : index
    %get3A_4 = arith.constant 0 : index
    %get3A_5 = vector.load %arg1[%get3A, %get3A_3, %get3A_4] : memref<1x256x256xf32, #tpu.memory_space<vmem>>, vector<1x256x256xf32>
    %get3A_6 = vector.shape_cast %get3A_5 : vector<1x256x256xf32> to vector<256x256xf32>
    %swap3A_7 = arith.constant 1 : index
    %swap3A_8 = arith.constant 0 : index
    %swap3A_9 = vector.load %arg23[%swap3A_7, %swap3A_8] : memref<264x256xf32, #tpu.memory_space<vmem>>, vector<256x256xf32>
    tpu.vector_store %arg23[%swap3A_7, %swap3A_8], %get3A_6 {strides = array<i32>} : memref<264x256xf32, #tpu.memory_space<vmem>>, vector<256x256xf32>,
    %get3A_10 = arith.constant 0 : index
    %get3A_11 = arith.constant 128 : index
    %get3A_12 = vector.load %arg23[%get3A_10, %get3A_11] : memref<264x256xf32, #tpu.memory_space<vmem>>, vector<256x128xf32>
    %get3A_13 = arith.constant 1 : index
    %get3A_14 = arith.constant 0 : index
    %get3A_15 = vector.load %arg23[%get3A_13, %get3A_14] : memref<264x256xf32, #tpu.memory_space<vmem>>, vector<256x128xf32>
    %concatenate3A = tpu.concatenate %get3A_12, %get3A_15 in 1 : vector<256x128xf32>, vector<256x128xf32> -> vector<256x256xf32>
    %get3A_16 = arith.constant 0 : index
    %get3A_17 = arith.constant 0 : index
    %get3A_18 = vector.load %arg2[%get3A_16, %get3A_17] : memref<256x256xf32, #tpu.memory_space<vmem>>, vector<256x256xf32>
    %convert_element_type3A = arith.truncf %concatenate3A : vector<256x256xf32> to vector<256x256xbf16>
    %convert_element_type3A_19 = arith.truncf %get3A_18 : vector<256x256xf32> to vector<256x256xbf16>
    %dot_general3A = arith.constant dense<0.000000e+00> : vector<256x256xf32>
    %dot_general3A_20 = tpu.matmul %convert_element_type3A, %convert_element_type3A_19, %dot_general3A {dimension_numbers = #tpu.dot_dimension_numbers<[1], [0], [0], [1], [0, 0, 1, 1], [], []>, transpose_lhs_hint = false} : vector<256x256xbf16>, vector<256x256xbf16>, vector<256x256xf32> -> vector<256x256xf32>
    %get3A_21 = arith.constant 1 : index
    %get3A_22 = arith.constant 0 : index
    %get3A_23 = vector.load %arg23[%get3A_21, %get3A_22] : memref<264x256xf32, #tpu.memory_space<vmem>>, vector<256x256xf32>
    %get3A_24 = arith.constant 0 : index
    %get3A_25 = arith.constant 0 : index
    %get3A_26 = vector.load %arg3[%get3A_24, %get3A_25] : memref<256x256xf32, #tpu.memory_space<vmem>>, vector<256x256xf32>
    %convert_element_type3A_27 = arith.truncf %get3A_23 : vector<256x256xf32> to vector<256x256xbf16>
    %convert_element_type3A_28 = arith.truncf %get3A_26 : vector<256x256xf32> to vector<256x256xbf16>
    %dot_general3A_29 = arith.constant dense<0.000000e+00> : vector<256x256xf32>
    %dot_general3A_30 = tpu.matmul %convert_element_type3A_27, %convert_element_type3A_28, %dot_general3A_29 {dimension_numbers = #tpu.dot_dimension_numbers<[1], [0], [0], [1], [0, 0, 1, 1], [], []>, transpose_lhs_hint = false} : vector<256x256xbf16>, vector<256x256xbf16>, vector<256x256xf32> -> vector<256x256xf32>
    %add3A = arith.addf %dot_general3A_20, %dot_general3A_30 : vector<256x256xf32>
    %get3A_31 = arith.constant 0 : index
    %get3A_32 = arith.constant 0 : index
    %get3A_33 = vector.load %arg4[%get3A_31, %get3A_32] : memref<1x256xf32, #tpu.memory_space<vmem>>, vector<1x256xf32>
    %add3A_34 = vector.broadcast %get3A_33 : vector<1x256xf32> to vector<256x256xf32>
    %add3A_35 = arith.addf %add3A, %add3A_34 : vector<256x256xf32>
    %get3A_36 = arith.constant 0 : index
    %get3A_37 = arith.constant 0 : index
    %get3A_38 = vector.load %arg5[%get3A_36, %get3A_37] : memref<1x256xf32, #tpu.memory_space<vmem>>, vector<1x256xf32>
    %get3A_39 = arith.constant 0 : index
    %get3A_40 = arith.constant 0 : index
    %get3A_41 = vector.load %arg6[%get3A_39, %get3A_40] : memref<1x256xf32, #tpu.memory_space<vmem>>, vector<1x256xf32>
    %transpose3A = tpu.transpose %add3A_35, [1, 0] : vector<256x256xf32> -> vector<256x256xf32>
    %slice3A = vector.extract_strided_slice %transpose3A {offsets = [0, 0], sizes = [32, 256], strides = [1, 1]} : vector<256x256xf32> to vector<32x256xf32>
    %slice3A_42 = vector.extract_strided_slice %slice3A {offsets = [0, 0], sizes = [8, 128], strides = [1, 1]} : vector<32x256xf32> to vector<8x128xf32>
    %slice3A_43 = vector.extract_strided_slice %slice3A {offsets = [8, 0], sizes = [8, 128], strides = [1, 1]} : vector<32x256xf32> to vector<8x128xf32>
    %add3A_44 = arith.addf %slice3A_42, %slice3A_43 : vector<8x128xf32>
    %slice3A_45 = vector.extract_strided_slice %slice3A {offsets = [16, 0], sizes = [8, 128], strides = [1, 1]} : vector<32x256xf32> to vector<8x128xf32>
    %add3A_46 = arith.addf %add3A_44, %slice3A_45 : vector<8x128xf32>
    %slice3A_47 = vector.extract_strided_slice %slice3A {offsets = [24, 0], sizes = [8, 128], strides = [1, 1]} : vector<32x256xf32> to vector<8x128xf32>
    %add3A_48 = arith.addf %add3A_46, %slice3A_47 : vector<8x128xf32>
    %slice3A_49 = vector.extract_strided_slice %slice3A {offsets = [0, 128], sizes = [8, 128], strides = [1, 1]} : vector<32x256xf32> to vector<8x128xf32>
    %add3A_50 = arith.addf %add3A_48, %slice3A_49 : vector<8x128xf32>
    %slice3A_51 = vector.extract_strided_slice %slice3A {offsets = [8, 128], sizes = [8, 128], strides = [1, 1]} : vector<32x256xf32> to vector<8x128xf32>
    %add3A_52 = arith.addf %add3A_50, %slice3A_51 : vector<8x128xf32>
    %slice3A_53 = vector.extract_strided_slice %slice3A {offsets = [16, 128], sizes = [8, 128], strides = [1, 1]} : vector<32x256xf32> to vector<8x128xf32>
    %add3A_54 = arith.addf %add3A_52, %slice3A_53 : vector<8x128xf32>
    %slice3A_55 = vector.extract_strided_slice %slice3A {offsets = [24, 128], sizes = [8, 128], strides = [1, 1]} : vector<32x256xf32> to vector<8x128xf32>
    %add3A_56 = arith.addf %add3A_54, %slice3A_55 : vector<8x128xf32>
    %slice3A_57 = vector.extract_strided_slice %add3A_56 {offsets = [0, 0], sizes = [4, 128], strides = [1, 1]} : vector<8x128xf32> to vector<4x128xf32>
    %slice3A_58 = vector.extract_strided_slice %add3A_56 {offsets = [4, 0], sizes = [4, 128], strides = [1, 1]} : vector<8x128xf32> to vector<4x128xf32>
    %add3A_59 = arith.addf %slice3A_57, %slice3A_58 : vector<4x128xf32>
    %slice3A_60 = vector.extract_strided_slice %add3A_59 {offsets = [0, 0], sizes = [2, 128], strides = [1, 1]} : vector<4x128xf32> to vector<2x128xf32>
    %slice3A_61 = vector.extract_strided_slice %add3A_59 {offsets = [2, 0], sizes = [2, 128], strides = [1, 1]} : vector<4x128xf32> to vector<2x128xf32>
    %add3A_62 = arith.addf %slice3A_60, %slice3A_61 : vector<2x128xf32>
    %slice3A_63 = vector.extract_strided_slice %add3A_62 {offsets = [0, 0], sizes = [1, 128], strides = [1, 1]} : vector<2x128xf32> to vector<1x128xf32>
    %slice3A_64 = vector.extract_strided_slice %add3A_62 {offsets = [1, 0], sizes = [1, 128], strides = [1, 1]} : vector<2x128xf32> to vector<1x128xf32>
    %add3A_65 = arith.addf %slice3A_63, %slice3A_64 : vector<1x128xf32>
    %reduce_sum3A = arith.constant dense<0.000000e+00> : vector<1xf32>
    %reduce_sum3A_66 = vector.multi_reduction <add>, %add3A_65, %reduce_sum3A [1] : vector<1x128xf32> to vector<1xf32>
    %broadcast_in_dim3A_67 = vector.shape_cast %reduce_sum3A_66 : vector<1xf32> to vector<1x1xf32>
    %div3A = arith.constant 8.192000e+03 : f32
    %div3A_68 = vector.broadcast %div3A : f32 to vector<1x1xf32>
    %div3A_69 = arith.divf %broadcast_in_dim3A_67, %div3A_68 : vector<1x1xf32>
    %sub3A = vector.broadcast %div3A_69 : vector<1x1xf32> to vector<32x256xf32>
    %sub3A_70 = arith.subf %slice3A, %sub3A : vector<32x256xf32>
    %mul3A = arith.mulf %sub3A_70, %sub3A_70 : vector<32x256xf32>
    %slice3A_71 = vector.extract_strided_slice %mul3A {offsets = [0, 0], sizes = [8, 128], strides = [1, 1]} : vector<32x256xf32> to vector<8x128xf32>
    %slice3A_72 = vector.extract_strided_slice %mul3A {offsets = [8, 0], sizes = [8, 128], strides = [1, 1]} : vector<32x256xf32> to vector<8x128xf32>
    %add3A_73 = arith.addf %slice3A_71, %slice3A_72 : vector<8x128xf32>
    %slice3A_74 = vector.extract_strided_slice %mul3A {offsets = [16, 0], sizes = [8, 128], strides = [1, 1]} : vector<32x256xf32> to vector<8x128xf32>
    %add3A_75 = arith.addf %add3A_73, %slice3A_74 : vector<8x128xf32>
    %slice3A_76 = vector.extract_strided_slice %mul3A {offsets = [24, 0], sizes = [8, 128], strides = [1, 1]} : vector<32x256xf32> to vector<8x128xf32>
    %add3A_77 = arith.addf %add3A_75, %slice3A_76 : vector<8x128xf32>
    %slice3A_78 = vector.extract_strided_slice %mul3A {offsets = [0, 128], sizes = [8, 128], strides = [1, 1]} : vector<32x256xf32> to vector<8x128xf32>
    %add3A_79 = arith.addf %add3A_77, %slice3A_78 : vector<8x128xf32>
    %slice3A_80 = vector.extract_strided_slice %mul3A {offsets = [8, 128], sizes = [8, 128], strides = [1, 1]} : vector<32x256xf32> to vector<8x128xf32>
    %add3A_81 = arith.addf %add3A_79, %slice3A_80 : vector<8x128xf32>
    %slice3A_82 = vector.extract_strided_slice %mul3A {offsets = [16, 128], sizes = [8, 128], strides = [1, 1]} : vector<32x256xf32> to vector<8x128xf32>
    %add3A_83 = arith.addf %add3A_81, %slice3A_82 : vector<8x128xf32>
    %slice3A_84 = vector.extract_strided_slice %mul3A {offsets = [24, 128], sizes = [8, 128], strides = [1, 1]} : vector<32x256xf32> to vector<8x128xf32>
    %add3A_85 = arith.addf %add3A_83, %slice3A_84 : vector<8x128xf32>
    %slice3A_86 = vector.extract_strided_slice %add3A_85 {offsets = [0, 0], sizes = [4, 128], strides = [1, 1]} : vector<8x128xf32> to vector<4x128xf32>
    %slice3A_87 = vector.extract_strided_slice %add3A_85 {offsets = [4, 0], sizes = [4, 128], strides = [1, 1]} : vector<8x128xf32> to vector<4x128xf32>
    %add3A_88 = arith.addf %slice3A_86, %slice3A_87 : vector<4x128xf32>
    %slice3A_89 = vector.extract_strided_slice %add3A_88 {offsets = [0, 0], sizes = [2, 128], strides = [1, 1]} : vector<4x128xf32> to vector<2x128xf32>
    %slice3A_90 = vector.extract_strided_slice %add3A_88 {offsets = [2, 0], sizes = [2, 128], strides = [1, 1]} : vector<4x128xf32> to vector<2x128xf32>
    %add3A_91 = arith.addf %slice3A_89, %slice3A_90 : vector<2x128xf32>
    %slice3A_92 = vector.extract_strided_slice %add3A_91 {offsets = [0, 0], sizes = [1, 128], strides = [1, 1]} : vector<2x128xf32> to vector<1x128xf32>
    %slice3A_93 = vector.extract_strided_slice %add3A_91 {offsets = [1, 0], sizes = [1, 128], strides = [1, 1]} : vector<2x128xf32> to vector<1x128xf32>
    %add3A_94 = arith.addf %slice3A_92, %slice3A_93 : vector<1x128xf32>
    %reduce_sum3A_95 = arith.constant dense<0.000000e+00> : vector<1xf32>
    %reduce_sum3A_96 = vector.multi_reduction <add>, %add3A_94, %reduce_sum3A_95 [1] : vector<1x128xf32> to vector<1xf32>
    %broadcast_in_dim3A_97 = vector.shape_cast %reduce_sum3A_96 : vector<1xf32> to vector<1x1xf32>
    %div3A_98 = arith.constant 8.192000e+03 : f32
    %div3A_99 = vector.broadcast %div3A_98 : f32 to vector<1x1xf32>
    %div3A_100 = arith.divf %broadcast_in_dim3A_97, %div3A_99 : vector<1x1xf32>
    %broadcast_in_dim3A_101 = vector.shape_cast %div3A_69 : vector<1x1xf32> to vector<1x1xf32>
    %broadcast_in_dim3A_102 = vector.broadcast %broadcast_in_dim3A_101 : vector<1x1xf32> to vector<1x32xf32>
    %broadcast_in_dim3A_103 = vector.shape_cast %div3A_100 : vector<1x1xf32> to vector<1x1xf32>
    %broadcast_in_dim3A_104 = vector.broadcast %broadcast_in_dim3A_103 : vector<1x1xf32> to vector<1x32xf32>
    %slice3A_105 = vector.extract_strided_slice %transpose3A {offsets = [32, 0], sizes = [32, 256], strides = [1, 1]} : vector<256x256xf32> to vector<32x256xf32>
    %slice3A_106 = vector.extract_strided_slice %slice3A_105 {offsets = [0, 0], sizes = [8, 128], strides = [1, 1]} : vector<32x256xf32> to vector<8x128xf32>
    %slice3A_107 = vector.extract_strided_slice %slice3A_105 {offsets = [8, 0], sizes = [8, 128], strides = [1, 1]} : vector<32x256xf32> to vector<8x128xf32>
    %add3A_108 = arith.addf %slice3A_106, %slice3A_107 : vector<8x128xf32>
    %slice3A_109 = vector.extract_strided_slice %slice3A_105 {offsets = [16, 0], sizes = [8, 128], strides = [1, 1]} : vector<32x256xf32> to vector<8x128xf32>
    %add3A_110 = arith.addf %add3A_108, %slice3A_109 : vector<8x128xf32>
    %slice3A_111 = vector.extract_strided_slice %slice3A_105 {offsets = [24, 0], sizes = [8, 128], strides = [1, 1]} : vector<32x256xf32> to vector<8x128xf32>
    %add3A_112 = arith.addf %add3A_110, %slice3A_111 : vector<8x128xf32>
    %slice3A_113 = vector.extract_strided_slice %slice3A_105 {offsets = [0, 128], sizes = [8, 128], strides = [1, 1]} : vector<32x256xf32> to vector<8x128xf32>
    %add3A_114 = arith.addf %add3A_112, %slice3A_113 : vector<8x128xf32>
    %slice3A_115 = vector.extract_strided_slice %slice3A_105 {offsets = [8, 128], sizes = [8, 128], strides = [1, 1]} : vector<32x256xf32> to vector<8x128xf32>
    %add3A_116 = arith.addf %add3A_114, %slice3A_115 : vector<8x128xf32>
    %slice3A_117 = vector.extract_strided_slice %slice3A_105 {offsets = [16, 128], sizes = [8, 128], strides = [1, 1]} : vector<32x256xf32> to vector<8x128xf32>
    %add3A_118 = arith.addf %add3A_116, %slice3A_117 : vector<8x128xf32>
    %slice3A_119 = vector.extract_strided_slice %slice3A_105 {offsets = [24, 128], sizes = [8, 128], strides = [1, 1]} : vector<32x256xf32> to vector<8x128xf32>
    %add3A_120 = arith.addf %add3A_118, %slice3A_119 : vector<8x128xf32>
    %slice3A_121 = vector.extract_strided_slice %add3A_120 {offsets = [0, 0], sizes = [4, 128], strides = [1, 1]} : vector<8x128xf32> to vector<4x128xf32>
    %slice3A_122 = vector.extract_strided_slice %add3A_120 {offsets = [4, 0], sizes = [4, 128], strides = [1, 1]} : vector<8x128xf32> to vector<4x128xf32>
    %add3A_123 = arith.addf %slice3A_121, %slice3A_122 : vector<4x128xf32>
    %slice3A_124 = vector.extract_strided_slice %add3A_123 {offsets = [0, 0], sizes = [2, 128], strides = [1, 1]} : vector<4x128xf32> to vector<2x128xf32>
    %slice3A_125 = vector.extract_strided_slice %add3A_123 {offsets = [2, 0], sizes = [2, 128], strides = [1, 1]} : vector<4x128xf32> to vector<2x128xf32>
    %add3A_126 = arith.addf %slice3A_124, %slice3A_125 : vector<2x128xf32>
    %slice3A_127 = vector.extract_strided_slice %add3A_126 {offsets = [0, 0], sizes = [1, 128], strides = [1, 1]} : vector<2x128xf32> to vector<1x128xf32>
    %slice3A_128 = vector.extract_strided_slice %add3A_126 {offsets = [1, 0], sizes = [1, 128], strides = [1, 1]} : vector<2x128xf32> to vector<1x128xf32>
    %add3A_129 = arith.addf %slice3A_127, %slice3A_128 : vector<1x128xf32>
    %reduce_sum3A_130 = arith.constant dense<0.000000e+00> : vector<1xf32>
    %reduce_sum3A_131 = vector.multi_reduction <add>, %add3A_129, %reduce_sum3A_130 [1] : vector<1x128xf32> to vector<1xf32>
    %broadcast_in_dim3A_132 = vector.shape_cast %reduce_sum3A_131 : vector<1xf32> to vector<1x1xf32>
    %div3A_133 = arith.constant 8.192000e+03 : f32
    %div3A_134 = vector.broadcast %div3A_133 : f32 to vector<1x1xf32>
    %div3A_135 = arith.divf %broadcast_in_dim3A_132, %div3A_134 : vector<1x1xf32>
    %sub3A_136 = vector.broadcast %div3A_135 : vector<1x1xf32> to vector<32x256xf32>
    %sub3A_137 = arith.subf %slice3A_105, %sub3A_136 : vector<32x256xf32>
    %mul3A_138 = arith.mulf %sub3A_137, %sub3A_137 : vector<32x256xf32>
    %slice3A_139 = vector.extract_strided_slice %mul3A_138 {offsets = [0, 0], sizes = [8, 128], strides = [1, 1]} : vector<32x256xf32> to vector<8x128xf32>
    %slice3A_140 = vector.extract_strided_slice %mul3A_138 {offsets = [8, 0], sizes = [8, 128], strides = [1, 1]} : vector<32x256xf32> to vector<8x128xf32>
    %add3A_141 = arith.addf %slice3A_139, %slice3A_140 : vector<8x128xf32>
    %slice3A_142 = vector.extract_strided_slice %mul3A_138 {offsets = [16, 0], sizes = [8, 128], strides = [1, 1]} : vector<32x256xf32> to vector<8x128xf32>
    %add3A_143 = arith.addf %add3A_141, %slice3A_142 : vector<8x128xf32>
    %slice3A_144 = vector.extract_strided_slice %mul3A_138 {offsets = [24, 0], sizes = [8, 128], strides = [1, 1]} : vector<32x256xf32> to vector<8x128xf32>
    %add3A_145 = arith.addf %add3A_143, %slice3A_144 : vector<8x128xf32>
    %slice3A_146 = vector.extract_strided_slice %mul3A_138 {offsets = [0, 128], sizes = [8, 128], strides = [1, 1]} : vector<32x256xf32> to vector<8x128xf32>
    %add3A_147 = arith.addf %add3A_145, %slice3A_146 : vector<8x128xf32>
    %slice3A_148 = vector.extract_strided_slice %mul3A_138 {offsets = [8, 128], sizes = [8, 128], strides = [1, 1]} : vector<32x256xf32> to vector<8x128xf32>
    %add3A_149 = arith.addf %add3A_147, %slice3A_148 : vector<8x128xf32>
    %slice3A_150 = vector.extract_strided_slice %mul3A_138 {offsets = [16, 128], sizes = [8, 128], strides = [1, 1]} : vector<32x256xf32> to vector<8x128xf32>
    %add3A_151 = arith.addf %add3A_149, %slice3A_150 : vector<8x128xf32>
    %slice3A_152 = vector.extract_strided_slice %mul3A_138 {offsets = [24, 128], sizes = [8, 128], strides = [1, 1]} : vector<32x256xf32> to vector<8x128xf32>
    %add3A_153 = arith.addf %add3A_151, %slice3A_152 : vector<8x128xf32>
    %slice3A_154 = vector.extract_strided_slice %add3A_153 {offsets = [0, 0], sizes = [4, 128], strides = [1, 1]} : vector<8x128xf32> to vector<4x128xf32>
    %slice3A_155 = vector.extract_strided_slice %add3A_153 {offsets = [4, 0], sizes = [4, 128], strides = [1, 1]} : vector<8x128xf32> to vector<4x128xf32>
    %add3A_156 = arith.addf %slice3A_154, %slice3A_155 : vector<4x128xf32>
    %slice3A_157 = vector.extract_strided_slice %add3A_156 {offsets = [0, 0], sizes = [2, 128], strides = [1, 1]} : vector<4x128xf32> to vector<2x128xf32>
    %slice3A_158 = vector.extract_strided_slice %add3A_156 {offsets = [2, 0], sizes = [2, 128], strides = [1, 1]} : vector<4x128xf32> to vector<2x128xf32>
    %add3A_159 = arith.addf %slice3A_157, %slice3A_158 : vector<2x128xf32>
    %slice3A_160 = vector.extract_strided_slice %add3A_159 {offsets = [0, 0], sizes = [1, 128], strides = [1, 1]} : vector<2x128xf32> to vector<1x128xf32>
    %slice3A_161 = vector.extract_strided_slice %add3A_159 {offsets = [1, 0], sizes = [1, 128], strides = [1, 1]} : vector<2x128xf32> to vector<1x128xf32>
    %add3A_162 = arith.addf %slice3A_160, %slice3A_161 : vector<1x128xf32>
    %reduce_sum3A_163 = arith.constant dense<0.000000e+00> : vector<1xf32>
    %reduce_sum3A_164 = vector.multi_reduction <add>, %add3A_162, %reduce_sum3A_163 [1] : vector<1x128xf32> to vector<1xf32>
    %broadcast_in_dim3A_165 = vector.shape_cast %reduce_sum3A_164 : vector<1xf32> to vector<1x1xf32>
    %div3A_166 = arith.constant 8.192000e+03 : f32
    %div3A_167 = vector.broadcast %div3A_166 : f32 to vector<1x1xf32>
    %div3A_168 = arith.divf %broadcast_in_dim3A_165, %div3A_167 : vector<1x1xf32>
    %broadcast_in_dim3A_169 = vector.shape_cast %div3A_135 : vector<1x1xf32> to vector<1x1xf32>
    %broadcast_in_dim3A_170 = vector.broadcast %broadcast_in_dim3A_169 : vector<1x1xf32> to vector<1x32xf32>
    %broadcast_in_dim3A_171 = vector.shape_cast %div3A_168 : vector<1x1xf32> to vector<1x1xf32>
    %broadcast_in_dim3A_172 = vector.broadcast %broadcast_in_dim3A_171 : vector<1x1xf32> to vector<1x32xf32>
    %slice3A_173 = vector.extract_strided_slice %transpose3A {offsets = [64, 0], sizes = [32, 256], strides = [1, 1]} : vector<256x256xf32> to vector<32x256xf32>
    %slice3A_174 = vector.extract_strided_slice %slice3A_173 {offsets = [0, 0], sizes = [8, 128], strides = [1, 1]} : vector<32x256xf32> to vector<8x128xf32>
    %slice3A_175 = vector.extract_strided_slice %slice3A_173 {offsets = [8, 0], sizes = [8, 128], strides = [1, 1]} : vector<32x256xf32> to vector<8x128xf32>
    %add3A_176 = arith.addf %slice3A_174, %slice3A_175 : vector<8x128xf32>
    %slice3A_177 = vector.extract_strided_slice %slice3A_173 {offsets = [16, 0], sizes = [8, 128], strides = [1, 1]} : vector<32x256xf32> to vector<8x128xf32>
    %add3A_178 = arith.addf %add3A_176, %slice3A_177 : vector<8x128xf32>
    %slice3A_179 = vector.extract_strided_slice %slice3A_173 {offsets = [24, 0], sizes = [8, 128], strides = [1, 1]} : vector<32x256xf32> to vector<8x128xf32>
    %add3A_180 = arith.addf %add3A_178, %slice3A_179 : vector<8x128xf32>
    %slice3A_181 = vector.extract_strided_slice %slice3A_173 {offsets = [0, 128], sizes = [8, 128], strides = [1, 1]} : vector<32x256xf32> to vector<8x128xf32>
    %add3A_182 = arith.addf %add3A_180, %slice3A_181 : vector<8x128xf32>
    %slice3A_183 = vector.extract_strided_slice %slice3A_173 {offsets = [8, 128], sizes = [8, 128], strides = [1, 1]} : vector<32x256xf32> to vector<8x128xf32>
    %add3A_184 = arith.addf %add3A_182, %slice3A_183 : vector<8x128xf32>
    %slice3A_185 = vector.extract_strided_slice %slice3A_173 {offsets = [16, 128], sizes = [8, 128], strides = [1, 1]} : vector<32x256xf32> to vector<8x128xf32>
    %add3A_186 = arith.addf %add3A_184, %slice3A_185 : vector<8x128xf32>
    %slice3A_187 = vector.extract_strided_slice %slice3A_173 {offsets = [24, 128], sizes = [8, 128], strides = [1, 1]} : vector<32x256xf32> to vector<8x128xf32>
    %add3A_188 = arith.addf %add3A_186, %slice3A_187 : vector<8x128xf32>
    %slice3A_189 = vector.extract_strided_slice %add3A_188 {offsets = [0, 0], sizes = [4, 128], strides = [1, 1]} : vector<8x128xf32> to vector<4x128xf32>
    %slice3A_190 = vector.extract_strided_slice %add3A_188 {offsets = [4, 0], sizes = [4, 128], strides = [1, 1]} : vector<8x128xf32> to vector<4x128xf32>
    %add3A_191 = arith.addf %slice3A_189, %slice3A_190 : vector<4x128xf32>
    %slice3A_192 = vector.extract_strided_slice %add3A_191 {offsets = [0, 0], sizes = [2, 128], strides = [1, 1]} : vector<4x128xf32> to vector<2x128xf32>
    %slice3A_193 = vector.extract_strided_slice %add3A_191 {offsets = [2, 0], sizes = [2, 128], strides = [1, 1]} : vector<4x128xf32> to vector<2x128xf32>
    %add3A_194 = arith.addf %slice3A_192, %slice3A_193 : vector<2x128xf32>
    %slice3A_195 = vector.extract_strided_slice %add3A_194 {offsets = [0, 0], sizes = [1, 128], strides = [1, 1]} : vector<2x128xf32> to vector<1x128xf32>
    %slice3A_196 = vector.extract_strided_slice %add3A_194 {offsets = [1, 0], sizes = [1, 128], strides = [1, 1]} : vector<2x128xf32> to vector<1x128xf32>
    %add3A_197 = arith.addf %slice3A_195, %slice3A_196 : vector<1x128xf32>
    %reduce_sum3A_198 = arith.constant dense<0.000000e+00> : vector<1xf32>
    %reduce_sum3A_199 = vector.multi_reduction <add>, %add3A_197, %reduce_sum3A_198 [1] : vector<1x128xf32> to vector<1xf32>
    %broadcast_in_dim3A_200 = vector.shape_cast %reduce_sum3A_199 : vector<1xf32> to vector<1x1xf32>
    %div3A_201 = arith.constant 8.192000e+03 : f32
    %div3A_202 = vector.broadcast %div3A_201 : f32 to vector<1x1xf32>
    %div3A_203 = arith.divf %broadcast_in_dim3A_200, %div3A_202 : vector<1x1xf32>
    %sub3A_204 = vector.broadcast %div3A_203 : vector<1x1xf32> to vector<32x256xf32>
    %sub3A_205 = arith.subf %slice3A_173, %sub3A_204 : vector<32x256xf32>
    %mul3A_206 = arith.mulf %sub3A_205, %sub3A_205 : vector<32x256xf32>
    %slice3A_207 = vector.extract_strided_slice %mul3A_206 {offsets = [0, 0], sizes = [8, 128], strides = [1, 1]} : vector<32x256xf32> to vector<8x128xf32>
    %slice3A_208 = vector.extract_strided_slice %mul3A_206 {offsets = [8, 0], sizes = [8, 128], strides = [1, 1]} : vector<32x256xf32> to vector<8x128xf32>
    %add3A_209 = arith.addf %slice3A_207, %slice3A_208 : vector<8x128xf32>
    %slice3A_210 = vector.extract_strided_slice %mul3A_206 {offsets = [16, 0], sizes = [8, 128], strides = [1, 1]} : vector<32x256xf32> to vector<8x128xf32>
    %add3A_211 = arith.addf %add3A_209, %slice3A_210 : vector<8x128xf32>
    %slice3A_212 = vector.extract_strided_slice %mul3A_206 {offsets = [24, 0], sizes = [8, 128], strides = [1, 1]} : vector<32x256xf32> to vector<8x128xf32>
    %add3A_213 = arith.addf %add3A_211, %slice3A_212 : vector<8x128xf32>
    %slice3A_214 = vector.extract_strided_slice %mul3A_206 {offsets = [0, 128], sizes = [8, 128], strides = [1, 1]} : vector<32x256xf32> to vector<8x128xf32>
    %add3A_215 = arith.addf %add3A_213, %slice3A_214 : vector<8x128xf32>
    %slice3A_216 = vector.extract_strided_slice %mul3A_206 {offsets = [8, 128], sizes = [8, 128], strides = [1, 1]} : vector<32x256xf32> to vector<8x128xf32>
    %add3A_217 = arith.addf %add3A_215, %slice3A_216 : vector<8x128xf32>
    %slice3A_218 = vector.extract_strided_slice %mul3A_206 {offsets = [16, 128], sizes = [8, 128], strides = [1, 1]} : vector<32x256xf32> to vector<8x128xf32>
    %add3A_219 = arith.addf %add3A_217, %slice3A_218 : vector<8x128xf32>
    %slice3A_220 = vector.extract_strided_slice %mul3A_206 {offsets = [24, 128], sizes = [8, 128], strides = [1, 1]} : vector<32x256xf32> to vector<8x128xf32>
    %add3A_221 = arith.addf %add3A_219, %slice3A_220 : vector<8x128xf32>
    %slice3A_222 = vector.extract_strided_slice %add3A_221 {offsets = [0, 0], sizes = [4, 128], strides = [1, 1]} : vector<8x128xf32> to vector<4x128xf32>
    %slice3A_223 = vector.extract_strided_slice %add3A_221 {offsets = [4, 0], sizes = [4, 128], strides = [1, 1]} : vector<8x128xf32> to vector<4x128xf32>
    %add3A_224 = arith.addf %slice3A_222, %slice3A_223 : vector<4x128xf32>
    %slice3A_225 = vector.extract_strided_slice %add3A_224 {offsets = [0, 0], sizes = [2, 128], strides = [1, 1]} : vector<4x128xf32> to vector<2x128xf32>
    %slice3A_226 = vector.extract_strided_slice %add3A_224 {offsets = [2, 0], sizes = [2, 128], strides = [1, 1]} : vector<4x128xf32> to vector<2x128xf32>
    %add3A_227 = arith.addf %slice3A_225, %slice3A_226 : vector<2x128xf32>
    %slice3A_228 = vector.extract_strided_slice %add3A_227 {offsets = [0, 0], sizes = [1, 128], strides = [1, 1]} : vector<2x128xf32> to vector<1x128xf32>
    %slice3A_229 = vector.extract_strided_slice %add3A_227 {offsets = [1, 0], sizes = [1, 128], strides = [1, 1]} : vector<2x128xf32> to vector<1x128xf32>
    %add3A_230 = arith.addf %slice3A_228, %slice3A_229 : vector<1x128xf32>
    %reduce_sum3A_231 = arith.constant dense<0.000000e+00> : vector<1xf32>
    %reduce_sum3A_232 = vector.multi_reduction <add>, %add3A_230, %reduce_sum3A_231 [1] : vector<1x128xf32> to vector<1xf32>
    %broadcast_in_dim3A_233 = vector.shape_cast %reduce_sum3A_232 : vector<1xf32> to vector<1x1xf32>
    %div3A_234 = arith.constant 8.192000e+03 : f32
    %div3A_235 = vector.broadcast %div3A_234 : f32 to vector<1x1xf32>
    %div3A_236 = arith.divf %broadcast_in_dim3A_233, %div3A_235 : vector<1x1xf32>
    %broadcast_in_dim3A_237 = vector.shape_cast %div3A_203 : vector<1x1xf32> to vector<1x1xf32>
    %broadcast_in_dim3A_238 = vector.broadcast %broadcast_in_dim3A_237 : vector<1x1xf32> to vector<1x32xf32>
    %broadcast_in_dim3A_239 = vector.shape_cast %div3A_236 : vector<1x1xf32> to vector<1x1xf32>
    %broadcast_in_dim3A_240 = vector.broadcast %broadcast_in_dim3A_239 : vector<1x1xf32> to vector<1x32xf32>
    %slice3A_241 = vector.extract_strided_slice %transpose3A {offsets = [96, 0], sizes = [32, 256], strides = [1, 1]} : vector<256x256xf32> to vector<32x256xf32>
    %slice3A_242 = vector.extract_strided_slice %slice3A_241 {offsets = [0, 0], sizes = [8, 128], strides = [1, 1]} : vector<32x256xf32> to vector<8x128xf32>
    %slice3A_243 = vector.extract_strided_slice %slice3A_241 {offsets = [8, 0], sizes = [8, 128], strides = [1, 1]} : vector<32x256xf32> to vector<8x128xf32>
    %add3A_244 = arith.addf %slice3A_242, %slice3A_243 : vector<8x128xf32>
    %slice3A_245 = vector.extract_strided_slice %slice3A_241 {offsets = [16, 0], sizes = [8, 128], strides = [1, 1]} : vector<32x256xf32> to vector<8x128xf32>
    %add3A_246 = arith.addf %add3A_244, %slice3A_245 : vector<8x128xf32>
    %slice3A_247 = vector.extract_strided_slice %slice3A_241 {offsets = [24, 0], sizes = [8, 128], strides = [1, 1]} : vector<32x256xf32> to vector<8x128xf32>
    %add3A_248 = arith.addf %add3A_246, %slice3A_247 : vector<8x128xf32>
    %slice3A_249 = vector.extract_strided_slice %slice3A_241 {offsets = [0, 128], sizes = [8, 128], strides = [1, 1]} : vector<32x256xf32> to vector<8x128xf32>
    %add3A_250 = arith.addf %add3A_248, %slice3A_249 : vector<8x128xf32>
    %slice3A_251 = vector.extract_strided_slice %slice3A_241 {offsets = [8, 128], sizes = [8, 128], strides = [1, 1]} : vector<32x256xf32> to vector<8x128xf32>
    %add3A_252 = arith.addf %add3A_250, %slice3A_251 : vector<8x128xf32>
    %slice3A_253 = vector.extract_strided_slice %slice3A_241 {offsets = [16, 128], sizes = [8, 128], strides = [1, 1]} : vector<32x256xf32> to vector<8x128xf32>
    %add3A_254 = arith.addf %add3A_252, %slice3A_253 : vector<8x128xf32>
    %slice3A_255 = vector.extract_strided_slice %slice3A_241 {offsets = [24, 128], sizes = [8, 128], strides = [1, 1]} : vector<32x256xf32> to vector<8x128xf32>
    %add3A_256 = arith.addf %add3A_254, %slice3A_255 : vector<8x128xf32>
    %slice3A_257 = vector.extract_strided_slice %add3A_256 {offsets = [0, 0], sizes = [4, 128], strides = [1, 1]} : vector<8x128xf32> to vector<4x128xf32>
    %slice3A_258 = vector.extract_strided_slice %add3A_256 {offsets = [4, 0], sizes = [4, 128], strides = [1, 1]} : vector<8x128xf32> to vector<4x128xf32>
    %add3A_259 = arith.addf %slice3A_257, %slice3A_258 : vector<4x128xf32>
    %slice3A_260 = vector.extract_strided_slice %add3A_259 {offsets = [0, 0], sizes = [2, 128], strides = [1, 1]} : vector<4x128xf32> to vector<2x128xf32>
    %slice3A_261 = vector.extract_strided_slice %add3A_259 {offsets = [2, 0], sizes = [2, 128], strides = [1, 1]} : vector<4x128xf32> to vector<2x128xf32>
    %add3A_262 = arith.addf %slice3A_260, %slice3A_261 : vector<2x128xf32>
    %slice3A_263 = vector.extract_strided_slice %add3A_262 {offsets = [0, 0], sizes = [1, 128], strides = [1, 1]} : vector<2x128xf32> to vector<1x128xf32>
    %slice3A_264 = vector.extract_strided_slice %add3A_262 {offsets = [1, 0], sizes = [1, 128], strides = [1, 1]} : vector<2x128xf32> to vector<1x128xf32>
    %add3A_265 = arith.addf %slice3A_263, %slice3A_264 : vector<1x128xf32>
    %reduce_sum3A_266 = arith.constant dense<0.000000e+00> : vector<1xf32>
    %reduce_sum3A_267 = vector.multi_reduction <add>, %add3A_265, %reduce_sum3A_266 [1] : vector<1x128xf32> to vector<1xf32>
    %broadcast_in_dim3A_268 = vector.shape_cast %reduce_sum3A_267 : vector<1xf32> to vector<1x1xf32>
    %div3A_269 = arith.constant 8.192000e+03 : f32
    %div3A_270 = vector.broadcast %div3A_269 : f32 to vector<1x1xf32>
    %div3A_271 = arith.divf %broadcast_in_dim3A_268, %div3A_270 : vector<1x1xf32>
    %sub3A_272 = vector.broadcast %div3A_271 : vector<1x1xf32> to vector<32x256xf32>
    %sub3A_273 = arith.subf %slice3A_241, %sub3A_272 : vector<32x256xf32>
    %mul3A_274 = arith.mulf %sub3A_273, %sub3A_273 : vector<32x256xf32>
    %slice3A_275 = vector.extract_strided_slice %mul3A_274 {offsets = [0, 0], sizes = [8, 128], strides = [1, 1]} : vector<32x256xf32> to vector<8x128xf32>
    %slice3A_276 = vector.extract_strided_slice %mul3A_274 {offsets = [8, 0], sizes = [8, 128], strides = [1, 1]} : vector<32x256xf32> to vector<8x128xf32>
    %add3A_277 = arith.addf %slice3A_275, %slice3A_276 : vector<8x128xf32>
    %slice3A_278 = vector.extract_strided_slice %mul3A_274 {offsets = [16, 0], sizes = [8, 128], strides = [1, 1]} : vector<32x256xf32> to vector<8x128xf32>
    %add3A_279 = arith.addf %add3A_277, %slice3A_278 : vector<8x128xf32>
    %slice3A_280 = vector.extract_strided_slice %mul3A_274 {offsets = [24, 0], sizes = [8, 128], strides = [1, 1]} : vector<32x256xf32> to vector<8x128xf32>
    %add3A_281 = arith.addf %add3A_279, %slice3A_280 : vector<8x128xf32>
    %slice3A_282 = vector.extract_strided_slice %mul3A_274 {offsets = [0, 128], sizes = [8, 128], strides = [1, 1]} : vector<32x256xf32> to vector<8x128xf32>
    %add3A_283 = arith.addf %add3A_281, %slice3A_282 : vector<8x128xf32>
    %slice3A_284 = vector.extract_strided_slice %mul3A_274 {offsets = [8, 128], sizes = [8, 128], strides = [1, 1]} : vector<32x256xf32> to vector<8x128xf32>
    %add3A_285 = arith.addf %add3A_283, %slice3A_284 : vector<8x128xf32>
    %slice3A_286 = vector.extract_strided_slice %mul3A_274 {offsets = [16, 128], sizes = [8, 128], strides = [1, 1]} : vector<32x256xf32> to vector<8x128xf32>
    %add3A_287 = arith.addf %add3A_285, %slice3A_286 : vector<8x128xf32>
    %slice3A_288 = vector.extract_strided_slice %mul3A_274 {offsets = [24, 128], sizes = [8, 128], strides = [1, 1]} : vector<32x256xf32> to vector<8x128xf32>
    %add3A_289 = arith.addf %add3A_287, %slice3A_288 : vector<8x128xf32>
    %slice3A_290 = vector.extract_strided_slice %add3A_289 {offsets = [0, 0], sizes = [4, 128], strides = [1, 1]} : vector<8x128xf32> to vector<4x128xf32>
    %slice3A_291 = vector.extract_strided_slice %add3A_289 {offsets = [4, 0], sizes = [4, 128], strides = [1, 1]} : vector<8x128xf32> to vector<4x128xf32>
    %add3A_292 = arith.addf %slice3A_290, %slice3A_291 : vector<4x128xf32>
    %slice3A_293 = vector.extract_strided_slice %add3A_292 {offsets = [0, 0], sizes = [2, 128], strides = [1, 1]} : vector<4x128xf32> to vector<2x128xf32>
    %slice3A_294 = vector.extract_strided_slice %add3A_292 {offsets = [2, 0], sizes = [2, 128], strides = [1, 1]} : vector<4x128xf32> to vector<2x128xf32>
    %add3A_295 = arith.addf %slice3A_293, %slice3A_294 : vector<2x128xf32>
    %slice3A_296 = vector.extract_strided_slice %add3A_295 {offsets = [0, 0], sizes = [1, 128], strides = [1, 1]} : vector<2x128xf32> to vector<1x128xf32>
    %slice3A_297 = vector.extract_strided_slice %add3A_295 {offsets = [1, 0], sizes = [1, 128], strides = [1, 1]} : vector<2x128xf32> to vector<1x128xf32>
    %add3A_298 = arith.addf %slice3A_296, %slice3A_297 : vector<1x128xf32>
    %reduce_sum3A_299 = arith.constant dense<0.000000e+00> : vector<1xf32>
    %reduce_sum3A_300 = vector.multi_reduction <add>, %add3A_298, %reduce_sum3A_299 [1] : vector<1x128xf32> to vector<1xf32>
    %broadcast_in_dim3A_301 = vector.shape_cast %reduce_sum3A_300 : vector<1xf32> to vector<1x1xf32>
    %div3A_302 = arith.constant 8.192000e+03 : f32
    %div3A_303 = vector.broadcast %div3A_302 : f32 to vector<1x1xf32>
    %div3A_304 = arith.divf %broadcast_in_dim3A_301, %div3A_303 : vector<1x1xf32>
    %broadcast_in_dim3A_305 = vector.shape_cast %div3A_271 : vector<1x1xf32> to vector<1x1xf32>
    %broadcast_in_dim3A_306 = vector.broadcast %broadcast_in_dim3A_305 : vector<1x1xf32> to vector<1x32xf32>
    %broadcast_in_dim3A_307 = vector.shape_cast %div3A_304 : vector<1x1xf32> to vector<1x1xf32>
    %broadcast_in_dim3A_308 = vector.broadcast %broadcast_in_dim3A_307 : vector<1x1xf32> to vector<1x32xf32>
    %slice3A_309 = vector.extract_strided_slice %transpose3A {offsets = [128, 0], sizes = [32, 256], strides = [1, 1]} : vector<256x256xf32> to vector<32x256xf32>
    %slice3A_310 = vector.extract_strided_slice %slice3A_309 {offsets = [0, 0], sizes = [8, 128], strides = [1, 1]} : vector<32x256xf32> to vector<8x128xf32>
    %slice3A_311 = vector.extract_strided_slice %slice3A_309 {offsets = [8, 0], sizes = [8, 128], strides = [1, 1]} : vector<32x256xf32> to vector<8x128xf32>
    %add3A_312 = arith.addf %slice3A_310, %slice3A_311 : vector<8x128xf32>
    %slice3A_313 = vector.extract_strided_slice %slice3A_309 {offsets = [16, 0], sizes = [8, 128], strides = [1, 1]} : vector<32x256xf32> to vector<8x128xf32>
    %add3A_314 = arith.addf %add3A_312, %slice3A_313 : vector<8x128xf32>
    %slice3A_315 = vector.extract_strided_slice %slice3A_309 {offsets = [24, 0], sizes = [8, 128], strides = [1, 1]} : vector<32x256xf32> to vector<8x128xf32>
    %add3A_316 = arith.addf %add3A_314, %slice3A_315 : vector<8x128xf32>
    %slice3A_317 = vector.extract_strided_slice %slice3A_309 {offsets = [0, 128], sizes = [8, 128], strides = [1, 1]} : vector<32x256xf32> to vector<8x128xf32>
    %add3A_318 = arith.addf %add3A_316, %slice3A_317 : vector<8x128xf32>
    %slice3A_319 = vector.extract_strided_slice %slice3A_309 {offsets = [8, 128], sizes = [8, 128], strides = [1, 1]} : vector<32x256xf32> to vector<8x128xf32>
    %add3A_320 = arith.addf %add3A_318, %slice3A_319 : vector<8x128xf32>
    %slice3A_321 = vector.extract_strided_slice %slice3A_309 {offsets = [16, 128], sizes = [8, 128], strides = [1, 1]} : vector<32x256xf32> to vector<8x128xf32>
    %add3A_322 = arith.addf %add3A_320, %slice3A_321 : vector<8x128xf32>
    %slice3A_323 = vector.extract_strided_slice %slice3A_309 {offsets = [24, 128], sizes = [8, 128], strides = [1, 1]} : vector<32x256xf32> to vector<8x128xf32>
    %add3A_324 = arith.addf %add3A_322, %slice3A_323 : vector<8x128xf32>
    %slice3A_325 = vector.extract_strided_slice %add3A_324 {offsets = [0, 0], sizes = [4, 128], strides = [1, 1]} : vector<8x128xf32> to vector<4x128xf32>
    %slice3A_326 = vector.extract_strided_slice %add3A_324 {offsets = [4, 0], sizes = [4, 128], strides = [1, 1]} : vector<8x128xf32> to vector<4x128xf32>
    %add3A_327 = arith.addf %slice3A_325, %slice3A_326 : vector<4x128xf32>
    %slice3A_328 = vector.extract_strided_slice %add3A_327 {offsets = [0, 0], sizes = [2, 128], strides = [1, 1]} : vector<4x128xf32> to vector<2x128xf32>
    %slice3A_329 = vector.extract_strided_slice %add3A_327 {offsets = [2, 0], sizes = [2, 128], strides = [1, 1]} : vector<4x128xf32> to vector<2x128xf32>
    %add3A_330 = arith.addf %slice3A_328, %slice3A_329 : vector<2x128xf32>
    %slice3A_331 = vector.extract_strided_slice %add3A_330 {offsets = [0, 0], sizes = [1, 128], strides = [1, 1]} : vector<2x128xf32> to vector<1x128xf32>
    %slice3A_332 = vector.extract_strided_slice %add3A_330 {offsets = [1, 0], sizes = [1, 128], strides = [1, 1]} : vector<2x128xf32> to vector<1x128xf32>
    %add3A_333 = arith.addf %slice3A_331, %slice3A_332 : vector<1x128xf32>
    %reduce_sum3A_334 = arith.constant dense<0.000000e+00> : vector<1xf32>
    %reduce_sum3A_335 = vector.multi_reduction <add>, %add3A_333, %reduce_sum3A_334 [1] : vector<1x128xf32> to vector<1xf32>
    %broadcast_in_dim3A_336 = vector.shape_cast %reduce_sum3A_335 : vector<1xf32> to vector<1x1xf32>
    %div3A_337 = arith.constant 8.192000e+03 : f32
    %div3A_338 = vector.broadcast %div3A_337 : f32 to vector<1x1xf32>
    %div3A_339 = arith.divf %broadcast_in_dim3A_336, %div3A_338 : vector<1x1xf32>
    %sub3A_340 = vector.broadcast %div3A_339 : vector<1x1xf32> to vector<32x256xf32>
    %sub3A_341 = arith.subf %slice3A_309, %sub3A_340 : vector<32x256xf32>
    %mul3A_342 = arith.mulf %sub3A_341, %sub3A_341 : vector<32x256xf32>
    %slice3A_343 = vector.extract_strided_slice %mul3A_342 {offsets = [0, 0], sizes = [8, 128], strides = [1, 1]} : vector<32x256xf32> to vector<8x128xf32>
    %slice3A_344 = vector.extract_strided_slice %mul3A_342 {offsets = [8, 0], sizes = [8, 128], strides = [1, 1]} : vector<32x256xf32> to vector<8x128xf32>
    %add3A_345 = arith.addf %slice3A_343, %slice3A_344 : vector<8x128xf32>
    %slice3A_346 = vector.extract_strided_slice %mul3A_342 {offsets = [16, 0], sizes = [8, 128], strides = [1, 1]} : vector<32x256xf32> to vector<8x128xf32>
    %add3A_347 = arith.addf %add3A_345, %slice3A_346 : vector<8x128xf32>
    %slice3A_348 = vector.extract_strided_slice %mul3A_342 {offsets = [24, 0], sizes = [8, 128], strides = [1, 1]} : vector<32x256xf32> to vector<8x128xf32>
    %add3A_349 = arith.addf %add3A_347, %slice3A_348 : vector<8x128xf32>
    %slice3A_350 = vector.extract_strided_slice %mul3A_342 {offsets = [0, 128], sizes = [8, 128], strides = [1, 1]} : vector<32x256xf32> to vector<8x128xf32>
    %add3A_351 = arith.addf %add3A_349, %slice3A_350 : vector<8x128xf32>
    %slice3A_352 = vector.extract_strided_slice %mul3A_342 {offsets = [8, 128], sizes = [8, 128], strides = [1, 1]} : vector<32x256xf32> to vector<8x128xf32>
    %add3A_353 = arith.addf %add3A_351, %slice3A_352 : vector<8x128xf32>
    %slice3A_354 = vector.extract_strided_slice %mul3A_342 {offsets = [16, 128], sizes = [8, 128], strides = [1, 1]} : vector<32x256xf32> to vector<8x128xf32>
    %add3A_355 = arith.addf %add3A_353, %slice3A_354 : vector<8x128xf32>
    %slice3A_356 = vector.extract_strided_slice %mul3A_342 {offsets = [24, 128], sizes = [8, 128], strides = [1, 1]} : vector<32x256xf32> to vector<8x128xf32>
    %add3A_357 = arith.addf %add3A_355, %slice3A_356 : vector<8x128xf32>
    %slice3A_358 = vector.extract_strided_slice %add3A_357 {offsets = [0, 0], sizes = [4, 128], strides = [1, 1]} : vector<8x128xf32> to vector<4x128xf32>
    %slice3A_359 = vector.extract_strided_slice %add3A_357 {offsets = [4, 0], sizes = [4, 128], strides = [1, 1]} : vector<8x128xf32> to vector<4x128xf32>
    %add3A_360 = arith.addf %slice3A_358, %slice3A_359 : vector<4x128xf32>
    %slice3A_361 = vector.extract_strided_slice %add3A_360 {offsets = [0, 0], sizes = [2, 128], strides = [1, 1]} : vector<4x128xf32> to vector<2x128xf32>
    %slice3A_362 = vector.extract_strided_slice %add3A_360 {offsets = [2, 0], sizes = [2, 128], strides = [1, 1]} : vector<4x128xf32> to vector<2x128xf32>
    %add3A_363 = arith.addf %slice3A_361, %slice3A_362 : vector<2x128xf32>
    %slice3A_364 = vector.extract_strided_slice %add3A_363 {offsets = [0, 0], sizes = [1, 128], strides = [1, 1]} : vector<2x128xf32> to vector<1x128xf32>
    %slice3A_365 = vector.extract_strided_slice %add3A_363 {offsets = [1, 0], sizes = [1, 128], strides = [1, 1]} : vector<2x128xf32> to vector<1x128xf32>
    %add3A_366 = arith.addf %slice3A_364, %slice3A_365 : vector<1x128xf32>
    %reduce_sum3A_367 = arith.constant dense<0.000000e+00> : vector<1xf32>
    %reduce_sum3A_368 = vector.multi_reduction <add>, %add3A_366, %reduce_sum3A_367 [1] : vector<1x128xf32> to vector<1xf32>
    %broadcast_in_dim3A_369 = vector.shape_cast %reduce_sum3A_368 : vector<1xf32> to vector<1x1xf32>
    %div3A_370 = arith.constant 8.192000e+03 : f32
    %div3A_371 = vector.broadcast %div3A_370 : f32 to vector<1x1xf32>
    %div3A_372 = arith.divf %broadcast_in_dim3A_369, %div3A_371 : vector<1x1xf32>
    %broadcast_in_dim3A_373 = vector.shape_cast %div3A_339 : vector<1x1xf32> to vector<1x1xf32>
    %broadcast_in_dim3A_374 = vector.broadcast %broadcast_in_dim3A_373 : vector<1x1xf32> to vector<1x32xf32>
    %broadcast_in_dim3A_375 = vector.shape_cast %div3A_372 : vector<1x1xf32> to vector<1x1xf32>
    %broadcast_in_dim3A_376 = vector.broadcast %broadcast_in_dim3A_375 : vector<1x1xf32> to vector<1x32xf32>
    %slice3A_377 = vector.extract_strided_slice %transpose3A {offsets = [160, 0], sizes = [32, 256], strides = [1, 1]} : vector<256x256xf32> to vector<32x256xf32>
    %slice3A_378 = vector.extract_strided_slice %slice3A_377 {offsets = [0, 0], sizes = [8, 128], strides = [1, 1]} : vector<32x256xf32> to vector<8x128xf32>
    %slice3A_379 = vector.extract_strided_slice %slice3A_377 {offsets = [8, 0], sizes = [8, 128], strides = [1, 1]} : vector<32x256xf32> to vector<8x128xf32>
    %add3A_380 = arith.addf %slice3A_378, %slice3A_379 : vector<8x128xf32>
    %slice3A_381 = vector.extract_strided_slice %slice3A_377 {offsets = [16, 0], sizes = [8, 128], strides = [1, 1]} : vector<32x256xf32> to vector<8x128xf32>
    %add3A_382 = arith.addf %add3A_380, %slice3A_381 : vector<8x128xf32>
    %slice3A_383 = vector.extract_strided_slice %slice3A_377 {offsets = [24, 0], sizes = [8, 128], strides = [1, 1]} : vector<32x256xf32> to vector<8x128xf32>
    %add3A_384 = arith.addf %add3A_382, %slice3A_383 : vector<8x128xf32>
    %slice3A_385 = vector.extract_strided_slice %slice3A_377 {offsets = [0, 128], sizes = [8, 128], strides = [1, 1]} : vector<32x256xf32> to vector<8x128xf32>
    %add3A_386 = arith.addf %add3A_384, %slice3A_385 : vector<8x128xf32>
    %slice3A_387 = vector.extract_strided_slice %slice3A_377 {offsets = [8, 128], sizes = [8, 128], strides = [1, 1]} : vector<32x256xf32> to vector<8x128xf32>
    %add3A_388 = arith.addf %add3A_386, %slice3A_387 : vector<8x128xf32>
    %slice3A_389 = vector.extract_strided_slice %slice3A_377 {offsets = [16, 128], sizes = [8, 128], strides = [1, 1]} : vector<32x256xf32> to vector<8x128xf32>
    %add3A_390 = arith.addf %add3A_388, %slice3A_389 : vector<8x128xf32>
    %slice3A_391 = vector.extract_strided_slice %slice3A_377 {offsets = [24, 128], sizes = [8, 128], strides = [1, 1]} : vector<32x256xf32> to vector<8x128xf32>
    %add3A_392 = arith.addf %add3A_390, %slice3A_391 : vector<8x128xf32>
    %slice3A_393 = vector.extract_strided_slice %add3A_392 {offsets = [0, 0], sizes = [4, 128], strides = [1, 1]} : vector<8x128xf32> to vector<4x128xf32>
    %slice3A_394 = vector.extract_strided_slice %add3A_392 {offsets = [4, 0], sizes = [4, 128], strides = [1, 1]} : vector<8x128xf32> to vector<4x128xf32>
    %add3A_395 = arith.addf %slice3A_393, %slice3A_394 : vector<4x128xf32>
    %slice3A_396 = vector.extract_strided_slice %add3A_395 {offsets = [0, 0], sizes = [2, 128], strides = [1, 1]} : vector<4x128xf32> to vector<2x128xf32>
    %slice3A_397 = vector.extract_strided_slice %add3A_395 {offsets = [2, 0], sizes = [2, 128], strides = [1, 1]} : vector<4x128xf32> to vector<2x128xf32>
    %add3A_398 = arith.addf %slice3A_396, %slice3A_397 : vector<2x128xf32>
    %slice3A_399 = vector.extract_strided_slice %add3A_398 {offsets = [0, 0], sizes = [1, 128], strides = [1, 1]} : vector<2x128xf32> to vector<1x128xf32>
    %slice3A_400 = vector.extract_strided_slice %add3A_398 {offsets = [1, 0], sizes = [1, 128], strides = [1, 1]} : vector<2x128xf32> to vector<1x128xf32>
    %add3A_401 = arith.addf %slice3A_399, %slice3A_400 : vector<1x128xf32>
    %reduce_sum3A_402 = arith.constant dense<0.000000e+00> : vector<1xf32>
    %reduce_sum3A_403 = vector.multi_reduction <add>, %add3A_401, %reduce_sum3A_402 [1] : vector<1x128xf32> to vector<1xf32>
    %broadcast_in_dim3A_404 = vector.shape_cast %reduce_sum3A_403 : vector<1xf32> to vector<1x1xf32>
    %div3A_405 = arith.constant 8.192000e+03 : f32
    %div3A_406 = vector.broadcast %div3A_405 : f32 to vector<1x1xf32>
    %div3A_407 = arith.divf %broadcast_in_dim3A_404, %div3A_406 : vector<1x1xf32>
    %sub3A_408 = vector.broadcast %div3A_407 : vector<1x1xf32> to vector<32x256xf32>
    %sub3A_409 = arith.subf %slice3A_377, %sub3A_408 : vector<32x256xf32>
    %mul3A_410 = arith.mulf %sub3A_409, %sub3A_409 : vector<32x256xf32>
    %slice3A_411 = vector.extract_strided_slice %mul3A_410 {offsets = [0, 0], sizes = [8, 128], strides = [1, 1]} : vector<32x256xf32> to vector<8x128xf32>
    %slice3A_412 = vector.extract_strided_slice %mul3A_410 {offsets = [8, 0], sizes = [8, 128], strides = [1, 1]} : vector<32x256xf32> to vector<8x128xf32>
    %add3A_413 = arith.addf %slice3A_411, %slice3A_412 : vector<8x128xf32>
    %slice3A_414 = vector.extract_strided_slice %mul3A_410 {offsets = [16, 0], sizes = [8, 128], strides = [1, 1]} : vector<32x256xf32> to vector<8x128xf32>
    %add3A_415 = arith.addf %add3A_413, %slice3A_414 : vector<8x128xf32>
    %slice3A_416 = vector.extract_strided_slice %mul3A_410 {offsets = [24, 0], sizes = [8, 128], strides = [1, 1]} : vector<32x256xf32> to vector<8x128xf32>
    %add3A_417 = arith.addf %add3A_415, %slice3A_416 : vector<8x128xf32>
    %slice3A_418 = vector.extract_strided_slice %mul3A_410 {offsets = [0, 128], sizes = [8, 128], strides = [1, 1]} : vector<32x256xf32> to vector<8x128xf32>
    %add3A_419 = arith.addf %add3A_417, %slice3A_418 : vector<8x128xf32>
    %slice3A_420 = vector.extract_strided_slice %mul3A_410 {offsets = [8, 128], sizes = [8, 128], strides = [1, 1]} : vector<32x256xf32> to vector<8x128xf32>
    %add3A_421 = arith.addf %add3A_419, %slice3A_420 : vector<8x128xf32>
    %slice3A_422 = vector.extract_strided_slice %mul3A_410 {offsets = [16, 128], sizes = [8, 128], strides = [1, 1]} : vector<32x256xf32> to vector<8x128xf32>
    %add3A_423 = arith.addf %add3A_421, %slice3A_422 : vector<8x128xf32>
    %slice3A_424 = vector.extract_strided_slice %mul3A_410 {offsets = [24, 128], sizes = [8, 128], strides = [1, 1]} : vector<32x256xf32> to vector<8x128xf32>
    %add3A_425 = arith.addf %add3A_423, %slice3A_424 : vector<8x128xf32>
    %slice3A_426 = vector.extract_strided_slice %add3A_425 {offsets = [0, 0], sizes = [4, 128], strides = [1, 1]} : vector<8x128xf32> to vector<4x128xf32>
    %slice3A_427 = vector.extract_strided_slice %add3A_425 {offsets = [4, 0], sizes = [4, 128], strides = [1, 1]} : vector<8x128xf32> to vector<4x128xf32>
    %add3A_428 = arith.addf %slice3A_426, %slice3A_427 : vector<4x128xf32>
    %slice3A_429 = vector.extract_strided_slice %add3A_428 {offsets = [0, 0], sizes = [2, 128], strides = [1, 1]} : vector<4x128xf32> to vector<2x128xf32>
    %slice3A_430 = vector.extract_strided_slice %add3A_428 {offsets = [2, 0], sizes = [2, 128], strides = [1, 1]} : vector<4x128xf32> to vector<2x128xf32>
    %add3A_431 = arith.addf %slice3A_429, %slice3A_430 : vector<2x128xf32>
    %slice3A_432 = vector.extract_strided_slice %add3A_431 {offsets = [0, 0], sizes = [1, 128], strides = [1, 1]} : vector<2x128xf32> to vector<1x128xf32>
    %slice3A_433 = vector.extract_strided_slice %add3A_431 {offsets = [1, 0], sizes = [1, 128], strides = [1, 1]} : vector<2x128xf32> to vector<1x128xf32>
    %add3A_434 = arith.addf %slice3A_432, %slice3A_433 : vector<1x128xf32>
    %reduce_sum3A_435 = arith.constant dense<0.000000e+00> : vector<1xf32>
    %reduce_sum3A_436 = vector.multi_reduction <add>, %add3A_434, %reduce_sum3A_435 [1] : vector<1x128xf32> to vector<1xf32>
    %broadcast_in_dim3A_437 = vector.shape_cast %reduce_sum3A_436 : vector<1xf32> to vector<1x1xf32>
    %div3A_438 = arith.constant 8.192000e+03 : f32
    %div3A_439 = vector.broadcast %div3A_438 : f32 to vector<1x1xf32>
    %div3A_440 = arith.divf %broadcast_in_dim3A_437, %div3A_439 : vector<1x1xf32>
    %broadcast_in_dim3A_441 = vector.shape_cast %div3A_407 : vector<1x1xf32> to vector<1x1xf32>
    %broadcast_in_dim3A_442 = vector.broadcast %broadcast_in_dim3A_441 : vector<1x1xf32> to vector<1x32xf32>
    %broadcast_in_dim3A_443 = vector.shape_cast %div3A_440 : vector<1x1xf32> to vector<1x1xf32>
    %broadcast_in_dim3A_444 = vector.broadcast %broadcast_in_dim3A_443 : vector<1x1xf32> to vector<1x32xf32>
    %slice3A_445 = vector.extract_strided_slice %transpose3A {offsets = [192, 0], sizes = [32, 256], strides = [1, 1]} : vector<256x256xf32> to vector<32x256xf32>
    %slice3A_446 = vector.extract_strided_slice %slice3A_445 {offsets = [0, 0], sizes = [8, 128], strides = [1, 1]} : vector<32x256xf32> to vector<8x128xf32>
    %slice3A_447 = vector.extract_strided_slice %slice3A_445 {offsets = [8, 0], sizes = [8, 128], strides = [1, 1]} : vector<32x256xf32> to vector<8x128xf32>
    %add3A_448 = arith.addf %slice3A_446, %slice3A_447 : vector<8x128xf32>
    %slice3A_449 = vector.extract_strided_slice %slice3A_445 {offsets = [16, 0], sizes = [8, 128], strides = [1, 1]} : vector<32x256xf32> to vector<8x128xf32>
    %add3A_450 = arith.addf %add3A_448, %slice3A_449 : vector<8x128xf32>
    %slice3A_451 = vector.extract_strided_slice %slice3A_445 {offsets = [24, 0], sizes = [8, 128], strides = [1, 1]} : vector<32x256xf32> to vector<8x128xf32>
    %add3A_452 = arith.addf %add3A_450, %slice3A_451 : vector<8x128xf32>
    %slice3A_453 = vector.extract_strided_slice %slice3A_445 {offsets = [0, 128], sizes = [8, 128], strides = [1, 1]} : vector<32x256xf32> to vector<8x128xf32>
    %add3A_454 = arith.addf %add3A_452, %slice3A_453 : vector<8x128xf32>
    %slice3A_455 = vector.extract_strided_slice %slice3A_445 {offsets = [8, 128], sizes = [8, 128], strides = [1, 1]} : vector<32x256xf32> to vector<8x128xf32>
    %add3A_456 = arith.addf %add3A_454, %slice3A_455 : vector<8x128xf32>
    %slice3A_457 = vector.extract_strided_slice %slice3A_445 {offsets = [16, 128], sizes = [8, 128], strides = [1, 1]} : vector<32x256xf32> to vector<8x128xf32>
    %add3A_458 = arith.addf %add3A_456, %slice3A_457 : vector<8x128xf32>
    %slice3A_459 = vector.extract_strided_slice %slice3A_445 {offsets = [24, 128], sizes = [8, 128], strides = [1, 1]} : vector<32x256xf32> to vector<8x128xf32>
    %add3A_460 = arith.addf %add3A_458, %slice3A_459 : vector<8x128xf32>
    %slice3A_461 = vector.extract_strided_slice %add3A_460 {offsets = [0, 0], sizes = [4, 128], strides = [1, 1]} : vector<8x128xf32> to vector<4x128xf32>
    %slice3A_462 = vector.extract_strided_slice %add3A_460 {offsets = [4, 0], sizes = [4, 128], strides = [1, 1]} : vector<8x128xf32> to vector<4x128xf32>
    %add3A_463 = arith.addf %slice3A_461, %slice3A_462 : vector<4x128xf32>
    %slice3A_464 = vector.extract_strided_slice %add3A_463 {offsets = [0, 0], sizes = [2, 128], strides = [1, 1]} : vector<4x128xf32> to vector<2x128xf32>
    %slice3A_465 = vector.extract_strided_slice %add3A_463 {offsets = [2, 0], sizes = [2, 128], strides = [1, 1]} : vector<4x128xf32> to vector<2x128xf32>
    %add3A_466 = arith.addf %slice3A_464, %slice3A_465 : vector<2x128xf32>
    %slice3A_467 = vector.extract_strided_slice %add3A_466 {offsets = [0, 0], sizes = [1, 128], strides = [1, 1]} : vector<2x128xf32> to vector<1x128xf32>
    %slice3A_468 = vector.extract_strided_slice %add3A_466 {offsets = [1, 0], sizes = [1, 128], strides = [1, 1]} : vector<2x128xf32> to vector<1x128xf32>
    %add3A_469 = arith.addf %slice3A_467, %slice3A_468 : vector<1x128xf32>
    %reduce_sum3A_470 = arith.constant dense<0.000000e+00> : vector<1xf32>
    %reduce_sum3A_471 = vector.multi_reduction <add>, %add3A_469, %reduce_sum3A_470 [1] : vector<1x128xf32> to vector<1xf32>
    %broadcast_in_dim3A_472 = vector.shape_cast %reduce_sum3A_471 : vector<1xf32> to vector<1x1xf32>
    %div3A_473 = arith.constant 8.192000e+03 : f32
    %div3A_474 = vector.broadcast %div3A_473 : f32 to vector<1x1xf32>
    %div3A_475 = arith.divf %broadcast_in_dim3A_472, %div3A_474 : vector<1x1xf32>
    %sub3A_476 = vector.broadcast %div3A_475 : vector<1x1xf32> to vector<32x256xf32>
    %sub3A_477 = arith.subf %slice3A_445, %sub3A_476 : vector<32x256xf32>
    %mul3A_478 = arith.mulf %sub3A_477, %sub3A_477 : vector<32x256xf32>
    %slice3A_479 = vector.extract_strided_slice %mul3A_478 {offsets = [0, 0], sizes = [8, 128], strides = [1, 1]} : vector<32x256xf32> to vector<8x128xf32>
    %slice3A_480 = vector.extract_strided_slice %mul3A_478 {offsets = [8, 0], sizes = [8, 128], strides = [1, 1]} : vector<32x256xf32> to vector<8x128xf32>
    %add3A_481 = arith.addf %slice3A_479, %slice3A_480 : vector<8x128xf32>
    %slice3A_482 = vector.extract_strided_slice %mul3A_478 {offsets = [16, 0], sizes = [8, 128], strides = [1, 1]} : vector<32x256xf32> to vector<8x128xf32>
    %add3A_483 = arith.addf %add3A_481, %slice3A_482 : vector<8x128xf32>
    %slice3A_484 = vector.extract_strided_slice %mul3A_478 {offsets = [24, 0], sizes = [8, 128], strides = [1, 1]} : vector<32x256xf32> to vector<8x128xf32>
    %add3A_485 = arith.addf %add3A_483, %slice3A_484 : vector<8x128xf32>
    %slice3A_486 = vector.extract_strided_slice %mul3A_478 {offsets = [0, 128], sizes = [8, 128], strides = [1, 1]} : vector<32x256xf32> to vector<8x128xf32>
    %add3A_487 = arith.addf %add3A_485, %slice3A_486 : vector<8x128xf32>
    %slice3A_488 = vector.extract_strided_slice %mul3A_478 {offsets = [8, 128], sizes = [8, 128], strides = [1, 1]} : vector<32x256xf32> to vector<8x128xf32>
    %add3A_489 = arith.addf %add3A_487, %slice3A_488 : vector<8x128xf32>
    %slice3A_490 = vector.extract_strided_slice %mul3A_478 {offsets = [16, 128], sizes = [8, 128], strides = [1, 1]} : vector<32x256xf32> to vector<8x128xf32>
    %add3A_491 = arith.addf %add3A_489, %slice3A_490 : vector<8x128xf32>
    %slice3A_492 = vector.extract_strided_slice %mul3A_478 {offsets = [24, 128], sizes = [8, 128], strides = [1, 1]} : vector<32x256xf32> to vector<8x128xf32>
    %add3A_493 = arith.addf %add3A_491, %slice3A_492 : vector<8x128xf32>
    %slice3A_494 = vector.extract_strided_slice %add3A_493 {offsets = [0, 0], sizes = [4, 128], strides = [1, 1]} : vector<8x128xf32> to vector<4x128xf32>
    %slice3A_495 = vector.extract_strided_slice %add3A_493 {offsets = [4, 0], sizes = [4, 128], strides = [1, 1]} : vector<8x128xf32> to vector<4x128xf32>
    %add3A_496 = arith.addf %slice3A_494, %slice3A_495 : vector<4x128xf32>
    %slice3A_497 = vector.extract_strided_slice %add3A_496 {offsets = [0, 0], sizes = [2, 128], strides = [1, 1]} : vector<4x128xf32> to vector<2x128xf32>
    %slice3A_498 = vector.extract_strided_slice %add3A_496 {offsets = [2, 0], sizes = [2, 128], strides = [1, 1]} : vector<4x128xf32> to vector<2x128xf32>
    %add3A_499 = arith.addf %slice3A_497, %slice3A_498 : vector<2x128xf32>
    %slice3A_500 = vector.extract_strided_slice %add3A_499 {offsets = [0, 0], sizes = [1, 128], strides = [1, 1]} : vector<2x128xf32> to vector<1x128xf32>
    %slice3A_501 = vector.extract_strided_slice %add3A_499 {offsets = [1, 0], sizes = [1, 128], strides = [1, 1]} : vector<2x128xf32> to vector<1x128xf32>
    %add3A_502 = arith.addf %slice3A_500, %slice3A_501 : vector<1x128xf32>
    %reduce_sum3A_503 = arith.constant dense<0.000000e+00> : vector<1xf32>
    %reduce_sum3A_504 = vector.multi_reduction <add>, %add3A_502, %reduce_sum3A_503 [1] : vector<1x128xf32> to vector<1xf32>
    %broadcast_in_dim3A_505 = vector.shape_cast %reduce_sum3A_504 : vector<1xf32> to vector<1x1xf32>
    %div3A_506 = arith.constant 8.192000e+03 : f32
    %div3A_507 = vector.broadcast %div3A_506 : f32 to vector<1x1xf32>
    %div3A_508 = arith.divf %broadcast_in_dim3A_505, %div3A_507 : vector<1x1xf32>
    %broadcast_in_dim3A_509 = vector.shape_cast %div3A_475 : vector<1x1xf32> to vector<1x1xf32>
    %broadcast_in_dim3A_510 = vector.broadcast %broadcast_in_dim3A_509 : vector<1x1xf32> to vector<1x32xf32>
    %broadcast_in_dim3A_511 = vector.shape_cast %div3A_508 : vector<1x1xf32> to vector<1x1xf32>
    %broadcast_in_dim3A_512 = vector.broadcast %broadcast_in_dim3A_511 : vector<1x1xf32> to vector<1x32xf32>
    %slice3A_513 = vector.extract_strided_slice %transpose3A {offsets = [224, 0], sizes = [32, 256], strides = [1, 1]} : vector<256x256xf32> to vector<32x256xf32>
    %slice3A_514 = vector.extract_strided_slice %slice3A_513 {offsets = [0, 0], sizes = [8, 128], strides = [1, 1]} : vector<32x256xf32> to vector<8x128xf32>
    %slice3A_515 = vector.extract_strided_slice %slice3A_513 {offsets = [8, 0], sizes = [8, 128], strides = [1, 1]} : vector<32x256xf32> to vector<8x128xf32>
    %add3A_516 = arith.addf %slice3A_514, %slice3A_515 : vector<8x128xf32>
    %slice3A_517 = vector.extract_strided_slice %slice3A_513 {offsets = [16, 0], sizes = [8, 128], strides = [1, 1]} : vector<32x256xf32> to vector<8x128xf32>
    %add3A_518 = arith.addf %add3A_516, %slice3A_517 : vector<8x128xf32>
    %slice3A_519 = vector.extract_strided_slice %slice3A_513 {offsets = [24, 0], sizes = [8, 128], strides = [1, 1]} : vector<32x256xf32> to vector<8x128xf32>
    %add3A_520 = arith.addf %add3A_518, %slice3A_519 : vector<8x128xf32>
    %slice3A_521 = vector.extract_strided_slice %slice3A_513 {offsets = [0, 128], sizes = [8, 128], strides = [1, 1]} : vector<32x256xf32> to vector<8x128xf32>
    %add3A_522 = arith.addf %add3A_520, %slice3A_521 : vector<8x128xf32>
    %slice3A_523 = vector.extract_strided_slice %slice3A_513 {offsets = [8, 128], sizes = [8, 128], strides = [1, 1]} : vector<32x256xf32> to vector<8x128xf32>
    %add3A_524 = arith.addf %add3A_522, %slice3A_523 : vector<8x128xf32>
    %slice3A_525 = vector.extract_strided_slice %slice3A_513 {offsets = [16, 128], sizes = [8, 128], strides = [1, 1]} : vector<32x256xf32> to vector<8x128xf32>
    %add3A_526 = arith.addf %add3A_524, %slice3A_525 : vector<8x128xf32>
    %slice3A_527 = vector.extract_strided_slice %slice3A_513 {offsets = [24, 128], sizes = [8, 128], strides = [1, 1]} : vector<32x256xf32> to vector<8x128xf32>
    %add3A_528 = arith.addf %add3A_526, %slice3A_527 : vector<8x128xf32>
    %slice3A_529 = vector.extract_strided_slice %add3A_528 {offsets = [0, 0], sizes = [4, 128], strides = [1, 1]} : vector<8x128xf32> to vector<4x128xf32>
    %slice3A_530 = vector.extract_strided_slice %add3A_528 {offsets = [4, 0], sizes = [4, 128], strides = [1, 1]} : vector<8x128xf32> to vector<4x128xf32>
    %add3A_531 = arith.addf %slice3A_529, %slice3A_530 : vector<4x128xf32>
    %slice3A_532 = vector.extract_strided_slice %add3A_531 {offsets = [0, 0], sizes = [2, 128], strides = [1, 1]} : vector<4x128xf32> to vector<2x128xf32>
    %slice3A_533 = vector.extract_strided_slice %add3A_531 {offsets = [2, 0], sizes = [2, 128], strides = [1, 1]} : vector<4x128xf32> to vector<2x128xf32>
    %add3A_534 = arith.addf %slice3A_532, %slice3A_533 : vector<2x128xf32>
    %slice3A_535 = vector.extract_strided_slice %add3A_534 {offsets = [0, 0], sizes = [1, 128], strides = [1, 1]} : vector<2x128xf32> to vector<1x128xf32>
    %slice3A_536 = vector.extract_strided_slice %add3A_534 {offsets = [1, 0], sizes = [1, 128], strides = [1, 1]} : vector<2x128xf32> to vector<1x128xf32>
    %add3A_537 = arith.addf %slice3A_535, %slice3A_536 : vector<1x128xf32>
    %reduce_sum3A_538 = arith.constant dense<0.000000e+00> : vector<1xf32>
    %reduce_sum3A_539 = vector.multi_reduction <add>, %add3A_537, %reduce_sum3A_538 [1] : vector<1x128xf32> to vector<1xf32>
    %broadcast_in_dim3A_540 = vector.shape_cast %reduce_sum3A_539 : vector<1xf32> to vector<1x1xf32>
    %div3A_541 = arith.constant 8.192000e+03 : f32
    %div3A_542 = vector.broadcast %div3A_541 : f32 to vector<1x1xf32>
    %div3A_543 = arith.divf %broadcast_in_dim3A_540, %div3A_542 : vector<1x1xf32>
    %sub3A_544 = vector.broadcast %div3A_543 : vector<1x1xf32> to vector<32x256xf32>
    %sub3A_545 = arith.subf %slice3A_513, %sub3A_544 : vector<32x256xf32>
    %mul3A_546 = arith.mulf %sub3A_545, %sub3A_545 : vector<32x256xf32>
    %slice3A_547 = vector.extract_strided_slice %mul3A_546 {offsets = [0, 0], sizes = [8, 128], strides = [1, 1]} : vector<32x256xf32> to vector<8x128xf32>
    %slice3A_548 = vector.extract_strided_slice %mul3A_546 {offsets = [8, 0], sizes = [8, 128], strides = [1, 1]} : vector<32x256xf32> to vector<8x128xf32>
    %add3A_549 = arith.addf %slice3A_547, %slice3A_548 : vector<8x128xf32>
    %slice3A_550 = vector.extract_strided_slice %mul3A_546 {offsets = [16, 0], sizes = [8, 128], strides = [1, 1]} : vector<32x256xf32> to vector<8x128xf32>
    %add3A_551 = arith.addf %add3A_549, %slice3A_550 : vector<8x128xf32>
    %slice3A_552 = vector.extract_strided_slice %mul3A_546 {offsets = [24, 0], sizes = [8, 128], strides = [1, 1]} : vector<32x256xf32> to vector<8x128xf32>
    %add3A_553 = arith.addf %add3A_551, %slice3A_552 : vector<8x128xf32>
    %slice3A_554 = vector.extract_strided_slice %mul3A_546 {offsets = [0, 128], sizes = [8, 128], strides = [1, 1]} : vector<32x256xf32> to vector<8x128xf32>
    %add3A_555 = arith.addf %add3A_553, %slice3A_554 : vector<8x128xf32>
    %slice3A_556 = vector.extract_strided_slice %mul3A_546 {offsets = [8, 128], sizes = [8, 128], strides = [1, 1]} : vector<32x256xf32> to vector<8x128xf32>
    %add3A_557 = arith.addf %add3A_555, %slice3A_556 : vector<8x128xf32>
    %slice3A_558 = vector.extract_strided_slice %mul3A_546 {offsets = [16, 128], sizes = [8, 128], strides = [1, 1]} : vector<32x256xf32> to vector<8x128xf32>
    %add3A_559 = arith.addf %add3A_557, %slice3A_558 : vector<8x128xf32>
    %slice3A_560 = vector.extract_strided_slice %mul3A_546 {offsets = [24, 128], sizes = [8, 128], strides = [1, 1]} : vector<32x256xf32> to vector<8x128xf32>
    %add3A_561 = arith.addf %add3A_559, %slice3A_560 : vector<8x128xf32>
    %slice3A_562 = vector.extract_strided_slice %add3A_561 {offsets = [0, 0], sizes = [4, 128], strides = [1, 1]} : vector<8x128xf32> to vector<4x128xf32>
    %slice3A_563 = vector.extract_strided_slice %add3A_561 {offsets = [4, 0], sizes = [4, 128], strides = [1, 1]} : vector<8x128xf32> to vector<4x128xf32>
    %add3A_564 = arith.addf %slice3A_562, %slice3A_563 : vector<4x128xf32>
    %slice3A_565 = vector.extract_strided_slice %add3A_564 {offsets = [0, 0], sizes = [2, 128], strides = [1, 1]} : vector<4x128xf32> to vector<2x128xf32>
    %slice3A_566 = vector.extract_strided_slice %add3A_564 {offsets = [2, 0], sizes = [2, 128], strides = [1, 1]} : vector<4x128xf32> to vector<2x128xf32>
    %add3A_567 = arith.addf %slice3A_565, %slice3A_566 : vector<2x128xf32>
    %slice3A_568 = vector.extract_strided_slice %add3A_567 {offsets = [0, 0], sizes = [1, 128], strides = [1, 1]} : vector<2x128xf32> to vector<1x128xf32>
    %slice3A_569 = vector.extract_strided_slice %add3A_567 {offsets = [1, 0], sizes = [1, 128], strides = [1, 1]} : vector<2x128xf32> to vector<1x128xf32>
    %add3A_570 = arith.addf %slice3A_568, %slice3A_569 : vector<1x128xf32>
    %reduce_sum3A_571 = arith.constant dense<0.000000e+00> : vector<1xf32>
    %reduce_sum3A_572 = vector.multi_reduction <add>, %add3A_570, %reduce_sum3A_571 [1] : vector<1x128xf32> to vector<1xf32>
    %broadcast_in_dim3A_573 = vector.shape_cast %reduce_sum3A_572 : vector<1xf32> to vector<1x1xf32>
    %div3A_574 = arith.constant 8.192000e+03 : f32
    %div3A_575 = vector.broadcast %div3A_574 : f32 to vector<1x1xf32>
    %div3A_576 = arith.divf %broadcast_in_dim3A_573, %div3A_575 : vector<1x1xf32>
    %broadcast_in_dim3A_577 = vector.shape_cast %div3A_543 : vector<1x1xf32> to vector<1x1xf32>
    %broadcast_in_dim3A_578 = vector.broadcast %broadcast_in_dim3A_577 : vector<1x1xf32> to vector<1x32xf32>
    %broadcast_in_dim3A_579 = vector.shape_cast %div3A_576 : vector<1x1xf32> to vector<1x1xf32>
    %broadcast_in_dim3A_580 = vector.broadcast %broadcast_in_dim3A_579 : vector<1x1xf32> to vector<1x32xf32>
    %concatenate3A_581 = tpu.concatenate %broadcast_in_dim3A_102, %broadcast_in_dim3A_170, %broadcast_in_dim3A_238, %broadcast_in_dim3A_306, %broadcast_in_dim3A_374, %broadcast_in_dim3A_442, %broadcast_in_dim3A_510, %broadcast_in_dim3A_578 in 1 : vector<1x32xf32>, vector<1x32xf32>, vector<1x32xf32>, vector<1x32xf32>, vector<1x32xf32>, vector<1x32xf32>, vector<1x32xf32>, vector<1x32xf32> -> vector<1x256xf32>
    %concatenate3A_582 = tpu.concatenate %broadcast_in_dim3A_104, %broadcast_in_dim3A_172, %broadcast_in_dim3A_240, %broadcast_in_dim3A_308, %broadcast_in_dim3A_376, %broadcast_in_dim3A_444, %broadcast_in_dim3A_512, %broadcast_in_dim3A_580 in 1 : vector<1x32xf32>, vector<1x32xf32>, vector<1x32xf32>, vector<1x32xf32>, vector<1x32xf32>, vector<1x32xf32>, vector<1x32xf32>, vector<1x32xf32> -> vector<1x256xf32>
    %sub3A_583 = vector.broadcast %concatenate3A_581 : vector<1x256xf32> to vector<256x256xf32>
    %sub3A_584 = arith.subf %add3A_35, %sub3A_583 : vector<256x256xf32>
    %add3A_585 = arith.constant 9.99999974E-6 : f32
    %add3A_586 = vector.broadcast %add3A_585 : f32 to vector<1x256xf32>
    %add3A_587 = arith.addf %concatenate3A_582, %add3A_586 : vector<1x256xf32>
    %rsqrt3A = math.rsqrt %add3A_587 : vector<1x256xf32>
    %mul3A_588 = vector.broadcast %rsqrt3A : vector<1x256xf32> to vector<256x256xf32>
    %mul3A_589 = arith.mulf %sub3A_584, %mul3A_588 : vector<256x256xf32>
    %mul3A_590 = vector.broadcast %get3A_38 : vector<1x256xf32> to vector<256x256xf32>
    %mul3A_591 = arith.mulf %mul3A_589, %mul3A_590 : vector<256x256xf32>
    %add3A_592 = vector.broadcast %get3A_41 : vector<1x256xf32> to vector<256x256xf32>
    %add3A_593 = arith.addf %mul3A_591, %add3A_592 : vector<256x256xf32>
    %max3A = arith.constant 0.000000e+00 : f32
    %max3A_594 = vector.broadcast %max3A : f32 to vector<256x256xf32>
    %max3A_595 = arith.maximumf %add3A_593, %max3A_594 : vector<256x256xf32>
    %broadcast_in_dim3A_596 = arith.constant 0.000000e+00 : f32
    %broadcast_in_dim3A_597 = vector.broadcast %broadcast_in_dim3A_596 : f32 to vector<264x256xf32>
    %swap3A_598 = arith.constant 0 : index
    %swap3A_599 = arith.constant 0 : index
    %swap3A_600 = vector.load %arg23[%swap3A_598, %swap3A_599] : memref<264x256xf32, #tpu.memory_space<vmem>>, vector<264x256xf32>
    tpu.vector_store %arg23[%swap3A_598, %swap3A_599], %broadcast_in_dim3A_597 {strides = array<i32>} : memref<264x256xf32, #tpu.memory_space<vmem>>, vector<264x256xf32>,
    %swap3A_601 = arith.constant 1 : index
    %swap3A_602 = arith.constant 0 : index
    %swap3A_603 = vector.load %arg23[%swap3A_601, %swap3A_602] : memref<264x256xf32, #tpu.memory_space<vmem>>, vector<256x256xf32>
    tpu.vector_store %arg23[%swap3A_601, %swap3A_602], %max3A_595 {strides = array<i32>} : memref<264x256xf32, #tpu.memory_space<vmem>>, vector<256x256xf32>,
    %get3A_604 = arith.constant 0 : index
    %get3A_605 = arith.constant 0 : index
    %get3A_606 = vector.load %arg23[%get3A_604, %get3A_605] : memref<264x256xf32, #tpu.memory_space<vmem>>, vector<256x256xf32>
    %get3A_607 = arith.constant 0 : index
    %get3A_608 = arith.constant 0 : index
    %get3A_609 = arith.constant 0 : index
    %get3A_610 = vector.load %arg7[%get3A_607, %get3A_608, %get3A_609] : memref<3x256x64xf32, #tpu.memory_space<vmem>>, vector<1x256x64xf32>
    %get3A_611 = vector.shape_cast %get3A_610 : vector<1x256x64xf32> to vector<256x64xf32>
    %convert_element_type3A_612 = arith.truncf %get3A_606 : vector<256x256xf32> to vector<256x256xbf16>
    %convert_element_type3A_613 = arith.truncf %get3A_611 : vector<256x64xf32> to vector<256x64xbf16>
    %dot_general3A_614 = arith.constant dense<0.000000e+00> : vector<256x64xf32>
    %dot_general3A_615 = tpu.matmul %convert_element_type3A_612, %convert_element_type3A_613, %dot_general3A_614 {dimension_numbers = #tpu.dot_dimension_numbers<[1], [0], [0], [1], [0, 0, 1, 1], [], []>, transpose_lhs_hint = false} : vector<256x256xbf16>, vector<256x64xbf16>, vector<256x64xf32> -> vector<256x64xf32>
    %get3A_616 = arith.constant 1 : index
    %get3A_617 = arith.constant 0 : index
    %get3A_618 = vector.load %arg23[%get3A_616, %get3A_617] : memref<264x256xf32, #tpu.memory_space<vmem>>, vector<256x256xf32>
    %get3A_619 = arith.constant 1 : index
    %get3A_620 = arith.constant 0 : index
    %get3A_621 = arith.constant 0 : index
    %get3A_622 = vector.load %arg7[%get3A_619, %get3A_620, %get3A_621] : memref<3x256x64xf32, #tpu.memory_space<vmem>>, vector<1x256x64xf32>
    %get3A_623 = vector.shape_cast %get3A_622 : vector<1x256x64xf32> to vector<256x64xf32>
    %convert_element_type3A_624 = arith.truncf %get3A_618 : vector<256x256xf32> to vector<256x256xbf16>
    %convert_element_type3A_625 = arith.truncf %get3A_623 : vector<256x64xf32> to vector<256x64xbf16>
    %dot_general3A_626 = arith.constant dense<0.000000e+00> : vector<256x64xf32>
    %dot_general3A_627 = tpu.matmul %convert_element_type3A_624, %convert_element_type3A_625, %dot_general3A_626 {dimension_numbers = #tpu.dot_dimension_numbers<[1], [0], [0], [1], [0, 0, 1, 1], [], []>, transpose_lhs_hint = false} : vector<256x256xbf16>, vector<256x64xbf16>, vector<256x64xf32> -> vector<256x64xf32>
    %add3A_628 = arith.addf %dot_general3A_615, %dot_general3A_627 : vector<256x64xf32>
    %get3A_629 = arith.constant 2 : index
    %get3A_630 = arith.constant 0 : index
    %get3A_631 = vector.load %arg23[%get3A_629, %get3A_630] : memref<264x256xf32, #tpu.memory_space<vmem>>, vector<256x256xf32>
    %get3A_632 = arith.constant 2 : index
    %get3A_633 = arith.constant 0 : index
    %get3A_634 = arith.constant 0 : index
    %get3A_635 = vector.load %arg7[%get3A_632, %get3A_633, %get3A_634] : memref<3x256x64xf32, #tpu.memory_space<vmem>>, vector<1x256x64xf32>
    %get3A_636 = vector.shape_cast %get3A_635 : vector<1x256x64xf32> to vector<256x64xf32>
    %convert_element_type3A_637 = arith.truncf %get3A_631 : vector<256x256xf32> to vector<256x256xbf16>
    %convert_element_type3A_638 = arith.truncf %get3A_636 : vector<256x64xf32> to vector<256x64xbf16>
    %dot_general3A_639 = arith.constant dense<0.000000e+00> : vector<256x64xf32>
    %dot_general3A_640 = tpu.matmul %convert_element_type3A_637, %convert_element_type3A_638, %dot_general3A_639 {dimension_numbers = #tpu.dot_dimension_numbers<[1], [0], [0], [1], [0, 0, 1, 1], [], []>, transpose_lhs_hint = false} : vector<256x256xbf16>, vector<256x64xbf16>, vector<256x64xf32> -> vector<256x64xf32>
    %add3A_641 = arith.addf %add3A_628, %dot_general3A_640 : vector<256x64xf32>
    %get3A_642 = arith.constant 0 : index
    %get3A_643 = arith.constant 0 : index
    %get3A_644 = vector.load %arg8[%get3A_642, %get3A_643] : memref<1x64xf32, #tpu.memory_space<vmem>>, vector<1x64xf32>
    %get3A_645 = arith.constant 0 : index
    %get3A_646 = arith.constant 0 : index
    %get3A_647 = vector.load %arg9[%get3A_645, %get3A_646] : memref<1x64xf32, #tpu.memory_space<vmem>>, vector<1x64xf32>
    %transpose3A_648 = tpu.transpose %add3A_641, [1, 0] : vector<256x64xf32> -> vector<64x256xf32>
    %slice3A_649 = vector.extract_strided_slice %transpose3A_648 {offsets = [0, 0], sizes = [8, 256], strides = [1, 1]} : vector<64x256xf32> to vector<8x256xf32>
    %slice3A_650 = vector.extract_strided_slice %slice3A_649 {offsets = [0, 0], sizes = [8, 128], strides = [1, 1]} : vector<8x256xf32> to vector<8x128xf32>
    %slice3A_651 = vector.extract_strided_slice %slice3A_649 {offsets = [0, 128], sizes = [8, 128], strides = [1, 1]} : vector<8x256xf32> to vector<8x128xf32>
    %add3A_652 = arith.addf %slice3A_650, %slice3A_651 : vector<8x128xf32>
    %slice3A_653 = vector.extract_strided_slice %add3A_652 {offsets = [0, 0], sizes = [4, 128], strides = [1, 1]} : vector<8x128xf32> to vector<4x128xf32>
    %slice3A_654 = vector.extract_strided_slice %add3A_652 {offsets = [4, 0], sizes = [4, 128], strides = [1, 1]} : vector<8x128xf32> to vector<4x128xf32>
    %add3A_655 = arith.addf %slice3A_653, %slice3A_654 : vector<4x128xf32>
    %slice3A_656 = vector.extract_strided_slice %add3A_655 {offsets = [0, 0], sizes = [2, 128], strides = [1, 1]} : vector<4x128xf32> to vector<2x128xf32>
    %slice3A_657 = vector.extract_strided_slice %add3A_655 {offsets = [2, 0], sizes = [2, 128], strides = [1, 1]} : vector<4x128xf32> to vector<2x128xf32>
    %add3A_658 = arith.addf %slice3A_656, %slice3A_657 : vector<2x128xf32>
    %slice3A_659 = vector.extract_strided_slice %add3A_658 {offsets = [0, 0], sizes = [1, 128], strides = [1, 1]} : vector<2x128xf32> to vector<1x128xf32>
    %slice3A_660 = vector.extract_strided_slice %add3A_658 {offsets = [1, 0], sizes = [1, 128], strides = [1, 1]} : vector<2x128xf32> to vector<1x128xf32>
    %add3A_661 = arith.addf %slice3A_659, %slice3A_660 : vector<1x128xf32>
    %reduce_sum3A_662 = arith.constant dense<0.000000e+00> : vector<1xf32>
    %reduce_sum3A_663 = vector.multi_reduction <add>, %add3A_661, %reduce_sum3A_662 [1] : vector<1x128xf32> to vector<1xf32>
    %broadcast_in_dim3A_664 = vector.shape_cast %reduce_sum3A_663 : vector<1xf32> to vector<1x1xf32>
    %div3A_665 = arith.constant 2.048000e+03 : f32
    %div3A_666 = vector.broadcast %div3A_665 : f32 to vector<1x1xf32>
    %div3A_667 = arith.divf %broadcast_in_dim3A_664, %div3A_666 : vector<1x1xf32>
    %sub3A_668 = vector.broadcast %div3A_667 : vector<1x1xf32> to vector<8x256xf32>
    %sub3A_669 = arith.subf %slice3A_649, %sub3A_668 : vector<8x256xf32>
    %mul3A_670 = arith.mulf %sub3A_669, %sub3A_669 : vector<8x256xf32>
    %slice3A_671 = vector.extract_strided_slice %mul3A_670 {offsets = [0, 0], sizes = [8, 128], strides = [1, 1]} : vector<8x256xf32> to vector<8x128xf32>
    %slice3A_672 = vector.extract_strided_slice %mul3A_670 {offsets = [0, 128], sizes = [8, 128], strides = [1, 1]} : vector<8x256xf32> to vector<8x128xf32>
    %add3A_673 = arith.addf %slice3A_671, %slice3A_672 : vector<8x128xf32>
    %slice3A_674 = vector.extract_strided_slice %add3A_673 {offsets = [0, 0], sizes = [4, 128], strides = [1, 1]} : vector<8x128xf32> to vector<4x128xf32>
    %slice3A_675 = vector.extract_strided_slice %add3A_673 {offsets = [4, 0], sizes = [4, 128], strides = [1, 1]} : vector<8x128xf32> to vector<4x128xf32>
    %add3A_676 = arith.addf %slice3A_674, %slice3A_675 : vector<4x128xf32>
    %slice3A_677 = vector.extract_strided_slice %add3A_676 {offsets = [0, 0], sizes = [2, 128], strides = [1, 1]} : vector<4x128xf32> to vector<2x128xf32>
    %slice3A_678 = vector.extract_strided_slice %add3A_676 {offsets = [2, 0], sizes = [2, 128], strides = [1, 1]} : vector<4x128xf32> to vector<2x128xf32>
    %add3A_679 = arith.addf %slice3A_677, %slice3A_678 : vector<2x128xf32>
    %slice3A_680 = vector.extract_strided_slice %add3A_679 {offsets = [0, 0], sizes = [1, 128], strides = [1, 1]} : vector<2x128xf32> to vector<1x128xf32>
    %slice3A_681 = vector.extract_strided_slice %add3A_679 {offsets = [1, 0], sizes = [1, 128], strides = [1, 1]} : vector<2x128xf32> to vector<1x128xf32>
    %add3A_682 = arith.addf %slice3A_680, %slice3A_681 : vector<1x128xf32>
    %reduce_sum3A_683 = arith.constant dense<0.000000e+00> : vector<1xf32>
    %reduce_sum3A_684 = vector.multi_reduction <add>, %add3A_682, %reduce_sum3A_683 [1] : vector<1x128xf32> to vector<1xf32>
    %broadcast_in_dim3A_685 = vector.shape_cast %reduce_sum3A_684 : vector<1xf32> to vector<1x1xf32>
    %div3A_686 = arith.constant 2.048000e+03 : f32
    %div3A_687 = vector.broadcast %div3A_686 : f32 to vector<1x1xf32>
    %div3A_688 = arith.divf %broadcast_in_dim3A_685, %div3A_687 : vector<1x1xf32>
    %broadcast_in_dim3A_689 = vector.shape_cast %div3A_667 : vector<1x1xf32> to vector<1x1xf32>
    %broadcast_in_dim3A_690 = vector.broadcast %broadcast_in_dim3A_689 : vector<1x1xf32> to vector<1x8xf32>
    %broadcast_in_dim3A_691 = vector.shape_cast %div3A_688 : vector<1x1xf32> to vector<1x1xf32>
    %broadcast_in_dim3A_692 = vector.broadcast %broadcast_in_dim3A_691 : vector<1x1xf32> to vector<1x8xf32>
    %slice3A_693 = vector.extract_strided_slice %transpose3A_648 {offsets = [8, 0], sizes = [8, 256], strides = [1, 1]} : vector<64x256xf32> to vector<8x256xf32>
    %slice3A_694 = vector.extract_strided_slice %slice3A_693 {offsets = [0, 0], sizes = [8, 128], strides = [1, 1]} : vector<8x256xf32> to vector<8x128xf32>
    %slice3A_695 = vector.extract_strided_slice %slice3A_693 {offsets = [0, 128], sizes = [8, 128], strides = [1, 1]} : vector<8x256xf32> to vector<8x128xf32>
    %add3A_696 = arith.addf %slice3A_694, %slice3A_695 : vector<8x128xf32>
    %slice3A_697 = vector.extract_strided_slice %add3A_696 {offsets = [0, 0], sizes = [4, 128], strides = [1, 1]} : vector<8x128xf32> to vector<4x128xf32>
    %slice3A_698 = vector.extract_strided_slice %add3A_696 {offsets = [4, 0], sizes = [4, 128], strides = [1, 1]} : vector<8x128xf32> to vector<4x128xf32>
    %add3A_699 = arith.addf %slice3A_697, %slice3A_698 : vector<4x128xf32>
    %slice3A_700 = vector.extract_strided_slice %add3A_699 {offsets = [0, 0], sizes = [2, 128], strides = [1, 1]} : vector<4x128xf32> to vector<2x128xf32>
    %slice3A_701 = vector.extract_strided_slice %add3A_699 {offsets = [2, 0], sizes = [2, 128], strides = [1, 1]} : vector<4x128xf32> to vector<2x128xf32>
    %add3A_702 = arith.addf %slice3A_700, %slice3A_701 : vector<2x128xf32>
    %slice3A_703 = vector.extract_strided_slice %add3A_702 {offsets = [0, 0], sizes = [1, 128], strides = [1, 1]} : vector<2x128xf32> to vector<1x128xf32>
    %slice3A_704 = vector.extract_strided_slice %add3A_702 {offsets = [1, 0], sizes = [1, 128], strides = [1, 1]} : vector<2x128xf32> to vector<1x128xf32>
    %add3A_705 = arith.addf %slice3A_703, %slice3A_704 : vector<1x128xf32>
    %reduce_sum3A_706 = arith.constant dense<0.000000e+00> : vector<1xf32>
    %reduce_sum3A_707 = vector.multi_reduction <add>, %add3A_705, %reduce_sum3A_706 [1] : vector<1x128xf32> to vector<1xf32>
    %broadcast_in_dim3A_708 = vector.shape_cast %reduce_sum3A_707 : vector<1xf32> to vector<1x1xf32>
    %div3A_709 = arith.constant 2.048000e+03 : f32
    %div3A_710 = vector.broadcast %div3A_709 : f32 to vector<1x1xf32>
    %div3A_711 = arith.divf %broadcast_in_dim3A_708, %div3A_710 : vector<1x1xf32>
    %sub3A_712 = vector.broadcast %div3A_711 : vector<1x1xf32> to vector<8x256xf32>
    %sub3A_713 = arith.subf %slice3A_693, %sub3A_712 : vector<8x256xf32>
    %mul3A_714 = arith.mulf %sub3A_713, %sub3A_713 : vector<8x256xf32>
    %slice3A_715 = vector.extract_strided_slice %mul3A_714 {offsets = [0, 0], sizes = [8, 128], strides = [1, 1]} : vector<8x256xf32> to vector<8x128xf32>
    %slice3A_716 = vector.extract_strided_slice %mul3A_714 {offsets = [0, 128], sizes = [8, 128], strides = [1, 1]} : vector<8x256xf32> to vector<8x128xf32>
    %add3A_717 = arith.addf %slice3A_715, %slice3A_716 : vector<8x128xf32>
    %slice3A_718 = vector.extract_strided_slice %add3A_717 {offsets = [0, 0], sizes = [4, 128], strides = [1, 1]} : vector<8x128xf32> to vector<4x128xf32>
    %slice3A_719 = vector.extract_strided_slice %add3A_717 {offsets = [4, 0], sizes = [4, 128], strides = [1, 1]} : vector<8x128xf32> to vector<4x128xf32>
    %add3A_720 = arith.addf %slice3A_718, %slice3A_719 : vector<4x128xf32>
    %slice3A_721 = vector.extract_strided_slice %add3A_720 {offsets = [0, 0], sizes = [2, 128], strides = [1, 1]} : vector<4x128xf32> to vector<2x128xf32>
    %slice3A_722 = vector.extract_strided_slice %add3A_720 {offsets = [2, 0], sizes = [2, 128], strides = [1, 1]} : vector<4x128xf32> to vector<2x128xf32>
    %add3A_723 = arith.addf %slice3A_721, %slice3A_722 : vector<2x128xf32>
    %slice3A_724 = vector.extract_strided_slice %add3A_723 {offsets = [0, 0], sizes = [1, 128], strides = [1, 1]} : vector<2x128xf32> to vector<1x128xf32>
    %slice3A_725 = vector.extract_strided_slice %add3A_723 {offsets = [1, 0], sizes = [1, 128], strides = [1, 1]} : vector<2x128xf32> to vector<1x128xf32>
    %add3A_726 = arith.addf %slice3A_724, %slice3A_725 : vector<1x128xf32>
    %reduce_sum3A_727 = arith.constant dense<0.000000e+00> : vector<1xf32>
    %reduce_sum3A_728 = vector.multi_reduction <add>, %add3A_726, %reduce_sum3A_727 [1] : vector<1x128xf32> to vector<1xf32>
    %broadcast_in_dim3A_729 = vector.shape_cast %reduce_sum3A_728 : vector<1xf32> to vector<1x1xf32>
    %div3A_730 = arith.constant 2.048000e+03 : f32
    %div3A_731 = vector.broadcast %div3A_730 : f32 to vector<1x1xf32>
    %div3A_732 = arith.divf %broadcast_in_dim3A_729, %div3A_731 : vector<1x1xf32>
    %broadcast_in_dim3A_733 = vector.shape_cast %div3A_711 : vector<1x1xf32> to vector<1x1xf32>
    %broadcast_in_dim3A_734 = vector.broadcast %broadcast_in_dim3A_733 : vector<1x1xf32> to vector<1x8xf32>
    %broadcast_in_dim3A_735 = vector.shape_cast %div3A_732 : vector<1x1xf32> to vector<1x1xf32>
    %broadcast_in_dim3A_736 = vector.broadcast %broadcast_in_dim3A_735 : vector<1x1xf32> to vector<1x8xf32>
    %slice3A_737 = vector.extract_strided_slice %transpose3A_648 {offsets = [16, 0], sizes = [8, 256], strides = [1, 1]} : vector<64x256xf32> to vector<8x256xf32>
    %slice3A_738 = vector.extract_strided_slice %slice3A_737 {offsets = [0, 0], sizes = [8, 128], strides = [1, 1]} : vector<8x256xf32> to vector<8x128xf32>
    %slice3A_739 = vector.extract_strided_slice %slice3A_737 {offsets = [0, 128], sizes = [8, 128], strides = [1, 1]} : vector<8x256xf32> to vector<8x128xf32>
    %add3A_740 = arith.addf %slice3A_738, %slice3A_739 : vector<8x128xf32>
    %slice3A_741 = vector.extract_strided_slice %add3A_740 {offsets = [0, 0], sizes = [4, 128], strides = [1, 1]} : vector<8x128xf32> to vector<4x128xf32>
    %slice3A_742 = vector.extract_strided_slice %add3A_740 {offsets = [4, 0], sizes = [4, 128], strides = [1, 1]} : vector<8x128xf32> to vector<4x128xf32>
    %add3A_743 = arith.addf %slice3A_741, %slice3A_742 : vector<4x128xf32>
    %slice3A_744 = vector.extract_strided_slice %add3A_743 {offsets = [0, 0], sizes = [2, 128], strides = [1, 1]} : vector<4x128xf32> to vector<2x128xf32>
    %slice3A_745 = vector.extract_strided_slice %add3A_743 {offsets = [2, 0], sizes = [2, 128], strides = [1, 1]} : vector<4x128xf32> to vector<2x128xf32>
    %add3A_746 = arith.addf %slice3A_744, %slice3A_745 : vector<2x128xf32>
    %slice3A_747 = vector.extract_strided_slice %add3A_746 {offsets = [0, 0], sizes = [1, 128], strides = [1, 1]} : vector<2x128xf32> to vector<1x128xf32>
    %slice3A_748 = vector.extract_strided_slice %add3A_746 {offsets = [1, 0], sizes = [1, 128], strides = [1, 1]} : vector<2x128xf32> to vector<1x128xf32>
    %add3A_749 = arith.addf %slice3A_747, %slice3A_748 : vector<1x128xf32>
    %reduce_sum3A_750 = arith.constant dense<0.000000e+00> : vector<1xf32>
    %reduce_sum3A_751 = vector.multi_reduction <add>, %add3A_749, %reduce_sum3A_750 [1] : vector<1x128xf32> to vector<1xf32>
    %broadcast_in_dim3A_752 = vector.shape_cast %reduce_sum3A_751 : vector<1xf32> to vector<1x1xf32>
    %div3A_753 = arith.constant 2.048000e+03 : f32
    %div3A_754 = vector.broadcast %div3A_753 : f32 to vector<1x1xf32>
    %div3A_755 = arith.divf %broadcast_in_dim3A_752, %div3A_754 : vector<1x1xf32>
    %sub3A_756 = vector.broadcast %div3A_755 : vector<1x1xf32> to vector<8x256xf32>
    %sub3A_757 = arith.subf %slice3A_737, %sub3A_756 : vector<8x256xf32>
    %mul3A_758 = arith.mulf %sub3A_757, %sub3A_757 : vector<8x256xf32>
    %slice3A_759 = vector.extract_strided_slice %mul3A_758 {offsets = [0, 0], sizes = [8, 128], strides = [1, 1]} : vector<8x256xf32> to vector<8x128xf32>
    %slice3A_760 = vector.extract_strided_slice %mul3A_758 {offsets = [0, 128], sizes = [8, 128], strides = [1, 1]} : vector<8x256xf32> to vector<8x128xf32>
    %add3A_761 = arith.addf %slice3A_759, %slice3A_760 : vector<8x128xf32>
    %slice3A_762 = vector.extract_strided_slice %add3A_761 {offsets = [0, 0], sizes = [4, 128], strides = [1, 1]} : vector<8x128xf32> to vector<4x128xf32>
    %slice3A_763 = vector.extract_strided_slice %add3A_761 {offsets = [4, 0], sizes = [4, 128], strides = [1, 1]} : vector<8x128xf32> to vector<4x128xf32>
    %add3A_764 = arith.addf %slice3A_762, %slice3A_763 : vector<4x128xf32>
    %slice3A_765 = vector.extract_strided_slice %add3A_764 {offsets = [0, 0], sizes = [2, 128], strides = [1, 1]} : vector<4x128xf32> to vector<2x128xf32>
    %slice3A_766 = vector.extract_strided_slice %add3A_764 {offsets = [2, 0], sizes = [2, 128], strides = [1, 1]} : vector<4x128xf32> to vector<2x128xf32>
    %add3A_767 = arith.addf %slice3A_765, %slice3A_766 : vector<2x128xf32>
    %slice3A_768 = vector.extract_strided_slice %add3A_767 {offsets = [0, 0], sizes = [1, 128], strides = [1, 1]} : vector<2x128xf32> to vector<1x128xf32>
    %slice3A_769 = vector.extract_strided_slice %add3A_767 {offsets = [1, 0], sizes = [1, 128], strides = [1, 1]} : vector<2x128xf32> to vector<1x128xf32>
    %add3A_770 = arith.addf %slice3A_768, %slice3A_769 : vector<1x128xf32>
    %reduce_sum3A_771 = arith.constant dense<0.000000e+00> : vector<1xf32>
    %reduce_sum3A_772 = vector.multi_reduction <add>, %add3A_770, %reduce_sum3A_771 [1] : vector<1x128xf32> to vector<1xf32>
    %broadcast_in_dim3A_773 = vector.shape_cast %reduce_sum3A_772 : vector<1xf32> to vector<1x1xf32>
    %div3A_774 = arith.constant 2.048000e+03 : f32
    %div3A_775 = vector.broadcast %div3A_774 : f32 to vector<1x1xf32>
    %div3A_776 = arith.divf %broadcast_in_dim3A_773, %div3A_775 : vector<1x1xf32>
    %broadcast_in_dim3A_777 = vector.shape_cast %div3A_755 : vector<1x1xf32> to vector<1x1xf32>
    %broadcast_in_dim3A_778 = vector.broadcast %broadcast_in_dim3A_777 : vector<1x1xf32> to vector<1x8xf32>
    %broadcast_in_dim3A_779 = vector.shape_cast %div3A_776 : vector<1x1xf32> to vector<1x1xf32>
    %broadcast_in_dim3A_780 = vector.broadcast %broadcast_in_dim3A_779 : vector<1x1xf32> to vector<1x8xf32>
    %slice3A_781 = vector.extract_strided_slice %transpose3A_648 {offsets = [24, 0], sizes = [8, 256], strides = [1, 1]} : vector<64x256xf32> to vector<8x256xf32>
    %slice3A_782 = vector.extract_strided_slice %slice3A_781 {offsets = [0, 0], sizes = [8, 128], strides = [1, 1]} : vector<8x256xf32> to vector<8x128xf32>
    %slice3A_783 = vector.extract_strided_slice %slice3A_781 {offsets = [0, 128], sizes = [8, 128], strides = [1, 1]} : vector<8x256xf32> to vector<8x128xf32>
    %add3A_784 = arith.addf %slice3A_782, %slice3A_783 : vector<8x128xf32>
    %slice3A_785 = vector.extract_strided_slice %add3A_784 {offsets = [0, 0], sizes = [4, 128], strides = [1, 1]} : vector<8x128xf32> to vector<4x128xf32>
    %slice3A_786 = vector.extract_strided_slice %add3A_784 {offsets = [4, 0], sizes = [4, 128], strides = [1, 1]} : vector<8x128xf32> to vector<4x128xf32>
    %add3A_787 = arith.addf %slice3A_785, %slice3A_786 : vector<4x128xf32>
    %slice3A_788 = vector.extract_strided_slice %add3A_787 {offsets = [0, 0], sizes = [2, 128], strides = [1, 1]} : vector<4x128xf32> to vector<2x128xf32>
    %slice3A_789 = vector.extract_strided_slice %add3A_787 {offsets = [2, 0], sizes = [2, 128], strides = [1, 1]} : vector<4x128xf32> to vector<2x128xf32>
    %add3A_790 = arith.addf %slice3A_788, %slice3A_789 : vector<2x128xf32>
    %slice3A_791 = vector.extract_strided_slice %add3A_790 {offsets = [0, 0], sizes = [1, 128], strides = [1, 1]} : vector<2x128xf32> to vector<1x128xf32>
    %slice3A_792 = vector.extract_strided_slice %add3A_790 {offsets = [1, 0], sizes = [1, 128], strides = [1, 1]} : vector<2x128xf32> to vector<1x128xf32>
    %add3A_793 = arith.addf %slice3A_791, %slice3A_792 : vector<1x128xf32>
    %reduce_sum3A_794 = arith.constant dense<0.000000e+00> : vector<1xf32>
    %reduce_sum3A_795 = vector.multi_reduction <add>, %add3A_793, %reduce_sum3A_794 [1] : vector<1x128xf32> to vector<1xf32>
    %broadcast_in_dim3A_796 = vector.shape_cast %reduce_sum3A_795 : vector<1xf32> to vector<1x1xf32>
    %div3A_797 = arith.constant 2.048000e+03 : f32
    %div3A_798 = vector.broadcast %div3A_797 : f32 to vector<1x1xf32>
    %div3A_799 = arith.divf %broadcast_in_dim3A_796, %div3A_798 : vector<1x1xf32>
    %sub3A_800 = vector.broadcast %div3A_799 : vector<1x1xf32> to vector<8x256xf32>
    %sub3A_801 = arith.subf %slice3A_781, %sub3A_800 : vector<8x256xf32>
    %mul3A_802 = arith.mulf %sub3A_801, %sub3A_801 : vector<8x256xf32>
    %slice3A_803 = vector.extract_strided_slice %mul3A_802 {offsets = [0, 0], sizes = [8, 128], strides = [1, 1]} : vector<8x256xf32> to vector<8x128xf32>
    %slice3A_804 = vector.extract_strided_slice %mul3A_802 {offsets = [0, 128], sizes = [8, 128], strides = [1, 1]} : vector<8x256xf32> to vector<8x128xf32>
    %add3A_805 = arith.addf %slice3A_803, %slice3A_804 : vector<8x128xf32>
    %slice3A_806 = vector.extract_strided_slice %add3A_805 {offsets = [0, 0], sizes = [4, 128], strides = [1, 1]} : vector<8x128xf32> to vector<4x128xf32>
    %slice3A_807 = vector.extract_strided_slice %add3A_805 {offsets = [4, 0], sizes = [4, 128], strides = [1, 1]} : vector<8x128xf32> to vector<4x128xf32>
    %add3A_808 = arith.addf %slice3A_806, %slice3A_807 : vector<4x128xf32>
    %slice3A_809 = vector.extract_strided_slice %add3A_808 {offsets = [0, 0], sizes = [2, 128], strides = [1, 1]} : vector<4x128xf32> to vector<2x128xf32>
    %slice3A_810 = vector.extract_strided_slice %add3A_808 {offsets = [2, 0], sizes = [2, 128], strides = [1, 1]} : vector<4x128xf32> to vector<2x128xf32>
    %add3A_811 = arith.addf %slice3A_809, %slice3A_810 : vector<2x128xf32>
    %slice3A_812 = vector.extract_strided_slice %add3A_811 {offsets = [0, 0], sizes = [1, 128], strides = [1, 1]} : vector<2x128xf32> to vector<1x128xf32>
    %slice3A_813 = vector.extract_strided_slice %add3A_811 {offsets = [1, 0], sizes = [1, 128], strides = [1, 1]} : vector<2x128xf32> to vector<1x128xf32>
    %add3A_814 = arith.addf %slice3A_812, %slice3A_813 : vector<1x128xf32>
    %reduce_sum3A_815 = arith.constant dense<0.000000e+00> : vector<1xf32>
    %reduce_sum3A_816 = vector.multi_reduction <add>, %add3A_814, %reduce_sum3A_815 [1] : vector<1x128xf32> to vector<1xf32>
    %broadcast_in_dim3A_817 = vector.shape_cast %reduce_sum3A_816 : vector<1xf32> to vector<1x1xf32>
    %div3A_818 = arith.constant 2.048000e+03 : f32
    %div3A_819 = vector.broadcast %div3A_818 : f32 to vector<1x1xf32>
    %div3A_820 = arith.divf %broadcast_in_dim3A_817, %div3A_819 : vector<1x1xf32>
    %broadcast_in_dim3A_821 = vector.shape_cast %div3A_799 : vector<1x1xf32> to vector<1x1xf32>
    %broadcast_in_dim3A_822 = vector.broadcast %broadcast_in_dim3A_821 : vector<1x1xf32> to vector<1x8xf32>
    %broadcast_in_dim3A_823 = vector.shape_cast %div3A_820 : vector<1x1xf32> to vector<1x1xf32>
    %broadcast_in_dim3A_824 = vector.broadcast %broadcast_in_dim3A_823 : vector<1x1xf32> to vector<1x8xf32>
    %slice3A_825 = vector.extract_strided_slice %transpose3A_648 {offsets = [32, 0], sizes = [8, 256], strides = [1, 1]} : vector<64x256xf32> to vector<8x256xf32>
    %slice3A_826 = vector.extract_strided_slice %slice3A_825 {offsets = [0, 0], sizes = [8, 128], strides = [1, 1]} : vector<8x256xf32> to vector<8x128xf32>
    %slice3A_827 = vector.extract_strided_slice %slice3A_825 {offsets = [0, 128], sizes = [8, 128], strides = [1, 1]} : vector<8x256xf32> to vector<8x128xf32>
    %add3A_828 = arith.addf %slice3A_826, %slice3A_827 : vector<8x128xf32>
    %slice3A_829 = vector.extract_strided_slice %add3A_828 {offsets = [0, 0], sizes = [4, 128], strides = [1, 1]} : vector<8x128xf32> to vector<4x128xf32>
    %slice3A_830 = vector.extract_strided_slice %add3A_828 {offsets = [4, 0], sizes = [4, 128], strides = [1, 1]} : vector<8x128xf32> to vector<4x128xf32>
    %add3A_831 = arith.addf %slice3A_829, %slice3A_830 : vector<4x128xf32>
    %slice3A_832 = vector.extract_strided_slice %add3A_831 {offsets = [0, 0], sizes = [2, 128], strides = [1, 1]} : vector<4x128xf32> to vector<2x128xf32>
    %slice3A_833 = vector.extract_strided_slice %add3A_831 {offsets = [2, 0], sizes = [2, 128], strides = [1, 1]} : vector<4x128xf32> to vector<2x128xf32>
    %add3A_834 = arith.addf %slice3A_832, %slice3A_833 : vector<2x128xf32>
    %slice3A_835 = vector.extract_strided_slice %add3A_834 {offsets = [0, 0], sizes = [1, 128], strides = [1, 1]} : vector<2x128xf32> to vector<1x128xf32>
    %slice3A_836 = vector.extract_strided_slice %add3A_834 {offsets = [1, 0], sizes = [1, 128], strides = [1, 1]} : vector<2x128xf32> to vector<1x128xf32>
    %add3A_837 = arith.addf %slice3A_835, %slice3A_836 : vector<1x128xf32>
    %reduce_sum3A_838 = arith.constant dense<0.000000e+00> : vector<1xf32>
    %reduce_sum3A_839 = vector.multi_reduction <add>, %add3A_837, %reduce_sum3A_838 [1] : vector<1x128xf32> to vector<1xf32>
    %broadcast_in_dim3A_840 = vector.shape_cast %reduce_sum3A_839 : vector<1xf32> to vector<1x1xf32>
    %div3A_841 = arith.constant 2.048000e+03 : f32
    %div3A_842 = vector.broadcast %div3A_841 : f32 to vector<1x1xf32>
    %div3A_843 = arith.divf %broadcast_in_dim3A_840, %div3A_842 : vector<1x1xf32>
    %sub3A_844 = vector.broadcast %div3A_843 : vector<1x1xf32> to vector<8x256xf32>
    %sub3A_845 = arith.subf %slice3A_825, %sub3A_844 : vector<8x256xf32>
    %mul3A_846 = arith.mulf %sub3A_845, %sub3A_845 : vector<8x256xf32>
    %slice3A_847 = vector.extract_strided_slice %mul3A_846 {offsets = [0, 0], sizes = [8, 128], strides = [1, 1]} : vector<8x256xf32> to vector<8x128xf32>
    %slice3A_848 = vector.extract_strided_slice %mul3A_846 {offsets = [0, 128], sizes = [8, 128], strides = [1, 1]} : vector<8x256xf32> to vector<8x128xf32>
    %add3A_849 = arith.addf %slice3A_847, %slice3A_848 : vector<8x128xf32>
    %slice3A_850 = vector.extract_strided_slice %add3A_849 {offsets = [0, 0], sizes = [4, 128], strides = [1, 1]} : vector<8x128xf32> to vector<4x128xf32>
    %slice3A_851 = vector.extract_strided_slice %add3A_849 {offsets = [4, 0], sizes = [4, 128], strides = [1, 1]} : vector<8x128xf32> to vector<4x128xf32>
    %add3A_852 = arith.addf %slice3A_850, %slice3A_851 : vector<4x128xf32>
    %slice3A_853 = vector.extract_strided_slice %add3A_852 {offsets = [0, 0], sizes = [2, 128], strides = [1, 1]} : vector<4x128xf32> to vector<2x128xf32>
    %slice3A_854 = vector.extract_strided_slice %add3A_852 {offsets = [2, 0], sizes = [2, 128], strides = [1, 1]} : vector<4x128xf32> to vector<2x128xf32>
    %add3A_855 = arith.addf %slice3A_853, %slice3A_854 : vector<2x128xf32>
    %slice3A_856 = vector.extract_strided_slice %add3A_855 {offsets = [0, 0], sizes = [1, 128], strides = [1, 1]} : vector<2x128xf32> to vector<1x128xf32>
    %slice3A_857 = vector.extract_strided_slice %add3A_855 {offsets = [1, 0], sizes = [1, 128], strides = [1, 1]} : vector<2x128xf32> to vector<1x128xf32>
    %add3A_858 = arith.addf %slice3A_856, %slice3A_857 : vector<1x128xf32>
    %reduce_sum3A_859 = arith.constant dense<0.000000e+00> : vector<1xf32>
    %reduce_sum3A_860 = vector.multi_reduction <add>, %add3A_858, %reduce_sum3A_859 [1] : vector<1x128xf32> to vector<1xf32>
    %broadcast_in_dim3A_861 = vector.shape_cast %reduce_sum3A_860 : vector<1xf32> to vector<1x1xf32>
    %div3A_862 = arith.constant 2.048000e+03 : f32
    %div3A_863 = vector.broadcast %div3A_862 : f32 to vector<1x1xf32>
    %div3A_864 = arith.divf %broadcast_in_dim3A_861, %div3A_863 : vector<1x1xf32>
    %broadcast_in_dim3A_865 = vector.shape_cast %div3A_843 : vector<1x1xf32> to vector<1x1xf32>
    %broadcast_in_dim3A_866 = vector.broadcast %broadcast_in_dim3A_865 : vector<1x1xf32> to vector<1x8xf32>
    %broadcast_in_dim3A_867 = vector.shape_cast %div3A_864 : vector<1x1xf32> to vector<1x1xf32>
    %broadcast_in_dim3A_868 = vector.broadcast %broadcast_in_dim3A_867 : vector<1x1xf32> to vector<1x8xf32>
    %slice3A_869 = vector.extract_strided_slice %transpose3A_648 {offsets = [40, 0], sizes = [8, 256], strides = [1, 1]} : vector<64x256xf32> to vector<8x256xf32>
    %slice3A_870 = vector.extract_strided_slice %slice3A_869 {offsets = [0, 0], sizes = [8, 128], strides = [1, 1]} : vector<8x256xf32> to vector<8x128xf32>
    %slice3A_871 = vector.extract_strided_slice %slice3A_869 {offsets = [0, 128], sizes = [8, 128], strides = [1, 1]} : vector<8x256xf32> to vector<8x128xf32>
    %add3A_872 = arith.addf %slice3A_870, %slice3A_871 : vector<8x128xf32>
    %slice3A_873 = vector.extract_strided_slice %add3A_872 {offsets = [0, 0], sizes = [4, 128], strides = [1, 1]} : vector<8x128xf32> to vector<4x128xf32>
    %slice3A_874 = vector.extract_strided_slice %add3A_872 {offsets = [4, 0], sizes = [4, 128], strides = [1, 1]} : vector<8x128xf32> to vector<4x128xf32>
    %add3A_875 = arith.addf %slice3A_873, %slice3A_874 : vector<4x128xf32>
    %slice3A_876 = vector.extract_strided_slice %add3A_875 {offsets = [0, 0], sizes = [2, 128], strides = [1, 1]} : vector<4x128xf32> to vector<2x128xf32>
    %slice3A_877 = vector.extract_strided_slice %add3A_875 {offsets = [2, 0], sizes = [2, 128], strides = [1, 1]} : vector<4x128xf32> to vector<2x128xf32>
    %add3A_878 = arith.addf %slice3A_876, %slice3A_877 : vector<2x128xf32>
    %slice3A_879 = vector.extract_strided_slice %add3A_878 {offsets = [0, 0], sizes = [1, 128], strides = [1, 1]} : vector<2x128xf32> to vector<1x128xf32>
    %slice3A_880 = vector.extract_strided_slice %add3A_878 {offsets = [1, 0], sizes = [1, 128], strides = [1, 1]} : vector<2x128xf32> to vector<1x128xf32>
    %add3A_881 = arith.addf %slice3A_879, %slice3A_880 : vector<1x128xf32>
    %reduce_sum3A_882 = arith.constant dense<0.000000e+00> : vector<1xf32>
    %reduce_sum3A_883 = vector.multi_reduction <add>, %add3A_881, %reduce_sum3A_882 [1] : vector<1x128xf32> to vector<1xf32>
    %broadcast_in_dim3A_884 = vector.shape_cast %reduce_sum3A_883 : vector<1xf32> to vector<1x1xf32>
    %div3A_885 = arith.constant 2.048000e+03 : f32
    %div3A_886 = vector.broadcast %div3A_885 : f32 to vector<1x1xf32>
    %div3A_887 = arith.divf %broadcast_in_dim3A_884, %div3A_886 : vector<1x1xf32>
    %sub3A_888 = vector.broadcast %div3A_887 : vector<1x1xf32> to vector<8x256xf32>
    %sub3A_889 = arith.subf %slice3A_869, %sub3A_888 : vector<8x256xf32>
    %mul3A_890 = arith.mulf %sub3A_889, %sub3A_889 : vector<8x256xf32>
    %slice3A_891 = vector.extract_strided_slice %mul3A_890 {offsets = [0, 0], sizes = [8, 128], strides = [1, 1]} : vector<8x256xf32> to vector<8x128xf32>
    %slice3A_892 = vector.extract_strided_slice %mul3A_890 {offsets = [0, 128], sizes = [8, 128], strides = [1, 1]} : vector<8x256xf32> to vector<8x128xf32>
    %add3A_893 = arith.addf %slice3A_891, %slice3A_892 : vector<8x128xf32>
    %slice3A_894 = vector.extract_strided_slice %add3A_893 {offsets = [0, 0], sizes = [4, 128], strides = [1, 1]} : vector<8x128xf32> to vector<4x128xf32>
    %slice3A_895 = vector.extract_strided_slice %add3A_893 {offsets = [4, 0], sizes = [4, 128], strides = [1, 1]} : vector<8x128xf32> to vector<4x128xf32>
    %add3A_896 = arith.addf %slice3A_894, %slice3A_895 : vector<4x128xf32>
    %slice3A_897 = vector.extract_strided_slice %add3A_896 {offsets = [0, 0], sizes = [2, 128], strides = [1, 1]} : vector<4x128xf32> to vector<2x128xf32>
    %slice3A_898 = vector.extract_strided_slice %add3A_896 {offsets = [2, 0], sizes = [2, 128], strides = [1, 1]} : vector<4x128xf32> to vector<2x128xf32>
    %add3A_899 = arith.addf %slice3A_897, %slice3A_898 : vector<2x128xf32>
    %slice3A_900 = vector.extract_strided_slice %add3A_899 {offsets = [0, 0], sizes = [1, 128], strides = [1, 1]} : vector<2x128xf32> to vector<1x128xf32>
    %slice3A_901 = vector.extract_strided_slice %add3A_899 {offsets = [1, 0], sizes = [1, 128], strides = [1, 1]} : vector<2x128xf32> to vector<1x128xf32>
    %add3A_902 = arith.addf %slice3A_900, %slice3A_901 : vector<1x128xf32>
    %reduce_sum3A_903 = arith.constant dense<0.000000e+00> : vector<1xf32>
    %reduce_sum3A_904 = vector.multi_reduction <add>, %add3A_902, %reduce_sum3A_903 [1] : vector<1x128xf32> to vector<1xf32>
    %broadcast_in_dim3A_905 = vector.shape_cast %reduce_sum3A_904 : vector<1xf32> to vector<1x1xf32>
    %div3A_906 = arith.constant 2.048000e+03 : f32
    %div3A_907 = vector.broadcast %div3A_906 : f32 to vector<1x1xf32>
    %div3A_908 = arith.divf %broadcast_in_dim3A_905, %div3A_907 : vector<1x1xf32>
    %broadcast_in_dim3A_909 = vector.shape_cast %div3A_887 : vector<1x1xf32> to vector<1x1xf32>
    %broadcast_in_dim3A_910 = vector.broadcast %broadcast_in_dim3A_909 : vector<1x1xf32> to vector<1x8xf32>
    %broadcast_in_dim3A_911 = vector.shape_cast %div3A_908 : vector<1x1xf32> to vector<1x1xf32>
    %broadcast_in_dim3A_912 = vector.broadcast %broadcast_in_dim3A_911 : vector<1x1xf32> to vector<1x8xf32>
    %slice3A_913 = vector.extract_strided_slice %transpose3A_648 {offsets = [48, 0], sizes = [8, 256], strides = [1, 1]} : vector<64x256xf32> to vector<8x256xf32>
    %slice3A_914 = vector.extract_strided_slice %slice3A_913 {offsets = [0, 0], sizes = [8, 128], strides = [1, 1]} : vector<8x256xf32> to vector<8x128xf32>
    %slice3A_915 = vector.extract_strided_slice %slice3A_913 {offsets = [0, 128], sizes = [8, 128], strides = [1, 1]} : vector<8x256xf32> to vector<8x128xf32>
    %add3A_916 = arith.addf %slice3A_914, %slice3A_915 : vector<8x128xf32>
    %slice3A_917 = vector.extract_strided_slice %add3A_916 {offsets = [0, 0], sizes = [4, 128], strides = [1, 1]} : vector<8x128xf32> to vector<4x128xf32>
    %slice3A_918 = vector.extract_strided_slice %add3A_916 {offsets = [4, 0], sizes = [4, 128], strides = [1, 1]} : vector<8x128xf32> to vector<4x128xf32>
    %add3A_919 = arith.addf %slice3A_917, %slice3A_918 : vector<4x128xf32>
    %slice3A_920 = vector.extract_strided_slice %add3A_919 {offsets = [0, 0], sizes = [2, 128], strides = [1, 1]} : vector<4x128xf32> to vector<2x128xf32>
    %slice3A_921 = vector.extract_strided_slice %add3A_919 {offsets = [2, 0], sizes = [2, 128], strides = [1, 1]} : vector<4x128xf32> to vector<2x128xf32>
    %add3A_922 = arith.addf %slice3A_920, %slice3A_921 : vector<2x128xf32>
    %slice3A_923 = vector.extract_strided_slice %add3A_922 {offsets = [0, 0], sizes = [1, 128], strides = [1, 1]} : vector<2x128xf32> to vector<1x128xf32>
    %slice3A_924 = vector.extract_strided_slice %add3A_922 {offsets = [1, 0], sizes = [1, 128], strides = [1, 1]} : vector<2x128xf32> to vector<1x128xf32>
    %add3A_925 = arith.addf %slice3A_923, %slice3A_924 : vector<1x128xf32>
    %reduce_sum3A_926 = arith.constant dense<0.000000e+00> : vector<1xf32>
    %reduce_sum3A_927 = vector.multi_reduction <add>, %add3A_925, %reduce_sum3A_926 [1] : vector<1x128xf32> to vector<1xf32>
    %broadcast_in_dim3A_928 = vector.shape_cast %reduce_sum3A_927 : vector<1xf32> to vector<1x1xf32>
    %div3A_929 = arith.constant 2.048000e+03 : f32
    %div3A_930 = vector.broadcast %div3A_929 : f32 to vector<1x1xf32>
    %div3A_931 = arith.divf %broadcast_in_dim3A_928, %div3A_930 : vector<1x1xf32>
    %sub3A_932 = vector.broadcast %div3A_931 : vector<1x1xf32> to vector<8x256xf32>
    %sub3A_933 = arith.subf %slice3A_913, %sub3A_932 : vector<8x256xf32>
    %mul3A_934 = arith.mulf %sub3A_933, %sub3A_933 : vector<8x256xf32>
    %slice3A_935 = vector.extract_strided_slice %mul3A_934 {offsets = [0, 0], sizes = [8, 128], strides = [1, 1]} : vector<8x256xf32> to vector<8x128xf32>
    %slice3A_936 = vector.extract_strided_slice %mul3A_934 {offsets = [0, 128], sizes = [8, 128], strides = [1, 1]} : vector<8x256xf32> to vector<8x128xf32>
    %add3A_937 = arith.addf %slice3A_935, %slice3A_936 : vector<8x128xf32>
    %slice3A_938 = vector.extract_strided_slice %add3A_937 {offsets = [0, 0], sizes = [4, 128], strides = [1, 1]} : vector<8x128xf32> to vector<4x128xf32>
    %slice3A_939 = vector.extract_strided_slice %add3A_937 {offsets = [4, 0], sizes = [4, 128], strides = [1, 1]} : vector<8x128xf32> to vector<4x128xf32>
    %add3A_940 = arith.addf %slice3A_938, %slice3A_939 : vector<4x128xf32>
    %slice3A_941 = vector.extract_strided_slice %add3A_940 {offsets = [0, 0], sizes = [2, 128], strides = [1, 1]} : vector<4x128xf32> to vector<2x128xf32>
    %slice3A_942 = vector.extract_strided_slice %add3A_940 {offsets = [2, 0], sizes = [2, 128], strides = [1, 1]} : vector<4x128xf32> to vector<2x128xf32>
    %add3A_943 = arith.addf %slice3A_941, %slice3A_942 : vector<2x128xf32>
    %slice3A_944 = vector.extract_strided_slice %add3A_943 {offsets = [0, 0], sizes = [1, 128], strides = [1, 1]} : vector<2x128xf32> to vector<1x128xf32>
    %slice3A_945 = vector.extract_strided_slice %add3A_943 {offsets = [1, 0], sizes = [1, 128], strides = [1, 1]} : vector<2x128xf32> to vector<1x128xf32>
    %add3A_946 = arith.addf %slice3A_944, %slice3A_945 : vector<1x128xf32>
    %reduce_sum3A_947 = arith.constant dense<0.000000e+00> : vector<1xf32>
    %reduce_sum3A_948 = vector.multi_reduction <add>, %add3A_946, %reduce_sum3A_947 [1] : vector<1x128xf32> to vector<1xf32>
    %broadcast_in_dim3A_949 = vector.shape_cast %reduce_sum3A_948 : vector<1xf32> to vector<1x1xf32>
    %div3A_950 = arith.constant 2.048000e+03 : f32
    %div3A_951 = vector.broadcast %div3A_950 : f32 to vector<1x1xf32>
    %div3A_952 = arith.divf %broadcast_in_dim3A_949, %div3A_951 : vector<1x1xf32>
    %broadcast_in_dim3A_953 = vector.shape_cast %div3A_931 : vector<1x1xf32> to vector<1x1xf32>
    %broadcast_in_dim3A_954 = vector.broadcast %broadcast_in_dim3A_953 : vector<1x1xf32> to vector<1x8xf32>
    %broadcast_in_dim3A_955 = vector.shape_cast %div3A_952 : vector<1x1xf32> to vector<1x1xf32>
    %broadcast_in_dim3A_956 = vector.broadcast %broadcast_in_dim3A_955 : vector<1x1xf32> to vector<1x8xf32>
    %slice3A_957 = vector.extract_strided_slice %transpose3A_648 {offsets = [56, 0], sizes = [8, 256], strides = [1, 1]} : vector<64x256xf32> to vector<8x256xf32>
    %slice3A_958 = vector.extract_strided_slice %slice3A_957 {offsets = [0, 0], sizes = [8, 128], strides = [1, 1]} : vector<8x256xf32> to vector<8x128xf32>
    %slice3A_959 = vector.extract_strided_slice %slice3A_957 {offsets = [0, 128], sizes = [8, 128], strides = [1, 1]} : vector<8x256xf32> to vector<8x128xf32>
    %add3A_960 = arith.addf %slice3A_958, %slice3A_959 : vector<8x128xf32>
    %slice3A_961 = vector.extract_strided_slice %add3A_960 {offsets = [0, 0], sizes = [4, 128], strides = [1, 1]} : vector<8x128xf32> to vector<4x128xf32>
    %slice3A_962 = vector.extract_strided_slice %add3A_960 {offsets = [4, 0], sizes = [4, 128], strides = [1, 1]} : vector<8x128xf32> to vector<4x128xf32>
    %add3A_963 = arith.addf %slice3A_961, %slice3A_962 : vector<4x128xf32>
    %slice3A_964 = vector.extract_strided_slice %add3A_963 {offsets = [0, 0], sizes = [2, 128], strides = [1, 1]} : vector<4x128xf32> to vector<2x128xf32>
    %slice3A_965 = vector.extract_strided_slice %add3A_963 {offsets = [2, 0], sizes = [2, 128], strides = [1, 1]} : vector<4x128xf32> to vector<2x128xf32>
    %add3A_966 = arith.addf %slice3A_964, %slice3A_965 : vector<2x128xf32>
    %slice3A_967 = vector.extract_strided_slice %add3A_966 {offsets = [0, 0], sizes = [1, 128], strides = [1, 1]} : vector<2x128xf32> to vector<1x128xf32>
    %slice3A_968 = vector.extract_strided_slice %add3A_966 {offsets = [1, 0], sizes = [1, 128], strides = [1, 1]} : vector<2x128xf32> to vector<1x128xf32>
    %add3A_969 = arith.addf %slice3A_967, %slice3A_968 : vector<1x128xf32>
    %reduce_sum3A_970 = arith.constant dense<0.000000e+00> : vector<1xf32>
    %reduce_sum3A_971 = vector.multi_reduction <add>, %add3A_969, %reduce_sum3A_970 [1] : vector<1x128xf32> to vector<1xf32>
    %broadcast_in_dim3A_972 = vector.shape_cast %reduce_sum3A_971 : vector<1xf32> to vector<1x1xf32>
    %div3A_973 = arith.constant 2.048000e+03 : f32
    %div3A_974 = vector.broadcast %div3A_973 : f32 to vector<1x1xf32>
    %div3A_975 = arith.divf %broadcast_in_dim3A_972, %div3A_974 : vector<1x1xf32>
    %sub3A_976 = vector.broadcast %div3A_975 : vector<1x1xf32> to vector<8x256xf32>
    %sub3A_977 = arith.subf %slice3A_957, %sub3A_976 : vector<8x256xf32>
    %mul3A_978 = arith.mulf %sub3A_977, %sub3A_977 : vector<8x256xf32>
    %slice3A_979 = vector.extract_strided_slice %mul3A_978 {offsets = [0, 0], sizes = [8, 128], strides = [1, 1]} : vector<8x256xf32> to vector<8x128xf32>
    %slice3A_980 = vector.extract_strided_slice %mul3A_978 {offsets = [0, 128], sizes = [8, 128], strides = [1, 1]} : vector<8x256xf32> to vector<8x128xf32>
    %add3A_981 = arith.addf %slice3A_979, %slice3A_980 : vector<8x128xf32>
    %slice3A_982 = vector.extract_strided_slice %add3A_981 {offsets = [0, 0], sizes = [4, 128], strides = [1, 1]} : vector<8x128xf32> to vector<4x128xf32>
    %slice3A_983 = vector.extract_strided_slice %add3A_981 {offsets = [4, 0], sizes = [4, 128], strides = [1, 1]} : vector<8x128xf32> to vector<4x128xf32>
    %add3A_984 = arith.addf %slice3A_982, %slice3A_983 : vector<4x128xf32>
    %slice3A_985 = vector.extract_strided_slice %add3A_984 {offsets = [0, 0], sizes = [2, 128], strides = [1, 1]} : vector<4x128xf32> to vector<2x128xf32>
    %slice3A_986 = vector.extract_strided_slice %add3A_984 {offsets = [2, 0], sizes = [2, 128], strides = [1, 1]} : vector<4x128xf32> to vector<2x128xf32>
    %add3A_987 = arith.addf %slice3A_985, %slice3A_986 : vector<2x128xf32>
    %slice3A_988 = vector.extract_strided_slice %add3A_987 {offsets = [0, 0], sizes = [1, 128], strides = [1, 1]} : vector<2x128xf32> to vector<1x128xf32>
    %slice3A_989 = vector.extract_strided_slice %add3A_987 {offsets = [1, 0], sizes = [1, 128], strides = [1, 1]} : vector<2x128xf32> to vector<1x128xf32>
    %add3A_990 = arith.addf %slice3A_988, %slice3A_989 : vector<1x128xf32>
    %reduce_sum3A_991 = arith.constant dense<0.000000e+00> : vector<1xf32>
    %reduce_sum3A_992 = vector.multi_reduction <add>, %add3A_990, %reduce_sum3A_991 [1] : vector<1x128xf32> to vector<1xf32>
    %broadcast_in_dim3A_993 = vector.shape_cast %reduce_sum3A_992 : vector<1xf32> to vector<1x1xf32>
    %div3A_994 = arith.constant 2.048000e+03 : f32
    %div3A_995 = vector.broadcast %div3A_994 : f32 to vector<1x1xf32>
    %div3A_996 = arith.divf %broadcast_in_dim3A_993, %div3A_995 : vector<1x1xf32>
    %broadcast_in_dim3A_997 = vector.shape_cast %div3A_975 : vector<1x1xf32> to vector<1x1xf32>
    %broadcast_in_dim3A_998 = vector.broadcast %broadcast_in_dim3A_997 : vector<1x1xf32> to vector<1x8xf32>
    %broadcast_in_dim3A_999 = vector.shape_cast %div3A_996 : vector<1x1xf32> to vector<1x1xf32>
    %broadcast_in_dim3A_1000 = vector.broadcast %broadcast_in_dim3A_999 : vector<1x1xf32> to vector<1x8xf32>
    %concatenate3A_1001 = tpu.concatenate %broadcast_in_dim3A_690, %broadcast_in_dim3A_734, %broadcast_in_dim3A_778, %broadcast_in_dim3A_822, %broadcast_in_dim3A_866, %broadcast_in_dim3A_910, %broadcast_in_dim3A_954, %broadcast_in_dim3A_998 in 1 : vector<1x8xf32>, vector<1x8xf32>, vector<1x8xf32>, vector<1x8xf32>, vector<1x8xf32>, vector<1x8xf32>, vector<1x8xf32>, vector<1x8xf32> -> vector<1x64xf32>
    %concatenate3A_1002 = tpu.concatenate %broadcast_in_dim3A_692, %broadcast_in_dim3A_736, %broadcast_in_dim3A_780, %broadcast_in_dim3A_824, %broadcast_in_dim3A_868, %broadcast_in_dim3A_912, %broadcast_in_dim3A_956, %broadcast_in_dim3A_1000 in 1 : vector<1x8xf32>, vector<1x8xf32>, vector<1x8xf32>, vector<1x8xf32>, vector<1x8xf32>, vector<1x8xf32>, vector<1x8xf32>, vector<1x8xf32> -> vector<1x64xf32>
    %sub3A_1003 = vector.broadcast %concatenate3A_1001 : vector<1x64xf32> to vector<256x64xf32>
    %sub3A_1004 = arith.subf %add3A_641, %sub3A_1003 : vector<256x64xf32>
    %add3A_1005 = arith.constant 9.99999974E-6 : f32
    %add3A_1006 = vector.broadcast %add3A_1005 : f32 to vector<1x64xf32>
    %add3A_1007 = arith.addf %concatenate3A_1002, %add3A_1006 : vector<1x64xf32>
    %rsqrt3A_1008 = math.rsqrt %add3A_1007 : vector<1x64xf32>
    %mul3A_1009 = vector.broadcast %rsqrt3A_1008 : vector<1x64xf32> to vector<256x64xf32>
    %mul3A_1010 = arith.mulf %sub3A_1004, %mul3A_1009 : vector<256x64xf32>
    %mul3A_1011 = vector.broadcast %get3A_644 : vector<1x64xf32> to vector<256x64xf32>
    %mul3A_1012 = arith.mulf %mul3A_1010, %mul3A_1011 : vector<256x64xf32>
    %add3A_1013 = vector.broadcast %get3A_647 : vector<1x64xf32> to vector<256x64xf32>
    %add3A_1014 = arith.addf %mul3A_1012, %add3A_1013 : vector<256x64xf32>
    %max3A_1015 = arith.constant 0.000000e+00 : f32
    %max3A_1016 = vector.broadcast %max3A_1015 : f32 to vector<256x64xf32>
    %max3A_1017 = arith.maximumf %add3A_1014, %max3A_1016 : vector<256x64xf32>
    %get3A_1018 = arith.constant 0 : index
    %get3A_1019 = arith.constant 0 : index
    %get3A_1020 = vector.load %arg10[%get3A_1018, %get3A_1019] : memref<64x256xf32, #tpu.memory_space<vmem>>, vector<64x256xf32>
    %convert_element_type3A_1021 = arith.truncf %max3A_1017 : vector<256x64xf32> to vector<256x64xbf16>
    %convert_element_type3A_1022 = arith.truncf %get3A_1020 : vector<64x256xf32> to vector<64x256xbf16>
    %dot_general3A_1023 = arith.constant dense<0.000000e+00> : vector<256x256xf32>
    %dot_general3A_1024 = tpu.matmul %convert_element_type3A_1021, %convert_element_type3A_1022, %dot_general3A_1023 {dimension_numbers = #tpu.dot_dimension_numbers<[1], [0], [0], [1], [0, 0, 1, 1], [], []>, transpose_lhs_hint = false} : vector<256x64xbf16>, vector<64x256xbf16>, vector<256x256xf32> -> vector<256x256xf32>
    %add3A_1025 = arith.addf %add3A_35, %dot_general3A_1024 : vector<256x256xf32>
    %get3A_1026 = arith.constant 0 : index
    %get3A_1027 = arith.constant 0 : index
    %get3A_1028 = vector.load %arg11[%get3A_1026, %get3A_1027] : memref<1x256xf32, #tpu.memory_space<vmem>>, vector<1x256xf32>
    %get3A_1029 = arith.constant 0 : index
    %get3A_1030 = arith.constant 0 : index
    %get3A_1031 = vector.load %arg12[%get3A_1029, %get3A_1030] : memref<1x256xf32, #tpu.memory_space<vmem>>, vector<1x256xf32>
    %transpose3A_1032 = tpu.transpose %add3A_1025, [1, 0] : vector<256x256xf32> -> vector<256x256xf32>
    %slice3A_1033 = vector.extract_strided_slice %transpose3A_1032 {offsets = [0, 0], sizes = [32, 256], strides = [1, 1]} : vector<256x256xf32> to vector<32x256xf32>
    %slice3A_1034 = vector.extract_strided_slice %slice3A_1033 {offsets = [0, 0], sizes = [8, 128], strides = [1, 1]} : vector<32x256xf32> to vector<8x128xf32>
    %slice3A_1035 = vector.extract_strided_slice %slice3A_1033 {offsets = [8, 0], sizes = [8, 128], strides = [1, 1]} : vector<32x256xf32> to vector<8x128xf32>
    %add3A_1036 = arith.addf %slice3A_1034, %slice3A_1035 : vector<8x128xf32>
    %slice3A_1037 = vector.extract_strided_slice %slice3A_1033 {offsets = [16, 0], sizes = [8, 128], strides = [1, 1]} : vector<32x256xf32> to vector<8x128xf32>
    %add3A_1038 = arith.addf %add3A_1036, %slice3A_1037 : vector<8x128xf32>
    %slice3A_1039 = vector.extract_strided_slice %slice3A_1033 {offsets = [24, 0], sizes = [8, 128], strides = [1, 1]} : vector<32x256xf32> to vector<8x128xf32>
    %add3A_1040 = arith.addf %add3A_1038, %slice3A_1039 : vector<8x128xf32>
    %slice3A_1041 = vector.extract_strided_slice %slice3A_1033 {offsets = [0, 128], sizes = [8, 128], strides = [1, 1]} : vector<32x256xf32> to vector<8x128xf32>
    %add3A_1042 = arith.addf %add3A_1040, %slice3A_1041 : vector<8x128xf32>
    %slice3A_1043 = vector.extract_strided_slice %slice3A_1033 {offsets = [8, 128], sizes = [8, 128], strides = [1, 1]} : vector<32x256xf32> to vector<8x128xf32>
    %add3A_1044 = arith.addf %add3A_1042, %slice3A_1043 : vector<8x128xf32>
    %slice3A_1045 = vector.extract_strided_slice %slice3A_1033 {offsets = [16, 128], sizes = [8, 128], strides = [1, 1]} : vector<32x256xf32> to vector<8x128xf32>
    %add3A_1046 = arith.addf %add3A_1044, %slice3A_1045 : vector<8x128xf32>
    %slice3A_1047 = vector.extract_strided_slice %slice3A_1033 {offsets = [24, 128], sizes = [8, 128], strides = [1, 1]} : vector<32x256xf32> to vector<8x128xf32>
    %add3A_1048 = arith.addf %add3A_1046, %slice3A_1047 : vector<8x128xf32>
    %slice3A_1049 = vector.extract_strided_slice %add3A_1048 {offsets = [0, 0], sizes = [4, 128], strides = [1, 1]} : vector<8x128xf32> to vector<4x128xf32>
    %slice3A_1050 = vector.extract_strided_slice %add3A_1048 {offsets = [4, 0], sizes = [4, 128], strides = [1, 1]} : vector<8x128xf32> to vector<4x128xf32>
    %add3A_1051 = arith.addf %slice3A_1049, %slice3A_1050 : vector<4x128xf32>
    %slice3A_1052 = vector.extract_strided_slice %add3A_1051 {offsets = [0, 0], sizes = [2, 128], strides = [1, 1]} : vector<4x128xf32> to vector<2x128xf32>
    %slice3A_1053 = vector.extract_strided_slice %add3A_1051 {offsets = [2, 0], sizes = [2, 128], strides = [1, 1]} : vector<4x128xf32> to vector<2x128xf32>
    %add3A_1054 = arith.addf %slice3A_1052, %slice3A_1053 : vector<2x128xf32>
    %slice3A_1055 = vector.extract_strided_slice %add3A_1054 {offsets = [0, 0], sizes = [1, 128], strides = [1, 1]} : vector<2x128xf32> to vector<1x128xf32>
    %slice3A_1056 = vector.extract_strided_slice %add3A_1054 {offsets = [1, 0], sizes = [1, 128], strides = [1, 1]} : vector<2x128xf32> to vector<1x128xf32>
    %add3A_1057 = arith.addf %slice3A_1055, %slice3A_1056 : vector<1x128xf32>
    %reduce_sum3A_1058 = arith.constant dense<0.000000e+00> : vector<1xf32>
    %reduce_sum3A_1059 = vector.multi_reduction <add>, %add3A_1057, %reduce_sum3A_1058 [1] : vector<1x128xf32> to vector<1xf32>
    %broadcast_in_dim3A_1060 = vector.shape_cast %reduce_sum3A_1059 : vector<1xf32> to vector<1x1xf32>
    %div3A_1061 = arith.constant 8.192000e+03 : f32
    %div3A_1062 = vector.broadcast %div3A_1061 : f32 to vector<1x1xf32>
    %div3A_1063 = arith.divf %broadcast_in_dim3A_1060, %div3A_1062 : vector<1x1xf32>
    %sub3A_1064 = vector.broadcast %div3A_1063 : vector<1x1xf32> to vector<32x256xf32>
    %sub3A_1065 = arith.subf %slice3A_1033, %sub3A_1064 : vector<32x256xf32>
    %mul3A_1066 = arith.mulf %sub3A_1065, %sub3A_1065 : vector<32x256xf32>
    %slice3A_1067 = vector.extract_strided_slice %mul3A_1066 {offsets = [0, 0], sizes = [8, 128], strides = [1, 1]} : vector<32x256xf32> to vector<8x128xf32>
    %slice3A_1068 = vector.extract_strided_slice %mul3A_1066 {offsets = [8, 0], sizes = [8, 128], strides = [1, 1]} : vector<32x256xf32> to vector<8x128xf32>
    %add3A_1069 = arith.addf %slice3A_1067, %slice3A_1068 : vector<8x128xf32>
    %slice3A_1070 = vector.extract_strided_slice %mul3A_1066 {offsets = [16, 0], sizes = [8, 128], strides = [1, 1]} : vector<32x256xf32> to vector<8x128xf32>
    %add3A_1071 = arith.addf %add3A_1069, %slice3A_1070 : vector<8x128xf32>
    %slice3A_1072 = vector.extract_strided_slice %mul3A_1066 {offsets = [24, 0], sizes = [8, 128], strides = [1, 1]} : vector<32x256xf32> to vector<8x128xf32>
    %add3A_1073 = arith.addf %add3A_1071, %slice3A_1072 : vector<8x128xf32>
    %slice3A_1074 = vector.extract_strided_slice %mul3A_1066 {offsets = [0, 128], sizes = [8, 128], strides = [1, 1]} : vector<32x256xf32> to vector<8x128xf32>
    %add3A_1075 = arith.addf %add3A_1073, %slice3A_1074 : vector<8x128xf32>
    %slice3A_1076 = vector.extract_strided_slice %mul3A_1066 {offsets = [8, 128], sizes = [8, 128], strides = [1, 1]} : vector<32x256xf32> to vector<8x128xf32>
    %add3A_1077 = arith.addf %add3A_1075, %slice3A_1076 : vector<8x128xf32>
    %slice3A_1078 = vector.extract_strided_slice %mul3A_1066 {offsets = [16, 128], sizes = [8, 128], strides = [1, 1]} : vector<32x256xf32> to vector<8x128xf32>
    %add3A_1079 = arith.addf %add3A_1077, %slice3A_1078 : vector<8x128xf32>
    %slice3A_1080 = vector.extract_strided_slice %mul3A_1066 {offsets = [24, 128], sizes = [8, 128], strides = [1, 1]} : vector<32x256xf32> to vector<8x128xf32>
    %add3A_1081 = arith.addf %add3A_1079, %slice3A_1080 : vector<8x128xf32>
    %slice3A_1082 = vector.extract_strided_slice %add3A_1081 {offsets = [0, 0], sizes = [4, 128], strides = [1, 1]} : vector<8x128xf32> to vector<4x128xf32>
    %slice3A_1083 = vector.extract_strided_slice %add3A_1081 {offsets = [4, 0], sizes = [4, 128], strides = [1, 1]} : vector<8x128xf32> to vector<4x128xf32>
    %add3A_1084 = arith.addf %slice3A_1082, %slice3A_1083 : vector<4x128xf32>
    %slice3A_1085 = vector.extract_strided_slice %add3A_1084 {offsets = [0, 0], sizes = [2, 128], strides = [1, 1]} : vector<4x128xf32> to vector<2x128xf32>
    %slice3A_1086 = vector.extract_strided_slice %add3A_1084 {offsets = [2, 0], sizes = [2, 128], strides = [1, 1]} : vector<4x128xf32> to vector<2x128xf32>
    %add3A_1087 = arith.addf %slice3A_1085, %slice3A_1086 : vector<2x128xf32>
    %slice3A_1088 = vector.extract_strided_slice %add3A_1087 {offsets = [0, 0], sizes = [1, 128], strides = [1, 1]} : vector<2x128xf32> to vector<1x128xf32>
    %slice3A_1089 = vector.extract_strided_slice %add3A_1087 {offsets = [1, 0], sizes = [1, 128], strides = [1, 1]} : vector<2x128xf32> to vector<1x128xf32>
    %add3A_1090 = arith.addf %slice3A_1088, %slice3A_1089 : vector<1x128xf32>
    %reduce_sum3A_1091 = arith.constant dense<0.000000e+00> : vector<1xf32>
    %reduce_sum3A_1092 = vector.multi_reduction <add>, %add3A_1090, %reduce_sum3A_1091 [1] : vector<1x128xf32> to vector<1xf32>
    %broadcast_in_dim3A_1093 = vector.shape_cast %reduce_sum3A_1092 : vector<1xf32> to vector<1x1xf32>
    %div3A_1094 = arith.constant 8.192000e+03 : f32
    %div3A_1095 = vector.broadcast %div3A_1094 : f32 to vector<1x1xf32>
    %div3A_1096 = arith.divf %broadcast_in_dim3A_1093, %div3A_1095 : vector<1x1xf32>
    %broadcast_in_dim3A_1097 = vector.shape_cast %div3A_1063 : vector<1x1xf32> to vector<1x1xf32>
    %broadcast_in_dim3A_1098 = vector.broadcast %broadcast_in_dim3A_1097 : vector<1x1xf32> to vector<1x32xf32>
    %broadcast_in_dim3A_1099 = vector.shape_cast %div3A_1096 : vector<1x1xf32> to vector<1x1xf32>
    %broadcast_in_dim3A_1100 = vector.broadcast %broadcast_in_dim3A_1099 : vector<1x1xf32> to vector<1x32xf32>
    %slice3A_1101 = vector.extract_strided_slice %transpose3A_1032 {offsets = [32, 0], sizes = [32, 256], strides = [1, 1]} : vector<256x256xf32> to vector<32x256xf32>
    %slice3A_1102 = vector.extract_strided_slice %slice3A_1101 {offsets = [0, 0], sizes = [8, 128], strides = [1, 1]} : vector<32x256xf32> to vector<8x128xf32>
    %slice3A_1103 = vector.extract_strided_slice %slice3A_1101 {offsets = [8, 0], sizes = [8, 128], strides = [1, 1]} : vector<32x256xf32> to vector<8x128xf32>
    %add3A_1104 = arith.addf %slice3A_1102, %slice3A_1103 : vector<8x128xf32>
    %slice3A_1105 = vector.extract_strided_slice %slice3A_1101 {offsets = [16, 0], sizes = [8, 128], strides = [1, 1]} : vector<32x256xf32> to vector<8x128xf32>
    %add3A_1106 = arith.addf %add3A_1104, %slice3A_1105 : vector<8x128xf32>
    %slice3A_1107 = vector.extract_strided_slice %slice3A_1101 {offsets = [24, 0], sizes = [8, 128], strides = [1, 1]} : vector<32x256xf32> to vector<8x128xf32>
    %add3A_1108 = arith.addf %add3A_1106, %slice3A_1107 : vector<8x128xf32>
    %slice3A_1109 = vector.extract_strided_slice %slice3A_1101 {offsets = [0, 128], sizes = [8, 128], strides = [1, 1]} : vector<32x256xf32> to vector<8x128xf32>
    %add3A_1110 = arith.addf %add3A_1108, %slice3A_1109 : vector<8x128xf32>
    %slice3A_1111 = vector.extract_strided_slice %slice3A_1101 {offsets = [8, 128], sizes = [8, 128], strides = [1, 1]} : vector<32x256xf32> to vector<8x128xf32>
    %add3A_1112 = arith.addf %add3A_1110, %slice3A_1111 : vector<8x128xf32>
    %slice3A_1113 = vector.extract_strided_slice %slice3A_1101 {offsets = [16, 128], sizes = [8, 128], strides = [1, 1]} : vector<32x256xf32> to vector<8x128xf32>
    %add3A_1114 = arith.addf %add3A_1112, %slice3A_1113 : vector<8x128xf32>
    %slice3A_1115 = vector.extract_strided_slice %slice3A_1101 {offsets = [24, 128], sizes = [8, 128], strides = [1, 1]} : vector<32x256xf32> to vector<8x128xf32>
    %add3A_1116 = arith.addf %add3A_1114, %slice3A_1115 : vector<8x128xf32>
    %slice3A_1117 = vector.extract_strided_slice %add3A_1116 {offsets = [0, 0], sizes = [4, 128], strides = [1, 1]} : vector<8x128xf32> to vector<4x128xf32>
    %slice3A_1118 = vector.extract_strided_slice %add3A_1116 {offsets = [4, 0], sizes = [4, 128], strides = [1, 1]} : vector<8x128xf32> to vector<4x128xf32>
    %add3A_1119 = arith.addf %slice3A_1117, %slice3A_1118 : vector<4x128xf32>
    %slice3A_1120 = vector.extract_strided_slice %add3A_1119 {offsets = [0, 0], sizes = [2, 128], strides = [1, 1]} : vector<4x128xf32> to vector<2x128xf32>
    %slice3A_1121 = vector.extract_strided_slice %add3A_1119 {offsets = [2, 0], sizes = [2, 128], strides = [1, 1]} : vector<4x128xf32> to vector<2x128xf32>
    %add3A_1122 = arith.addf %slice3A_1120, %slice3A_1121 : vector<2x128xf32>
    %slice3A_1123 = vector.extract_strided_slice %add3A_1122 {offsets = [0, 0], sizes = [1, 128], strides = [1, 1]} : vector<2x128xf32> to vector<1x128xf32>
    %slice3A_1124 = vector.extract_strided_slice %add3A_1122 {offsets = [1, 0], sizes = [1, 128], strides = [1, 1]} : vector<2x128xf32> to vector<1x128xf32>
    %add3A_1125 = arith.addf %slice3A_1123, %slice3A_1124 : vector<1x128xf32>
    %reduce_sum3A_1126 = arith.constant dense<0.000000e+00> : vector<1xf32>
    %reduce_sum3A_1127 = vector.multi_reduction <add>, %add3A_1125, %reduce_sum3A_1126 [1] : vector<1x128xf32> to vector<1xf32>
    %broadcast_in_dim3A_1128 = vector.shape_cast %reduce_sum3A_1127 : vector<1xf32> to vector<1x1xf32>
    %div3A_1129 = arith.constant 8.192000e+03 : f32
    %div3A_1130 = vector.broadcast %div3A_1129 : f32 to vector<1x1xf32>
    %div3A_1131 = arith.divf %broadcast_in_dim3A_1128, %div3A_1130 : vector<1x1xf32>
    %sub3A_1132 = vector.broadcast %div3A_1131 : vector<1x1xf32> to vector<32x256xf32>
    %sub3A_1133 = arith.subf %slice3A_1101, %sub3A_1132 : vector<32x256xf32>
    %mul3A_1134 = arith.mulf %sub3A_1133, %sub3A_1133 : vector<32x256xf32>
    %slice3A_1135 = vector.extract_strided_slice %mul3A_1134 {offsets = [0, 0], sizes = [8, 128], strides = [1, 1]} : vector<32x256xf32> to vector<8x128xf32>
    %slice3A_1136 = vector.extract_strided_slice %mul3A_1134 {offsets = [8, 0], sizes = [8, 128], strides = [1, 1]} : vector<32x256xf32> to vector<8x128xf32>
    %add3A_1137 = arith.addf %slice3A_1135, %slice3A_1136 : vector<8x128xf32>
    %slice3A_1138 = vector.extract_strided_slice %mul3A_1134 {offsets = [16, 0], sizes = [8, 128], strides = [1, 1]} : vector<32x256xf32> to vector<8x128xf32>
    %add3A_1139 = arith.addf %add3A_1137, %slice3A_1138 : vector<8x128xf32>
    %slice3A_1140 = vector.extract_strided_slice %mul3A_1134 {offsets = [24, 0], sizes = [8, 128], strides = [1, 1]} : vector<32x256xf32> to vector<8x128xf32>
    %add3A_1141 = arith.addf %add3A_1139, %slice3A_1140 : vector<8x128xf32>
    %slice3A_1142 = vector.extract_strided_slice %mul3A_1134 {offsets = [0, 128], sizes = [8, 128], strides = [1, 1]} : vector<32x256xf32> to vector<8x128xf32>
    %add3A_1143 = arith.addf %add3A_1141, %slice3A_1142 : vector<8x128xf32>
    %slice3A_1144 = vector.extract_strided_slice %mul3A_1134 {offsets = [8, 128], sizes = [8, 128], strides = [1, 1]} : vector<32x256xf32> to vector<8x128xf32>
    %add3A_1145 = arith.addf %add3A_1143, %slice3A_1144 : vector<8x128xf32>
    %slice3A_1146 = vector.extract_strided_slice %mul3A_1134 {offsets = [16, 128], sizes = [8, 128], strides = [1, 1]} : vector<32x256xf32> to vector<8x128xf32>
    %add3A_1147 = arith.addf %add3A_1145, %slice3A_1146 : vector<8x128xf32>
    %slice3A_1148 = vector.extract_strided_slice %mul3A_1134 {offsets = [24, 128], sizes = [8, 128], strides = [1, 1]} : vector<32x256xf32> to vector<8x128xf32>
    %add3A_1149 = arith.addf %add3A_1147, %slice3A_1148 : vector<8x128xf32>
    %slice3A_1150 = vector.extract_strided_slice %add3A_1149 {offsets = [0, 0], sizes = [4, 128], strides = [1, 1]} : vector<8x128xf32> to vector<4x128xf32>
    %slice3A_1151 = vector.extract_strided_slice %add3A_1149 {offsets = [4, 0], sizes = [4, 128], strides = [1, 1]} : vector<8x128xf32> to vector<4x128xf32>
    %add3A_1152 = arith.addf %slice3A_1150, %slice3A_1151 : vector<4x128xf32>
    %slice3A_1153 = vector.extract_strided_slice %add3A_1152 {offsets = [0, 0], sizes = [2, 128], strides = [1, 1]} : vector<4x128xf32> to vector<2x128xf32>
    %slice3A_1154 = vector.extract_strided_slice %add3A_1152 {offsets = [2, 0], sizes = [2, 128], strides = [1, 1]} : vector<4x128xf32> to vector<2x128xf32>
    %add3A_1155 = arith.addf %slice3A_1153, %slice3A_1154 : vector<2x128xf32>
    %slice3A_1156 = vector.extract_strided_slice %add3A_1155 {offsets = [0, 0], sizes = [1, 128], strides = [1, 1]} : vector<2x128xf32> to vector<1x128xf32>
    %slice3A_1157 = vector.extract_strided_slice %add3A_1155 {offsets = [1, 0], sizes = [1, 128], strides = [1, 1]} : vector<2x128xf32> to vector<1x128xf32>
    %add3A_1158 = arith.addf %slice3A_1156, %slice3A_1157 : vector<1x128xf32>
    %reduce_sum3A_1159 = arith.constant dense<0.000000e+00> : vector<1xf32>
    %reduce_sum3A_1160 = vector.multi_reduction <add>, %add3A_1158, %reduce_sum3A_1159 [1] : vector<1x128xf32> to vector<1xf32>
    %broadcast_in_dim3A_1161 = vector.shape_cast %reduce_sum3A_1160 : vector<1xf32> to vector<1x1xf32>
    %div3A_1162 = arith.constant 8.192000e+03 : f32
    %div3A_1163 = vector.broadcast %div3A_1162 : f32 to vector<1x1xf32>
    %div3A_1164 = arith.divf %broadcast_in_dim3A_1161, %div3A_1163 : vector<1x1xf32>
    %broadcast_in_dim3A_1165 = vector.shape_cast %div3A_1131 : vector<1x1xf32> to vector<1x1xf32>
    %broadcast_in_dim3A_1166 = vector.broadcast %broadcast_in_dim3A_1165 : vector<1x1xf32> to vector<1x32xf32>
    %broadcast_in_dim3A_1167 = vector.shape_cast %div3A_1164 : vector<1x1xf32> to vector<1x1xf32>
    %broadcast_in_dim3A_1168 = vector.broadcast %broadcast_in_dim3A_1167 : vector<1x1xf32> to vector<1x32xf32>
    %slice3A_1169 = vector.extract_strided_slice %transpose3A_1032 {offsets = [64, 0], sizes = [32, 256], strides = [1, 1]} : vector<256x256xf32> to vector<32x256xf32>
    %slice3A_1170 = vector.extract_strided_slice %slice3A_1169 {offsets = [0, 0], sizes = [8, 128], strides = [1, 1]} : vector<32x256xf32> to vector<8x128xf32>
    %slice3A_1171 = vector.extract_strided_slice %slice3A_1169 {offsets = [8, 0], sizes = [8, 128], strides = [1, 1]} : vector<32x256xf32> to vector<8x128xf32>
    %add3A_1172 = arith.addf %slice3A_1170, %slice3A_1171 : vector<8x128xf32>
    %slice3A_1173 = vector.extract_strided_slice %slice3A_1169 {offsets = [16, 0], sizes = [8, 128], strides = [1, 1]} : vector<32x256xf32> to vector<8x128xf32>
    %add3A_1174 = arith.addf %add3A_1172, %slice3A_1173 : vector<8x128xf32>
    %slice3A_1175 = vector.extract_strided_slice %slice3A_1169 {offsets = [24, 0], sizes = [8, 128], strides = [1, 1]} : vector<32x256xf32> to vector<8x128xf32>
    %add3A_1176 = arith.addf %add3A_1174, %slice3A_1175 : vector<8x128xf32>
    %slice3A_1177 = vector.extract_strided_slice %slice3A_1169 {offsets = [0, 128], sizes = [8, 128], strides = [1, 1]} : vector<32x256xf32> to vector<8x128xf32>
    %add3A_1178 = arith.addf %add3A_1176, %slice3A_1177 : vector<8x128xf32>
    %slice3A_1179 = vector.extract_strided_slice %slice3A_1169 {offsets = [8, 128], sizes = [8, 128], strides = [1, 1]} : vector<32x256xf32> to vector<8x128xf32>
    %add3A_1180 = arith.addf %add3A_1178, %slice3A_1179 : vector<8x128xf32>
    %slice3A_1181 = vector.extract_strided_slice %slice3A_1169 {offsets = [16, 128], sizes = [8, 128], strides = [1, 1]} : vector<32x256xf32> to vector<8x128xf32>
    %add3A_1182 = arith.addf %add3A_1180, %slice3A_1181 : vector<8x128xf32>
    %slice3A_1183 = vector.extract_strided_slice %slice3A_1169 {offsets = [24, 128], sizes = [8, 128], strides = [1, 1]} : vector<32x256xf32> to vector<8x128xf32>
    %add3A_1184 = arith.addf %add3A_1182, %slice3A_1183 : vector<8x128xf32>
    %slice3A_1185 = vector.extract_strided_slice %add3A_1184 {offsets = [0, 0], sizes = [4, 128], strides = [1, 1]} : vector<8x128xf32> to vector<4x128xf32>
    %slice3A_1186 = vector.extract_strided_slice %add3A_1184 {offsets = [4, 0], sizes = [4, 128], strides = [1, 1]} : vector<8x128xf32> to vector<4x128xf32>
    %add3A_1187 = arith.addf %slice3A_1185, %slice3A_1186 : vector<4x128xf32>
    %slice3A_1188 = vector.extract_strided_slice %add3A_1187 {offsets = [0, 0], sizes = [2, 128], strides = [1, 1]} : vector<4x128xf32> to vector<2x128xf32>
    %slice3A_1189 = vector.extract_strided_slice %add3A_1187 {offsets = [2, 0], sizes = [2, 128], strides = [1, 1]} : vector<4x128xf32> to vector<2x128xf32>
    %add3A_1190 = arith.addf %slice3A_1188, %slice3A_1189 : vector<2x128xf32>
    %slice3A_1191 = vector.extract_strided_slice %add3A_1190 {offsets = [0, 0], sizes = [1, 128], strides = [1, 1]} : vector<2x128xf32> to vector<1x128xf32>
    %slice3A_1192 = vector.extract_strided_slice %add3A_1190 {offsets = [1, 0], sizes = [1, 128], strides = [1, 1]} : vector<2x128xf32> to vector<1x128xf32>
    %add3A_1193 = arith.addf %slice3A_1191, %slice3A_1192 : vector<1x128xf32>
    %reduce_sum3A_1194 = arith.constant dense<0.000000e+00> : vector<1xf32>
    %reduce_sum3A_1195 = vector.multi_reduction <add>, %add3A_1193, %reduce_sum3A_1194 [1] : vector<1x128xf32> to vector<1xf32>
    %broadcast_in_dim3A_1196 = vector.shape_cast %reduce_sum3A_1195 : vector<1xf32> to vector<1x1xf32>
    %div3A_1197 = arith.constant 8.192000e+03 : f32
    %div3A_1198 = vector.broadcast %div3A_1197 : f32 to vector<1x1xf32>
    %div3A_1199 = arith.divf %broadcast_in_dim3A_1196, %div3A_1198 : vector<1x1xf32>
    %sub3A_1200 = vector.broadcast %div3A_1199 : vector<1x1xf32> to vector<32x256xf32>
    %sub3A_1201 = arith.subf %slice3A_1169, %sub3A_1200 : vector<32x256xf32>
    %mul3A_1202 = arith.mulf %sub3A_1201, %sub3A_1201 : vector<32x256xf32>
    %slice3A_1203 = vector.extract_strided_slice %mul3A_1202 {offsets = [0, 0], sizes = [8, 128], strides = [1, 1]} : vector<32x256xf32> to vector<8x128xf32>
    %slice3A_1204 = vector.extract_strided_slice %mul3A_1202 {offsets = [8, 0], sizes = [8, 128], strides = [1, 1]} : vector<32x256xf32> to vector<8x128xf32>
    %add3A_1205 = arith.addf %slice3A_1203, %slice3A_1204 : vector<8x128xf32>
    %slice3A_1206 = vector.extract_strided_slice %mul3A_1202 {offsets = [16, 0], sizes = [8, 128], strides = [1, 1]} : vector<32x256xf32> to vector<8x128xf32>
    %add3A_1207 = arith.addf %add3A_1205, %slice3A_1206 : vector<8x128xf32>
    %slice3A_1208 = vector.extract_strided_slice %mul3A_1202 {offsets = [24, 0], sizes = [8, 128], strides = [1, 1]} : vector<32x256xf32> to vector<8x128xf32>
    %add3A_1209 = arith.addf %add3A_1207, %slice3A_1208 : vector<8x128xf32>
    %slice3A_1210 = vector.extract_strided_slice %mul3A_1202 {offsets = [0, 128], sizes = [8, 128], strides = [1, 1]} : vector<32x256xf32> to vector<8x128xf32>
    %add3A_1211 = arith.addf %add3A_1209, %slice3A_1210 : vector<8x128xf32>
    %slice3A_1212 = vector.extract_strided_slice %mul3A_1202 {offsets = [8, 128], sizes = [8, 128], strides = [1, 1]} : vector<32x256xf32> to vector<8x128xf32>
    %add3A_1213 = arith.addf %add3A_1211, %slice3A_1212 : vector<8x128xf32>
    %slice3A_1214 = vector.extract_strided_slice %mul3A_1202 {offsets = [16, 128], sizes = [8, 128], strides = [1, 1]} : vector<32x256xf32> to vector<8x128xf32>
    %add3A_1215 = arith.addf %add3A_1213, %slice3A_1214 : vector<8x128xf32>
    %slice3A_1216 = vector.extract_strided_slice %mul3A_1202 {offsets = [24, 128], sizes = [8, 128], strides = [1, 1]} : vector<32x256xf32> to vector<8x128xf32>
    %add3A_1217 = arith.addf %add3A_1215, %slice3A_1216 : vector<8x128xf32>
    %slice3A_1218 = vector.extract_strided_slice %add3A_1217 {offsets = [0, 0], sizes = [4, 128], strides = [1, 1]} : vector<8x128xf32> to vector<4x128xf32>
    %slice3A_1219 = vector.extract_strided_slice %add3A_1217 {offsets = [4, 0], sizes = [4, 128], strides = [1, 1]} : vector<8x128xf32> to vector<4x128xf32>
    %add3A_1220 = arith.addf %slice3A_1218, %slice3A_1219 : vector<4x128xf32>
    %slice3A_1221 = vector.extract_strided_slice %add3A_1220 {offsets = [0, 0], sizes = [2, 128], strides = [1, 1]} : vector<4x128xf32> to vector<2x128xf32>
    %slice3A_1222 = vector.extract_strided_slice %add3A_1220 {offsets = [2, 0], sizes = [2, 128], strides = [1, 1]} : vector<4x128xf32> to vector<2x128xf32>
    %add3A_1223 = arith.addf %slice3A_1221, %slice3A_1222 : vector<2x128xf32>
    %slice3A_1224 = vector.extract_strided_slice %add3A_1223 {offsets = [0, 0], sizes = [1, 128], strides = [1, 1]} : vector<2x128xf32> to vector<1x128xf32>
    %slice3A_1225 = vector.extract_strided_slice %add3A_1223 {offsets = [1, 0], sizes = [1, 128], strides = [1, 1]} : vector<2x128xf32> to vector<1x128xf32>
    %add3A_1226 = arith.addf %slice3A_1224, %slice3A_1225 : vector<1x128xf32>
    %reduce_sum3A_1227 = arith.constant dense<0.000000e+00> : vector<1xf32>
    %reduce_sum3A_1228 = vector.multi_reduction <add>, %add3A_1226, %reduce_sum3A_1227 [1] : vector<1x128xf32> to vector<1xf32>
    %broadcast_in_dim3A_1229 = vector.shape_cast %reduce_sum3A_1228 : vector<1xf32> to vector<1x1xf32>
    %div3A_1230 = arith.constant 8.192000e+03 : f32
    %div3A_1231 = vector.broadcast %div3A_1230 : f32 to vector<1x1xf32>
    %div3A_1232 = arith.divf %broadcast_in_dim3A_1229, %div3A_1231 : vector<1x1xf32>
    %broadcast_in_dim3A_1233 = vector.shape_cast %div3A_1199 : vector<1x1xf32> to vector<1x1xf32>
    %broadcast_in_dim3A_1234 = vector.broadcast %broadcast_in_dim3A_1233 : vector<1x1xf32> to vector<1x32xf32>
    %broadcast_in_dim3A_1235 = vector.shape_cast %div3A_1232 : vector<1x1xf32> to vector<1x1xf32>
    %broadcast_in_dim3A_1236 = vector.broadcast %broadcast_in_dim3A_1235 : vector<1x1xf32> to vector<1x32xf32>
    %slice3A_1237 = vector.extract_strided_slice %transpose3A_1032 {offsets = [96, 0], sizes = [32, 256], strides = [1, 1]} : vector<256x256xf32> to vector<32x256xf32>
    %slice3A_1238 = vector.extract_strided_slice %slice3A_1237 {offsets = [0, 0], sizes = [8, 128], strides = [1, 1]} : vector<32x256xf32> to vector<8x128xf32>
    %slice3A_1239 = vector.extract_strided_slice %slice3A_1237 {offsets = [8, 0], sizes = [8, 128], strides = [1, 1]} : vector<32x256xf32> to vector<8x128xf32>
    %add3A_1240 = arith.addf %slice3A_1238, %slice3A_1239 : vector<8x128xf32>
    %slice3A_1241 = vector.extract_strided_slice %slice3A_1237 {offsets = [16, 0], sizes = [8, 128], strides = [1, 1]} : vector<32x256xf32> to vector<8x128xf32>
    %add3A_1242 = arith.addf %add3A_1240, %slice3A_1241 : vector<8x128xf32>
    %slice3A_1243 = vector.extract_strided_slice %slice3A_1237 {offsets = [24, 0], sizes = [8, 128], strides = [1, 1]} : vector<32x256xf32> to vector<8x128xf32>
    %add3A_1244 = arith.addf %add3A_1242, %slice3A_1243 : vector<8x128xf32>
    %slice3A_1245 = vector.extract_strided_slice %slice3A_1237 {offsets = [0, 128], sizes = [8, 128], strides = [1, 1]} : vector<32x256xf32> to vector<8x128xf32>
    %add3A_1246 = arith.addf %add3A_1244, %slice3A_1245 : vector<8x128xf32>
    %slice3A_1247 = vector.extract_strided_slice %slice3A_1237 {offsets = [8, 128], sizes = [8, 128], strides = [1, 1]} : vector<32x256xf32> to vector<8x128xf32>
    %add3A_1248 = arith.addf %add3A_1246, %slice3A_1247 : vector<8x128xf32>
    %slice3A_1249 = vector.extract_strided_slice %slice3A_1237 {offsets = [16, 128], sizes = [8, 128], strides = [1, 1]} : vector<32x256xf32> to vector<8x128xf32>
    %add3A_1250 = arith.addf %add3A_1248, %slice3A_1249 : vector<8x128xf32>
    %slice3A_1251 = vector.extract_strided_slice %slice3A_1237 {offsets = [24, 128], sizes = [8, 128], strides = [1, 1]} : vector<32x256xf32> to vector<8x128xf32>
    %add3A_1252 = arith.addf %add3A_1250, %slice3A_1251 : vector<8x128xf32>
    %slice3A_1253 = vector.extract_strided_slice %add3A_1252 {offsets = [0, 0], sizes = [4, 128], strides = [1, 1]} : vector<8x128xf32> to vector<4x128xf32>
    %slice3A_1254 = vector.extract_strided_slice %add3A_1252 {offsets = [4, 0], sizes = [4, 128], strides = [1, 1]} : vector<8x128xf32> to vector<4x128xf32>
    %add3A_1255 = arith.addf %slice3A_1253, %slice3A_1254 : vector<4x128xf32>
    %slice3A_1256 = vector.extract_strided_slice %add3A_1255 {offsets = [0, 0], sizes = [2, 128], strides = [1, 1]} : vector<4x128xf32> to vector<2x128xf32>
    %slice3A_1257 = vector.extract_strided_slice %add3A_1255 {offsets = [2, 0], sizes = [2, 128], strides = [1, 1]} : vector<4x128xf32> to vector<2x128xf32>
    %add3A_1258 = arith.addf %slice3A_1256, %slice3A_1257 : vector<2x128xf32>
    %slice3A_1259 = vector.extract_strided_slice %add3A_1258 {offsets = [0, 0], sizes = [1, 128], strides = [1, 1]} : vector<2x128xf32> to vector<1x128xf32>
    %slice3A_1260 = vector.extract_strided_slice %add3A_1258 {offsets = [1, 0], sizes = [1, 128], strides = [1, 1]} : vector<2x128xf32> to vector<1x128xf32>
    %add3A_1261 = arith.addf %slice3A_1259, %slice3A_1260 : vector<1x128xf32>
    %reduce_sum3A_1262 = arith.constant dense<0.000000e+00> : vector<1xf32>
    %reduce_sum3A_1263 = vector.multi_reduction <add>, %add3A_1261, %reduce_sum3A_1262 [1] : vector<1x128xf32> to vector<1xf32>
    %broadcast_in_dim3A_1264 = vector.shape_cast %reduce_sum3A_1263 : vector<1xf32> to vector<1x1xf32>
    %div3A_1265 = arith.constant 8.192000e+03 : f32
    %div3A_1266 = vector.broadcast %div3A_1265 : f32 to vector<1x1xf32>
    %div3A_1267 = arith.divf %broadcast_in_dim3A_1264, %div3A_1266 : vector<1x1xf32>
    %sub3A_1268 = vector.broadcast %div3A_1267 : vector<1x1xf32> to vector<32x256xf32>
    %sub3A_1269 = arith.subf %slice3A_1237, %sub3A_1268 : vector<32x256xf32>
    %mul3A_1270 = arith.mulf %sub3A_1269, %sub3A_1269 : vector<32x256xf32>
    %slice3A_1271 = vector.extract_strided_slice %mul3A_1270 {offsets = [0, 0], sizes = [8, 128], strides = [1, 1]} : vector<32x256xf32> to vector<8x128xf32>
    %slice3A_1272 = vector.extract_strided_slice %mul3A_1270 {offsets = [8, 0], sizes = [8, 128], strides = [1, 1]} : vector<32x256xf32> to vector<8x128xf32>
    %add3A_1273 = arith.addf %slice3A_1271, %slice3A_1272 : vector<8x128xf32>
    %slice3A_1274 = vector.extract_strided_slice %mul3A_1270 {offsets = [16, 0], sizes = [8, 128], strides = [1, 1]} : vector<32x256xf32> to vector<8x128xf32>
    %add3A_1275 = arith.addf %add3A_1273, %slice3A_1274 : vector<8x128xf32>
    %slice3A_1276 = vector.extract_strided_slice %mul3A_1270 {offsets = [24, 0], sizes = [8, 128], strides = [1, 1]} : vector<32x256xf32> to vector<8x128xf32>
    %add3A_1277 = arith.addf %add3A_1275, %slice3A_1276 : vector<8x128xf32>
    %slice3A_1278 = vector.extract_strided_slice %mul3A_1270 {offsets = [0, 128], sizes = [8, 128], strides = [1, 1]} : vector<32x256xf32> to vector<8x128xf32>
    %add3A_1279 = arith.addf %add3A_1277, %slice3A_1278 : vector<8x128xf32>
    %slice3A_1280 = vector.extract_strided_slice %mul3A_1270 {offsets = [8, 128], sizes = [8, 128], strides = [1, 1]} : vector<32x256xf32> to vector<8x128xf32>
    %add3A_1281 = arith.addf %add3A_1279, %slice3A_1280 : vector<8x128xf32>
    %slice3A_1282 = vector.extract_strided_slice %mul3A_1270 {offsets = [16, 128], sizes = [8, 128], strides = [1, 1]} : vector<32x256xf32> to vector<8x128xf32>
    %add3A_1283 = arith.addf %add3A_1281, %slice3A_1282 : vector<8x128xf32>
    %slice3A_1284 = vector.extract_strided_slice %mul3A_1270 {offsets = [24, 128], sizes = [8, 128], strides = [1, 1]} : vector<32x256xf32> to vector<8x128xf32>
    %add3A_1285 = arith.addf %add3A_1283, %slice3A_1284 : vector<8x128xf32>
    %slice3A_1286 = vector.extract_strided_slice %add3A_1285 {offsets = [0, 0], sizes = [4, 128], strides = [1, 1]} : vector<8x128xf32> to vector<4x128xf32>
    %slice3A_1287 = vector.extract_strided_slice %add3A_1285 {offsets = [4, 0], sizes = [4, 128], strides = [1, 1]} : vector<8x128xf32> to vector<4x128xf32>
    %add3A_1288 = arith.addf %slice3A_1286, %slice3A_1287 : vector<4x128xf32>
    %slice3A_1289 = vector.extract_strided_slice %add3A_1288 {offsets = [0, 0], sizes = [2, 128], strides = [1, 1]} : vector<4x128xf32> to vector<2x128xf32>
    %slice3A_1290 = vector.extract_strided_slice %add3A_1288 {offsets = [2, 0], sizes = [2, 128], strides = [1, 1]} : vector<4x128xf32> to vector<2x128xf32>
    %add3A_1291 = arith.addf %slice3A_1289, %slice3A_1290 : vector<2x128xf32>
    %slice3A_1292 = vector.extract_strided_slice %add3A_1291 {offsets = [0, 0], sizes = [1, 128], strides = [1, 1]} : vector<2x128xf32> to vector<1x128xf32>
    %slice3A_1293 = vector.extract_strided_slice %add3A_1291 {offsets = [1, 0], sizes = [1, 128], strides = [1, 1]} : vector<2x128xf32> to vector<1x128xf32>
    %add3A_1294 = arith.addf %slice3A_1292, %slice3A_1293 : vector<1x128xf32>
    %reduce_sum3A_1295 = arith.constant dense<0.000000e+00> : vector<1xf32>
    %reduce_sum3A_1296 = vector.multi_reduction <add>, %add3A_1294, %reduce_sum3A_1295 [1] : vector<1x128xf32> to vector<1xf32>
    %broadcast_in_dim3A_1297 = vector.shape_cast %reduce_sum3A_1296 : vector<1xf32> to vector<1x1xf32>
    %div3A_1298 = arith.constant 8.192000e+03 : f32
    %div3A_1299 = vector.broadcast %div3A_1298 : f32 to vector<1x1xf32>
    %div3A_1300 = arith.divf %broadcast_in_dim3A_1297, %div3A_1299 : vector<1x1xf32>
    %broadcast_in_dim3A_1301 = vector.shape_cast %div3A_1267 : vector<1x1xf32> to vector<1x1xf32>
    %broadcast_in_dim3A_1302 = vector.broadcast %broadcast_in_dim3A_1301 : vector<1x1xf32> to vector<1x32xf32>
    %broadcast_in_dim3A_1303 = vector.shape_cast %div3A_1300 : vector<1x1xf32> to vector<1x1xf32>
    %broadcast_in_dim3A_1304 = vector.broadcast %broadcast_in_dim3A_1303 : vector<1x1xf32> to vector<1x32xf32>
    %slice3A_1305 = vector.extract_strided_slice %transpose3A_1032 {offsets = [128, 0], sizes = [32, 256], strides = [1, 1]} : vector<256x256xf32> to vector<32x256xf32>
    %slice3A_1306 = vector.extract_strided_slice %slice3A_1305 {offsets = [0, 0], sizes = [8, 128], strides = [1, 1]} : vector<32x256xf32> to vector<8x128xf32>
    %slice3A_1307 = vector.extract_strided_slice %slice3A_1305 {offsets = [8, 0], sizes = [8, 128], strides = [1, 1]} : vector<32x256xf32> to vector<8x128xf32>
    %add3A_1308 = arith.addf %slice3A_1306, %slice3A_1307 : vector<8x128xf32>
    %slice3A_1309 = vector.extract_strided_slice %slice3A_1305 {offsets = [16, 0], sizes = [8, 128], strides = [1, 1]} : vector<32x256xf32> to vector<8x128xf32>
    %add3A_1310 = arith.addf %add3A_1308, %slice3A_1309 : vector<8x128xf32>
    %slice3A_1311 = vector.extract_strided_slice %slice3A_1305 {offsets = [24, 0], sizes = [8, 128], strides = [1, 1]} : vector<32x256xf32> to vector<8x128xf32>
    %add3A_1312 = arith.addf %add3A_1310, %slice3A_1311 : vector<8x128xf32>
    %slice3A_1313 = vector.extract_strided_slice %slice3A_1305 {offsets = [0, 128], sizes = [8, 128], strides = [1, 1]} : vector<32x256xf32> to vector<8x128xf32>
    %add3A_1314 = arith.addf %add3A_1312, %slice3A_1313 : vector<8x128xf32>
    %slice3A_1315 = vector.extract_strided_slice %slice3A_1305 {offsets = [8, 128], sizes = [8, 128], strides = [1, 1]} : vector<32x256xf32> to vector<8x128xf32>
    %add3A_1316 = arith.addf %add3A_1314, %slice3A_1315 : vector<8x128xf32>
    %slice3A_1317 = vector.extract_strided_slice %slice3A_1305 {offsets = [16, 128], sizes = [8, 128], strides = [1, 1]} : vector<32x256xf32> to vector<8x128xf32>
    %add3A_1318 = arith.addf %add3A_1316, %slice3A_1317 : vector<8x128xf32>
    %slice3A_1319 = vector.extract_strided_slice %slice3A_1305 {offsets = [24, 128], sizes = [8, 128], strides = [1, 1]} : vector<32x256xf32> to vector<8x128xf32>
    %add3A_1320 = arith.addf %add3A_1318, %slice3A_1319 : vector<8x128xf32>
    %slice3A_1321 = vector.extract_strided_slice %add3A_1320 {offsets = [0, 0], sizes = [4, 128], strides = [1, 1]} : vector<8x128xf32> to vector<4x128xf32>
    %slice3A_1322 = vector.extract_strided_slice %add3A_1320 {offsets = [4, 0], sizes = [4, 128], strides = [1, 1]} : vector<8x128xf32> to vector<4x128xf32>
    %add3A_1323 = arith.addf %slice3A_1321, %slice3A_1322 : vector<4x128xf32>
    %slice3A_1324 = vector.extract_strided_slice %add3A_1323 {offsets = [0, 0], sizes = [2, 128], strides = [1, 1]} : vector<4x128xf32> to vector<2x128xf32>
    %slice3A_1325 = vector.extract_strided_slice %add3A_1323 {offsets = [2, 0], sizes = [2, 128], strides = [1, 1]} : vector<4x128xf32> to vector<2x128xf32>
    %add3A_1326 = arith.addf %slice3A_1324, %slice3A_1325 : vector<2x128xf32>
    %slice3A_1327 = vector.extract_strided_slice %add3A_1326 {offsets = [0, 0], sizes = [1, 128], strides = [1, 1]} : vector<2x128xf32> to vector<1x128xf32>
    %slice3A_1328 = vector.extract_strided_slice %add3A_1326 {offsets = [1, 0], sizes = [1, 128], strides = [1, 1]} : vector<2x128xf32> to vector<1x128xf32>
    %add3A_1329 = arith.addf %slice3A_1327, %slice3A_1328 : vector<1x128xf32>
    %reduce_sum3A_1330 = arith.constant dense<0.000000e+00> : vector<1xf32>
    %reduce_sum3A_1331 = vector.multi_reduction <add>, %add3A_1329, %reduce_sum3A_1330 [1] : vector<1x128xf32> to vector<1xf32>
    %broadcast_in_dim3A_1332 = vector.shape_cast %reduce_sum3A_1331 : vector<1xf32> to vector<1x1xf32>
    %div3A_1333 = arith.constant 8.192000e+03 : f32
    %div3A_1334 = vector.broadcast %div3A_1333 : f32 to vector<1x1xf32>
    %div3A_1335 = arith.divf %broadcast_in_dim3A_1332, %div3A_1334 : vector<1x1xf32>
    %sub3A_1336 = vector.broadcast %div3A_1335 : vector<1x1xf32> to vector<32x256xf32>
    %sub3A_1337 = arith.subf %slice3A_1305, %sub3A_1336 : vector<32x256xf32>
    %mul3A_1338 = arith.mulf %sub3A_1337, %sub3A_1337 : vector<32x256xf32>
    %slice3A_1339 = vector.extract_strided_slice %mul3A_1338 {offsets = [0, 0], sizes = [8, 128], strides = [1, 1]} : vector<32x256xf32> to vector<8x128xf32>
    %slice3A_1340 = vector.extract_strided_slice %mul3A_1338 {offsets = [8, 0], sizes = [8, 128], strides = [1, 1]} : vector<32x256xf32> to vector<8x128xf32>
    %add3A_1341 = arith.addf %slice3A_1339, %slice3A_1340 : vector<8x128xf32>
    %slice3A_1342 = vector.extract_strided_slice %mul3A_1338 {offsets = [16, 0], sizes = [8, 128], strides = [1, 1]} : vector<32x256xf32> to vector<8x128xf32>
    %add3A_1343 = arith.addf %add3A_1341, %slice3A_1342 : vector<8x128xf32>
    %slice3A_1344 = vector.extract_strided_slice %mul3A_1338 {offsets = [24, 0], sizes = [8, 128], strides = [1, 1]} : vector<32x256xf32> to vector<8x128xf32>
    %add3A_1345 = arith.addf %add3A_1343, %slice3A_1344 : vector<8x128xf32>
    %slice3A_1346 = vector.extract_strided_slice %mul3A_1338 {offsets = [0, 128], sizes = [8, 128], strides = [1, 1]} : vector<32x256xf32> to vector<8x128xf32>
    %add3A_1347 = arith.addf %add3A_1345, %slice3A_1346 : vector<8x128xf32>
    %slice3A_1348 = vector.extract_strided_slice %mul3A_1338 {offsets = [8, 128], sizes = [8, 128], strides = [1, 1]} : vector<32x256xf32> to vector<8x128xf32>
    %add3A_1349 = arith.addf %add3A_1347, %slice3A_1348 : vector<8x128xf32>
    %slice3A_1350 = vector.extract_strided_slice %mul3A_1338 {offsets = [16, 128], sizes = [8, 128], strides = [1, 1]} : vector<32x256xf32> to vector<8x128xf32>
    %add3A_1351 = arith.addf %add3A_1349, %slice3A_1350 : vector<8x128xf32>
    %slice3A_1352 = vector.extract_strided_slice %mul3A_1338 {offsets = [24, 128], sizes = [8, 128], strides = [1, 1]} : vector<32x256xf32> to vector<8x128xf32>
    %add3A_1353 = arith.addf %add3A_1351, %slice3A_1352 : vector<8x128xf32>
    %slice3A_1354 = vector.extract_strided_slice %add3A_1353 {offsets = [0, 0], sizes = [4, 128], strides = [1, 1]} : vector<8x128xf32> to vector<4x128xf32>
    %slice3A_1355 = vector.extract_strided_slice %add3A_1353 {offsets = [4, 0], sizes = [4, 128], strides = [1, 1]} : vector<8x128xf32> to vector<4x128xf32>
    %add3A_1356 = arith.addf %slice3A_1354, %slice3A_1355 : vector<4x128xf32>
    %slice3A_1357 = vector.extract_strided_slice %add3A_1356 {offsets = [0, 0], sizes = [2, 128], strides = [1, 1]} : vector<4x128xf32> to vector<2x128xf32>
    %slice3A_1358 = vector.extract_strided_slice %add3A_1356 {offsets = [2, 0], sizes = [2, 128], strides = [1, 1]} : vector<4x128xf32> to vector<2x128xf32>
    %add3A_1359 = arith.addf %slice3A_1357, %slice3A_1358 : vector<2x128xf32>
    %slice3A_1360 = vector.extract_strided_slice %add3A_1359 {offsets = [0, 0], sizes = [1, 128], strides = [1, 1]} : vector<2x128xf32> to vector<1x128xf32>
    %slice3A_1361 = vector.extract_strided_slice %add3A_1359 {offsets = [1, 0], sizes = [1, 128], strides = [1, 1]} : vector<2x128xf32> to vector<1x128xf32>
    %add3A_1362 = arith.addf %slice3A_1360, %slice3A_1361 : vector<1x128xf32>
    %reduce_sum3A_1363 = arith.constant dense<0.000000e+00> : vector<1xf32>
    %reduce_sum3A_1364 = vector.multi_reduction <add>, %add3A_1362, %reduce_sum3A_1363 [1] : vector<1x128xf32> to vector<1xf32>
    %broadcast_in_dim3A_1365 = vector.shape_cast %reduce_sum3A_1364 : vector<1xf32> to vector<1x1xf32>
    %div3A_1366 = arith.constant 8.192000e+03 : f32
    %div3A_1367 = vector.broadcast %div3A_1366 : f32 to vector<1x1xf32>
    %div3A_1368 = arith.divf %broadcast_in_dim3A_1365, %div3A_1367 : vector<1x1xf32>
    %broadcast_in_dim3A_1369 = vector.shape_cast %div3A_1335 : vector<1x1xf32> to vector<1x1xf32>
    %broadcast_in_dim3A_1370 = vector.broadcast %broadcast_in_dim3A_1369 : vector<1x1xf32> to vector<1x32xf32>
    %broadcast_in_dim3A_1371 = vector.shape_cast %div3A_1368 : vector<1x1xf32> to vector<1x1xf32>
    %broadcast_in_dim3A_1372 = vector.broadcast %broadcast_in_dim3A_1371 : vector<1x1xf32> to vector<1x32xf32>
    %slice3A_1373 = vector.extract_strided_slice %transpose3A_1032 {offsets = [160, 0], sizes = [32, 256], strides = [1, 1]} : vector<256x256xf32> to vector<32x256xf32>
    %slice3A_1374 = vector.extract_strided_slice %slice3A_1373 {offsets = [0, 0], sizes = [8, 128], strides = [1, 1]} : vector<32x256xf32> to vector<8x128xf32>
    %slice3A_1375 = vector.extract_strided_slice %slice3A_1373 {offsets = [8, 0], sizes = [8, 128], strides = [1, 1]} : vector<32x256xf32> to vector<8x128xf32>
    %add3A_1376 = arith.addf %slice3A_1374, %slice3A_1375 : vector<8x128xf32>
    %slice3A_1377 = vector.extract_strided_slice %slice3A_1373 {offsets = [16, 0], sizes = [8, 128], strides = [1, 1]} : vector<32x256xf32> to vector<8x128xf32>
    %add3A_1378 = arith.addf %add3A_1376, %slice3A_1377 : vector<8x128xf32>
    %slice3A_1379 = vector.extract_strided_slice %slice3A_1373 {offsets = [24, 0], sizes = [8, 128], strides = [1, 1]} : vector<32x256xf32> to vector<8x128xf32>
    %add3A_1380 = arith.addf %add3A_1378, %slice3A_1379 : vector<8x128xf32>
    %slice3A_1381 = vector.extract_strided_slice %slice3A_1373 {offsets = [0, 128], sizes = [8, 128], strides = [1, 1]} : vector<32x256xf32> to vector<8x128xf32>
    %add3A_1382 = arith.addf %add3A_1380, %slice3A_1381 : vector<8x128xf32>
    %slice3A_1383 = vector.extract_strided_slice %slice3A_1373 {offsets = [8, 128], sizes = [8, 128], strides = [1, 1]} : vector<32x256xf32> to vector<8x128xf32>
    %add3A_1384 = arith.addf %add3A_1382, %slice3A_1383 : vector<8x128xf32>
    %slice3A_1385 = vector.extract_strided_slice %slice3A_1373 {offsets = [16, 128], sizes = [8, 128], strides = [1, 1]} : vector<32x256xf32> to vector<8x128xf32>
    %add3A_1386 = arith.addf %add3A_1384, %slice3A_1385 : vector<8x128xf32>
    %slice3A_1387 = vector.extract_strided_slice %slice3A_1373 {offsets = [24, 128], sizes = [8, 128], strides = [1, 1]} : vector<32x256xf32> to vector<8x128xf32>
    %add3A_1388 = arith.addf %add3A_1386, %slice3A_1387 : vector<8x128xf32>
    %slice3A_1389 = vector.extract_strided_slice %add3A_1388 {offsets = [0, 0], sizes = [4, 128], strides = [1, 1]} : vector<8x128xf32> to vector<4x128xf32>
    %slice3A_1390 = vector.extract_strided_slice %add3A_1388 {offsets = [4, 0], sizes = [4, 128], strides = [1, 1]} : vector<8x128xf32> to vector<4x128xf32>
    %add3A_1391 = arith.addf %slice3A_1389, %slice3A_1390 : vector<4x128xf32>
    %slice3A_1392 = vector.extract_strided_slice %add3A_1391 {offsets = [0, 0], sizes = [2, 128], strides = [1, 1]} : vector<4x128xf32> to vector<2x128xf32>
    %slice3A_1393 = vector.extract_strided_slice %add3A_1391 {offsets = [2, 0], sizes = [2, 128], strides = [1, 1]} : vector<4x128xf32> to vector<2x128xf32>
    %add3A_1394 = arith.addf %slice3A_1392, %slice3A_1393 : vector<2x128xf32>
    %slice3A_1395 = vector.extract_strided_slice %add3A_1394 {offsets = [0, 0], sizes = [1, 128], strides = [1, 1]} : vector<2x128xf32> to vector<1x128xf32>
    %slice3A_1396 = vector.extract_strided_slice %add3A_1394 {offsets = [1, 0], sizes = [1, 128], strides = [1, 1]} : vector<2x128xf32> to vector<1x128xf32>
    %add3A_1397 = arith.addf %slice3A_1395, %slice3A_1396 : vector<1x128xf32>
    %reduce_sum3A_1398 = arith.constant dense<0.000000e+00> : vector<1xf32>
    %reduce_sum3A_1399 = vector.multi_reduction <add>, %add3A_1397, %reduce_sum3A_1398 [1] : vector<1x128xf32> to vector<1xf32>
    %broadcast_in_dim3A_1400 = vector.shape_cast %reduce_sum3A_1399 : vector<1xf32> to vector<1x1xf32>
    %div3A_1401 = arith.constant 8.192000e+03 : f32
    %div3A_1402 = vector.broadcast %div3A_1401 : f32 to vector<1x1xf32>
    %div3A_1403 = arith.divf %broadcast_in_dim3A_1400, %div3A_1402 : vector<1x1xf32>
    %sub3A_1404 = vector.broadcast %div3A_1403 : vector<1x1xf32> to vector<32x256xf32>
    %sub3A_1405 = arith.subf %slice3A_1373, %sub3A_1404 : vector<32x256xf32>
    %mul3A_1406 = arith.mulf %sub3A_1405, %sub3A_1405 : vector<32x256xf32>
    %slice3A_1407 = vector.extract_strided_slice %mul3A_1406 {offsets = [0, 0], sizes = [8, 128], strides = [1, 1]} : vector<32x256xf32> to vector<8x128xf32>
    %slice3A_1408 = vector.extract_strided_slice %mul3A_1406 {offsets = [8, 0], sizes = [8, 128], strides = [1, 1]} : vector<32x256xf32> to vector<8x128xf32>
    %add3A_1409 = arith.addf %slice3A_1407, %slice3A_1408 : vector<8x128xf32>
    %slice3A_1410 = vector.extract_strided_slice %mul3A_1406 {offsets = [16, 0], sizes = [8, 128], strides = [1, 1]} : vector<32x256xf32> to vector<8x128xf32>
    %add3A_1411 = arith.addf %add3A_1409, %slice3A_1410 : vector<8x128xf32>
    %slice3A_1412 = vector.extract_strided_slice %mul3A_1406 {offsets = [24, 0], sizes = [8, 128], strides = [1, 1]} : vector<32x256xf32> to vector<8x128xf32>
    %add3A_1413 = arith.addf %add3A_1411, %slice3A_1412 : vector<8x128xf32>
    %slice3A_1414 = vector.extract_strided_slice %mul3A_1406 {offsets = [0, 128], sizes = [8, 128], strides = [1, 1]} : vector<32x256xf32> to vector<8x128xf32>
    %add3A_1415 = arith.addf %add3A_1413, %slice3A_1414 : vector<8x128xf32>
    %slice3A_1416 = vector.extract_strided_slice %mul3A_1406 {offsets = [8, 128], sizes = [8, 128], strides = [1, 1]} : vector<32x256xf32> to vector<8x128xf32>
    %add3A_1417 = arith.addf %add3A_1415, %slice3A_1416 : vector<8x128xf32>
    %slice3A_1418 = vector.extract_strided_slice %mul3A_1406 {offsets = [16, 128], sizes = [8, 128], strides = [1, 1]} : vector<32x256xf32> to vector<8x128xf32>
    %add3A_1419 = arith.addf %add3A_1417, %slice3A_1418 : vector<8x128xf32>
    %slice3A_1420 = vector.extract_strided_slice %mul3A_1406 {offsets = [24, 128], sizes = [8, 128], strides = [1, 1]} : vector<32x256xf32> to vector<8x128xf32>
    %add3A_1421 = arith.addf %add3A_1419, %slice3A_1420 : vector<8x128xf32>
    %slice3A_1422 = vector.extract_strided_slice %add3A_1421 {offsets = [0, 0], sizes = [4, 128], strides = [1, 1]} : vector<8x128xf32> to vector<4x128xf32>
    %slice3A_1423 = vector.extract_strided_slice %add3A_1421 {offsets = [4, 0], sizes = [4, 128], strides = [1, 1]} : vector<8x128xf32> to vector<4x128xf32>
    %add3A_1424 = arith.addf %slice3A_1422, %slice3A_1423 : vector<4x128xf32>
    %slice3A_1425 = vector.extract_strided_slice %add3A_1424 {offsets = [0, 0], sizes = [2, 128], strides = [1, 1]} : vector<4x128xf32> to vector<2x128xf32>
    %slice3A_1426 = vector.extract_strided_slice %add3A_1424 {offsets = [2, 0], sizes = [2, 128], strides = [1, 1]} : vector<4x128xf32> to vector<2x128xf32>
    %add3A_1427 = arith.addf %slice3A_1425, %slice3A_1426 : vector<2x128xf32>
    %slice3A_1428 = vector.extract_strided_slice %add3A_1427 {offsets = [0, 0], sizes = [1, 128], strides = [1, 1]} : vector<2x128xf32> to vector<1x128xf32>
    %slice3A_1429 = vector.extract_strided_slice %add3A_1427 {offsets = [1, 0], sizes = [1, 128], strides = [1, 1]} : vector<2x128xf32> to vector<1x128xf32>
    %add3A_1430 = arith.addf %slice3A_1428, %slice3A_1429 : vector<1x128xf32>
    %reduce_sum3A_1431 = arith.constant dense<0.000000e+00> : vector<1xf32>
    %reduce_sum3A_1432 = vector.multi_reduction <add>, %add3A_1430, %reduce_sum3A_1431 [1] : vector<1x128xf32> to vector<1xf32>
    %broadcast_in_dim3A_1433 = vector.shape_cast %reduce_sum3A_1432 : vector<1xf32> to vector<1x1xf32>
    %div3A_1434 = arith.constant 8.192000e+03 : f32
    %div3A_1435 = vector.broadcast %div3A_1434 : f32 to vector<1x1xf32>
    %div3A_1436 = arith.divf %broadcast_in_dim3A_1433, %div3A_1435 : vector<1x1xf32>
    %broadcast_in_dim3A_1437 = vector.shape_cast %div3A_1403 : vector<1x1xf32> to vector<1x1xf32>
    %broadcast_in_dim3A_1438 = vector.broadcast %broadcast_in_dim3A_1437 : vector<1x1xf32> to vector<1x32xf32>
    %broadcast_in_dim3A_1439 = vector.shape_cast %div3A_1436 : vector<1x1xf32> to vector<1x1xf32>
    %broadcast_in_dim3A_1440 = vector.broadcast %broadcast_in_dim3A_1439 : vector<1x1xf32> to vector<1x32xf32>
    %slice3A_1441 = vector.extract_strided_slice %transpose3A_1032 {offsets = [192, 0], sizes = [32, 256], strides = [1, 1]} : vector<256x256xf32> to vector<32x256xf32>
    %slice3A_1442 = vector.extract_strided_slice %slice3A_1441 {offsets = [0, 0], sizes = [8, 128], strides = [1, 1]} : vector<32x256xf32> to vector<8x128xf32>
    %slice3A_1443 = vector.extract_strided_slice %slice3A_1441 {offsets = [8, 0], sizes = [8, 128], strides = [1, 1]} : vector<32x256xf32> to vector<8x128xf32>
    %add3A_1444 = arith.addf %slice3A_1442, %slice3A_1443 : vector<8x128xf32>
    %slice3A_1445 = vector.extract_strided_slice %slice3A_1441 {offsets = [16, 0], sizes = [8, 128], strides = [1, 1]} : vector<32x256xf32> to vector<8x128xf32>
    %add3A_1446 = arith.addf %add3A_1444, %slice3A_1445 : vector<8x128xf32>
    %slice3A_1447 = vector.extract_strided_slice %slice3A_1441 {offsets = [24, 0], sizes = [8, 128], strides = [1, 1]} : vector<32x256xf32> to vector<8x128xf32>
    %add3A_1448 = arith.addf %add3A_1446, %slice3A_1447 : vector<8x128xf32>
    %slice3A_1449 = vector.extract_strided_slice %slice3A_1441 {offsets = [0, 128], sizes = [8, 128], strides = [1, 1]} : vector<32x256xf32> to vector<8x128xf32>
    %add3A_1450 = arith.addf %add3A_1448, %slice3A_1449 : vector<8x128xf32>
    %slice3A_1451 = vector.extract_strided_slice %slice3A_1441 {offsets = [8, 128], sizes = [8, 128], strides = [1, 1]} : vector<32x256xf32> to vector<8x128xf32>
    %add3A_1452 = arith.addf %add3A_1450, %slice3A_1451 : vector<8x128xf32>
    %slice3A_1453 = vector.extract_strided_slice %slice3A_1441 {offsets = [16, 128], sizes = [8, 128], strides = [1, 1]} : vector<32x256xf32> to vector<8x128xf32>
    %add3A_1454 = arith.addf %add3A_1452, %slice3A_1453 : vector<8x128xf32>
    %slice3A_1455 = vector.extract_strided_slice %slice3A_1441 {offsets = [24, 128], sizes = [8, 128], strides = [1, 1]} : vector<32x256xf32> to vector<8x128xf32>
    %add3A_1456 = arith.addf %add3A_1454, %slice3A_1455 : vector<8x128xf32>
    %slice3A_1457 = vector.extract_strided_slice %add3A_1456 {offsets = [0, 0], sizes = [4, 128], strides = [1, 1]} : vector<8x128xf32> to vector<4x128xf32>
    %slice3A_1458 = vector.extract_strided_slice %add3A_1456 {offsets = [4, 0], sizes = [4, 128], strides = [1, 1]} : vector<8x128xf32> to vector<4x128xf32>
    %add3A_1459 = arith.addf %slice3A_1457, %slice3A_1458 : vector<4x128xf32>
    %slice3A_1460 = vector.extract_strided_slice %add3A_1459 {offsets = [0, 0], sizes = [2, 128], strides = [1, 1]} : vector<4x128xf32> to vector<2x128xf32>
    %slice3A_1461 = vector.extract_strided_slice %add3A_1459 {offsets = [2, 0], sizes = [2, 128], strides = [1, 1]} : vector<4x128xf32> to vector<2x128xf32>
    %add3A_1462 = arith.addf %slice3A_1460, %slice3A_1461 : vector<2x128xf32>
    %slice3A_1463 = vector.extract_strided_slice %add3A_1462 {offsets = [0, 0], sizes = [1, 128], strides = [1, 1]} : vector<2x128xf32> to vector<1x128xf32>
    %slice3A_1464 = vector.extract_strided_slice %add3A_1462 {offsets = [1, 0], sizes = [1, 128], strides = [1, 1]} : vector<2x128xf32> to vector<1x128xf32>
    %add3A_1465 = arith.addf %slice3A_1463, %slice3A_1464 : vector<1x128xf32>
    %reduce_sum3A_1466 = arith.constant dense<0.000000e+00> : vector<1xf32>
    %reduce_sum3A_1467 = vector.multi_reduction <add>, %add3A_1465, %reduce_sum3A_1466 [1] : vector<1x128xf32> to vector<1xf32>
    %broadcast_in_dim3A_1468 = vector.shape_cast %reduce_sum3A_1467 : vector<1xf32> to vector<1x1xf32>
    %div3A_1469 = arith.constant 8.192000e+03 : f32
    %div3A_1470 = vector.broadcast %div3A_1469 : f32 to vector<1x1xf32>
    %div3A_1471 = arith.divf %broadcast_in_dim3A_1468, %div3A_1470 : vector<1x1xf32>
    %sub3A_1472 = vector.broadcast %div3A_1471 : vector<1x1xf32> to vector<32x256xf32>
    %sub3A_1473 = arith.subf %slice3A_1441, %sub3A_1472 : vector<32x256xf32>
    %mul3A_1474 = arith.mulf %sub3A_1473, %sub3A_1473 : vector<32x256xf32>
    %slice3A_1475 = vector.extract_strided_slice %mul3A_1474 {offsets = [0, 0], sizes = [8, 128], strides = [1, 1]} : vector<32x256xf32> to vector<8x128xf32>
    %slice3A_1476 = vector.extract_strided_slice %mul3A_1474 {offsets = [8, 0], sizes = [8, 128], strides = [1, 1]} : vector<32x256xf32> to vector<8x128xf32>
    %add3A_1477 = arith.addf %slice3A_1475, %slice3A_1476 : vector<8x128xf32>
    %slice3A_1478 = vector.extract_strided_slice %mul3A_1474 {offsets = [16, 0], sizes = [8, 128], strides = [1, 1]} : vector<32x256xf32> to vector<8x128xf32>
    %add3A_1479 = arith.addf %add3A_1477, %slice3A_1478 : vector<8x128xf32>
    %slice3A_1480 = vector.extract_strided_slice %mul3A_1474 {offsets = [24, 0], sizes = [8, 128], strides = [1, 1]} : vector<32x256xf32> to vector<8x128xf32>
    %add3A_1481 = arith.addf %add3A_1479, %slice3A_1480 : vector<8x128xf32>
    %slice3A_1482 = vector.extract_strided_slice %mul3A_1474 {offsets = [0, 128], sizes = [8, 128], strides = [1, 1]} : vector<32x256xf32> to vector<8x128xf32>
    %add3A_1483 = arith.addf %add3A_1481, %slice3A_1482 : vector<8x128xf32>
    %slice3A_1484 = vector.extract_strided_slice %mul3A_1474 {offsets = [8, 128], sizes = [8, 128], strides = [1, 1]} : vector<32x256xf32> to vector<8x128xf32>
    %add3A_1485 = arith.addf %add3A_1483, %slice3A_1484 : vector<8x128xf32>
    %slice3A_1486 = vector.extract_strided_slice %mul3A_1474 {offsets = [16, 128], sizes = [8, 128], strides = [1, 1]} : vector<32x256xf32> to vector<8x128xf32>
    %add3A_1487 = arith.addf %add3A_1485, %slice3A_1486 : vector<8x128xf32>
    %slice3A_1488 = vector.extract_strided_slice %mul3A_1474 {offsets = [24, 128], sizes = [8, 128], strides = [1, 1]} : vector<32x256xf32> to vector<8x128xf32>
    %add3A_1489 = arith.addf %add3A_1487, %slice3A_1488 : vector<8x128xf32>
    %slice3A_1490 = vector.extract_strided_slice %add3A_1489 {offsets = [0, 0], sizes = [4, 128], strides = [1, 1]} : vector<8x128xf32> to vector<4x128xf32>
    %slice3A_1491 = vector.extract_strided_slice %add3A_1489 {offsets = [4, 0], sizes = [4, 128], strides = [1, 1]} : vector<8x128xf32> to vector<4x128xf32>
    %add3A_1492 = arith.addf %slice3A_1490, %slice3A_1491 : vector<4x128xf32>
    %slice3A_1493 = vector.extract_strided_slice %add3A_1492 {offsets = [0, 0], sizes = [2, 128], strides = [1, 1]} : vector<4x128xf32> to vector<2x128xf32>
    %slice3A_1494 = vector.extract_strided_slice %add3A_1492 {offsets = [2, 0], sizes = [2, 128], strides = [1, 1]} : vector<4x128xf32> to vector<2x128xf32>
    %add3A_1495 = arith.addf %slice3A_1493, %slice3A_1494 : vector<2x128xf32>
    %slice3A_1496 = vector.extract_strided_slice %add3A_1495 {offsets = [0, 0], sizes = [1, 128], strides = [1, 1]} : vector<2x128xf32> to vector<1x128xf32>
    %slice3A_1497 = vector.extract_strided_slice %add3A_1495 {offsets = [1, 0], sizes = [1, 128], strides = [1, 1]} : vector<2x128xf32> to vector<1x128xf32>
    %add3A_1498 = arith.addf %slice3A_1496, %slice3A_1497 : vector<1x128xf32>
    %reduce_sum3A_1499 = arith.constant dense<0.000000e+00> : vector<1xf32>
    %reduce_sum3A_1500 = vector.multi_reduction <add>, %add3A_1498, %reduce_sum3A_1499 [1] : vector<1x128xf32> to vector<1xf32>
    %broadcast_in_dim3A_1501 = vector.shape_cast %reduce_sum3A_1500 : vector<1xf32> to vector<1x1xf32>
    %div3A_1502 = arith.constant 8.192000e+03 : f32
    %div3A_1503 = vector.broadcast %div3A_1502 : f32 to vector<1x1xf32>
    %div3A_1504 = arith.divf %broadcast_in_dim3A_1501, %div3A_1503 : vector<1x1xf32>
    %broadcast_in_dim3A_1505 = vector.shape_cast %div3A_1471 : vector<1x1xf32> to vector<1x1xf32>
    %broadcast_in_dim3A_1506 = vector.broadcast %broadcast_in_dim3A_1505 : vector<1x1xf32> to vector<1x32xf32>
    %broadcast_in_dim3A_1507 = vector.shape_cast %div3A_1504 : vector<1x1xf32> to vector<1x1xf32>
    %broadcast_in_dim3A_1508 = vector.broadcast %broadcast_in_dim3A_1507 : vector<1x1xf32> to vector<1x32xf32>
    %slice3A_1509 = vector.extract_strided_slice %transpose3A_1032 {offsets = [224, 0], sizes = [32, 256], strides = [1, 1]} : vector<256x256xf32> to vector<32x256xf32>
    %slice3A_1510 = vector.extract_strided_slice %slice3A_1509 {offsets = [0, 0], sizes = [8, 128], strides = [1, 1]} : vector<32x256xf32> to vector<8x128xf32>
    %slice3A_1511 = vector.extract_strided_slice %slice3A_1509 {offsets = [8, 0], sizes = [8, 128], strides = [1, 1]} : vector<32x256xf32> to vector<8x128xf32>
    %add3A_1512 = arith.addf %slice3A_1510, %slice3A_1511 : vector<8x128xf32>
    %slice3A_1513 = vector.extract_strided_slice %slice3A_1509 {offsets = [16, 0], sizes = [8, 128], strides = [1, 1]} : vector<32x256xf32> to vector<8x128xf32>
    %add3A_1514 = arith.addf %add3A_1512, %slice3A_1513 : vector<8x128xf32>
    %slice3A_1515 = vector.extract_strided_slice %slice3A_1509 {offsets = [24, 0], sizes = [8, 128], strides = [1, 1]} : vector<32x256xf32> to vector<8x128xf32>
    %add3A_1516 = arith.addf %add3A_1514, %slice3A_1515 : vector<8x128xf32>
    %slice3A_1517 = vector.extract_strided_slice %slice3A_1509 {offsets = [0, 128], sizes = [8, 128], strides = [1, 1]} : vector<32x256xf32> to vector<8x128xf32>
    %add3A_1518 = arith.addf %add3A_1516, %slice3A_1517 : vector<8x128xf32>
    %slice3A_1519 = vector.extract_strided_slice %slice3A_1509 {offsets = [8, 128], sizes = [8, 128], strides = [1, 1]} : vector<32x256xf32> to vector<8x128xf32>
    %add3A_1520 = arith.addf %add3A_1518, %slice3A_1519 : vector<8x128xf32>
    %slice3A_1521 = vector.extract_strided_slice %slice3A_1509 {offsets = [16, 128], sizes = [8, 128], strides = [1, 1]} : vector<32x256xf32> to vector<8x128xf32>
    %add3A_1522 = arith.addf %add3A_1520, %slice3A_1521 : vector<8x128xf32>
    %slice3A_1523 = vector.extract_strided_slice %slice3A_1509 {offsets = [24, 128], sizes = [8, 128], strides = [1, 1]} : vector<32x256xf32> to vector<8x128xf32>
    %add3A_1524 = arith.addf %add3A_1522, %slice3A_1523 : vector<8x128xf32>
    %slice3A_1525 = vector.extract_strided_slice %add3A_1524 {offsets = [0, 0], sizes = [4, 128], strides = [1, 1]} : vector<8x128xf32> to vector<4x128xf32>
    %slice3A_1526 = vector.extract_strided_slice %add3A_1524 {offsets = [4, 0], sizes = [4, 128], strides = [1, 1]} : vector<8x128xf32> to vector<4x128xf32>
    %add3A_1527 = arith.addf %slice3A_1525, %slice3A_1526 : vector<4x128xf32>
    %slice3A_1528 = vector.extract_strided_slice %add3A_1527 {offsets = [0, 0], sizes = [2, 128], strides = [1, 1]} : vector<4x128xf32> to vector<2x128xf32>
    %slice3A_1529 = vector.extract_strided_slice %add3A_1527 {offsets = [2, 0], sizes = [2, 128], strides = [1, 1]} : vector<4x128xf32> to vector<2x128xf32>
    %add3A_1530 = arith.addf %slice3A_1528, %slice3A_1529 : vector<2x128xf32>
    %slice3A_1531 = vector.extract_strided_slice %add3A_1530 {offsets = [0, 0], sizes = [1, 128], strides = [1, 1]} : vector<2x128xf32> to vector<1x128xf32>
    %slice3A_1532 = vector.extract_strided_slice %add3A_1530 {offsets = [1, 0], sizes = [1, 128], strides = [1, 1]} : vector<2x128xf32> to vector<1x128xf32>
    %add3A_1533 = arith.addf %slice3A_1531, %slice3A_1532 : vector<1x128xf32>
    %reduce_sum3A_1534 = arith.constant dense<0.000000e+00> : vector<1xf32>
    %reduce_sum3A_1535 = vector.multi_reduction <add>, %add3A_1533, %reduce_sum3A_1534 [1] : vector<1x128xf32> to vector<1xf32>
    %broadcast_in_dim3A_1536 = vector.shape_cast %reduce_sum3A_1535 : vector<1xf32> to vector<1x1xf32>
    %div3A_1537 = arith.constant 8.192000e+03 : f32
    %div3A_1538 = vector.broadcast %div3A_1537 : f32 to vector<1x1xf32>
    %div3A_1539 = arith.divf %broadcast_in_dim3A_1536, %div3A_1538 : vector<1x1xf32>
    %sub3A_1540 = vector.broadcast %div3A_1539 : vector<1x1xf32> to vector<32x256xf32>
    %sub3A_1541 = arith.subf %slice3A_1509, %sub3A_1540 : vector<32x256xf32>
    %mul3A_1542 = arith.mulf %sub3A_1541, %sub3A_1541 : vector<32x256xf32>
    %slice3A_1543 = vector.extract_strided_slice %mul3A_1542 {offsets = [0, 0], sizes = [8, 128], strides = [1, 1]} : vector<32x256xf32> to vector<8x128xf32>
    %slice3A_1544 = vector.extract_strided_slice %mul3A_1542 {offsets = [8, 0], sizes = [8, 128], strides = [1, 1]} : vector<32x256xf32> to vector<8x128xf32>
    %add3A_1545 = arith.addf %slice3A_1543, %slice3A_1544 : vector<8x128xf32>
    %slice3A_1546 = vector.extract_strided_slice %mul3A_1542 {offsets = [16, 0], sizes = [8, 128], strides = [1, 1]} : vector<32x256xf32> to vector<8x128xf32>
    %add3A_1547 = arith.addf %add3A_1545, %slice3A_1546 : vector<8x128xf32>
    %slice3A_1548 = vector.extract_strided_slice %mul3A_1542 {offsets = [24, 0], sizes = [8, 128], strides = [1, 1]} : vector<32x256xf32> to vector<8x128xf32>
    %add3A_1549 = arith.addf %add3A_1547, %slice3A_1548 : vector<8x128xf32>
    %slice3A_1550 = vector.extract_strided_slice %mul3A_1542 {offsets = [0, 128], sizes = [8, 128], strides = [1, 1]} : vector<32x256xf32> to vector<8x128xf32>
    %add3A_1551 = arith.addf %add3A_1549, %slice3A_1550 : vector<8x128xf32>
    %slice3A_1552 = vector.extract_strided_slice %mul3A_1542 {offsets = [8, 128], sizes = [8, 128], strides = [1, 1]} : vector<32x256xf32> to vector<8x128xf32>
    %add3A_1553 = arith.addf %add3A_1551, %slice3A_1552 : vector<8x128xf32>
    %slice3A_1554 = vector.extract_strided_slice %mul3A_1542 {offsets = [16, 128], sizes = [8, 128], strides = [1, 1]} : vector<32x256xf32> to vector<8x128xf32>
    %add3A_1555 = arith.addf %add3A_1553, %slice3A_1554 : vector<8x128xf32>
    %slice3A_1556 = vector.extract_strided_slice %mul3A_1542 {offsets = [24, 128], sizes = [8, 128], strides = [1, 1]} : vector<32x256xf32> to vector<8x128xf32>
    %add3A_1557 = arith.addf %add3A_1555, %slice3A_1556 : vector<8x128xf32>
    %slice3A_1558 = vector.extract_strided_slice %add3A_1557 {offsets = [0, 0], sizes = [4, 128], strides = [1, 1]} : vector<8x128xf32> to vector<4x128xf32>
    %slice3A_1559 = vector.extract_strided_slice %add3A_1557 {offsets = [4, 0], sizes = [4, 128], strides = [1, 1]} : vector<8x128xf32> to vector<4x128xf32>
    %add3A_1560 = arith.addf %slice3A_1558, %slice3A_1559 : vector<4x128xf32>
    %slice3A_1561 = vector.extract_strided_slice %add3A_1560 {offsets = [0, 0], sizes = [2, 128], strides = [1, 1]} : vector<4x128xf32> to vector<2x128xf32>
    %slice3A_1562 = vector.extract_strided_slice %add3A_1560 {offsets = [2, 0], sizes = [2, 128], strides = [1, 1]} : vector<4x128xf32> to vector<2x128xf32>
    %add3A_1563 = arith.addf %slice3A_1561, %slice3A_1562 : vector<2x128xf32>
    %slice3A_1564 = vector.extract_strided_slice %add3A_1563 {offsets = [0, 0], sizes = [1, 128], strides = [1, 1]} : vector<2x128xf32> to vector<1x128xf32>
    %slice3A_1565 = vector.extract_strided_slice %add3A_1563 {offsets = [1, 0], sizes = [1, 128], strides = [1, 1]} : vector<2x128xf32> to vector<1x128xf32>
    %add3A_1566 = arith.addf %slice3A_1564, %slice3A_1565 : vector<1x128xf32>
    %reduce_sum3A_1567 = arith.constant dense<0.000000e+00> : vector<1xf32>
    %reduce_sum3A_1568 = vector.multi_reduction <add>, %add3A_1566, %reduce_sum3A_1567 [1] : vector<1x128xf32> to vector<1xf32>
    %broadcast_in_dim3A_1569 = vector.shape_cast %reduce_sum3A_1568 : vector<1xf32> to vector<1x1xf32>
    %div3A_1570 = arith.constant 8.192000e+03 : f32
    %div3A_1571 = vector.broadcast %div3A_1570 : f32 to vector<1x1xf32>
    %div3A_1572 = arith.divf %broadcast_in_dim3A_1569, %div3A_1571 : vector<1x1xf32>
    %broadcast_in_dim3A_1573 = vector.shape_cast %div3A_1539 : vector<1x1xf32> to vector<1x1xf32>
    %broadcast_in_dim3A_1574 = vector.broadcast %broadcast_in_dim3A_1573 : vector<1x1xf32> to vector<1x32xf32>
    %broadcast_in_dim3A_1575 = vector.shape_cast %div3A_1572 : vector<1x1xf32> to vector<1x1xf32>
    %broadcast_in_dim3A_1576 = vector.broadcast %broadcast_in_dim3A_1575 : vector<1x1xf32> to vector<1x32xf32>
    %concatenate3A_1577 = tpu.concatenate %broadcast_in_dim3A_1098, %broadcast_in_dim3A_1166, %broadcast_in_dim3A_1234, %broadcast_in_dim3A_1302, %broadcast_in_dim3A_1370, %broadcast_in_dim3A_1438, %broadcast_in_dim3A_1506, %broadcast_in_dim3A_1574 in 1 : vector<1x32xf32>, vector<1x32xf32>, vector<1x32xf32>, vector<1x32xf32>, vector<1x32xf32>, vector<1x32xf32>, vector<1x32xf32>, vector<1x32xf32> -> vector<1x256xf32>
    %concatenate3A_1578 = tpu.concatenate %broadcast_in_dim3A_1100, %broadcast_in_dim3A_1168, %broadcast_in_dim3A_1236, %broadcast_in_dim3A_1304, %broadcast_in_dim3A_1372, %broadcast_in_dim3A_1440, %broadcast_in_dim3A_1508, %broadcast_in_dim3A_1576 in 1 : vector<1x32xf32>, vector<1x32xf32>, vector<1x32xf32>, vector<1x32xf32>, vector<1x32xf32>, vector<1x32xf32>, vector<1x32xf32>, vector<1x32xf32> -> vector<1x256xf32>
    %sub3A_1579 = vector.broadcast %concatenate3A_1577 : vector<1x256xf32> to vector<256x256xf32>
    %sub3A_1580 = arith.subf %add3A_1025, %sub3A_1579 : vector<256x256xf32>
    %add3A_1581 = arith.constant 9.99999974E-6 : f32
    %add3A_1582 = vector.broadcast %add3A_1581 : f32 to vector<1x256xf32>
    %add3A_1583 = arith.addf %concatenate3A_1578, %add3A_1582 : vector<1x256xf32>
    %rsqrt3A_1584 = math.rsqrt %add3A_1583 : vector<1x256xf32>
    %mul3A_1585 = vector.broadcast %rsqrt3A_1584 : vector<1x256xf32> to vector<256x256xf32>
    %mul3A_1586 = arith.mulf %sub3A_1580, %mul3A_1585 : vector<256x256xf32>
    %mul3A_1587 = vector.broadcast %get3A_1028 : vector<1x256xf32> to vector<256x256xf32>
    %mul3A_1588 = arith.mulf %mul3A_1586, %mul3A_1587 : vector<256x256xf32>
    %add3A_1589 = vector.broadcast %get3A_1031 : vector<1x256xf32> to vector<256x256xf32>
    %add3A_1590 = arith.addf %mul3A_1588, %add3A_1589 : vector<256x256xf32>
    %max3A_1591 = arith.constant 0.000000e+00 : f32
    %max3A_1592 = vector.broadcast %max3A_1591 : f32 to vector<256x256xf32>
    %max3A_1593 = arith.maximumf %add3A_1590, %max3A_1592 : vector<256x256xf32>
    %broadcast_in_dim3A_1594 = arith.constant 0.000000e+00 : f32
    %broadcast_in_dim3A_1595 = vector.broadcast %broadcast_in_dim3A_1594 : f32 to vector<264x256xf32>
    %swap3A_1596 = arith.constant 0 : index
    %swap3A_1597 = arith.constant 0 : index
    %swap3A_1598 = vector.load %arg23[%swap3A_1596, %swap3A_1597] : memref<264x256xf32, #tpu.memory_space<vmem>>, vector<264x256xf32>
    tpu.vector_store %arg23[%swap3A_1596, %swap3A_1597], %broadcast_in_dim3A_1595 {strides = array<i32>} : memref<264x256xf32, #tpu.memory_space<vmem>>, vector<264x256xf32>,
    %swap3A_1599 = arith.constant 1 : index
    %swap3A_1600 = arith.constant 0 : index
    %swap3A_1601 = vector.load %arg23[%swap3A_1599, %swap3A_1600] : memref<264x256xf32, #tpu.memory_space<vmem>>, vector<256x256xf32>
    tpu.vector_store %arg23[%swap3A_1599, %swap3A_1600], %max3A_1593 {strides = array<i32>} : memref<264x256xf32, #tpu.memory_space<vmem>>, vector<256x256xf32>,
    %get3A_1602 = arith.constant 0 : index
    %get3A_1603 = arith.constant 0 : index
    %get3A_1604 = vector.load %arg23[%get3A_1602, %get3A_1603] : memref<264x256xf32, #tpu.memory_space<vmem>>, vector<256x256xf32>
    %get3A_1605 = arith.constant 0 : index
    %get3A_1606 = arith.constant 0 : index
    %get3A_1607 = arith.constant 0 : index
    %get3A_1608 = vector.load %arg13[%get3A_1605, %get3A_1606, %get3A_1607] : memref<3x256x64xf32, #tpu.memory_space<vmem>>, vector<1x256x64xf32>
    %get3A_1609 = vector.shape_cast %get3A_1608 : vector<1x256x64xf32> to vector<256x64xf32>
    %convert_element_type3A_1610 = arith.truncf %get3A_1604 : vector<256x256xf32> to vector<256x256xbf16>
    %convert_element_type3A_1611 = arith.truncf %get3A_1609 : vector<256x64xf32> to vector<256x64xbf16>
    %dot_general3A_1612 = arith.constant dense<0.000000e+00> : vector<256x64xf32>
    %dot_general3A_1613 = tpu.matmul %convert_element_type3A_1610, %convert_element_type3A_1611, %dot_general3A_1612 {dimension_numbers = #tpu.dot_dimension_numbers<[1], [0], [0], [1], [0, 0, 1, 1], [], []>, transpose_lhs_hint = false} : vector<256x256xbf16>, vector<256x64xbf16>, vector<256x64xf32> -> vector<256x64xf32>
    %get3A_1614 = arith.constant 1 : index
    %get3A_1615 = arith.constant 0 : index
    %get3A_1616 = vector.load %arg23[%get3A_1614, %get3A_1615] : memref<264x256xf32, #tpu.memory_space<vmem>>, vector<256x256xf32>
    %get3A_1617 = arith.constant 1 : index
    %get3A_1618 = arith.constant 0 : index
    %get3A_1619 = arith.constant 0 : index
    %get3A_1620 = vector.load %arg13[%get3A_1617, %get3A_1618, %get3A_1619] : memref<3x256x64xf32, #tpu.memory_space<vmem>>, vector<1x256x64xf32>
    %get3A_1621 = vector.shape_cast %get3A_1620 : vector<1x256x64xf32> to vector<256x64xf32>
    %convert_element_type3A_1622 = arith.truncf %get3A_1616 : vector<256x256xf32> to vector<256x256xbf16>
    %convert_element_type3A_1623 = arith.truncf %get3A_1621 : vector<256x64xf32> to vector<256x64xbf16>
    %dot_general3A_1624 = arith.constant dense<0.000000e+00> : vector<256x64xf32>
    %dot_general3A_1625 = tpu.matmul %convert_element_type3A_1622, %convert_element_type3A_1623, %dot_general3A_1624 {dimension_numbers = #tpu.dot_dimension_numbers<[1], [0], [0], [1], [0, 0, 1, 1], [], []>, transpose_lhs_hint = false} : vector<256x256xbf16>, vector<256x64xbf16>, vector<256x64xf32> -> vector<256x64xf32>
    %add3A_1626 = arith.addf %dot_general3A_1613, %dot_general3A_1625 : vector<256x64xf32>
    %get3A_1627 = arith.constant 2 : index
    %get3A_1628 = arith.constant 0 : index
    %get3A_1629 = vector.load %arg23[%get3A_1627, %get3A_1628] : memref<264x256xf32, #tpu.memory_space<vmem>>, vector<256x256xf32>
    %get3A_1630 = arith.constant 2 : index
    %get3A_1631 = arith.constant 0 : index
    %get3A_1632 = arith.constant 0 : index
    %get3A_1633 = vector.load %arg13[%get3A_1630, %get3A_1631, %get3A_1632] : memref<3x256x64xf32, #tpu.memory_space<vmem>>, vector<1x256x64xf32>
    %get3A_1634 = vector.shape_cast %get3A_1633 : vector<1x256x64xf32> to vector<256x64xf32>
    %convert_element_type3A_1635 = arith.truncf %get3A_1629 : vector<256x256xf32> to vector<256x256xbf16>
    %convert_element_type3A_1636 = arith.truncf %get3A_1634 : vector<256x64xf32> to vector<256x64xbf16>
    %dot_general3A_1637 = arith.constant dense<0.000000e+00> : vector<256x64xf32>
    %dot_general3A_1638 = tpu.matmul %convert_element_type3A_1635, %convert_element_type3A_1636, %dot_general3A_1637 {dimension_numbers = #tpu.dot_dimension_numbers<[1], [0], [0], [1], [0, 0, 1, 1], [], []>, transpose_lhs_hint = false} : vector<256x256xbf16>, vector<256x64xbf16>, vector<256x64xf32> -> vector<256x64xf32>
    %add3A_1639 = arith.addf %add3A_1626, %dot_general3A_1638 : vector<256x64xf32>
    %get3A_1640 = arith.constant 0 : index
    %get3A_1641 = arith.constant 0 : index
    %get3A_1642 = vector.load %arg14[%get3A_1640, %get3A_1641] : memref<1x64xf32, #tpu.memory_space<vmem>>, vector<1x64xf32>
    %get3A_1643 = arith.constant 0 : index
    %get3A_1644 = arith.constant 0 : index
    %get3A_1645 = vector.load %arg15[%get3A_1643, %get3A_1644] : memref<1x64xf32, #tpu.memory_space<vmem>>, vector<1x64xf32>
    %transpose3A_1646 = tpu.transpose %add3A_1639, [1, 0] : vector<256x64xf32> -> vector<64x256xf32>
    %slice3A_1647 = vector.extract_strided_slice %transpose3A_1646 {offsets = [0, 0], sizes = [8, 256], strides = [1, 1]} : vector<64x256xf32> to vector<8x256xf32>
    %slice3A_1648 = vector.extract_strided_slice %slice3A_1647 {offsets = [0, 0], sizes = [8, 128], strides = [1, 1]} : vector<8x256xf32> to vector<8x128xf32>
    %slice3A_1649 = vector.extract_strided_slice %slice3A_1647 {offsets = [0, 128], sizes = [8, 128], strides = [1, 1]} : vector<8x256xf32> to vector<8x128xf32>
    %add3A_1650 = arith.addf %slice3A_1648, %slice3A_1649 : vector<8x128xf32>
    %slice3A_1651 = vector.extract_strided_slice %add3A_1650 {offsets = [0, 0], sizes = [4, 128], strides = [1, 1]} : vector<8x128xf32> to vector<4x128xf32>
    %slice3A_1652 = vector.extract_strided_slice %add3A_1650 {offsets = [4, 0], sizes = [4, 128], strides = [1, 1]} : vector<8x128xf32> to vector<4x128xf32>
    %add3A_1653 = arith.addf %slice3A_1651, %slice3A_1652 : vector<4x128xf32>
    %slice3A_1654 = vector.extract_strided_slice %add3A_1653 {offsets = [0, 0], sizes = [2, 128], strides = [1, 1]} : vector<4x128xf32> to vector<2x128xf32>
    %slice3A_1655 = vector.extract_strided_slice %add3A_1653 {offsets = [2, 0], sizes = [2, 128], strides = [1, 1]} : vector<4x128xf32> to vector<2x128xf32>
    %add3A_1656 = arith.addf %slice3A_1654, %slice3A_1655 : vector<2x128xf32>
    %slice3A_1657 = vector.extract_strided_slice %add3A_1656 {offsets = [0, 0], sizes = [1, 128], strides = [1, 1]} : vector<2x128xf32> to vector<1x128xf32>
    %slice3A_1658 = vector.extract_strided_slice %add3A_1656 {offsets = [1, 0], sizes = [1, 128], strides = [1, 1]} : vector<2x128xf32> to vector<1x128xf32>
    %add3A_1659 = arith.addf %slice3A_1657, %slice3A_1658 : vector<1x128xf32>
    %reduce_sum3A_1660 = arith.constant dense<0.000000e+00> : vector<1xf32>
    %reduce_sum3A_1661 = vector.multi_reduction <add>, %add3A_1659, %reduce_sum3A_1660 [1] : vector<1x128xf32> to vector<1xf32>
    %broadcast_in_dim3A_1662 = vector.shape_cast %reduce_sum3A_1661 : vector<1xf32> to vector<1x1xf32>
    %div3A_1663 = arith.constant 2.048000e+03 : f32
    %div3A_1664 = vector.broadcast %div3A_1663 : f32 to vector<1x1xf32>
    %div3A_1665 = arith.divf %broadcast_in_dim3A_1662, %div3A_1664 : vector<1x1xf32>
    %sub3A_1666 = vector.broadcast %div3A_1665 : vector<1x1xf32> to vector<8x256xf32>
    %sub3A_1667 = arith.subf %slice3A_1647, %sub3A_1666 : vector<8x256xf32>
    %mul3A_1668 = arith.mulf %sub3A_1667, %sub3A_1667 : vector<8x256xf32>
    %slice3A_1669 = vector.extract_strided_slice %mul3A_1668 {offsets = [0, 0], sizes = [8, 128], strides = [1, 1]} : vector<8x256xf32> to vector<8x128xf32>
    %slice3A_1670 = vector.extract_strided_slice %mul3A_1668 {offsets = [0, 128], sizes = [8, 128], strides = [1, 1]} : vector<8x256xf32> to vector<8x128xf32>
    %add3A_1671 = arith.addf %slice3A_1669, %slice3A_1670 : vector<8x128xf32>
    %slice3A_1672 = vector.extract_strided_slice %add3A_1671 {offsets = [0, 0], sizes = [4, 128], strides = [1, 1]} : vector<8x128xf32> to vector<4x128xf32>
    %slice3A_1673 = vector.extract_strided_slice %add3A_1671 {offsets = [4, 0], sizes = [4, 128], strides = [1, 1]} : vector<8x128xf32> to vector<4x128xf32>
    %add3A_1674 = arith.addf %slice3A_1672, %slice3A_1673 : vector<4x128xf32>
    %slice3A_1675 = vector.extract_strided_slice %add3A_1674 {offsets = [0, 0], sizes = [2, 128], strides = [1, 1]} : vector<4x128xf32> to vector<2x128xf32>
    %slice3A_1676 = vector.extract_strided_slice %add3A_1674 {offsets = [2, 0], sizes = [2, 128], strides = [1, 1]} : vector<4x128xf32> to vector<2x128xf32>
    %add3A_1677 = arith.addf %slice3A_1675, %slice3A_1676 : vector<2x128xf32>
    %slice3A_1678 = vector.extract_strided_slice %add3A_1677 {offsets = [0, 0], sizes = [1, 128], strides = [1, 1]} : vector<2x128xf32> to vector<1x128xf32>
    %slice3A_1679 = vector.extract_strided_slice %add3A_1677 {offsets = [1, 0], sizes = [1, 128], strides = [1, 1]} : vector<2x128xf32> to vector<1x128xf32>
    %add3A_1680 = arith.addf %slice3A_1678, %slice3A_1679 : vector<1x128xf32>
    %reduce_sum3A_1681 = arith.constant dense<0.000000e+00> : vector<1xf32>
    %reduce_sum3A_1682 = vector.multi_reduction <add>, %add3A_1680, %reduce_sum3A_1681 [1] : vector<1x128xf32> to vector<1xf32>
    %broadcast_in_dim3A_1683 = vector.shape_cast %reduce_sum3A_1682 : vector<1xf32> to vector<1x1xf32>
    %div3A_1684 = arith.constant 2.048000e+03 : f32
    %div3A_1685 = vector.broadcast %div3A_1684 : f32 to vector<1x1xf32>
    %div3A_1686 = arith.divf %broadcast_in_dim3A_1683, %div3A_1685 : vector<1x1xf32>
    %broadcast_in_dim3A_1687 = vector.shape_cast %div3A_1665 : vector<1x1xf32> to vector<1x1xf32>
    %broadcast_in_dim3A_1688 = vector.broadcast %broadcast_in_dim3A_1687 : vector<1x1xf32> to vector<1x8xf32>
    %broadcast_in_dim3A_1689 = vector.shape_cast %div3A_1686 : vector<1x1xf32> to vector<1x1xf32>
    %broadcast_in_dim3A_1690 = vector.broadcast %broadcast_in_dim3A_1689 : vector<1x1xf32> to vector<1x8xf32>
    %slice3A_1691 = vector.extract_strided_slice %transpose3A_1646 {offsets = [8, 0], sizes = [8, 256], strides = [1, 1]} : vector<64x256xf32> to vector<8x256xf32>
    %slice3A_1692 = vector.extract_strided_slice %slice3A_1691 {offsets = [0, 0], sizes = [8, 128], strides = [1, 1]} : vector<8x256xf32> to vector<8x128xf32>
    %slice3A_1693 = vector.extract_strided_slice %slice3A_1691 {offsets = [0, 128], sizes = [8, 128], strides = [1, 1]} : vector<8x256xf32> to vector<8x128xf32>
    %add3A_1694 = arith.addf %slice3A_1692, %slice3A_1693 : vector<8x128xf32>
    %slice3A_1695 = vector.extract_strided_slice %add3A_1694 {offsets = [0, 0], sizes = [4, 128], strides = [1, 1]} : vector<8x128xf32> to vector<4x128xf32>
    %slice3A_1696 = vector.extract_strided_slice %add3A_1694 {offsets = [4, 0], sizes = [4, 128], strides = [1, 1]} : vector<8x128xf32> to vector<4x128xf32>
    %add3A_1697 = arith.addf %slice3A_1695, %slice3A_1696 : vector<4x128xf32>
    %slice3A_1698 = vector.extract_strided_slice %add3A_1697 {offsets = [0, 0], sizes = [2, 128], strides = [1, 1]} : vector<4x128xf32> to vector<2x128xf32>
    %slice3A_1699 = vector.extract_strided_slice %add3A_1697 {offsets = [2, 0], sizes = [2, 128], strides = [1, 1]} : vector<4x128xf32> to vector<2x128xf32>
    %add3A_1700 = arith.addf %slice3A_1698, %slice3A_1699 : vector<2x128xf32>
    %slice3A_1701 = vector.extract_strided_slice %add3A_1700 {offsets = [0, 0], sizes = [1, 128], strides = [1, 1]} : vector<2x128xf32> to vector<1x128xf32>
    %slice3A_1702 = vector.extract_strided_slice %add3A_1700 {offsets = [1, 0], sizes = [1, 128], strides = [1, 1]} : vector<2x128xf32> to vector<1x128xf32>
    %add3A_1703 = arith.addf %slice3A_1701, %slice3A_1702 : vector<1x128xf32>
    %reduce_sum3A_1704 = arith.constant dense<0.000000e+00> : vector<1xf32>
    %reduce_sum3A_1705 = vector.multi_reduction <add>, %add3A_1703, %reduce_sum3A_1704 [1] : vector<1x128xf32> to vector<1xf32>
    %broadcast_in_dim3A_1706 = vector.shape_cast %reduce_sum3A_1705 : vector<1xf32> to vector<1x1xf32>
    %div3A_1707 = arith.constant 2.048000e+03 : f32
    %div3A_1708 = vector.broadcast %div3A_1707 : f32 to vector<1x1xf32>
    %div3A_1709 = arith.divf %broadcast_in_dim3A_1706, %div3A_1708 : vector<1x1xf32>
    %sub3A_1710 = vector.broadcast %div3A_1709 : vector<1x1xf32> to vector<8x256xf32>
    %sub3A_1711 = arith.subf %slice3A_1691, %sub3A_1710 : vector<8x256xf32>
    %mul3A_1712 = arith.mulf %sub3A_1711, %sub3A_1711 : vector<8x256xf32>
    %slice3A_1713 = vector.extract_strided_slice %mul3A_1712 {offsets = [0, 0], sizes = [8, 128], strides = [1, 1]} : vector<8x256xf32> to vector<8x128xf32>
    %slice3A_1714 = vector.extract_strided_slice %mul3A_1712 {offsets = [0, 128], sizes = [8, 128], strides = [1, 1]} : vector<8x256xf32> to vector<8x128xf32>
    %add3A_1715 = arith.addf %slice3A_1713, %slice3A_1714 : vector<8x128xf32>
    %slice3A_1716 = vector.extract_strided_slice %add3A_1715 {offsets = [0, 0], sizes = [4, 128], strides = [1, 1]} : vector<8x128xf32> to vector<4x128xf32>
    %slice3A_1717 = vector.extract_strided_slice %add3A_1715 {offsets = [4, 0], sizes = [4, 128], strides = [1, 1]} : vector<8x128xf32> to vector<4x128xf32>
    %add3A_1718 = arith.addf %slice3A_1716, %slice3A_1717 : vector<4x128xf32>
    %slice3A_1719 = vector.extract_strided_slice %add3A_1718 {offsets = [0, 0], sizes = [2, 128], strides = [1, 1]} : vector<4x128xf32> to vector<2x128xf32>
    %slice3A_1720 = vector.extract_strided_slice %add3A_1718 {offsets = [2, 0], sizes = [2, 128], strides = [1, 1]} : vector<4x128xf32> to vector<2x128xf32>
    %add3A_1721 = arith.addf %slice3A_1719, %slice3A_1720 : vector<2x128xf32>
    %slice3A_1722 = vector.extract_strided_slice %add3A_1721 {offsets = [0, 0], sizes = [1, 128], strides = [1, 1]} : vector<2x128xf32> to vector<1x128xf32>
    %slice3A_1723 = vector.extract_strided_slice %add3A_1721 {offsets = [1, 0], sizes = [1, 128], strides = [1, 1]} : vector<2x128xf32> to vector<1x128xf32>
    %add3A_1724 = arith.addf %slice3A_1722, %slice3A_1723 : vector<1x128xf32>
    %reduce_sum3A_1725 = arith.constant dense<0.000000e+00> : vector<1xf32>
    %reduce_sum3A_1726 = vector.multi_reduction <add>, %add3A_1724, %reduce_sum3A_1725 [1] : vector<1x128xf32> to vector<1xf32>
    %broadcast_in_dim3A_1727 = vector.shape_cast %reduce_sum3A_1726 : vector<1xf32> to vector<1x1xf32>
    %div3A_1728 = arith.constant 2.048000e+03 : f32
    %div3A_1729 = vector.broadcast %div3A_1728 : f32 to vector<1x1xf32>
    %div3A_1730 = arith.divf %broadcast_in_dim3A_1727, %div3A_1729 : vector<1x1xf32>
    %broadcast_in_dim3A_1731 = vector.shape_cast %div3A_1709 : vector<1x1xf32> to vector<1x1xf32>
    %broadcast_in_dim3A_1732 = vector.broadcast %broadcast_in_dim3A_1731 : vector<1x1xf32> to vector<1x8xf32>
    %broadcast_in_dim3A_1733 = vector.shape_cast %div3A_1730 : vector<1x1xf32> to vector<1x1xf32>
    %broadcast_in_dim3A_1734 = vector.broadcast %broadcast_in_dim3A_1733 : vector<1x1xf32> to vector<1x8xf32>
    %slice3A_1735 = vector.extract_strided_slice %transpose3A_1646 {offsets = [16, 0], sizes = [8, 256], strides = [1, 1]} : vector<64x256xf32> to vector<8x256xf32>
    %slice3A_1736 = vector.extract_strided_slice %slice3A_1735 {offsets = [0, 0], sizes = [8, 128], strides = [1, 1]} : vector<8x256xf32> to vector<8x128xf32>
    %slice3A_1737 = vector.extract_strided_slice %slice3A_1735 {offsets = [0, 128], sizes = [8, 128], strides = [1, 1]} : vector<8x256xf32> to vector<8x128xf32>
    %add3A_1738 = arith.addf %slice3A_1736, %slice3A_1737 : vector<8x128xf32>
    %slice3A_1739 = vector.extract_strided_slice %add3A_1738 {offsets = [0, 0], sizes = [4, 128], strides = [1, 1]} : vector<8x128xf32> to vector<4x128xf32>
    %slice3A_1740 = vector.extract_strided_slice %add3A_1738 {offsets = [4, 0], sizes = [4, 128], strides = [1, 1]} : vector<8x128xf32> to vector<4x128xf32>
    %add3A_1741 = arith.addf %slice3A_1739, %slice3A_1740 : vector<4x128xf32>
    %slice3A_1742 = vector.extract_strided_slice %add3A_1741 {offsets = [0, 0], sizes = [2, 128], strides = [1, 1]} : vector<4x128xf32> to vector<2x128xf32>
    %slice3A_1743 = vector.extract_strided_slice %add3A_1741 {offsets = [2, 0], sizes = [2, 128], strides = [1, 1]} : vector<4x128xf32> to vector<2x128xf32>
    %add3A_1744 = arith.addf %slice3A_1742, %slice3A_1743 : vector<2x128xf32>
    %slice3A_1745 = vector.extract_strided_slice %add3A_1744 {offsets = [0, 0], sizes = [1, 128], strides = [1, 1]} : vector<2x128xf32> to vector<1x128xf32>
    %slice3A_1746 = vector.extract_strided_slice %add3A_1744 {offsets = [1, 0], sizes = [1, 128], strides = [1, 1]} : vector<2x128xf32> to vector<1x128xf32>
    %add3A_1747 = arith.addf %slice3A_1745, %slice3A_1746 : vector<1x128xf32>
    %reduce_sum3A_1748 = arith.constant dense<0.000000e+00> : vector<1xf32>
    %reduce_sum3A_1749 = vector.multi_reduction <add>, %add3A_1747, %reduce_sum3A_1748 [1] : vector<1x128xf32> to vector<1xf32>
    %broadcast_in_dim3A_1750 = vector.shape_cast %reduce_sum3A_1749 : vector<1xf32> to vector<1x1xf32>
    %div3A_1751 = arith.constant 2.048000e+03 : f32
    %div3A_1752 = vector.broadcast %div3A_1751 : f32 to vector<1x1xf32>
    %div3A_1753 = arith.divf %broadcast_in_dim3A_1750, %div3A_1752 : vector<1x1xf32>
    %sub3A_1754 = vector.broadcast %div3A_1753 : vector<1x1xf32> to vector<8x256xf32>
    %sub3A_1755 = arith.subf %slice3A_1735, %sub3A_1754 : vector<8x256xf32>
    %mul3A_1756 = arith.mulf %sub3A_1755, %sub3A_1755 : vector<8x256xf32>
    %slice3A_1757 = vector.extract_strided_slice %mul3A_1756 {offsets = [0, 0], sizes = [8, 128], strides = [1, 1]} : vector<8x256xf32> to vector<8x128xf32>
    %slice3A_1758 = vector.extract_strided_slice %mul3A_1756 {offsets = [0, 128], sizes = [8, 128], strides = [1, 1]} : vector<8x256xf32> to vector<8x128xf32>
    %add3A_1759 = arith.addf %slice3A_1757, %slice3A_1758 : vector<8x128xf32>
    %slice3A_1760 = vector.extract_strided_slice %add3A_1759 {offsets = [0, 0], sizes = [4, 128], strides = [1, 1]} : vector<8x128xf32> to vector<4x128xf32>
    %slice3A_1761 = vector.extract_strided_slice %add3A_1759 {offsets = [4, 0], sizes = [4, 128], strides = [1, 1]} : vector<8x128xf32> to vector<4x128xf32>
    %add3A_1762 = arith.addf %slice3A_1760, %slice3A_1761 : vector<4x128xf32>
    %slice3A_1763 = vector.extract_strided_slice %add3A_1762 {offsets = [0, 0], sizes = [2, 128], strides = [1, 1]} : vector<4x128xf32> to vector<2x128xf32>
    %slice3A_1764 = vector.extract_strided_slice %add3A_1762 {offsets = [2, 0], sizes = [2, 128], strides = [1, 1]} : vector<4x128xf32> to vector<2x128xf32>
    %add3A_1765 = arith.addf %slice3A_1763, %slice3A_1764 : vector<2x128xf32>
    %slice3A_1766 = vector.extract_strided_slice %add3A_1765 {offsets = [0, 0], sizes = [1, 128], strides = [1, 1]} : vector<2x128xf32> to vector<1x128xf32>
    %slice3A_1767 = vector.extract_strided_slice %add3A_1765 {offsets = [1, 0], sizes = [1, 128], strides = [1, 1]} : vector<2x128xf32> to vector<1x128xf32>
    %add3A_1768 = arith.addf %slice3A_1766, %slice3A_1767 : vector<1x128xf32>
    %reduce_sum3A_1769 = arith.constant dense<0.000000e+00> : vector<1xf32>
    %reduce_sum3A_1770 = vector.multi_reduction <add>, %add3A_1768, %reduce_sum3A_1769 [1] : vector<1x128xf32> to vector<1xf32>
    %broadcast_in_dim3A_1771 = vector.shape_cast %reduce_sum3A_1770 : vector<1xf32> to vector<1x1xf32>
    %div3A_1772 = arith.constant 2.048000e+03 : f32
    %div3A_1773 = vector.broadcast %div3A_1772 : f32 to vector<1x1xf32>
    %div3A_1774 = arith.divf %broadcast_in_dim3A_1771, %div3A_1773 : vector<1x1xf32>
    %broadcast_in_dim3A_1775 = vector.shape_cast %div3A_1753 : vector<1x1xf32> to vector<1x1xf32>
    %broadcast_in_dim3A_1776 = vector.broadcast %broadcast_in_dim3A_1775 : vector<1x1xf32> to vector<1x8xf32>
    %broadcast_in_dim3A_1777 = vector.shape_cast %div3A_1774 : vector<1x1xf32> to vector<1x1xf32>
    %broadcast_in_dim3A_1778 = vector.broadcast %broadcast_in_dim3A_1777 : vector<1x1xf32> to vector<1x8xf32>
    %slice3A_1779 = vector.extract_strided_slice %transpose3A_1646 {offsets = [24, 0], sizes = [8, 256], strides = [1, 1]} : vector<64x256xf32> to vector<8x256xf32>
    %slice3A_1780 = vector.extract_strided_slice %slice3A_1779 {offsets = [0, 0], sizes = [8, 128], strides = [1, 1]} : vector<8x256xf32> to vector<8x128xf32>
    %slice3A_1781 = vector.extract_strided_slice %slice3A_1779 {offsets = [0, 128], sizes = [8, 128], strides = [1, 1]} : vector<8x256xf32> to vector<8x128xf32>
    %add3A_1782 = arith.addf %slice3A_1780, %slice3A_1781 : vector<8x128xf32>
    %slice3A_1783 = vector.extract_strided_slice %add3A_1782 {offsets = [0, 0], sizes = [4, 128], strides = [1, 1]} : vector<8x128xf32> to vector<4x128xf32>
    %slice3A_1784 = vector.extract_strided_slice %add3A_1782 {offsets = [4, 0], sizes = [4, 128], strides = [1, 1]} : vector<8x128xf32> to vector<4x128xf32>
    %add3A_1785 = arith.addf %slice3A_1783, %slice3A_1784 : vector<4x128xf32>
    %slice3A_1786 = vector.extract_strided_slice %add3A_1785 {offsets = [0, 0], sizes = [2, 128], strides = [1, 1]} : vector<4x128xf32> to vector<2x128xf32>
    %slice3A_1787 = vector.extract_strided_slice %add3A_1785 {offsets = [2, 0], sizes = [2, 128], strides = [1, 1]} : vector<4x128xf32> to vector<2x128xf32>
    %add3A_1788 = arith.addf %slice3A_1786, %slice3A_1787 : vector<2x128xf32>
    %slice3A_1789 = vector.extract_strided_slice %add3A_1788 {offsets = [0, 0], sizes = [1, 128], strides = [1, 1]} : vector<2x128xf32> to vector<1x128xf32>
    %slice3A_1790 = vector.extract_strided_slice %add3A_1788 {offsets = [1, 0], sizes = [1, 128], strides = [1, 1]} : vector<2x128xf32> to vector<1x128xf32>
    %add3A_1791 = arith.addf %slice3A_1789, %slice3A_1790 : vector<1x128xf32>
    %reduce_sum3A_1792 = arith.constant dense<0.000000e+00> : vector<1xf32>
    %reduce_sum3A_1793 = vector.multi_reduction <add>, %add3A_1791, %reduce_sum3A_1792 [1] : vector<1x128xf32> to vector<1xf32>
    %broadcast_in_dim3A_1794 = vector.shape_cast %reduce_sum3A_1793 : vector<1xf32> to vector<1x1xf32>
    %div3A_1795 = arith.constant 2.048000e+03 : f32
    %div3A_1796 = vector.broadcast %div3A_1795 : f32 to vector<1x1xf32>
    %div3A_1797 = arith.divf %broadcast_in_dim3A_1794, %div3A_1796 : vector<1x1xf32>
    %sub3A_1798 = vector.broadcast %div3A_1797 : vector<1x1xf32> to vector<8x256xf32>
    %sub3A_1799 = arith.subf %slice3A_1779, %sub3A_1798 : vector<8x256xf32>
    %mul3A_1800 = arith.mulf %sub3A_1799, %sub3A_1799 : vector<8x256xf32>
    %slice3A_1801 = vector.extract_strided_slice %mul3A_1800 {offsets = [0, 0], sizes = [8, 128], strides = [1, 1]} : vector<8x256xf32> to vector<8x128xf32>
    %slice3A_1802 = vector.extract_strided_slice %mul3A_1800 {offsets = [0, 128], sizes = [8, 128], strides = [1, 1]} : vector<8x256xf32> to vector<8x128xf32>
    %add3A_1803 = arith.addf %slice3A_1801, %slice3A_1802 : vector<8x128xf32>
    %slice3A_1804 = vector.extract_strided_slice %add3A_1803 {offsets = [0, 0], sizes = [4, 128], strides = [1, 1]} : vector<8x128xf32> to vector<4x128xf32>
    %slice3A_1805 = vector.extract_strided_slice %add3A_1803 {offsets = [4, 0], sizes = [4, 128], strides = [1, 1]} : vector<8x128xf32> to vector<4x128xf32>
    %add3A_1806 = arith.addf %slice3A_1804, %slice3A_1805 : vector<4x128xf32>
    %slice3A_1807 = vector.extract_strided_slice %add3A_1806 {offsets = [0, 0], sizes = [2, 128], strides = [1, 1]} : vector<4x128xf32> to vector<2x128xf32>
    %slice3A_1808 = vector.extract_strided_slice %add3A_1806 {offsets = [2, 0], sizes = [2, 128], strides = [1, 1]} : vector<4x128xf32> to vector<2x128xf32>
    %add3A_1809 = arith.addf %slice3A_1807, %slice3A_1808 : vector<2x128xf32>
    %slice3A_1810 = vector.extract_strided_slice %add3A_1809 {offsets = [0, 0], sizes = [1, 128], strides = [1, 1]} : vector<2x128xf32> to vector<1x128xf32>
    %slice3A_1811 = vector.extract_strided_slice %add3A_1809 {offsets = [1, 0], sizes = [1, 128], strides = [1, 1]} : vector<2x128xf32> to vector<1x128xf32>
    %add3A_1812 = arith.addf %slice3A_1810, %slice3A_1811 : vector<1x128xf32>
    %reduce_sum3A_1813 = arith.constant dense<0.000000e+00> : vector<1xf32>
    %reduce_sum3A_1814 = vector.multi_reduction <add>, %add3A_1812, %reduce_sum3A_1813 [1] : vector<1x128xf32> to vector<1xf32>
    %broadcast_in_dim3A_1815 = vector.shape_cast %reduce_sum3A_1814 : vector<1xf32> to vector<1x1xf32>
    %div3A_1816 = arith.constant 2.048000e+03 : f32
    %div3A_1817 = vector.broadcast %div3A_1816 : f32 to vector<1x1xf32>
    %div3A_1818 = arith.divf %broadcast_in_dim3A_1815, %div3A_1817 : vector<1x1xf32>
    %broadcast_in_dim3A_1819 = vector.shape_cast %div3A_1797 : vector<1x1xf32> to vector<1x1xf32>
    %broadcast_in_dim3A_1820 = vector.broadcast %broadcast_in_dim3A_1819 : vector<1x1xf32> to vector<1x8xf32>
    %broadcast_in_dim3A_1821 = vector.shape_cast %div3A_1818 : vector<1x1xf32> to vector<1x1xf32>
    %broadcast_in_dim3A_1822 = vector.broadcast %broadcast_in_dim3A_1821 : vector<1x1xf32> to vector<1x8xf32>
    %slice3A_1823 = vector.extract_strided_slice %transpose3A_1646 {offsets = [32, 0], sizes = [8, 256], strides = [1, 1]} : vector<64x256xf32> to vector<8x256xf32>
    %slice3A_1824 = vector.extract_strided_slice %slice3A_1823 {offsets = [0, 0], sizes = [8, 128], strides = [1, 1]} : vector<8x256xf32> to vector<8x128xf32>
    %slice3A_1825 = vector.extract_strided_slice %slice3A_1823 {offsets = [0, 128], sizes = [8, 128], strides = [1, 1]} : vector<8x256xf32> to vector<8x128xf32>
    %add3A_1826 = arith.addf %slice3A_1824, %slice3A_1825 : vector<8x128xf32>
    %slice3A_1827 = vector.extract_strided_slice %add3A_1826 {offsets = [0, 0], sizes = [4, 128], strides = [1, 1]} : vector<8x128xf32> to vector<4x128xf32>
    %slice3A_1828 = vector.extract_strided_slice %add3A_1826 {offsets = [4, 0], sizes = [4, 128], strides = [1, 1]} : vector<8x128xf32> to vector<4x128xf32>
    %add3A_1829 = arith.addf %slice3A_1827, %slice3A_1828 : vector<4x128xf32>
    %slice3A_1830 = vector.extract_strided_slice %add3A_1829 {offsets = [0, 0], sizes = [2, 128], strides = [1, 1]} : vector<4x128xf32> to vector<2x128xf32>
    %slice3A_1831 = vector.extract_strided_slice %add3A_1829 {offsets = [2, 0], sizes = [2, 128], strides = [1, 1]} : vector<4x128xf32> to vector<2x128xf32>
    %add3A_1832 = arith.addf %slice3A_1830, %slice3A_1831 : vector<2x128xf32>
    %slice3A_1833 = vector.extract_strided_slice %add3A_1832 {offsets = [0, 0], sizes = [1, 128], strides = [1, 1]} : vector<2x128xf32> to vector<1x128xf32>
    %slice3A_1834 = vector.extract_strided_slice %add3A_1832 {offsets = [1, 0], sizes = [1, 128], strides = [1, 1]} : vector<2x128xf32> to vector<1x128xf32>
    %add3A_1835 = arith.addf %slice3A_1833, %slice3A_1834 : vector<1x128xf32>
    %reduce_sum3A_1836 = arith.constant dense<0.000000e+00> : vector<1xf32>
    %reduce_sum3A_1837 = vector.multi_reduction <add>, %add3A_1835, %reduce_sum3A_1836 [1] : vector<1x128xf32> to vector<1xf32>
    %broadcast_in_dim3A_1838 = vector.shape_cast %reduce_sum3A_1837 : vector<1xf32> to vector<1x1xf32>
    %div3A_1839 = arith.constant 2.048000e+03 : f32
    %div3A_1840 = vector.broadcast %div3A_1839 : f32 to vector<1x1xf32>
    %div3A_1841 = arith.divf %broadcast_in_dim3A_1838, %div3A_1840 : vector<1x1xf32>
    %sub3A_1842 = vector.broadcast %div3A_1841 : vector<1x1xf32> to vector<8x256xf32>
    %sub3A_1843 = arith.subf %slice3A_1823, %sub3A_1842 : vector<8x256xf32>
    %mul3A_1844 = arith.mulf %sub3A_1843, %sub3A_1843 : vector<8x256xf32>
    %slice3A_1845 = vector.extract_strided_slice %mul3A_1844 {offsets = [0, 0], sizes = [8, 128], strides = [1, 1]} : vector<8x256xf32> to vector<8x128xf32>
    %slice3A_1846 = vector.extract_strided_slice %mul3A_1844 {offsets = [0, 128], sizes = [8, 128], strides = [1, 1]} : vector<8x256xf32> to vector<8x128xf32>
    %add3A_1847 = arith.addf %slice3A_1845, %slice3A_1846 : vector<8x128xf32>
    %slice3A_1848 = vector.extract_strided_slice %add3A_1847 {offsets = [0, 0], sizes = [4, 128], strides = [1, 1]} : vector<8x128xf32> to vector<4x128xf32>
    %slice3A_1849 = vector.extract_strided_slice %add3A_1847 {offsets = [4, 0], sizes = [4, 128], strides = [1, 1]} : vector<8x128xf32> to vector<4x128xf32>
    %add3A_1850 = arith.addf %slice3A_1848, %slice3A_1849 : vector<4x128xf32>
    %slice3A_1851 = vector.extract_strided_slice %add3A_1850 {offsets = [0, 0], sizes = [2, 128], strides = [1, 1]} : vector<4x128xf32> to vector<2x128xf32>
    %slice3A_1852 = vector.extract_strided_slice %add3A_1850 {offsets = [2, 0], sizes = [2, 128], strides = [1, 1]} : vector<4x128xf32> to vector<2x128xf32>
    %add3A_1853 = arith.addf %slice3A_1851, %slice3A_1852 : vector<2x128xf32>
    %slice3A_1854 = vector.extract_strided_slice %add3A_1853 {offsets = [0, 0], sizes = [1, 128], strides = [1, 1]} : vector<2x128xf32> to vector<1x128xf32>
    %slice3A_1855 = vector.extract_strided_slice %add3A_1853 {offsets = [1, 0], sizes = [1, 128], strides = [1, 1]} : vector<2x128xf32> to vector<1x128xf32>
    %add3A_1856 = arith.addf %slice3A_1854, %slice3A_1855 : vector<1x128xf32>
    %reduce_sum3A_1857 = arith.constant dense<0.000000e+00> : vector<1xf32>
    %reduce_sum3A_1858 = vector.multi_reduction <add>, %add3A_1856, %reduce_sum3A_1857 [1] : vector<1x128xf32> to vector<1xf32>
    %broadcast_in_dim3A_1859 = vector.shape_cast %reduce_sum3A_1858 : vector<1xf32> to vector<1x1xf32>
    %div3A_1860 = arith.constant 2.048000e+03 : f32
    %div3A_1861 = vector.broadcast %div3A_1860 : f32 to vector<1x1xf32>
    %div3A_1862 = arith.divf %broadcast_in_dim3A_1859, %div3A_1861 : vector<1x1xf32>
    %broadcast_in_dim3A_1863 = vector.shape_cast %div3A_1841 : vector<1x1xf32> to vector<1x1xf32>
    %broadcast_in_dim3A_1864 = vector.broadcast %broadcast_in_dim3A_1863 : vector<1x1xf32> to vector<1x8xf32>
    %broadcast_in_dim3A_1865 = vector.shape_cast %div3A_1862 : vector<1x1xf32> to vector<1x1xf32>
    %broadcast_in_dim3A_1866 = vector.broadcast %broadcast_in_dim3A_1865 : vector<1x1xf32> to vector<1x8xf32>
    %slice3A_1867 = vector.extract_strided_slice %transpose3A_1646 {offsets = [40, 0], sizes = [8, 256], strides = [1, 1]} : vector<64x256xf32> to vector<8x256xf32>
    %slice3A_1868 = vector.extract_strided_slice %slice3A_1867 {offsets = [0, 0], sizes = [8, 128], strides = [1, 1]} : vector<8x256xf32> to vector<8x128xf32>
    %slice3A_1869 = vector.extract_strided_slice %slice3A_1867 {offsets = [0, 128], sizes = [8, 128], strides = [1, 1]} : vector<8x256xf32> to vector<8x128xf32>
    %add3A_1870 = arith.addf %slice3A_1868, %slice3A_1869 : vector<8x128xf32>
    %slice3A_1871 = vector.extract_strided_slice %add3A_1870 {offsets = [0, 0], sizes = [4, 128], strides = [1, 1]} : vector<8x128xf32> to vector<4x128xf32>
    %slice3A_1872 = vector.extract_strided_slice %add3A_1870 {offsets = [4, 0], sizes = [4, 128], strides = [1, 1]} : vector<8x128xf32> to vector<4x128xf32>
    %add3A_1873 = arith.addf %slice3A_1871, %slice3A_1872 : vector<4x128xf32>
    %slice3A_1874 = vector.extract_strided_slice %add3A_1873 {offsets = [0, 0], sizes = [2, 128], strides = [1, 1]} : vector<4x128xf32> to vector<2x128xf32>
    %slice3A_1875 = vector.extract_strided_slice %add3A_1873 {offsets = [2, 0], sizes = [2, 128], strides = [1, 1]} : vector<4x128xf32> to vector<2x128xf32>
    %add3A_1876 = arith.addf %slice3A_1874, %slice3A_1875 : vector<2x128xf32>
    %slice3A_1877 = vector.extract_strided_slice %add3A_1876 {offsets = [0, 0], sizes = [1, 128], strides = [1, 1]} : vector<2x128xf32> to vector<1x128xf32>
    %slice3A_1878 = vector.extract_strided_slice %add3A_1876 {offsets = [1, 0], sizes = [1, 128], strides = [1, 1]} : vector<2x128xf32> to vector<1x128xf32>
    %add3A_1879 = arith.addf %slice3A_1877, %slice3A_1878 : vector<1x128xf32>
    %reduce_sum3A_1880 = arith.constant dense<0.000000e+00> : vector<1xf32>
    %reduce_sum3A_1881 = vector.multi_reduction <add>, %add3A_1879, %reduce_sum3A_1880 [1] : vector<1x128xf32> to vector<1xf32>
    %broadcast_in_dim3A_1882 = vector.shape_cast %reduce_sum3A_1881 : vector<1xf32> to vector<1x1xf32>
    %div3A_1883 = arith.constant 2.048000e+03 : f32
    %div3A_1884 = vector.broadcast %div3A_1883 : f32 to vector<1x1xf32>
    %div3A_1885 = arith.divf %broadcast_in_dim3A_1882, %div3A_1884 : vector<1x1xf32>
    %sub3A_1886 = vector.broadcast %div3A_1885 : vector<1x1xf32> to vector<8x256xf32>
    %sub3A_1887 = arith.subf %slice3A_1867, %sub3A_1886 : vector<8x256xf32>
    %mul3A_1888 = arith.mulf %sub3A_1887, %sub3A_1887 : vector<8x256xf32>
    %slice3A_1889 = vector.extract_strided_slice %mul3A_1888 {offsets = [0, 0], sizes = [8, 128], strides = [1, 1]} : vector<8x256xf32> to vector<8x128xf32>
    %slice3A_1890 = vector.extract_strided_slice %mul3A_1888 {offsets = [0, 128], sizes = [8, 128], strides = [1, 1]} : vector<8x256xf32> to vector<8x128xf32>
    %add3A_1891 = arith.addf %slice3A_1889, %slice3A_1890 : vector<8x128xf32>
    %slice3A_1892 = vector.extract_strided_slice %add3A_1891 {offsets = [0, 0], sizes = [4, 128], strides = [1, 1]} : vector<8x128xf32> to vector<4x128xf32>
    %slice3A_1893 = vector.extract_strided_slice %add3A_1891 {offsets = [4, 0], sizes = [4, 128], strides = [1, 1]} : vector<8x128xf32> to vector<4x128xf32>
    %add3A_1894 = arith.addf %slice3A_1892, %slice3A_1893 : vector<4x128xf32>
    %slice3A_1895 = vector.extract_strided_slice %add3A_1894 {offsets = [0, 0], sizes = [2, 128], strides = [1, 1]} : vector<4x128xf32> to vector<2x128xf32>
    %slice3A_1896 = vector.extract_strided_slice %add3A_1894 {offsets = [2, 0], sizes = [2, 128], strides = [1, 1]} : vector<4x128xf32> to vector<2x128xf32>
    %add3A_1897 = arith.addf %slice3A_1895, %slice3A_1896 : vector<2x128xf32>
    %slice3A_1898 = vector.extract_strided_slice %add3A_1897 {offsets = [0, 0], sizes = [1, 128], strides = [1, 1]} : vector<2x128xf32> to vector<1x128xf32>
    %slice3A_1899 = vector.extract_strided_slice %add3A_1897 {offsets = [1, 0], sizes = [1, 128], strides = [1, 1]} : vector<2x128xf32> to vector<1x128xf32>
    %add3A_1900 = arith.addf %slice3A_1898, %slice3A_1899 : vector<1x128xf32>
    %reduce_sum3A_1901 = arith.constant dense<0.000000e+00> : vector<1xf32>
    %reduce_sum3A_1902 = vector.multi_reduction <add>, %add3A_1900, %reduce_sum3A_1901 [1] : vector<1x128xf32> to vector<1xf32>
    %broadcast_in_dim3A_1903 = vector.shape_cast %reduce_sum3A_1902 : vector<1xf32> to vector<1x1xf32>
    %div3A_1904 = arith.constant 2.048000e+03 : f32
    %div3A_1905 = vector.broadcast %div3A_1904 : f32 to vector<1x1xf32>
    %div3A_1906 = arith.divf %broadcast_in_dim3A_1903, %div3A_1905 : vector<1x1xf32>
    %broadcast_in_dim3A_1907 = vector.shape_cast %div3A_1885 : vector<1x1xf32> to vector<1x1xf32>
    %broadcast_in_dim3A_1908 = vector.broadcast %broadcast_in_dim3A_1907 : vector<1x1xf32> to vector<1x8xf32>
    %broadcast_in_dim3A_1909 = vector.shape_cast %div3A_1906 : vector<1x1xf32> to vector<1x1xf32>
    %broadcast_in_dim3A_1910 = vector.broadcast %broadcast_in_dim3A_1909 : vector<1x1xf32> to vector<1x8xf32>
    %slice3A_1911 = vector.extract_strided_slice %transpose3A_1646 {offsets = [48, 0], sizes = [8, 256], strides = [1, 1]} : vector<64x256xf32> to vector<8x256xf32>
    %slice3A_1912 = vector.extract_strided_slice %slice3A_1911 {offsets = [0, 0], sizes = [8, 128], strides = [1, 1]} : vector<8x256xf32> to vector<8x128xf32>
    %slice3A_1913 = vector.extract_strided_slice %slice3A_1911 {offsets = [0, 128], sizes = [8, 128], strides = [1, 1]} : vector<8x256xf32> to vector<8x128xf32>
    %add3A_1914 = arith.addf %slice3A_1912, %slice3A_1913 : vector<8x128xf32>
    %slice3A_1915 = vector.extract_strided_slice %add3A_1914 {offsets = [0, 0], sizes = [4, 128], strides = [1, 1]} : vector<8x128xf32> to vector<4x128xf32>
    %slice3A_1916 = vector.extract_strided_slice %add3A_1914 {offsets = [4, 0], sizes = [4, 128], strides = [1, 1]} : vector<8x128xf32> to vector<4x128xf32>
    %add3A_1917 = arith.addf %slice3A_1915, %slice3A_1916 : vector<4x128xf32>
    %slice3A_1918 = vector.extract_strided_slice %add3A_1917 {offsets = [0, 0], sizes = [2, 128], strides = [1, 1]} : vector<4x128xf32> to vector<2x128xf32>
    %slice3A_1919 = vector.extract_strided_slice %add3A_1917 {offsets = [2, 0], sizes = [2, 128], strides = [1, 1]} : vector<4x128xf32> to vector<2x128xf32>
    %add3A_1920 = arith.addf %slice3A_1918, %slice3A_1919 : vector<2x128xf32>
    %slice3A_1921 = vector.extract_strided_slice %add3A_1920 {offsets = [0, 0], sizes = [1, 128], strides = [1, 1]} : vector<2x128xf32> to vector<1x128xf32>
    %slice3A_1922 = vector.extract_strided_slice %add3A_1920 {offsets = [1, 0], sizes = [1, 128], strides = [1, 1]} : vector<2x128xf32> to vector<1x128xf32>
    %add3A_1923 = arith.addf %slice3A_1921, %slice3A_1922 : vector<1x128xf32>
    %reduce_sum3A_1924 = arith.constant dense<0.000000e+00> : vector<1xf32>
    %reduce_sum3A_1925 = vector.multi_reduction <add>, %add3A_1923, %reduce_sum3A_1924 [1] : vector<1x128xf32> to vector<1xf32>
    %broadcast_in_dim3A_1926 = vector.shape_cast %reduce_sum3A_1925 : vector<1xf32> to vector<1x1xf32>
    %div3A_1927 = arith.constant 2.048000e+03 : f32
    %div3A_1928 = vector.broadcast %div3A_1927 : f32 to vector<1x1xf32>
    %div3A_1929 = arith.divf %broadcast_in_dim3A_1926, %div3A_1928 : vector<1x1xf32>
    %sub3A_1930 = vector.broadcast %div3A_1929 : vector<1x1xf32> to vector<8x256xf32>
    %sub3A_1931 = arith.subf %slice3A_1911, %sub3A_1930 : vector<8x256xf32>
    %mul3A_1932 = arith.mulf %sub3A_1931, %sub3A_1931 : vector<8x256xf32>
    %slice3A_1933 = vector.extract_strided_slice %mul3A_1932 {offsets = [0, 0], sizes = [8, 128], strides = [1, 1]} : vector<8x256xf32> to vector<8x128xf32>
    %slice3A_1934 = vector.extract_strided_slice %mul3A_1932 {offsets = [0, 128], sizes = [8, 128], strides = [1, 1]} : vector<8x256xf32> to vector<8x128xf32>
    %add3A_1935 = arith.addf %slice3A_1933, %slice3A_1934 : vector<8x128xf32>
    %slice3A_1936 = vector.extract_strided_slice %add3A_1935 {offsets = [0, 0], sizes = [4, 128], strides = [1, 1]} : vector<8x128xf32> to vector<4x128xf32>
    %slice3A_1937 = vector.extract_strided_slice %add3A_1935 {offsets = [4, 0], sizes = [4, 128], strides = [1, 1]} : vector<8x128xf32> to vector<4x128xf32>
    %add3A_1938 = arith.addf %slice3A_1936, %slice3A_1937 : vector<4x128xf32>
    %slice3A_1939 = vector.extract_strided_slice %add3A_1938 {offsets = [0, 0], sizes = [2, 128], strides = [1, 1]} : vector<4x128xf32> to vector<2x128xf32>
    %slice3A_1940 = vector.extract_strided_slice %add3A_1938 {offsets = [2, 0], sizes = [2, 128], strides = [1, 1]} : vector<4x128xf32> to vector<2x128xf32>
    %add3A_1941 = arith.addf %slice3A_1939, %slice3A_1940 : vector<2x128xf32>
    %slice3A_1942 = vector.extract_strided_slice %add3A_1941 {offsets = [0, 0], sizes = [1, 128], strides = [1, 1]} : vector<2x128xf32> to vector<1x128xf32>
    %slice3A_1943 = vector.extract_strided_slice %add3A_1941 {offsets = [1, 0], sizes = [1, 128], strides = [1, 1]} : vector<2x128xf32> to vector<1x128xf32>
    %add3A_1944 = arith.addf %slice3A_1942, %slice3A_1943 : vector<1x128xf32>
    %reduce_sum3A_1945 = arith.constant dense<0.000000e+00> : vector<1xf32>
    %reduce_sum3A_1946 = vector.multi_reduction <add>, %add3A_1944, %reduce_sum3A_1945 [1] : vector<1x128xf32> to vector<1xf32>
    %broadcast_in_dim3A_1947 = vector.shape_cast %reduce_sum3A_1946 : vector<1xf32> to vector<1x1xf32>
    %div3A_1948 = arith.constant 2.048000e+03 : f32
    %div3A_1949 = vector.broadcast %div3A_1948 : f32 to vector<1x1xf32>
    %div3A_1950 = arith.divf %broadcast_in_dim3A_1947, %div3A_1949 : vector<1x1xf32>
    %broadcast_in_dim3A_1951 = vector.shape_cast %div3A_1929 : vector<1x1xf32> to vector<1x1xf32>
    %broadcast_in_dim3A_1952 = vector.broadcast %broadcast_in_dim3A_1951 : vector<1x1xf32> to vector<1x8xf32>
    %broadcast_in_dim3A_1953 = vector.shape_cast %div3A_1950 : vector<1x1xf32> to vector<1x1xf32>
    %broadcast_in_dim3A_1954 = vector.broadcast %broadcast_in_dim3A_1953 : vector<1x1xf32> to vector<1x8xf32>
    %slice3A_1955 = vector.extract_strided_slice %transpose3A_1646 {offsets = [56, 0], sizes = [8, 256], strides = [1, 1]} : vector<64x256xf32> to vector<8x256xf32>
    %slice3A_1956 = vector.extract_strided_slice %slice3A_1955 {offsets = [0, 0], sizes = [8, 128], strides = [1, 1]} : vector<8x256xf32> to vector<8x128xf32>
    %slice3A_1957 = vector.extract_strided_slice %slice3A_1955 {offsets = [0, 128], sizes = [8, 128], strides = [1, 1]} : vector<8x256xf32> to vector<8x128xf32>
    %add3A_1958 = arith.addf %slice3A_1956, %slice3A_1957 : vector<8x128xf32>
    %slice3A_1959 = vector.extract_strided_slice %add3A_1958 {offsets = [0, 0], sizes = [4, 128], strides = [1, 1]} : vector<8x128xf32> to vector<4x128xf32>
    %slice3A_1960 = vector.extract_strided_slice %add3A_1958 {offsets = [4, 0], sizes = [4, 128], strides = [1, 1]} : vector<8x128xf32> to vector<4x128xf32>
    %add3A_1961 = arith.addf %slice3A_1959, %slice3A_1960 : vector<4x128xf32>
    %slice3A_1962 = vector.extract_strided_slice %add3A_1961 {offsets = [0, 0], sizes = [2, 128], strides = [1, 1]} : vector<4x128xf32> to vector<2x128xf32>
    %slice3A_1963 = vector.extract_strided_slice %add3A_1961 {offsets = [2, 0], sizes = [2, 128], strides = [1, 1]} : vector<4x128xf32> to vector<2x128xf32>
    %add3A_1964 = arith.addf %slice3A_1962, %slice3A_1963 : vector<2x128xf32>
    %slice3A_1965 = vector.extract_strided_slice %add3A_1964 {offsets = [0, 0], sizes = [1, 128], strides = [1, 1]} : vector<2x128xf32> to vector<1x128xf32>
    %slice3A_1966 = vector.extract_strided_slice %add3A_1964 {offsets = [1, 0], sizes = [1, 128], strides = [1, 1]} : vector<2x128xf32> to vector<1x128xf32>
    %add3A_1967 = arith.addf %slice3A_1965, %slice3A_1966 : vector<1x128xf32>
    %reduce_sum3A_1968 = arith.constant dense<0.000000e+00> : vector<1xf32>
    %reduce_sum3A_1969 = vector.multi_reduction <add>, %add3A_1967, %reduce_sum3A_1968 [1] : vector<1x128xf32> to vector<1xf32>
    %broadcast_in_dim3A_1970 = vector.shape_cast %reduce_sum3A_1969 : vector<1xf32> to vector<1x1xf32>
    %div3A_1971 = arith.constant 2.048000e+03 : f32
    %div3A_1972 = vector.broadcast %div3A_1971 : f32 to vector<1x1xf32>
    %div3A_1973 = arith.divf %broadcast_in_dim3A_1970, %div3A_1972 : vector<1x1xf32>
    %sub3A_1974 = vector.broadcast %div3A_1973 : vector<1x1xf32> to vector<8x256xf32>
    %sub3A_1975 = arith.subf %slice3A_1955, %sub3A_1974 : vector<8x256xf32>
    %mul3A_1976 = arith.mulf %sub3A_1975, %sub3A_1975 : vector<8x256xf32>
    %slice3A_1977 = vector.extract_strided_slice %mul3A_1976 {offsets = [0, 0], sizes = [8, 128], strides = [1, 1]} : vector<8x256xf32> to vector<8x128xf32>
    %slice3A_1978 = vector.extract_strided_slice %mul3A_1976 {offsets = [0, 128], sizes = [8, 128], strides = [1, 1]} : vector<8x256xf32> to vector<8x128xf32>
    %add3A_1979 = arith.addf %slice3A_1977, %slice3A_1978 : vector<8x128xf32>
    %slice3A_1980 = vector.extract_strided_slice %add3A_1979 {offsets = [0, 0], sizes = [4, 128], strides = [1, 1]} : vector<8x128xf32> to vector<4x128xf32>
    %slice3A_1981 = vector.extract_strided_slice %add3A_1979 {offsets = [4, 0], sizes = [4, 128], strides = [1, 1]} : vector<8x128xf32> to vector<4x128xf32>
    %add3A_1982 = arith.addf %slice3A_1980, %slice3A_1981 : vector<4x128xf32>
    %slice3A_1983 = vector.extract_strided_slice %add3A_1982 {offsets = [0, 0], sizes = [2, 128], strides = [1, 1]} : vector<4x128xf32> to vector<2x128xf32>
    %slice3A_1984 = vector.extract_strided_slice %add3A_1982 {offsets = [2, 0], sizes = [2, 128], strides = [1, 1]} : vector<4x128xf32> to vector<2x128xf32>
    %add3A_1985 = arith.addf %slice3A_1983, %slice3A_1984 : vector<2x128xf32>
    %slice3A_1986 = vector.extract_strided_slice %add3A_1985 {offsets = [0, 0], sizes = [1, 128], strides = [1, 1]} : vector<2x128xf32> to vector<1x128xf32>
    %slice3A_1987 = vector.extract_strided_slice %add3A_1985 {offsets = [1, 0], sizes = [1, 128], strides = [1, 1]} : vector<2x128xf32> to vector<1x128xf32>
    %add3A_1988 = arith.addf %slice3A_1986, %slice3A_1987 : vector<1x128xf32>
    %reduce_sum3A_1989 = arith.constant dense<0.000000e+00> : vector<1xf32>
    %reduce_sum3A_1990 = vector.multi_reduction <add>, %add3A_1988, %reduce_sum3A_1989 [1] : vector<1x128xf32> to vector<1xf32>
    %broadcast_in_dim3A_1991 = vector.shape_cast %reduce_sum3A_1990 : vector<1xf32> to vector<1x1xf32>
    %div3A_1992 = arith.constant 2.048000e+03 : f32
    %div3A_1993 = vector.broadcast %div3A_1992 : f32 to vector<1x1xf32>
    %div3A_1994 = arith.divf %broadcast_in_dim3A_1991, %div3A_1993 : vector<1x1xf32>
    %broadcast_in_dim3A_1995 = vector.shape_cast %div3A_1973 : vector<1x1xf32> to vector<1x1xf32>
    %broadcast_in_dim3A_1996 = vector.broadcast %broadcast_in_dim3A_1995 : vector<1x1xf32> to vector<1x8xf32>
    %broadcast_in_dim3A_1997 = vector.shape_cast %div3A_1994 : vector<1x1xf32> to vector<1x1xf32>
    %broadcast_in_dim3A_1998 = vector.broadcast %broadcast_in_dim3A_1997 : vector<1x1xf32> to vector<1x8xf32>
    %concatenate3A_1999 = tpu.concatenate %broadcast_in_dim3A_1688, %broadcast_in_dim3A_1732, %broadcast_in_dim3A_1776, %broadcast_in_dim3A_1820, %broadcast_in_dim3A_1864, %broadcast_in_dim3A_1908, %broadcast_in_dim3A_1952, %broadcast_in_dim3A_1996 in 1 : vector<1x8xf32>, vector<1x8xf32>, vector<1x8xf32>, vector<1x8xf32>, vector<1x8xf32>, vector<1x8xf32>, vector<1x8xf32>, vector<1x8xf32> -> vector<1x64xf32>
    %concatenate3A_2000 = tpu.concatenate %broadcast_in_dim3A_1690, %broadcast_in_dim3A_1734, %broadcast_in_dim3A_1778, %broadcast_in_dim3A_1822, %broadcast_in_dim3A_1866, %broadcast_in_dim3A_1910, %broadcast_in_dim3A_1954, %broadcast_in_dim3A_1998 in 1 : vector<1x8xf32>, vector<1x8xf32>, vector<1x8xf32>, vector<1x8xf32>, vector<1x8xf32>, vector<1x8xf32>, vector<1x8xf32>, vector<1x8xf32> -> vector<1x64xf32>
    %sub3A_2001 = vector.broadcast %concatenate3A_1999 : vector<1x64xf32> to vector<256x64xf32>
    %sub3A_2002 = arith.subf %add3A_1639, %sub3A_2001 : vector<256x64xf32>
    %add3A_2003 = arith.constant 9.99999974E-6 : f32
    %add3A_2004 = vector.broadcast %add3A_2003 : f32 to vector<1x64xf32>
    %add3A_2005 = arith.addf %concatenate3A_2000, %add3A_2004 : vector<1x64xf32>
    %rsqrt3A_2006 = math.rsqrt %add3A_2005 : vector<1x64xf32>
    %mul3A_2007 = vector.broadcast %rsqrt3A_2006 : vector<1x64xf32> to vector<256x64xf32>
    %mul3A_2008 = arith.mulf %sub3A_2002, %mul3A_2007 : vector<256x64xf32>
    %mul3A_2009 = vector.broadcast %get3A_1642 : vector<1x64xf32> to vector<256x64xf32>
    %mul3A_2010 = arith.mulf %mul3A_2008, %mul3A_2009 : vector<256x64xf32>
    %add3A_2011 = vector.broadcast %get3A_1645 : vector<1x64xf32> to vector<256x64xf32>
    %add3A_2012 = arith.addf %mul3A_2010, %add3A_2011 : vector<256x64xf32>
    %max3A_2013 = arith.constant 0.000000e+00 : f32
    %max3A_2014 = vector.broadcast %max3A_2013 : f32 to vector<256x64xf32>
    %max3A_2015 = arith.maximumf %add3A_2012, %max3A_2014 : vector<256x64xf32>
    %get3A_2016 = arith.constant 0 : index
    %get3A_2017 = arith.constant 0 : index
    %get3A_2018 = vector.load %arg16[%get3A_2016, %get3A_2017] : memref<64x256xf32, #tpu.memory_space<vmem>>, vector<64x256xf32>
    %convert_element_type3A_2019 = arith.truncf %max3A_2015 : vector<256x64xf32> to vector<256x64xbf16>
    %convert_element_type3A_2020 = arith.truncf %get3A_2018 : vector<64x256xf32> to vector<64x256xbf16>
    %dot_general3A_2021 = arith.constant dense<0.000000e+00> : vector<256x256xf32>
    %dot_general3A_2022 = tpu.matmul %convert_element_type3A_2019, %convert_element_type3A_2020, %dot_general3A_2021 {dimension_numbers = #tpu.dot_dimension_numbers<[1], [0], [0], [1], [0, 0, 1, 1], [], []>, transpose_lhs_hint = false} : vector<256x64xbf16>, vector<64x256xbf16>, vector<256x256xf32> -> vector<256x256xf32>
    %add3A_2023 = arith.addf %add3A_1025, %dot_general3A_2022 : vector<256x256xf32>
    %get3A_2024 = arith.constant 0 : index
    %get3A_2025 = arith.constant 0 : index
    %get3A_2026 = vector.load %arg17[%get3A_2024, %get3A_2025] : memref<256x64xf32, #tpu.memory_space<vmem>>, vector<256x64xf32>
    %convert_element_type3A_2027 = arith.truncf %add3A_2023 : vector<256x256xf32> to vector<256x256xbf16>
    %convert_element_type3A_2028 = arith.truncf %get3A_2026 : vector<256x64xf32> to vector<256x64xbf16>
    %dot_general3A_2029 = arith.constant dense<0.000000e+00> : vector<256x64xf32>
    %dot_general3A_2030 = tpu.matmul %convert_element_type3A_2027, %convert_element_type3A_2028, %dot_general3A_2029 {dimension_numbers = #tpu.dot_dimension_numbers<[1], [0], [0], [1], [0, 0, 1, 1], [], []>, transpose_lhs_hint = false} : vector<256x256xbf16>, vector<256x64xbf16>, vector<256x64xf32> -> vector<256x64xf32>
    %get3A_2031 = arith.constant 0 : index
    %get3A_2032 = arith.constant 0 : index
    %get3A_2033 = vector.load %arg18[%get3A_2031, %get3A_2032] : memref<1x64xf32, #tpu.memory_space<vmem>>, vector<1x64xf32>
    %add3A_2034 = vector.broadcast %get3A_2033 : vector<1x64xf32> to vector<256x64xf32>
    %add3A_2035 = arith.addf %dot_general3A_2030, %add3A_2034 : vector<256x64xf32>
    %swap3A_2036 = arith.constant 0 : index
    %swap3A_2037 = arith.constant 0 : index
    %swap3A_2038 = arith.constant 0 : index
    %swap3A_2039 = vector.load %arg20[%swap3A_2036, %swap3A_2037, %swap3A_2038] : memref<1x256x64xf32, #tpu.memory_space<vmem>>, vector<1x256x64xf32>
    %swap3A_2040 = vector.shape_cast %swap3A_2039 : vector<1x256x64xf32> to vector<256x64xf32>
    %swap3A_2041 = vector.shape_cast %add3A_2035 : vector<256x64xf32> to vector<1x256x64xf32>
    tpu.vector_store %arg20[%swap3A_2036, %swap3A_2037, %swap3A_2038], %swap3A_2041 {strides = array<i32>} : memref<1x256x64xf32, #tpu.memory_space<vmem>>, vector<1x256x64xf32>,
    %get3A_2042 = arith.constant 0 : index
    %get3A_2043 = arith.constant 0 : index
    %get3A_2044 = vector.load %arg19[%get3A_2042, %get3A_2043] : memref<64x1024xf32, #tpu.memory_space<vmem>>, vector<64x1024xf32>
    %mul3A_2045 = arith.mulf %get3A_2044, %get3A_2044 : vector<64x1024xf32>
    %slice3A_2046 = vector.extract_strided_slice %mul3A_2045 {offsets = [0, 0], sizes = [8, 1024], strides = [1, 1]} : vector<64x1024xf32> to vector<8x1024xf32>
    %slice3A_2047 = vector.extract_strided_slice %mul3A_2045 {offsets = [8, 0], sizes = [8, 1024], strides = [1, 1]} : vector<64x1024xf32> to vector<8x1024xf32>
    %add3A_2048 = arith.addf %slice3A_2046, %slice3A_2047 : vector<8x1024xf32>
    %slice3A_2049 = vector.extract_strided_slice %mul3A_2045 {offsets = [16, 0], sizes = [8, 1024], strides = [1, 1]} : vector<64x1024xf32> to vector<8x1024xf32>
    %add3A_2050 = arith.addf %add3A_2048, %slice3A_2049 : vector<8x1024xf32>
    %slice3A_2051 = vector.extract_strided_slice %mul3A_2045 {offsets = [24, 0], sizes = [8, 1024], strides = [1, 1]} : vector<64x1024xf32> to vector<8x1024xf32>
    %add3A_2052 = arith.addf %add3A_2050, %slice3A_2051 : vector<8x1024xf32>
    %slice3A_2053 = vector.extract_strided_slice %mul3A_2045 {offsets = [32, 0], sizes = [8, 1024], strides = [1, 1]} : vector<64x1024xf32> to vector<8x1024xf32>
    %add3A_2054 = arith.addf %add3A_2052, %slice3A_2053 : vector<8x1024xf32>
    %slice3A_2055 = vector.extract_strided_slice %mul3A_2045 {offsets = [40, 0], sizes = [8, 1024], strides = [1, 1]} : vector<64x1024xf32> to vector<8x1024xf32>
    %add3A_2056 = arith.addf %add3A_2054, %slice3A_2055 : vector<8x1024xf32>
    %slice3A_2057 = vector.extract_strided_slice %mul3A_2045 {offsets = [48, 0], sizes = [8, 1024], strides = [1, 1]} : vector<64x1024xf32> to vector<8x1024xf32>
    %add3A_2058 = arith.addf %add3A_2056, %slice3A_2057 : vector<8x1024xf32>
    %slice3A_2059 = vector.extract_strided_slice %mul3A_2045 {offsets = [56, 0], sizes = [8, 1024], strides = [1, 1]} : vector<64x1024xf32> to vector<8x1024xf32>
    %add3A_2060 = arith.addf %add3A_2058, %slice3A_2059 : vector<8x1024xf32>
    %slice3A_2061 = vector.extract_strided_slice %add3A_2060 {offsets = [0, 0], sizes = [4, 1024], strides = [1, 1]} : vector<8x1024xf32> to vector<4x1024xf32>
    %slice3A_2062 = vector.extract_strided_slice %add3A_2060 {offsets = [4, 0], sizes = [4, 1024], strides = [1, 1]} : vector<8x1024xf32> to vector<4x1024xf32>
    %add3A_2063 = arith.addf %slice3A_2061, %slice3A_2062 : vector<4x1024xf32>
    %slice3A_2064 = vector.extract_strided_slice %add3A_2063 {offsets = [0, 0], sizes = [2, 1024], strides = [1, 1]} : vector<4x1024xf32> to vector<2x1024xf32>
    %slice3A_2065 = vector.extract_strided_slice %add3A_2063 {offsets = [2, 0], sizes = [2, 1024], strides = [1, 1]} : vector<4x1024xf32> to vector<2x1024xf32>
    %add3A_2066 = arith.addf %slice3A_2064, %slice3A_2065 : vector<2x1024xf32>
    %slice3A_2067 = vector.extract_strided_slice %add3A_2066 {offsets = [0, 0], sizes = [1, 1024], strides = [1, 1]} : vector<2x1024xf32> to vector<1x1024xf32>
    %slice3A_2068 = vector.extract_strided_slice %add3A_2066 {offsets = [1, 0], sizes = [1, 1024], strides = [1, 1]} : vector<2x1024xf32> to vector<1x1024xf32>
    %add3A_2069 = arith.addf %slice3A_2067, %slice3A_2068 : vector<1x1024xf32>
    %mul3A_2070 = arith.mulf %add3A_2035, %add3A_2035 : vector<256x64xf32>
    %reduce_sum3A_2071 = arith.constant dense<0.000000e+00> : vector<256xf32>
    %reduce_sum3A_2072 = vector.multi_reduction <add>, %mul3A_2070, %reduce_sum3A_2071 [1] : vector<256x64xf32> to vector<256xf32>
    %broadcast_in_dim3A_2073 = vector.shape_cast %reduce_sum3A_2072 : vector<256xf32> to vector<256x1xf32>
    %add3A_2074 = vector.broadcast %broadcast_in_dim3A_2073 : vector<256x1xf32> to vector<256x1024xf32>
    %add3A_2075 = vector.broadcast %add3A_2069 : vector<1x1024xf32> to vector<256x1024xf32>
    %add3A_2076 = arith.addf %add3A_2074, %add3A_2075 : vector<256x1024xf32>
    %convert_element_type3A_2077 = arith.truncf %add3A_2035 : vector<256x64xf32> to vector<256x64xbf16>
    %convert_element_type3A_2078 = arith.truncf %get3A_2044 : vector<64x1024xf32> to vector<64x1024xbf16>
    %dot_general3A_2079 = arith.constant dense<0.000000e+00> : vector<256x1024xf32>
    %dot_general3A_2080 = tpu.matmul %convert_element_type3A_2077, %convert_element_type3A_2078, %dot_general3A_2079 {dimension_numbers = #tpu.dot_dimension_numbers<[1], [0], [0], [1], [0, 0, 1, 1], [], []>, transpose_lhs_hint = false} : vector<256x64xbf16>, vector<64x1024xbf16>, vector<256x1024xf32> -> vector<256x1024xf32>
    %mul3A_2081 = arith.constant 2.000000e+00 : f32
    %mul3A_2082 = vector.broadcast %mul3A_2081 : f32 to vector<256x1024xf32>
    %mul3A_2083 = arith.mulf %mul3A_2082, %dot_general3A_2080 : vector<256x1024xf32>
    %sub3A_2084 = arith.subf %add3A_2076, %mul3A_2083 : vector<256x1024xf32>
    %reduce_min3A = arith.constant dense<0x7F800000> : vector<256xf32>
    %reduce_min3A_2085 = vector.multi_reduction <minimumf>, %sub3A_2084, %reduce_min3A [1] : vector<256x1024xf32> to vector<256xf32>
    %broadcast_in_dim3A_2086 = vector.shape_cast %reduce_min3A_2085 : vector<256xf32> to vector<256x1xf32>
    %iota3A = tpu.iota {dimensions = array<i32: 1>} : vector<256x1024xi32>
    %le3A = vector.broadcast %broadcast_in_dim3A_2086 : vector<256x1xf32> to vector<256x1024xf32>
    %le3A_2087 = arith.cmpf ole, %sub3A_2084, %le3A : vector<256x1024xf32>
    %jit3A = arith.constant 1073741824 : i32
    %broadcast_in_dim3A_2088 = vector.broadcast %jit3A : i32 to vector<256x1024xi32>
    %select_n3A = arith.select %le3A_2087, %iota3A, %broadcast_in_dim3A_2088 : vector<256x1024xi1>, vector<256x1024xi32>
    %reduce_min3A_2089 = arith.constant dense<2147483647> : vector<256xi32>
    %reduce_min3A_2090 = vector.multi_reduction <minsi>, %select_n3A, %reduce_min3A_2089 [1] : vector<256x1024xi32> to vector<256xi32>
    %broadcast_in_dim3A_2091 = vector.shape_cast %reduce_min3A_2090 : vector<256xi32> to vector<256x1xi32>
    %swap3A_2092 = arith.constant 0 : index
    %swap3A_2093 = arith.constant 0 : index
    %swap3A_2094 = arith.constant 0 : index
    %swap3A_2095 = vector.load %arg21[%swap3A_2092, %swap3A_2093, %swap3A_2094] : memref<1x256x1xi32, #tpu.memory_space<vmem>>, vector<1x256x1xi32>
    %swap3A_2096 = vector.shape_cast %swap3A_2095 : vector<1x256x1xi32> to vector<256x1xi32>
    %swap3A_2097 = vector.shape_cast %broadcast_in_dim3A_2091 : vector<256x1xi32> to vector<1x256x1xi32>
    tpu.vector_store %arg21[%swap3A_2092, %swap3A_2093, %swap3A_2094], %swap3A_2097 {strides = array<i32>} : memref<1x256x1xi32, #tpu.memory_space<vmem>>, vector<1x256x1xi32>,
    %eq3A = vector.broadcast %broadcast_in_dim3A_2091 : vector<256x1xi32> to vector<256x1024xi32>
    %eq3A_2098 = arith.cmpi eq, %iota3A, %eq3A : vector<256x1024xi32>
    %convert_element_type3A_2099 = arith.extui %eq3A_2098 : vector<256x1024xi1> to vector<256x1024xi32>
    %convert_element_type3A_2100 = arith.sitofp %convert_element_type3A_2099 : vector<256x1024xi32> to vector<256x1024xf32>
    %reduce_sum3A_2101 = arith.constant dense<0.000000e+00> : vector<1024xf32>
    %reduce_sum3A_2102 = vector.multi_reduction <add>, %convert_element_type3A_2100, %reduce_sum3A_2101 [0] : vector<256x1024xf32> to vector<1024xf32>
    %broadcast_in_dim3A_2103 = vector.shape_cast %reduce_sum3A_2102 : vector<1024xf32> to vector<1x1024xf32>
    %eq3A_2104 = arith.constant 0 : i32
    %eq3A_2105 = arith.cmpi eq, %arg0, %eq3A_2104 : i32
    %convert_element_type3A_2106 = arith.extui %eq3A_2105 : i1 to i32
    %cond3A = arith.constant 0 : i32
    %cond3A_2107 = arith.cmpi ne, %convert_element_type3A_2106, %cond3A : i32
    scf.if %cond3A_2107 {
      %broadcast_in_dim3A_2115 = arith.constant 0.000000e+00 : f32
      %broadcast_in_dim3A_2116 = vector.broadcast %broadcast_in_dim3A_2115 : f32 to vector<1x1024xf32>
      %swap3A_2117 = arith.constant 0 : index
      %swap3A_2118 = arith.constant 0 : index
      %swap3A_2119 = vector.load %arg22[%swap3A_2117, %swap3A_2118] : memref<1x1024xf32, #tpu.memory_space<vmem>>, vector<1x1024xf32>
      tpu.vector_store %arg22[%swap3A_2117, %swap3A_2118], %broadcast_in_dim3A_2116 {strides = array<i32>} : memref<1x1024xf32, #tpu.memory_space<vmem>>, vector<1x1024xf32>,
    } else {
    }
    %get3A_2108 = arith.constant 0 : index
    %get3A_2109 = arith.constant 0 : index
    %get3A_2110 = vector.load %arg22[%get3A_2108, %get3A_2109] : memref<1x1024xf32, #tpu.memory_space<vmem>>, vector<1x1024xf32>
    %add3A_2111 = arith.addf %get3A_2110, %broadcast_in_dim3A_2103 : vector<1x1024xf32>
    %swap3A_2112 = arith.constant 0 : index
    %swap3A_2113 = arith.constant 0 : index
    %swap3A_2114 = vector.load %arg22[%swap3A_2112, %swap3A_2113] : memref<1x1024xf32, #tpu.memory_space<vmem>>, vector<1x1024xf32>
    tpu.vector_store %arg22[%swap3A_2112, %swap3A_2113], %add3A_2111 {strides = array<i32>} : memref<1x1024xf32, #tpu.memory_space<vmem>>, vector<1x1024xf32>,
    return
  }
  func.func @transform_0(%arg0: i32) -> (i32, i32, i32) {
    %c0_i32 = arith.constant 0 : i32
    %c0_i32_0 = arith.constant 0 : i32
    %c0_i32_1 = arith.constant 0 : i32
    return %arg0, %c0_i32, %c0_i32_0 : i32, i32, i32
  }
  func.func @transform_1(%arg0: i32) -> (i32, i32) {
    %c0_i32 = arith.constant 0 : i32
    %c0_i32_0 = arith.constant 0 : i32
    %c0_i32_1 = arith.constant 0 : i32
    return %c0_i32, %c0_i32_0 : i32, i32
  }
  func.func @transform_2(%arg0: i32) -> (i32, i32) {
    %c0_i32 = arith.constant 0 : i32
    %c0_i32_0 = arith.constant 0 : i32
    %c0_i32_1 = arith.constant 0 : i32
    return %c0_i32, %c0_i32_0 : i32, i32
  }
  func.func @transform_3(%arg0: i32) -> (i32, i32) {
    %c0_i32 = arith.constant 0 : i32
    %c0_i32_0 = arith.constant 0 : i32
    %c0_i32_1 = arith.constant 0 : i32
    return %c0_i32, %c0_i32_0 : i32, i32
  }
  func.func @transform_4(%arg0: i32) -> (i32, i32) {
    %c0_i32 = arith.constant 0 : i32
    %c0_i32_0 = arith.constant 0 : i32
    %c0_i32_1 = arith.constant 0 : i32
    return %c0_i32, %c0_i32_0 : i32, i32
  }
  func.func @transform_5(%arg0: i32) -> (i32, i32) {
    %c0_i32 = arith.constant 0 : i32
    %c0_i32_0 = arith.constant 0 : i32
    %c0_i32_1 = arith.constant 0 : i32
    return %c0_i32, %c0_i32_0 : i32, i32
  }
  func.func @transform_6(%arg0: i32) -> (i32, i32, i32) {
    %c0_i32 = arith.constant 0 : i32
    %c0_i32_0 = arith.constant 0 : i32
    %c0_i32_1 = arith.constant 0 : i32
    %c0_i32_2 = arith.constant 0 : i32
    return %c0_i32, %c0_i32_0, %c0_i32_1 : i32, i32, i32
  }
  func.func @transform_7(%arg0: i32) -> (i32, i32) {
    %c0_i32 = arith.constant 0 : i32
    %c0_i32_0 = arith.constant 0 : i32
    %c0_i32_1 = arith.constant 0 : i32
    return %c0_i32, %c0_i32_0 : i32, i32
  }
  func.func @transform_8(%arg0: i32) -> (i32, i32) {
    %c0_i32 = arith.constant 0 : i32
    %c0_i32_0 = arith.constant 0 : i32
    %c0_i32_1 = arith.constant 0 : i32
    return %c0_i32, %c0_i32_0 : i32, i32
  }
  func.func @transform_9(%arg0: i32) -> (i32, i32) {
    %c0_i32 = arith.constant 0 : i32
    %c0_i32_0 = arith.constant 0 : i32
    %c0_i32_1 = arith.constant 0 : i32
    return %c0_i32, %c0_i32_0 : i32, i32
  }
  func.func @transform_10(%arg0: i32) -> (i32, i32) {
    %c0_i32 = arith.constant 0 : i32
    %c0_i32_0 = arith.constant 0 : i32
    %c0_i32_1 = arith.constant 0 : i32
    return %c0_i32, %c0_i32_0 : i32, i32
  }
  func.func @transform_11(%arg0: i32) -> (i32, i32) {
    %c0_i32 = arith.constant 0 : i32
    %c0_i32_0 = arith.constant 0 : i32
    %c0_i32_1 = arith.constant 0 : i32
    return %c0_i32, %c0_i32_0 : i32, i32
  }
  func.func @transform_12(%arg0: i32) -> (i32, i32, i32) {
    %c0_i32 = arith.constant 0 : i32
    %c0_i32_0 = arith.constant 0 : i32
    %c0_i32_1 = arith.constant 0 : i32
    %c0_i32_2 = arith.constant 0 : i32
    return %c0_i32, %c0_i32_0, %c0_i32_1 : i32, i32, i32
  }
  func.func @transform_13(%arg0: i32) -> (i32, i32) {
    %c0_i32 = arith.constant 0 : i32
    %c0_i32_0 = arith.constant 0 : i32
    %c0_i32_1 = arith.constant 0 : i32
    return %c0_i32, %c0_i32_0 : i32, i32
  }
  func.func @transform_14(%arg0: i32) -> (i32, i32) {
    %c0_i32 = arith.constant 0 : i32
    %c0_i32_0 = arith.constant 0 : i32
    %c0_i32_1 = arith.constant 0 : i32
    return %c0_i32, %c0_i32_0 : i32, i32
  }
  func.func @transform_15(%arg0: i32) -> (i32, i32) {
    %c0_i32 = arith.constant 0 : i32
    %c0_i32_0 = arith.constant 0 : i32
    %c0_i32_1 = arith.constant 0 : i32
    return %c0_i32, %c0_i32_0 : i32, i32
  }
  func.func @transform_16(%arg0: i32) -> (i32, i32) {
    %c0_i32 = arith.constant 0 : i32
    %c0_i32_0 = arith.constant 0 : i32
    %c0_i32_1 = arith.constant 0 : i32
    return %c0_i32, %c0_i32_0 : i32, i32
  }
  func.func @transform_17(%arg0: i32) -> (i32, i32) {
    %c0_i32 = arith.constant 0 : i32
    %c0_i32_0 = arith.constant 0 : i32
    %c0_i32_1 = arith.constant 0 : i32
    return %c0_i32, %c0_i32_0 : i32, i32
  }
  func.func @transform_18(%arg0: i32) -> (i32, i32) {
    %c0_i32 = arith.constant 0 : i32
    %c0_i32_0 = arith.constant 0 : i32
    %c0_i32_1 = arith.constant 0 : i32
    return %c0_i32, %c0_i32_0 : i32, i32
  }
  func.func @transform_19(%arg0: i32) -> (i32, i32, i32) {
    %c0_i32 = arith.constant 0 : i32
    %c0_i32_0 = arith.constant 0 : i32
    %c0_i32_1 = arith.constant 0 : i32
    return %arg0, %c0_i32, %c0_i32_0 : i32, i32, i32
  }
  func.func @transform_20(%arg0: i32) -> (i32, i32, i32) {
    %c0_i32 = arith.constant 0 : i32
    %c0_i32_0 = arith.constant 0 : i32
    %c0_i32_1 = arith.constant 0 : i32
    return %arg0, %c0_i32, %c0_i32_0 : i32, i32, i32
  }
  func.func @transform_21(%arg0: i32) -> (i32, i32) {
    %c0_i32 = arith.constant 0 : i32
    %c0_i32_0 = arith.constant 0 : i32
    %c0_i32_1 = arith.constant 0 : i32
    return %c0_i32, %c0_i32_0 : i32, i32
  }
}

module attributes {stable_mosaic.version = 14 : i64} {
  func.func @body(%arg0: i32, %arg1: memref<1x256x64xf32, #tpu.memory_space<vmem>>, %arg2: memref<1x256x64xf32, #tpu.memory_space<vmem>>, %arg3: memref<2x64x512xf32, #tpu.memory_space<vmem>>, %arg4: memref<1x512xf32, #tpu.memory_space<vmem>>, %arg5: memref<1x256x512xf32, #tpu.memory_space<vmem>>, %arg6: memref<1x1xf32, #tpu.memory_space<vmem>>, %arg7: memref<1x1x64xf32, #tpu.memory_space<vmem>>, %arg8: memref<264x64xf32, #tpu.memory_space<vmem>>) attributes {dimension_semantics = [#tpu.dimension_semantics<arbitrary>], iteration_bounds = array<i64: 16>, scalar_prefetch = 0 : i64, scratch_operands = 1 : i64, tpu.core_type = #tpu.core_type<tc>, window_params = [{transform_indices = @transform_0, window_bounds = array<i64: 1, 256, 64>}, {transform_indices = @transform_1, window_bounds = array<i64: 1, 256, 64>}, {pipeline_mode = #tpu.pipeline_mode<synchronous>, transform_indices = @transform_2, window_bounds = array<i64: 2, 64, 512>}, {pipeline_mode = #tpu.pipeline_mode<synchronous>, transform_indices = @transform_3, window_bounds = array<i64: 1, 512>}, {transform_indices = @transform_4, window_bounds = array<i64: 1, 256, 512>}, {pipeline_mode = #tpu.pipeline_mode<synchronous>, transform_indices = @transform_5, window_bounds = array<i64: 1, 1>}, {transform_indices = @transform_6, window_bounds = array<i64: 1, 1, 64>}]} {
    %get3A = arith.constant 0 : index
    %get3A_0 = arith.constant 0 : index
    %get3A_1 = arith.constant 0 : index
    %get3A_2 = vector.load %arg1[%get3A, %get3A_0, %get3A_1] : memref<1x256x64xf32, #tpu.memory_space<vmem>>, vector<1x256x64xf32>
    %get3A_3 = vector.shape_cast %get3A_2 : vector<1x256x64xf32> to vector<256x64xf32>
    %get3A_4 = arith.constant 0 : index
    %get3A_5 = arith.constant 0 : index
    %get3A_6 = arith.constant 0 : index
    %get3A_7 = vector.load %arg2[%get3A_4, %get3A_5, %get3A_6] : memref<1x256x64xf32, #tpu.memory_space<vmem>>, vector<1x256x64xf32>
    %get3A_8 = vector.shape_cast %get3A_7 : vector<1x256x64xf32> to vector<256x64xf32>
    %sub3A = arith.subf %get3A_3, %get3A_8 : vector<256x64xf32>
    %get3A_9 = arith.constant 0 : index
    %get3A_10 = arith.constant 0 : index
    %get3A_11 = arith.constant 0 : index
    %get3A_12 = vector.load %arg2[%get3A_9, %get3A_10, %get3A_11] : memref<1x256x64xf32, #tpu.memory_space<vmem>>, vector<1x256x64xf32>
    %get3A_13 = vector.shape_cast %get3A_12 : vector<1x256x64xf32> to vector<256x64xf32>
    %add3A = arith.addf %get3A_13, %sub3A : vector<256x64xf32>
    %broadcast_in_dim3A = arith.constant 0.000000e+00 : f32
    %broadcast_in_dim3A_14 = vector.broadcast %broadcast_in_dim3A : f32 to vector<264x64xf32>
    %swap3A = arith.constant 0 : index
    %swap3A_15 = arith.constant 0 : index
    %swap3A_16 = vector.load %arg8[%swap3A, %swap3A_15] : memref<264x64xf32, #tpu.memory_space<vmem>>, vector<264x64xf32>
    tpu.vector_store %arg8[%swap3A, %swap3A_15], %broadcast_in_dim3A_14 {strides = array<i32>} : memref<264x64xf32, #tpu.memory_space<vmem>>, vector<264x64xf32>,
    %swap3A_17 = arith.constant 0 : index
    %swap3A_18 = arith.constant 0 : index
    %swap3A_19 = vector.load %arg8[%swap3A_17, %swap3A_18] : memref<264x64xf32, #tpu.memory_space<vmem>>, vector<256x64xf32>
    tpu.vector_store %arg8[%swap3A_17, %swap3A_18], %add3A {strides = array<i32>} : memref<264x64xf32, #tpu.memory_space<vmem>>, vector<256x64xf32>,
    %get3A_20 = arith.constant 0 : index
    %get3A_21 = arith.constant 0 : index
    %get3A_22 = arith.constant 0 : index
    %get3A_23 = vector.load %arg3[%get3A_20, %get3A_21, %get3A_22] : memref<2x64x512xf32, #tpu.memory_space<vmem>>, vector<1x64x512xf32>
    %get3A_24 = vector.shape_cast %get3A_23 : vector<1x64x512xf32> to vector<64x512xf32>
    %convert_element_type3A = arith.truncf %add3A : vector<256x64xf32> to vector<256x64xbf16>
    %convert_element_type3A_25 = arith.truncf %get3A_24 : vector<64x512xf32> to vector<64x512xbf16>
    %dot_general3A = arith.constant dense<0.000000e+00> : vector<256x512xf32>
    %dot_general3A_26 = tpu.matmul %convert_element_type3A, %convert_element_type3A_25, %dot_general3A {dimension_numbers = #tpu.dot_dimension_numbers<[1], [0], [0], [1], [0, 0, 1, 1], [], []>, transpose_lhs_hint = false} : vector<256x64xbf16>, vector<64x512xbf16>, vector<256x512xf32> -> vector<256x512xf32>
    %get3A_27 = arith.constant 1 : index
    %get3A_28 = arith.constant 0 : index
    %get3A_29 = vector.load %arg8[%get3A_27, %get3A_28] : memref<264x64xf32, #tpu.memory_space<vmem>>, vector<256x64xf32>
    %get3A_30 = arith.constant 1 : index
    %get3A_31 = arith.constant 0 : index
    %get3A_32 = arith.constant 0 : index
    %get3A_33 = vector.load %arg3[%get3A_30, %get3A_31, %get3A_32] : memref<2x64x512xf32, #tpu.memory_space<vmem>>, vector<1x64x512xf32>
    %get3A_34 = vector.shape_cast %get3A_33 : vector<1x64x512xf32> to vector<64x512xf32>
    %convert_element_type3A_35 = arith.truncf %get3A_29 : vector<256x64xf32> to vector<256x64xbf16>
    %convert_element_type3A_36 = arith.truncf %get3A_34 : vector<64x512xf32> to vector<64x512xbf16>
    %dot_general3A_37 = arith.constant dense<0.000000e+00> : vector<256x512xf32>
    %dot_general3A_38 = tpu.matmul %convert_element_type3A_35, %convert_element_type3A_36, %dot_general3A_37 {dimension_numbers = #tpu.dot_dimension_numbers<[1], [0], [0], [1], [0, 0, 1, 1], [], []>, transpose_lhs_hint = false} : vector<256x64xbf16>, vector<64x512xbf16>, vector<256x512xf32> -> vector<256x512xf32>
    %add3A_39 = arith.addf %dot_general3A_26, %dot_general3A_38 : vector<256x512xf32>
    %get3A_40 = arith.constant 0 : index
    %get3A_41 = arith.constant 0 : index
    %get3A_42 = vector.load %arg4[%get3A_40, %get3A_41] : memref<1x512xf32, #tpu.memory_space<vmem>>, vector<1x512xf32>
    %add3A_43 = vector.broadcast %get3A_42 : vector<1x512xf32> to vector<256x512xf32>
    %add3A_44 = arith.addf %add3A_39, %add3A_43 : vector<256x512xf32>
    %max3A = arith.constant 0.000000e+00 : f32
    %max3A_45 = vector.broadcast %max3A : f32 to vector<256x512xf32>
    %max3A_46 = arith.maximumf %add3A_44, %max3A_45 : vector<256x512xf32>
    %swap3A_47 = arith.constant 0 : index
    %swap3A_48 = arith.constant 0 : index
    %swap3A_49 = arith.constant 0 : index
    %swap3A_50 = vector.load %arg5[%swap3A_47, %swap3A_48, %swap3A_49] : memref<1x256x512xf32, #tpu.memory_space<vmem>>, vector<1x256x512xf32>
    %swap3A_51 = vector.shape_cast %swap3A_50 : vector<1x256x512xf32> to vector<256x512xf32>
    %swap3A_52 = vector.shape_cast %max3A_46 : vector<256x512xf32> to vector<1x256x512xf32>
    tpu.vector_store %arg5[%swap3A_47, %swap3A_48, %swap3A_49], %swap3A_52 {strides = array<i32>} : memref<1x256x512xf32, #tpu.memory_space<vmem>>, vector<1x256x512xf32>,
    %eq3A = arith.constant 0 : i32
    %eq3A_53 = arith.cmpi eq, %arg0, %eq3A : i32
    %convert_element_type3A_54 = arith.extui %eq3A_53 : i1 to i32
    %cond3A = arith.constant 0 : i32
    %cond3A_55 = arith.cmpi ne, %convert_element_type3A_54, %cond3A : i32
    scf.if %cond3A_55 {
      %broadcast_in_dim3A_79 = arith.constant 0.000000e+00 : f32
      %broadcast_in_dim3A_80 = vector.broadcast %broadcast_in_dim3A_79 : f32 to vector<1x1xf32>
      %swap3A_81 = arith.constant 0 : index
      %swap3A_82 = arith.constant 0 : index
      %swap3A_83 = vector.load %arg6[%swap3A_81, %swap3A_82] : memref<1x1xf32, #tpu.memory_space<vmem>>, vector<1x1xf32>
      tpu.vector_store %arg6[%swap3A_81, %swap3A_82], %broadcast_in_dim3A_80 {strides = array<i32>} : memref<1x1xf32, #tpu.memory_space<vmem>>, vector<1x1xf32>,
    } else {
    }
    %get3A_56 = arith.constant 0 : index
    %get3A_57 = arith.constant 0 : index
    %get3A_58 = vector.load %arg6[%get3A_56, %get3A_57] : memref<1x1xf32, #tpu.memory_space<vmem>>, vector<1x1xf32>
    %mul3A = arith.mulf %sub3A, %sub3A : vector<256x64xf32>
    %reduce_sum3A = vector.shape_cast %mul3A : vector<256x64xf32> to vector<1x256x64xf32>
    %reduce_sum3A_59 = arith.constant dense<0.000000e+00> : vector<1xf32>
    %reduce_sum3A_60 = vector.multi_reduction <add>, %reduce_sum3A, %reduce_sum3A_59 [1, 2] : vector<1x256x64xf32> to vector<1xf32>
    %reduce_sum3A_61 = vector.shape_cast %reduce_sum3A_60 : vector<1xf32> to vector<1x1x1xf32>
    %reduce_sum3A_62 = vector.extract %reduce_sum3A_61[0, 0, 0] : f32 from vector<1x1x1xf32>
    %add3A_63 = vector.broadcast %reduce_sum3A_62 : f32 to vector<1x1xf32>
    %add3A_64 = arith.addf %get3A_58, %add3A_63 : vector<1x1xf32>
    %swap3A_65 = arith.constant 0 : index
    %swap3A_66 = arith.constant 0 : index
    %swap3A_67 = vector.load %arg6[%swap3A_65, %swap3A_66] : memref<1x1xf32, #tpu.memory_space<vmem>>, vector<1x1xf32>
    tpu.vector_store %arg6[%swap3A_65, %swap3A_66], %add3A_64 {strides = array<i32>} : memref<1x1xf32, #tpu.memory_space<vmem>>, vector<1x1xf32>,
    %reduce_sum3A_68 = arith.constant dense<0.000000e+00> : vector<64xf32>
    %reduce_sum3A_69 = vector.multi_reduction <add>, %add3A, %reduce_sum3A_68 [0] : vector<256x64xf32> to vector<64xf32>
    %broadcast_in_dim3A_70 = vector.shape_cast %reduce_sum3A_69 : vector<64xf32> to vector<1x64xf32>
    %div3A = arith.constant 2.560000e+02 : f32
    %div3A_71 = vector.broadcast %div3A : f32 to vector<1x64xf32>
    %div3A_72 = arith.divf %broadcast_in_dim3A_70, %div3A_71 : vector<1x64xf32>
    %swap3A_73 = arith.constant 0 : index
    %swap3A_74 = arith.constant 0 : index
    %swap3A_75 = arith.constant 0 : index
    %swap3A_76 = vector.load %arg7[%swap3A_73, %swap3A_74, %swap3A_75] : memref<1x1x64xf32, #tpu.memory_space<vmem>>, vector<1x1x64xf32>
    %swap3A_77 = vector.shape_cast %swap3A_76 : vector<1x1x64xf32> to vector<1x64xf32>
    %swap3A_78 = vector.shape_cast %div3A_72 : vector<1x64xf32> to vector<1x1x64xf32>
    tpu.vector_store %arg7[%swap3A_73, %swap3A_74, %swap3A_75], %swap3A_78 {strides = array<i32>} : memref<1x1x64xf32, #tpu.memory_space<vmem>>, vector<1x1x64xf32>,
    return
  }
  func.func @transform_0(%arg0: i32) -> (i32, i32, i32) {
    %c0_i32 = arith.constant 0 : i32
    %c0_i32_0 = arith.constant 0 : i32
    %c0_i32_1 = arith.constant 0 : i32
    return %arg0, %c0_i32, %c0_i32_0 : i32, i32, i32
  }
  func.func @transform_1(%arg0: i32) -> (i32, i32, i32) {
    %c0_i32 = arith.constant 0 : i32
    %c0_i32_0 = arith.constant 0 : i32
    %c0_i32_1 = arith.constant 0 : i32
    return %arg0, %c0_i32, %c0_i32_0 : i32, i32, i32
  }
  func.func @transform_2(%arg0: i32) -> (i32, i32, i32) {
    %c0_i32 = arith.constant 0 : i32
    %c0_i32_0 = arith.constant 0 : i32
    %c0_i32_1 = arith.constant 0 : i32
    %c0_i32_2 = arith.constant 0 : i32
    return %c0_i32, %c0_i32_0, %c0_i32_1 : i32, i32, i32
  }
  func.func @transform_3(%arg0: i32) -> (i32, i32) {
    %c0_i32 = arith.constant 0 : i32
    %c0_i32_0 = arith.constant 0 : i32
    %c0_i32_1 = arith.constant 0 : i32
    return %c0_i32, %c0_i32_0 : i32, i32
  }
  func.func @transform_4(%arg0: i32) -> (i32, i32, i32) {
    %c0_i32 = arith.constant 0 : i32
    %c0_i32_0 = arith.constant 0 : i32
    %c0_i32_1 = arith.constant 0 : i32
    return %arg0, %c0_i32, %c0_i32_0 : i32, i32, i32
  }
  func.func @transform_5(%arg0: i32) -> (i32, i32) {
    %c0_i32 = arith.constant 0 : i32
    %c0_i32_0 = arith.constant 0 : i32
    %c0_i32_1 = arith.constant 0 : i32
    return %c0_i32, %c0_i32_0 : i32, i32
  }
  func.func @transform_6(%arg0: i32) -> (i32, i32, i32) {
    %c0_i32 = arith.constant 0 : i32
    %c0_i32_0 = arith.constant 0 : i32
    %c0_i32_1 = arith.constant 0 : i32
    return %arg0, %c0_i32, %c0_i32_0 : i32, i32, i32
  }
}

module attributes {stable_mosaic.version = 14 : i64} {
  func.func @body(%arg0: memref<1x1024xf32, #tpu.memory_space<vmem>>, %arg1: memref<1x1xf32, #tpu.memory_space<vmem>>, %arg2: memref<16x64xf32, #tpu.memory_space<vmem>>, %arg3: memref<64x128xf32, #tpu.memory_space<vmem>>, %arg4: memref<1x128xf32, #tpu.memory_space<vmem>>, %arg5: memref<128x64xf32, #tpu.memory_space<vmem>>, %arg6: memref<1x64xf32, #tpu.memory_space<vmem>>, %arg7: memref<64x4xf32, #tpu.memory_space<vmem>>, %arg8: memref<1x4xf32, #tpu.memory_space<vmem>>, %arg9: memref<1x1xf32, #tpu.memory_space<vmem>>, %arg10: memref<1x1xf32, #tpu.memory_space<vmem>>, %arg11: memref<16x4xf32, #tpu.memory_space<vmem>>) attributes {dimension_semantics = [], scalar_prefetch = 0 : i64, scratch_operands = 0 : i64, tpu.core_type = #tpu.core_type<tc>} {
    %get3A = arith.constant 0 : index
    %get3A_0 = arith.constant 0 : index
    %get3A_1 = vector.load %arg0[%get3A, %get3A_0] : memref<1x1024xf32, #tpu.memory_space<vmem>>, vector<1x1024xf32>
    %div3A = arith.constant 4.096000e+03 : f32
    %div3A_2 = vector.broadcast %div3A : f32 to vector<1x1024xf32>
    %div3A_3 = arith.divf %get3A_1, %div3A_2 : vector<1x1024xf32>
    %add3A = arith.constant 1.000000e-10 : f32
    %add3A_4 = vector.broadcast %add3A : f32 to vector<1x1024xf32>
    %add3A_5 = arith.addf %div3A_3, %add3A_4 : vector<1x1024xf32>
    %log3A = math.log %add3A_5 : vector<1x1024xf32>
    %mul3A = arith.mulf %div3A_3, %log3A : vector<1x1024xf32>
    %reduce_sum3A = vector.shape_cast %mul3A : vector<1x1024xf32> to vector<1x1x1024xf32>
    %reduce_sum3A_6 = arith.constant dense<0.000000e+00> : vector<1xf32>
    %reduce_sum3A_7 = vector.multi_reduction <add>, %reduce_sum3A, %reduce_sum3A_6 [1, 2] : vector<1x1x1024xf32> to vector<1xf32>
    %reduce_sum3A_8 = vector.shape_cast %reduce_sum3A_7 : vector<1xf32> to vector<1x1x1xf32>
    %reduce_sum3A_9 = vector.extract %reduce_sum3A_8[0, 0, 0] : f32 from vector<1x1x1xf32>
    %neg3A = arith.constant 0.000000e+00 : f32
    %neg3A_10 = arith.subf %neg3A, %reduce_sum3A_9 : f32
    %exp3A = math.exp %neg3A_10 : f32
    %broadcast_in_dim3A = arith.constant 1.000000e+00 : f32
    %broadcast_in_dim3A_11 = vector.broadcast %broadcast_in_dim3A : f32 to vector<1x1xf32>
    %mul3A_12 = vector.broadcast %exp3A : f32 to vector<1x1xf32>
    %mul3A_13 = arith.mulf %mul3A_12, %broadcast_in_dim3A_11 : vector<1x1xf32>
    %swap3A = arith.constant 0 : index
    %swap3A_14 = arith.constant 0 : index
    %swap3A_15 = vector.load %arg10[%swap3A, %swap3A_14] : memref<1x1xf32, #tpu.memory_space<vmem>>, vector<1x1xf32>
    tpu.vector_store %arg10[%swap3A, %swap3A_14], %mul3A_13 {strides = array<i32>} : memref<1x1xf32, #tpu.memory_space<vmem>>, vector<1x1xf32>,
    %get3A_16 = arith.constant 0 : index
    %get3A_17 = arith.constant 0 : index
    %get3A_18 = vector.load %arg1[%get3A_16, %get3A_17] : memref<1x1xf32, #tpu.memory_space<vmem>>, vector<1x1xf32>
    %mul3A_19 = arith.constant 2.500000e-01 : f32
    %mul3A_20 = vector.broadcast %mul3A_19 : f32 to vector<1x1xf32>
    %mul3A_21 = arith.mulf %mul3A_20, %get3A_18 : vector<1x1xf32>
    %div3A_22 = arith.constant 2.621440e+05 : f32
    %div3A_23 = vector.broadcast %div3A_22 : f32 to vector<1x1xf32>
    %div3A_24 = arith.divf %mul3A_21, %div3A_23 : vector<1x1xf32>
    %swap3A_25 = arith.constant 0 : index
    %swap3A_26 = arith.constant 0 : index
    %swap3A_27 = vector.load %arg9[%swap3A_25, %swap3A_26] : memref<1x1xf32, #tpu.memory_space<vmem>>, vector<1x1xf32>
    tpu.vector_store %arg9[%swap3A_25, %swap3A_26], %div3A_24 {strides = array<i32>} : memref<1x1xf32, #tpu.memory_space<vmem>>, vector<1x1xf32>,
    %get3A_28 = arith.constant 0 : index
    %get3A_29 = arith.constant 0 : index
    %get3A_30 = vector.load %arg2[%get3A_28, %get3A_29] : memref<16x64xf32, #tpu.memory_space<vmem>>, vector<16x64xf32>
    %get3A_31 = arith.constant 0 : index
    %get3A_32 = arith.constant 0 : index
    %get3A_33 = vector.load %arg3[%get3A_31, %get3A_32] : memref<64x128xf32, #tpu.memory_space<vmem>>, vector<64x128xf32>
    %convert_element_type3A = arith.truncf %get3A_30 : vector<16x64xf32> to vector<16x64xbf16>
    %convert_element_type3A_34 = arith.truncf %get3A_33 : vector<64x128xf32> to vector<64x128xbf16>
    %dot_general3A = arith.constant dense<0.000000e+00> : vector<16x128xf32>
    %dot_general3A_35 = tpu.matmul %convert_element_type3A, %convert_element_type3A_34, %dot_general3A {dimension_numbers = #tpu.dot_dimension_numbers<[1], [0], [0], [1], [0, 0, 1, 1], [], []>, transpose_lhs_hint = false} : vector<16x64xbf16>, vector<64x128xbf16>, vector<16x128xf32> -> vector<16x128xf32>
    %get3A_36 = arith.constant 0 : index
    %get3A_37 = arith.constant 0 : index
    %get3A_38 = vector.load %arg4[%get3A_36, %get3A_37] : memref<1x128xf32, #tpu.memory_space<vmem>>, vector<1x128xf32>
    %add3A_39 = vector.broadcast %get3A_38 : vector<1x128xf32> to vector<16x128xf32>
    %add3A_40 = arith.addf %dot_general3A_35, %add3A_39 : vector<16x128xf32>
    %max3A = arith.constant 0.000000e+00 : f32
    %max3A_41 = vector.broadcast %max3A : f32 to vector<16x128xf32>
    %max3A_42 = arith.maximumf %add3A_40, %max3A_41 : vector<16x128xf32>
    %get3A_43 = arith.constant 0 : index
    %get3A_44 = arith.constant 0 : index
    %get3A_45 = vector.load %arg5[%get3A_43, %get3A_44] : memref<128x64xf32, #tpu.memory_space<vmem>>, vector<128x64xf32>
    %convert_element_type3A_46 = arith.truncf %max3A_42 : vector<16x128xf32> to vector<16x128xbf16>
    %convert_element_type3A_47 = arith.truncf %get3A_45 : vector<128x64xf32> to vector<128x64xbf16>
    %dot_general3A_48 = arith.constant dense<0.000000e+00> : vector<16x64xf32>
    %dot_general3A_49 = tpu.matmul %convert_element_type3A_46, %convert_element_type3A_47, %dot_general3A_48 {dimension_numbers = #tpu.dot_dimension_numbers<[1], [0], [0], [1], [0, 0, 1, 1], [], []>, transpose_lhs_hint = false} : vector<16x128xbf16>, vector<128x64xbf16>, vector<16x64xf32> -> vector<16x64xf32>
    %get3A_50 = arith.constant 0 : index
    %get3A_51 = arith.constant 0 : index
    %get3A_52 = vector.load %arg6[%get3A_50, %get3A_51] : memref<1x64xf32, #tpu.memory_space<vmem>>, vector<1x64xf32>
    %add3A_53 = vector.broadcast %get3A_52 : vector<1x64xf32> to vector<16x64xf32>
    %add3A_54 = arith.addf %dot_general3A_49, %add3A_53 : vector<16x64xf32>
    %max3A_55 = arith.constant 0.000000e+00 : f32
    %max3A_56 = vector.broadcast %max3A_55 : f32 to vector<16x64xf32>
    %max3A_57 = arith.maximumf %add3A_54, %max3A_56 : vector<16x64xf32>
    %get3A_58 = arith.constant 0 : index
    %get3A_59 = arith.constant 0 : index
    %get3A_60 = vector.load %arg7[%get3A_58, %get3A_59] : memref<64x4xf32, #tpu.memory_space<vmem>>, vector<64x4xf32>
    %convert_element_type3A_61 = arith.truncf %max3A_57 : vector<16x64xf32> to vector<16x64xbf16>
    %convert_element_type3A_62 = arith.truncf %get3A_60 : vector<64x4xf32> to vector<64x4xbf16>
    %dot_general3A_63 = arith.constant dense<0.000000e+00> : vector<16x4xf32>
    %dot_general3A_64 = tpu.matmul %convert_element_type3A_61, %convert_element_type3A_62, %dot_general3A_63 {dimension_numbers = #tpu.dot_dimension_numbers<[1], [0], [0], [1], [0, 0, 1, 1], [], []>, transpose_lhs_hint = false} : vector<16x64xbf16>, vector<64x4xbf16>, vector<16x4xf32> -> vector<16x4xf32>
    %get3A_65 = arith.constant 0 : index
    %get3A_66 = arith.constant 0 : index
    %get3A_67 = vector.load %arg8[%get3A_65, %get3A_66] : memref<1x4xf32, #tpu.memory_space<vmem>>, vector<1x4xf32>
    %add3A_68 = vector.broadcast %get3A_67 : vector<1x4xf32> to vector<16x4xf32>
    %add3A_69 = arith.addf %dot_general3A_64, %add3A_68 : vector<16x4xf32>
    %swap3A_70 = arith.constant 0 : index
    %swap3A_71 = arith.constant 0 : index
    %swap3A_72 = vector.load %arg11[%swap3A_70, %swap3A_71] : memref<16x4xf32, #tpu.memory_space<vmem>>, vector<16x4xf32>
    tpu.vector_store %arg11[%swap3A_70, %swap3A_71], %add3A_69 {strides = array<i32>} : memref<16x4xf32, #tpu.memory_space<vmem>>, vector<16x4xf32>,
    return
  }
}

module attributes {stable_mosaic.version = 14 : i64} {
  func.func @body(%arg0: i32, %arg1: memref<1x512x256xf32, #tpu.memory_space<vmem>>, %arg2: memref<3x256x256xf32, #tpu.memory_space<vmem>>, %arg3: memref<1x256xf32, #tpu.memory_space<vmem>>, %arg4: memref<1x512x256xf32, #tpu.memory_space<vmem>>, %arg5: memref<520x256xf32, #tpu.memory_space<vmem>>) attributes {dimension_semantics = [#tpu.dimension_semantics<arbitrary>], iteration_bounds = array<i64: 16>, scalar_prefetch = 0 : i64, scratch_operands = 1 : i64, tpu.core_type = #tpu.core_type<tc>, window_params = [{transform_indices = @transform_0, window_bounds = array<i64: 1, 512, 256>}, {pipeline_mode = #tpu.pipeline_mode<synchronous>, transform_indices = @transform_1, window_bounds = array<i64: 3, 256, 256>}, {pipeline_mode = #tpu.pipeline_mode<synchronous>, transform_indices = @transform_2, window_bounds = array<i64: 1, 256>}, {transform_indices = @transform_3, window_bounds = array<i64: 1, 512, 256>}]} {
    %broadcast_in_dim3A = arith.constant 0.000000e+00 : f32
    %broadcast_in_dim3A_0 = vector.broadcast %broadcast_in_dim3A : f32 to vector<520x256xf32>
    %swap3A = arith.constant 0 : index
    %swap3A_1 = arith.constant 0 : index
    %swap3A_2 = vector.load %arg5[%swap3A, %swap3A_1] : memref<520x256xf32, #tpu.memory_space<vmem>>, vector<520x256xf32>
    tpu.vector_store %arg5[%swap3A, %swap3A_1], %broadcast_in_dim3A_0 {strides = array<i32>} : memref<520x256xf32, #tpu.memory_space<vmem>>, vector<520x256xf32>,
    %get3A = arith.constant 0 : index
    %get3A_3 = arith.constant 0 : index
    %get3A_4 = arith.constant 0 : index
    %get3A_5 = vector.load %arg1[%get3A, %get3A_3, %get3A_4] : memref<1x512x256xf32, #tpu.memory_space<vmem>>, vector<1x512x256xf32>
    %get3A_6 = vector.shape_cast %get3A_5 : vector<1x512x256xf32> to vector<512x256xf32>
    %swap3A_7 = arith.constant 1 : index
    %swap3A_8 = arith.constant 0 : index
    %swap3A_9 = vector.load %arg5[%swap3A_7, %swap3A_8] : memref<520x256xf32, #tpu.memory_space<vmem>>, vector<512x256xf32>
    tpu.vector_store %arg5[%swap3A_7, %swap3A_8], %get3A_6 {strides = array<i32>} : memref<520x256xf32, #tpu.memory_space<vmem>>, vector<512x256xf32>,
    %get3A_10 = arith.constant 0 : index
    %get3A_11 = arith.constant 0 : index
    %get3A_12 = vector.load %arg5[%get3A_10, %get3A_11] : memref<520x256xf32, #tpu.memory_space<vmem>>, vector<512x256xf32>
    %get3A_13 = arith.constant 0 : index
    %get3A_14 = arith.constant 0 : index
    %get3A_15 = arith.constant 0 : index
    %get3A_16 = vector.load %arg2[%get3A_13, %get3A_14, %get3A_15] : memref<3x256x256xf32, #tpu.memory_space<vmem>>, vector<1x256x256xf32>
    %get3A_17 = vector.shape_cast %get3A_16 : vector<1x256x256xf32> to vector<256x256xf32>
    %convert_element_type3A = arith.truncf %get3A_12 : vector<512x256xf32> to vector<512x256xbf16>
    %convert_element_type3A_18 = arith.truncf %get3A_17 : vector<256x256xf32> to vector<256x256xbf16>
    %dot_general3A = arith.constant dense<0.000000e+00> : vector<512x256xf32>
    %dot_general3A_19 = tpu.matmul %convert_element_type3A, %convert_element_type3A_18, %dot_general3A {dimension_numbers = #tpu.dot_dimension_numbers<[1], [0], [0], [1], [0, 0, 1, 1], [], []>, transpose_lhs_hint = false} : vector<512x256xbf16>, vector<256x256xbf16>, vector<512x256xf32> -> vector<512x256xf32>
    %get3A_20 = arith.constant 1 : index
    %get3A_21 = arith.constant 0 : index
    %get3A_22 = vector.load %arg5[%get3A_20, %get3A_21] : memref<520x256xf32, #tpu.memory_space<vmem>>, vector<512x256xf32>
    %get3A_23 = arith.constant 1 : index
    %get3A_24 = arith.constant 0 : index
    %get3A_25 = arith.constant 0 : index
    %get3A_26 = vector.load %arg2[%get3A_23, %get3A_24, %get3A_25] : memref<3x256x256xf32, #tpu.memory_space<vmem>>, vector<1x256x256xf32>
    %get3A_27 = vector.shape_cast %get3A_26 : vector<1x256x256xf32> to vector<256x256xf32>
    %convert_element_type3A_28 = arith.truncf %get3A_22 : vector<512x256xf32> to vector<512x256xbf16>
    %convert_element_type3A_29 = arith.truncf %get3A_27 : vector<256x256xf32> to vector<256x256xbf16>
    %dot_general3A_30 = arith.constant dense<0.000000e+00> : vector<512x256xf32>
    %dot_general3A_31 = tpu.matmul %convert_element_type3A_28, %convert_element_type3A_29, %dot_general3A_30 {dimension_numbers = #tpu.dot_dimension_numbers<[1], [0], [0], [1], [0, 0, 1, 1], [], []>, transpose_lhs_hint = false} : vector<512x256xbf16>, vector<256x256xbf16>, vector<512x256xf32> -> vector<512x256xf32>
    %add3A = arith.addf %dot_general3A_19, %dot_general3A_31 : vector<512x256xf32>
    %get3A_32 = arith.constant 2 : index
    %get3A_33 = arith.constant 0 : index
    %get3A_34 = vector.load %arg5[%get3A_32, %get3A_33] : memref<520x256xf32, #tpu.memory_space<vmem>>, vector<512x256xf32>
    %get3A_35 = arith.constant 2 : index
    %get3A_36 = arith.constant 0 : index
    %get3A_37 = arith.constant 0 : index
    %get3A_38 = vector.load %arg2[%get3A_35, %get3A_36, %get3A_37] : memref<3x256x256xf32, #tpu.memory_space<vmem>>, vector<1x256x256xf32>
    %get3A_39 = vector.shape_cast %get3A_38 : vector<1x256x256xf32> to vector<256x256xf32>
    %convert_element_type3A_40 = arith.truncf %get3A_34 : vector<512x256xf32> to vector<512x256xbf16>
    %convert_element_type3A_41 = arith.truncf %get3A_39 : vector<256x256xf32> to vector<256x256xbf16>
    %dot_general3A_42 = arith.constant dense<0.000000e+00> : vector<512x256xf32>
    %dot_general3A_43 = tpu.matmul %convert_element_type3A_40, %convert_element_type3A_41, %dot_general3A_42 {dimension_numbers = #tpu.dot_dimension_numbers<[1], [0], [0], [1], [0, 0, 1, 1], [], []>, transpose_lhs_hint = false} : vector<512x256xbf16>, vector<256x256xbf16>, vector<512x256xf32> -> vector<512x256xf32>
    %add3A_44 = arith.addf %add3A, %dot_general3A_43 : vector<512x256xf32>
    %get3A_45 = arith.constant 0 : index
    %get3A_46 = arith.constant 0 : index
    %get3A_47 = vector.load %arg3[%get3A_45, %get3A_46] : memref<1x256xf32, #tpu.memory_space<vmem>>, vector<1x256xf32>
    %add3A_48 = vector.broadcast %get3A_47 : vector<1x256xf32> to vector<512x256xf32>
    %add3A_49 = arith.addf %add3A_44, %add3A_48 : vector<512x256xf32>
    %max3A = arith.constant 0.000000e+00 : f32
    %max3A_50 = vector.broadcast %max3A : f32 to vector<512x256xf32>
    %max3A_51 = arith.maximumf %add3A_49, %max3A_50 : vector<512x256xf32>
    %swap3A_52 = arith.constant 0 : index
    %swap3A_53 = arith.constant 0 : index
    %swap3A_54 = arith.constant 0 : index
    %swap3A_55 = vector.load %arg4[%swap3A_52, %swap3A_53, %swap3A_54] : memref<1x512x256xf32, #tpu.memory_space<vmem>>, vector<1x512x256xf32>
    %swap3A_56 = vector.shape_cast %swap3A_55 : vector<1x512x256xf32> to vector<512x256xf32>
    %swap3A_57 = vector.shape_cast %max3A_51 : vector<512x256xf32> to vector<1x512x256xf32>
    tpu.vector_store %arg4[%swap3A_52, %swap3A_53, %swap3A_54], %swap3A_57 {strides = array<i32>} : memref<1x512x256xf32, #tpu.memory_space<vmem>>, vector<1x512x256xf32>,
    return
  }
  func.func @transform_0(%arg0: i32) -> (i32, i32, i32) {
    %c0_i32 = arith.constant 0 : i32
    %c0_i32_0 = arith.constant 0 : i32
    %c0_i32_1 = arith.constant 0 : i32
    return %arg0, %c0_i32, %c0_i32_0 : i32, i32, i32
  }
  func.func @transform_1(%arg0: i32) -> (i32, i32, i32) {
    %c0_i32 = arith.constant 0 : i32
    %c0_i32_0 = arith.constant 0 : i32
    %c0_i32_1 = arith.constant 0 : i32
    %c0_i32_2 = arith.constant 0 : i32
    return %c0_i32, %c0_i32_0, %c0_i32_1 : i32, i32, i32
  }
  func.func @transform_2(%arg0: i32) -> (i32, i32) {
    %c0_i32 = arith.constant 0 : i32
    %c0_i32_0 = arith.constant 0 : i32
    %c0_i32_1 = arith.constant 0 : i32
    return %c0_i32, %c0_i32_0 : i32, i32
  }
  func.func @transform_3(%arg0: i32) -> (i32, i32, i32) {
    %c0_i32 = arith.constant 0 : i32
    %c0_i32_0 = arith.constant 0 : i32
    %c0_i32_1 = arith.constant 0 : i32
    return %arg0, %c0_i32, %c0_i32_0 : i32, i32, i32
  }
}

module attributes {stable_mosaic.version = 14 : i64} {
  func.func @body(%arg0: i32, %arg1: memref<1x1024x128xf32, #tpu.memory_space<vmem>>, %arg2: memref<7x128x256xf32, #tpu.memory_space<vmem>>, %arg3: memref<1x256xf32, #tpu.memory_space<vmem>>, %arg4: memref<1x1024x256xf32, #tpu.memory_space<vmem>>, %arg5: memref<1032x128xf32, #tpu.memory_space<vmem>>) attributes {dimension_semantics = [#tpu.dimension_semantics<arbitrary>], iteration_bounds = array<i64: 16>, scalar_prefetch = 0 : i64, scratch_operands = 1 : i64, tpu.core_type = #tpu.core_type<tc>, window_params = [{transform_indices = @transform_0, window_bounds = array<i64: 1, 1024, 128>}, {pipeline_mode = #tpu.pipeline_mode<synchronous>, transform_indices = @transform_1, window_bounds = array<i64: 7, 128, 256>}, {pipeline_mode = #tpu.pipeline_mode<synchronous>, transform_indices = @transform_2, window_bounds = array<i64: 1, 256>}, {transform_indices = @transform_3, window_bounds = array<i64: 1, 1024, 256>}]} {
    %broadcast_in_dim3A = arith.constant 0.000000e+00 : f32
    %broadcast_in_dim3A_0 = vector.broadcast %broadcast_in_dim3A : f32 to vector<1032x128xf32>
    %swap3A = arith.constant 0 : index
    %swap3A_1 = arith.constant 0 : index
    %swap3A_2 = vector.load %arg5[%swap3A, %swap3A_1] : memref<1032x128xf32, #tpu.memory_space<vmem>>, vector<1032x128xf32>
    tpu.vector_store %arg5[%swap3A, %swap3A_1], %broadcast_in_dim3A_0 {strides = array<i32>} : memref<1032x128xf32, #tpu.memory_space<vmem>>, vector<1032x128xf32>,
    %get3A = arith.constant 0 : index
    %get3A_3 = arith.constant 0 : index
    %get3A_4 = arith.constant 0 : index
    %get3A_5 = vector.load %arg1[%get3A, %get3A_3, %get3A_4] : memref<1x1024x128xf32, #tpu.memory_space<vmem>>, vector<1x1024x128xf32>
    %get3A_6 = vector.shape_cast %get3A_5 : vector<1x1024x128xf32> to vector<1024x128xf32>
    %swap3A_7 = arith.constant 3 : index
    %swap3A_8 = arith.constant 0 : index
    %swap3A_9 = vector.load %arg5[%swap3A_7, %swap3A_8] : memref<1032x128xf32, #tpu.memory_space<vmem>>, vector<1024x128xf32>
    tpu.vector_store %arg5[%swap3A_7, %swap3A_8], %get3A_6 {strides = array<i32>} : memref<1032x128xf32, #tpu.memory_space<vmem>>, vector<1024x128xf32>,
    %get3A_10 = arith.constant 0 : index
    %get3A_11 = arith.constant 0 : index
    %get3A_12 = vector.load %arg5[%get3A_10, %get3A_11] : memref<1032x128xf32, #tpu.memory_space<vmem>>, vector<1024x128xf32>
    %get3A_13 = arith.constant 0 : index
    %get3A_14 = arith.constant 0 : index
    %get3A_15 = arith.constant 0 : index
    %get3A_16 = vector.load %arg2[%get3A_13, %get3A_14, %get3A_15] : memref<7x128x256xf32, #tpu.memory_space<vmem>>, vector<1x128x256xf32>
    %get3A_17 = vector.shape_cast %get3A_16 : vector<1x128x256xf32> to vector<128x256xf32>
    %convert_element_type3A = arith.truncf %get3A_12 : vector<1024x128xf32> to vector<1024x128xbf16>
    %convert_element_type3A_18 = arith.truncf %get3A_17 : vector<128x256xf32> to vector<128x256xbf16>
    %dot_general3A = arith.constant dense<0.000000e+00> : vector<1024x256xf32>
    %dot_general3A_19 = tpu.matmul %convert_element_type3A, %convert_element_type3A_18, %dot_general3A {dimension_numbers = #tpu.dot_dimension_numbers<[1], [0], [0], [1], [0, 0, 1, 1], [], []>, transpose_lhs_hint = false} : vector<1024x128xbf16>, vector<128x256xbf16>, vector<1024x256xf32> -> vector<1024x256xf32>
    %get3A_20 = arith.constant 1 : index
    %get3A_21 = arith.constant 0 : index
    %get3A_22 = vector.load %arg5[%get3A_20, %get3A_21] : memref<1032x128xf32, #tpu.memory_space<vmem>>, vector<1024x128xf32>
    %get3A_23 = arith.constant 1 : index
    %get3A_24 = arith.constant 0 : index
    %get3A_25 = arith.constant 0 : index
    %get3A_26 = vector.load %arg2[%get3A_23, %get3A_24, %get3A_25] : memref<7x128x256xf32, #tpu.memory_space<vmem>>, vector<1x128x256xf32>
    %get3A_27 = vector.shape_cast %get3A_26 : vector<1x128x256xf32> to vector<128x256xf32>
    %convert_element_type3A_28 = arith.truncf %get3A_22 : vector<1024x128xf32> to vector<1024x128xbf16>
    %convert_element_type3A_29 = arith.truncf %get3A_27 : vector<128x256xf32> to vector<128x256xbf16>
    %dot_general3A_30 = arith.constant dense<0.000000e+00> : vector<1024x256xf32>
    %dot_general3A_31 = tpu.matmul %convert_element_type3A_28, %convert_element_type3A_29, %dot_general3A_30 {dimension_numbers = #tpu.dot_dimension_numbers<[1], [0], [0], [1], [0, 0, 1, 1], [], []>, transpose_lhs_hint = false} : vector<1024x128xbf16>, vector<128x256xbf16>, vector<1024x256xf32> -> vector<1024x256xf32>
    %add3A = arith.addf %dot_general3A_19, %dot_general3A_31 : vector<1024x256xf32>
    %get3A_32 = arith.constant 2 : index
    %get3A_33 = arith.constant 0 : index
    %get3A_34 = vector.load %arg5[%get3A_32, %get3A_33] : memref<1032x128xf32, #tpu.memory_space<vmem>>, vector<1024x128xf32>
    %get3A_35 = arith.constant 2 : index
    %get3A_36 = arith.constant 0 : index
    %get3A_37 = arith.constant 0 : index
    %get3A_38 = vector.load %arg2[%get3A_35, %get3A_36, %get3A_37] : memref<7x128x256xf32, #tpu.memory_space<vmem>>, vector<1x128x256xf32>
    %get3A_39 = vector.shape_cast %get3A_38 : vector<1x128x256xf32> to vector<128x256xf32>
    %convert_element_type3A_40 = arith.truncf %get3A_34 : vector<1024x128xf32> to vector<1024x128xbf16>
    %convert_element_type3A_41 = arith.truncf %get3A_39 : vector<128x256xf32> to vector<128x256xbf16>
    %dot_general3A_42 = arith.constant dense<0.000000e+00> : vector<1024x256xf32>
    %dot_general3A_43 = tpu.matmul %convert_element_type3A_40, %convert_element_type3A_41, %dot_general3A_42 {dimension_numbers = #tpu.dot_dimension_numbers<[1], [0], [0], [1], [0, 0, 1, 1], [], []>, transpose_lhs_hint = false} : vector<1024x128xbf16>, vector<128x256xbf16>, vector<1024x256xf32> -> vector<1024x256xf32>
    %add3A_44 = arith.addf %add3A, %dot_general3A_43 : vector<1024x256xf32>
    %get3A_45 = arith.constant 3 : index
    %get3A_46 = arith.constant 0 : index
    %get3A_47 = vector.load %arg5[%get3A_45, %get3A_46] : memref<1032x128xf32, #tpu.memory_space<vmem>>, vector<1024x128xf32>
    %get3A_48 = arith.constant 3 : index
    %get3A_49 = arith.constant 0 : index
    %get3A_50 = arith.constant 0 : index
    %get3A_51 = vector.load %arg2[%get3A_48, %get3A_49, %get3A_50] : memref<7x128x256xf32, #tpu.memory_space<vmem>>, vector<1x128x256xf32>
    %get3A_52 = vector.shape_cast %get3A_51 : vector<1x128x256xf32> to vector<128x256xf32>
    %convert_element_type3A_53 = arith.truncf %get3A_47 : vector<1024x128xf32> to vector<1024x128xbf16>
    %convert_element_type3A_54 = arith.truncf %get3A_52 : vector<128x256xf32> to vector<128x256xbf16>
    %dot_general3A_55 = arith.constant dense<0.000000e+00> : vector<1024x256xf32>
    %dot_general3A_56 = tpu.matmul %convert_element_type3A_53, %convert_element_type3A_54, %dot_general3A_55 {dimension_numbers = #tpu.dot_dimension_numbers<[1], [0], [0], [1], [0, 0, 1, 1], [], []>, transpose_lhs_hint = false} : vector<1024x128xbf16>, vector<128x256xbf16>, vector<1024x256xf32> -> vector<1024x256xf32>
    %add3A_57 = arith.addf %add3A_44, %dot_general3A_56 : vector<1024x256xf32>
    %get3A_58 = arith.constant 4 : index
    %get3A_59 = arith.constant 0 : index
    %get3A_60 = vector.load %arg5[%get3A_58, %get3A_59] : memref<1032x128xf32, #tpu.memory_space<vmem>>, vector<1024x128xf32>
    %get3A_61 = arith.constant 4 : index
    %get3A_62 = arith.constant 0 : index
    %get3A_63 = arith.constant 0 : index
    %get3A_64 = vector.load %arg2[%get3A_61, %get3A_62, %get3A_63] : memref<7x128x256xf32, #tpu.memory_space<vmem>>, vector<1x128x256xf32>
    %get3A_65 = vector.shape_cast %get3A_64 : vector<1x128x256xf32> to vector<128x256xf32>
    %convert_element_type3A_66 = arith.truncf %get3A_60 : vector<1024x128xf32> to vector<1024x128xbf16>
    %convert_element_type3A_67 = arith.truncf %get3A_65 : vector<128x256xf32> to vector<128x256xbf16>
    %dot_general3A_68 = arith.constant dense<0.000000e+00> : vector<1024x256xf32>
    %dot_general3A_69 = tpu.matmul %convert_element_type3A_66, %convert_element_type3A_67, %dot_general3A_68 {dimension_numbers = #tpu.dot_dimension_numbers<[1], [0], [0], [1], [0, 0, 1, 1], [], []>, transpose_lhs_hint = false} : vector<1024x128xbf16>, vector<128x256xbf16>, vector<1024x256xf32> -> vector<1024x256xf32>
    %add3A_70 = arith.addf %add3A_57, %dot_general3A_69 : vector<1024x256xf32>
    %get3A_71 = arith.constant 5 : index
    %get3A_72 = arith.constant 0 : index
    %get3A_73 = vector.load %arg5[%get3A_71, %get3A_72] : memref<1032x128xf32, #tpu.memory_space<vmem>>, vector<1024x128xf32>
    %get3A_74 = arith.constant 5 : index
    %get3A_75 = arith.constant 0 : index
    %get3A_76 = arith.constant 0 : index
    %get3A_77 = vector.load %arg2[%get3A_74, %get3A_75, %get3A_76] : memref<7x128x256xf32, #tpu.memory_space<vmem>>, vector<1x128x256xf32>
    %get3A_78 = vector.shape_cast %get3A_77 : vector<1x128x256xf32> to vector<128x256xf32>
    %convert_element_type3A_79 = arith.truncf %get3A_73 : vector<1024x128xf32> to vector<1024x128xbf16>
    %convert_element_type3A_80 = arith.truncf %get3A_78 : vector<128x256xf32> to vector<128x256xbf16>
    %dot_general3A_81 = arith.constant dense<0.000000e+00> : vector<1024x256xf32>
    %dot_general3A_82 = tpu.matmul %convert_element_type3A_79, %convert_element_type3A_80, %dot_general3A_81 {dimension_numbers = #tpu.dot_dimension_numbers<[1], [0], [0], [1], [0, 0, 1, 1], [], []>, transpose_lhs_hint = false} : vector<1024x128xbf16>, vector<128x256xbf16>, vector<1024x256xf32> -> vector<1024x256xf32>
    %add3A_83 = arith.addf %add3A_70, %dot_general3A_82 : vector<1024x256xf32>
    %get3A_84 = arith.constant 6 : index
    %get3A_85 = arith.constant 0 : index
    %get3A_86 = vector.load %arg5[%get3A_84, %get3A_85] : memref<1032x128xf32, #tpu.memory_space<vmem>>, vector<1024x128xf32>
    %get3A_87 = arith.constant 6 : index
    %get3A_88 = arith.constant 0 : index
    %get3A_89 = arith.constant 0 : index
    %get3A_90 = vector.load %arg2[%get3A_87, %get3A_88, %get3A_89] : memref<7x128x256xf32, #tpu.memory_space<vmem>>, vector<1x128x256xf32>
    %get3A_91 = vector.shape_cast %get3A_90 : vector<1x128x256xf32> to vector<128x256xf32>
    %convert_element_type3A_92 = arith.truncf %get3A_86 : vector<1024x128xf32> to vector<1024x128xbf16>
    %convert_element_type3A_93 = arith.truncf %get3A_91 : vector<128x256xf32> to vector<128x256xbf16>
    %dot_general3A_94 = arith.constant dense<0.000000e+00> : vector<1024x256xf32>
    %dot_general3A_95 = tpu.matmul %convert_element_type3A_92, %convert_element_type3A_93, %dot_general3A_94 {dimension_numbers = #tpu.dot_dimension_numbers<[1], [0], [0], [1], [0, 0, 1, 1], [], []>, transpose_lhs_hint = false} : vector<1024x128xbf16>, vector<128x256xbf16>, vector<1024x256xf32> -> vector<1024x256xf32>
    %add3A_96 = arith.addf %add3A_83, %dot_general3A_95 : vector<1024x256xf32>
    %get3A_97 = arith.constant 0 : index
    %get3A_98 = arith.constant 0 : index
    %get3A_99 = vector.load %arg3[%get3A_97, %get3A_98] : memref<1x256xf32, #tpu.memory_space<vmem>>, vector<1x256xf32>
    %add3A_100 = vector.broadcast %get3A_99 : vector<1x256xf32> to vector<1024x256xf32>
    %add3A_101 = arith.addf %add3A_96, %add3A_100 : vector<1024x256xf32>
    %swap3A_102 = arith.constant 0 : index
    %swap3A_103 = arith.constant 0 : index
    %swap3A_104 = arith.constant 0 : index
    %swap3A_105 = vector.load %arg4[%swap3A_102, %swap3A_103, %swap3A_104] : memref<1x1024x256xf32, #tpu.memory_space<vmem>>, vector<1x1024x256xf32>
    %swap3A_106 = vector.shape_cast %swap3A_105 : vector<1x1024x256xf32> to vector<1024x256xf32>
    %swap3A_107 = vector.shape_cast %add3A_101 : vector<1024x256xf32> to vector<1x1024x256xf32>
    tpu.vector_store %arg4[%swap3A_102, %swap3A_103, %swap3A_104], %swap3A_107 {strides = array<i32>} : memref<1x1024x256xf32, #tpu.memory_space<vmem>>, vector<1x1024x256xf32>,
    return
  }
  func.func @transform_0(%arg0: i32) -> (i32, i32, i32) {
    %c0_i32 = arith.constant 0 : i32
    %c0_i32_0 = arith.constant 0 : i32
    %c0_i32_1 = arith.constant 0 : i32
    return %arg0, %c0_i32, %c0_i32_0 : i32, i32, i32
  }
  func.func @transform_1(%arg0: i32) -> (i32, i32, i32) {
    %c0_i32 = arith.constant 0 : i32
    %c0_i32_0 = arith.constant 0 : i32
    %c0_i32_1 = arith.constant 0 : i32
    %c0_i32_2 = arith.constant 0 : i32
    return %c0_i32, %c0_i32_0, %c0_i32_1 : i32, i32, i32
  }
  func.func @transform_2(%arg0: i32) -> (i32, i32) {
    %c0_i32 = arith.constant 0 : i32
    %c0_i32_0 = arith.constant 0 : i32
    %c0_i32_1 = arith.constant 0 : i32
    return %c0_i32, %c0_i32_0 : i32, i32
  }
  func.func @transform_3(%arg0: i32) -> (i32, i32, i32) {
    %c0_i32 = arith.constant 0 : i32
    %c0_i32_0 = arith.constant 0 : i32
    %c0_i32_1 = arith.constant 0 : i32
    return %arg0, %c0_i32, %c0_i32_0 : i32, i32, i32
  }
}

</mosaic_0001>

<sc_bundles>
// kernel: kernel.10.cloned.1.call-start
scs
__scs_entry_jumppad:
0x0: {  	(pc) =	sbr.rel $0x88, $3  }
0x1: {  	(tag) =	ssettag $0x0;
	lr =	simm.s32 $0x1  }
0x2: {  	[smem:$0x3F7F] =	sst lr;
	_ =	strace $0xD0000000  }
0x3: {  	_ = 	snop  }
0x4: {  	_ = 	snop  }
0x5: {  	_ = 	snop  }
0x6: {  	_ = 	snop  }
0x7: {  	_ = 	snop  }
__scs_overlays_trampoline_lowered:
0x8: {  	[smem:$0x3F8E] =	sst s0  }
0x9: {  	[smem:$0x3F8F] =	sst s1  }
0xa: {  	[smem:$0x3F90] =	sst s2  }
0xb: {  	[smem:$0x3F91] =	sst s3  }
0xc: {  	[smem:$0x3F92] =	sst s4  }
0xd: {  	[smem:$0x3F93] =	sst s5  }
0xe: {  	[smem:$0x3F94] =	sst s6  }
0xf: {  	[smem:$0x3F95] =	sst s7  }
0x10: {  	[smem:$0x3F96] =	sst s8  }
0x11: {  	[smem:$0x3F97] =	sst s9;
	s0 =	simm.s32 @!p0 $0x0  }
0x12: {  	s1 =	sld [smem:$0x3F7D];
	s0 =	simm.s32 @p0 $0x1  }
0x13: {  	[smem:$0x3F98] =	sst s0;
	s0 =	simm.s32 @!p1 $0x0  }
0x14: {  	s2 =	sld [smem:$0x3F7C];
	s0 =	simm.s32 @p1 $0x1  }
0x15: {  	[smem:$0x3F99] =	sst s0;
	s0 =	simm.s32 @!p2 $0x0  }
0x16: {  	s3 =	sld [smem:$0x3FDB];
	s0 =	simm.s32 @p2 $0x1  }
0x17: {  	s4 =	simm.s32 $0x1BF5;
	[smem:$0x3F9B] =	sst s0  }
0x18: {  	s0 =	sld [smem:$0x3F7E];
	_ =	swait.ge [sflag:s4], $0x0  }
0x19: {  	s7 =	sld [smem:$0x3F7F]  }
0x1a: {  	s8 =	sadd.s32 $0xFFFFE003, lr  }
0x1b: {  	s9 =	sadd.s32 $0xFFFFFEF7, lr;
	s5 =	simm.s32 $0xFFFFFFFF;
	p2 =	slt.u32 s8, $0xFFFFF086  }
0x1c: {  	p1 =	slt.u32 s9, $0xF7A;
	s5 =	simm.s32 @!p2 $0x0  }
0x1d: {  	s5 =	simm.s32 @p1 $0x1;
	p0 =	seq.s32 s7, s2  }
0x1e: {  	s7 =	smul.u32 @!p0 $0xF7A, s2;
	p2 =	seq.s32 @!p0 s5, $0x0  }
0x1f: {  	s9 =	smul.u32 $0xF7A, s1;
	s8 =	simm.s32 @!p0 $0x1BF5;
	p2 =	por !p2, p0  }
0x20: {  	[sflag:s8] =	ssyncset.s32 @!p0 $0xFFFFF086;
	s6 =	sadd.s32 @!p0 s3, s7;
	s7 =	simm.s32 @!p0 $0x108  }
0x21: {  	s3 =	sadd.s32 s3, s9;
	s6 =	sadd.s32 @!p0 $0x88, s6;
	s7 =	simm.s32 @p2 $0x1082  }
0x22: {  	[simem:s7], [sflag:s8] =	dma.local @!p0 [hbm:s6], $0xF7A  }
0x23: {  	s9 =	sor.u32 $0xD0000000, s2;
	s6 =	simm.s32 $0x108;
	_ =	swait.ge @!p0 [sflag:s8], $0x0  }
0x24: {  	s3 =	sadd.s32 $0x88, s3;
	s6 =	simm.s32 @!p1 $0x1082;
	[sflag:s4] =	ssyncset.s32 $0xFFFFF086  }
0x25: {  	[simem:s6], [sflag:s4] =	dma.local [hbm:s3], $0xF7A  }
0x26: {  	[smem:$0x3F7F] =	sst s1;
	(tag) =	ssettag s2;
	_ =	strace s9  }
0x27: {  	s1 =	sld [smem:$0x3F8F]  }
0x28: {  	s2 =	sld [smem:$0x3F90]  }
0x29: {  	s4 =	sld [smem:$0x3F92]  }
0x2a: {  	p0 =	seq.s32 s5, $0x0;
	s5 =	sld [smem:$0x3F93]  }
0x2b: {  	s6 =	sld [smem:$0x3F94]  }
0x2c: {  	s7 =	sld [smem:$0x3F95]  }
0x2d: {  	s3 =	simm.s32 $0x108;
	s8 =	sld [smem:$0x3F96]  }
0x2e: {  	s3 =	simm.s32 @!p0 $0x1082;
	s9 =	sld [smem:$0x3F97]  }
0x2f: {  	lr =	sadd.s32 s0, s3;
	s0 =	sld [smem:$0x3F8E]  }
0x30: {  	s3 =	sld [smem:$0x3F91]  }
0x31: {  	[smem:$0x3F9A] =	sst s10  }
0x32: {  	s10 =	sld [smem:$0x3F98];
	_ =	sdelay $0x3  }
0x33: {  	p0 =	seq.s32 s10, $0x1;
	s10 =	sld [smem:$0x3F9A];
	_ =	sdelay $0x3  }
0x34: {  	[smem:$0x3F9A] =	sst s10  }
0x35: {  	s10 =	sld [smem:$0x3F99];
	_ =	sdelay $0x3  }
0x36: {  	p1 =	seq.s32 s10, $0x1;
	s10 =	sld [smem:$0x3F9A];
	_ =	sdelay $0x3  }
0x37: {  	[smem:$0x3F9A] =	sst s10  }
0x38: {  	s10 =	sld [smem:$0x3F9B]  }
0x39: {  	_ = 	snop;
	(pc) =	sbr.ind lr, $3  }
0x3a: {  	_ = 	snop  }
0x3b: {  	_ = 	snop  }
0x3c: {  	p2 =	seq.s32 s10, $0x1;
	s10 =	sld [smem:$0x3F9A]  }
0x3d: {  	_ =	shalt  }
0x3e: {  	_ =	shalt  }
0x3f: {  	_ =	shalt  }
0x40: {  	_ =	shalt  }
0x41: {  	_ =	shalt  }
0x42: {  	_ =	shalt  }
0x43: {  	_ =	shalt  }
0x44: {  	_ =	shalt  }
0x45: {  	_ =	shalt  }
0x46: {  	_ =	shalt  }
0x47: {  	_ =	shalt  }
0x48: {  	_ =	shalt  }
0x49: {  	_ =	shalt  }
0x4a: {  	_ =	shalt  }
0x4b: {  	_ =	shalt  }
0x4c: {  	_ =	shalt  }
0x4d: {  	_ =	shalt  }
0x4e: {  	_ =	shalt  }
0x4f: {  	_ =	shalt  }
0x50: {  	_ =	shalt  }
0x51: {  	_ =	shalt  }
0x52: {  	_ =	shalt  }
0x53: {  	_ =	shalt  }
0x54: {  	_ =	shalt  }
0x55: {  	_ =	shalt  }
0x56: {  	_ =	shalt  }
0x57: {  	_ =	shalt  }
0x58: {  	_ =	shalt  }
0x59: {  	_ =	shalt  }
0x5a: {  	_ =	shalt  }
0x5b: {  	_ =	shalt  }
0x5c: {  	_ =	shalt  }
0x5d: {  	_ =	shalt  }
0x5e: {  	_ =	shalt  }
0x5f: {  	_ =	shalt  }
0x60: {  	_ =	shalt  }
0x61: {  	_ =	shalt  }
0x62: {  	_ =	shalt  }
0x63: {  	_ =	shalt  }
0x64: {  	_ =	shalt  }
0x65: {  	_ =	shalt  }
0x66: {  	_ =	shalt  }
0x67: {  	_ =	shalt  }
0x68: {  	_ =	shalt  }
0x69: {  	_ =	shalt  }
0x6a: {  	_ =	shalt  }
0x6b: {  	_ =	shalt  }
0x6c: {  	_ =	shalt  }
0x6d: {  	_ =	shalt  }
0x6e: {  	_ =	shalt  }
0x6f: {  	_ =	shalt  }
0x70: {  	_ =	shalt  }
0x71: {  	_ =	shalt  }
0x72: {  	_ =	shalt  }
0x73: {  	_ =	shalt  }
0x74: {  	_ =	shalt  }
0x75: {  	_ =	shalt  }
0x76: {  	_ =	shalt  }
0x77: {  	_ =	shalt  }
0x78: {  	_ =	shalt  }
0x79: {  	_ =	shalt  }
0x7a: {  	_ =	shalt  }
0x7b: {  	_ =	shalt  }
0x7c: {  	_ =	shalt  }
0x7d: {  	_ =	shalt  }
0x7e: {  	_ =	shalt  }
0x7f: {  	_ =	shalt  }
0x80: {  	_ =	shalt  }
0x81: {  	_ =	shalt  }
0x82: {  	_ =	shalt  }
0x83: {  	_ =	shalt  }
0x84: {  	_ =	shalt  }
0x85: {  	_ =	shalt  }
0x86: {  	_ =	shalt  }
0x87: {  	_ =	shalt  }
.Lfunc_end0:
.L_simem_size_0:
called_computation_lowered:
.L_overlay_start_0:
0x88: {  	s2 =	sld [smem:$0x3FD9]  }
0x89: {  	s3 =	sld [smem:$0x3FFE];
	_ =	sdelay $0x1  }
0x8a: {  	s1 =	srdreg.scid  }
0x8b: {  	s0 =	sand.u32 $0x1, s1  }
0x8c: {  	s14 =	sshll.u32 s0, $0xA;
	s2 =	sadd.s32 s3, s2  }
0x8d: {  	s2 =	sadd.s32 s2, s14  }
0x8e: {  	[smem:$0x3FA6] =	sst s2  }
0x8f: {  	_ = 	snop  }
0x90: {  	s2 =	sld [smem:$0x3FD0];
	_ =	sdelay $0x2  }
0x91: {  	s15 =	simm.s32 $0xA;
	s4 =	simm.s32 $0x10  }
0x92: {  	[smem:s4], [sflag:s15] =	dma.local [hbm:s2], $0x1  }
0x93: {  	_ =	swait.eq [sflag:s15], $0x1  }
0x94: {  	[sflag:s15] =	ssyncset.done $0x0  }
0x95: {  	[sflag:s15] =	ssyncadd.s32 $0xFFFFFFFF  }
0x96: {  	s16 =	sld [smem:$0x11];
	(tm) =	ssettm $0x1  }
0x97: {  	s17 =	sld [smem:$0x3FFB];
	_ =	sdelay $0x3  }
0x98: {  	_ =	strace s17  }
0x99: {  	s3 =	sld [smem:$0x3FFC];
	_ =	sdelay $0x3  }
0x9a: {  	_ =	strace s3  }
0x9b: {  	s3 =	sld [smem:$0x3FFD];
	_ =	sdelay $0x3  }
0x9c: {  	_ =	strace s3  }
0x9d: {  	_ =	strace $0x8FFFFFFF  }
0x9e: {  	s18 =	sld [smem:$0x3FDB];
	_ =	sdelay $0x1  }
0x9f: {  	s19 =	simm.s32 $_scs_section_size  }
0xa0: {  	s5 =	simm.s32 $_size__tile_overlayer_lowered;
	s6 =	simm.s32 $_tile_overlayer_lowered  }
0xa1: {  	s22 =	simm.s32 $0x1BFF;
	s21 =	sshll.u32 s6, $0x1;
	s3 =	sadd.s32 s19, s18  }
0xa2: {  	s7 =	simm.s32 $0x0;
	s20 =	sshll.u32 s5, $0x1;
	s5 =	sadd.s32 s21, s3  }
0xa3: {  	[timem:s7], [sflag:s22] =	dma.local [hbm:s5], s20  }
0xa4: {  	_ =	swait.ge [sflag:s22], s20  }
0xa5: {  	s4 =	ssub.s32 $0x0, s20;
	[sflag:s22] =	ssyncset.done $0x0  }
0xa6: {  	[sflag:s22] =	ssyncadd.s32 s4;
	_ =	sdelay $0x1  }
0xa7: {  	s23 =	simm.s32 $0x1B8B  }
0xa8: {  	_ =	swait.ge [sflag:s23], $0x1  }
0xa9: {  	[sflag:s23] =	ssyncset.done $0x0  }
0xaa: {  	s25 =	simm.s32 $0x1B8E;
	s24 =	sld [smem:$0x3FFE];
	[sflag:s23] =	ssyncadd.s32 $0xFFFFFFFF  }
0xab: {  	s26 =	simm.s32 $execute0_lowered;
	[smem:$0x3FD2] =	sst s25  }
0xac: {  	s5 =	sshll.u32 s26, $0x1;
	_ =	strace $0x80000046;
	[dreg:$0x1] =	wrdreg $0xFFFFFFFF  }
0xad: {  	s28 =	simm.s32 $_size_execute0_lowered;
	s3 =	sadd.s32 s3, s5;
	[dreg:$0x0] =	wrdreg $0x0  }
0xae: {  	s5 =	sshll.u32 s28, $0x1;
	[dreg:$0x2] =	wrdreg s3  }
0xaf: {  	[dreg:$0x3] =	wrdreg s5  }
0xb0: {  	[dreg:$0x4] =	wrdreg $0xC0  }
0xb1: {  	_ =	task [dreg:s7], $0x5FFFF  }
0xb2: {  	[dreg:$0x1] =	wrdreg $0xFFFFFFFF  }
0xb3: {  	[dreg:$0x0] =	wrdreg $0x60  }
0xb4: {  	[dreg:$0x2] =	wrdreg s24  }
0xb5: {  	[dreg:$0x3] =	wrdreg s16  }
0xb6: {  	[dreg:$0x4] =	wrdreg $0x9  }
0xb7: {  	_ =	task.clear_ibuf [dreg:s7], $0x5FFFF;
	_ =	strace $0x90000046  }
0xb8: {  	s29 =	simm.s32 $0x9;
	_ =	strace $0x80000048  }
0xb9: {  	_ =	swait.ge [sflag:s29], $0x1  }
0xba: {  	[sflag:s29] =	ssyncadd.s32 $0xFFFFFFFF  }
0xbb: {  	_ =	strace $0x90000048  }
0xbc: {  	_ =	sfence  }
0xbd: {  	s30 =	sld [smem:$0x0];
	_ =	sdelay $0x2  }
0xbe: {  	s31 =	sshll.u32 s1, $0xD;
	s1 =	sshrl.u32 s1, $0x2  }
0xbf: {  	s3 =	sand.u32 $0x4000, s31;
	s1 =	sadd.s32 s1, s30  }
0xc0: {  	s0 =	sor.u32 s3, s0;
	s1 =	sshll.u32 s1, $0x11  }
0xc1: {  	s0 =	sor.u32 s1, s0  }
0xc2: {  	s0 =	sadd.s32 $0x8F2B, s0  }
0xc3: {  	[sflag:s0] =	ssyncadd.remote.s32 $0x1  }
0xc4: {  	_ =	sfence.sel $0xFFFF  }
0xc5: {  	[dreg:$0x0] =	wrdreg $0xFFFFFFFF;
	(pc) =	sbr.abs _section_cstart, $3  }
0xc6: {  	[dreg:$0x1] =	wrdreg $0xFFFFFFFF  }
0xc7: {  	_ =	task.clear_ibuf [dreg:s7], $0x2FFFF;
	_ =	strace $0x9FFFFFFF  }
0xc8: {  	(tm) =	ssettm $0x7FFFFFFF  }
0xc9: {  	_ =	shalt  }
tec
execute0_lowered:
.L_overlay_start_1:
0x0: {  	(tag) =	ssettag $0x1  }
0x1: {  	s1 =	srdreg.scid  }
0x2: {  	s0 =	stileid.u32;
	s6 =	sand.u32 $0x1, s1  }
0x3: {  	s5 =	rddreg [dreg:$0x0];
	s30 =	sshll.u32 s0, $0x8;
	s2 =	sshll.u32 s6, $0x7  }
0x4: {  	s8 =	rddreg [dreg:$0x1];
	s9 =	sor.u32 s2, s30  }
0x5: {  	s1 =	rddreg [dreg:$0x2];
	s2 =	simm.s32 $0x0;
	s3 =	sshrl.u32 s9, $0x3  }
0x6: {  	s10 =	ssub.s32 $0x2, s6;
	[smem:$0x7FF] =	sst s2;
	s3 =	sadd.s32 s3, s5  }
0x7: {  	_ =	strace $0x80000047;
	s4 =	sadd.s32 $0x6A00, s3;
	s3 =	simm.s32 $0x2  }
0x8: {  	[tilespmem:s2], [sflag:$0x2] =	stream.linear.gather [hbm4b:s4+s2], $0x80, $0x38;
	[tilespmem:$0x2080] =	vst v63  }
0x9: {  	s7 =	simm.s32 $0x1;
	s11 =	sshrl.u32 s10, $0x1;
	_ =	swait.ge [sflag:s3], $0x80  }
0xa: {  	s6 =	simm.s32 $0x80;
	s10 =	ssub.s32 s10, s11;
	[sflag:s3] =	ssyncset.done $0x0  }
0xb: {  	s5 =	sadd.s32 $0x4A00, s5;
	s31 =	smax.u32 s10, $0x1;
	[sflag:s3] =	ssyncadd.s32 $0xFFFFFF80  }
0xc: {  	[tilespmem:s6], [sflag:$0x1] =	stream.indirect.gather [hbm4b:s5+s6], $0x40, s2, s6, $0xb8;
	[tilespmem:$0x2080] =	vst v63  }
0xd: {  	p0 =	sne.s32 s31, $0x1;
	_ =	swait.ge [sflag:s7], $0x2000  }
.Ltmp0:
0xe: {  	s9 =	sshll.u32 s9, $0x3;
	[sflag:s7] =	ssyncset.done $0x0;
	(pc) =	sbr.rel @!p0 .LBB2_2-.Ltmp0, $4  }
0xf: {  	s8 =	sadd.s32 s8, s9;
	[sflag:s7] =	ssyncadd.s32 $0xFFFFE000  }
0x10: {  	[hbm4b:s8+s2] =	stream.linear.scatter [tilespmem:s6], [sflag:$0x2], $0x2000, $0x38;
	[tilespmem:$0x2080] =	vst v63  }
0x11: {  	_ =	swait.ge [sflag:s3], $0x2000  }
0x12: {  	s9 =	sadd.s32 $0xFFFFFFFF, s31;
	[sflag:s3] =	ssyncset.done $0x0  }
.LBB2_1:
0x13: {  	p0 =	sne.s32 s9, $0x1;
	s9 =	sadd.s32 $0xFFFFFFFF, s9;
	[sflag:s3] =	ssyncadd.s32 $0xFFFFE000  }
0x14: {  	[tilespmem:s2], [sflag:$0x2] =	stream.linear.gather [hbm4b:s4+s2], $0x80, $0x38;
	[tilespmem:$0x2080] =	vst v63  }
0x15: {  	_ =	swait.ge [sflag:s3], $0x80  }
0x16: {  	[sflag:s3] =	ssyncset.done $0x0  }
0x17: {  	[sflag:s3] =	ssyncadd.s32 $0xFFFFFF80  }
0x18: {  	[tilespmem:s6], [sflag:$0x1] =	stream.indirect.gather [hbm4b:s5+s6], $0x40, s2, s6, $0xb8;
	[tilespmem:$0x2080] =	vst v63  }
0x19: {  	_ =	swait.ge [sflag:s7], $0x2000  }
.Ltmp1:
0x1a: {  	[sflag:s7] =	ssyncset.done $0x0;
	(pc) =	sbr.rel @p0 .LBB2_1-.Ltmp1, $4  }
0x1b: {  	[sflag:s7] =	ssyncadd.s32 $0xFFFFE000  }
0x1c: {  	[hbm4b:s8+s2] =	stream.linear.scatter [tilespmem:s6], [sflag:$0x2], $0x2000, $0x38;
	[tilespmem:$0x2080] =	vst v63  }
0x1d: {  	_ =	swait.ge [sflag:s3], $0x2000  }
0x1e: {  	[sflag:s3] =	ssyncset.done $0x0  }
.LBB2_2:
0x1f: {  	[sflag:s3] =	ssyncadd.s32 $0xFFFFE000  }
0x20: {  	_ =	sfence.sel $0x180000  }
0x21: {  	[bflag:$0x0] =	sbarrier.arrive $0xFFFF  }
0x22: {  	p0 =	sne.s32 s0, $0x0;
	_ =	strace $0x90000047  }
0x23: {  	s0 =	sadd.s32 @!p0 $0x100000, s1;
	[bflag:$0x2] =	sbarrier.arrive $0xFFFF  }
0x24: {  	[sflag:s0] =	ssyncadd.tile.s32 @!p0 $0x1;
	_ =	shalt  }
.Lfunc_end2:
_tile_overlayer_lowered:
.L_overlay_start_2:
0x25: {  	(tag) =	ssettag $0x2  }
0x26: {  	s0 =	rddreg [dreg:$0x0];
	s2 =	stileid.u32  }
0x27: {  	s1 =	rddreg [dreg:$0x1];
	p0 =	sne.s32 s2, $0x0  }
0x28: {  	s3 =	rddreg [dreg:$0x2];
	[bflag:$0x3] =	sbarrier.arrive $0xFFFF;
	s2 =	simm.s32 @!p0 $0x1C02  }
0x29: {  	[timem:s3], [sflag:s2] =	dma.local @!p0 [hbm:s0], s1  }
0x2a: {  	s0 =	simm.s32 @!p0 $0x2  }
0x2b: {  	_ =	swait.ge @!p0 [sflag:s0], s1  }
0x2c: {  	s1 =	ssub.s32 @!p0 $0x0, s1;
	[sflag:s0] =	ssyncset.done @!p0 $0x0  }
0x2d: {  	[sflag:s0] =	ssyncadd.s32 @!p0 s1  }
0x2e: {  	[bflag:$0x3] =	sbarrier.arrive $0xFFFF  }
0x2f: {  	_ =	shalt  }

</sc_bundles>
